<compile_context>
chip_gen: v7x
topology: tpu7x:2x2x1
jax: 0.10.2.dev20260603
libtpu: 0.0.44.dev20260713+nightly
codegen_flags: <defaults>
</compile_context>

<pallas_src>
import jax
import jax.numpy as jnp
from jax import lax
from jax.experimental import pallas as pl
from jax.experimental.pallas import tpu as pltpu
from jax.experimental.pallas import tpu_sc as plsc

N = 10000
D = 128
DH = D // 2
E = 320000
NC = 2
NS = 16
CH = 128
N_PAD = 10240
RPT = N_PAD // NS
ZROWS = 32

SR = 80
G = 250
NB = 5
L = 4
E_PAD = NS * G * SR
NROW = E_PAD // SR
HRPT = N_PAD // 16 // NS

_MESH = plsc.VectorSubcoreMesh(
    core_axis_name="c", subcore_axis_name="s", num_cores=NC, num_subcores=NS
)


def _sc_body(with_deg):

    def body(x_hbm, src_hbm, dst_hbm, *rest):
        rest = list(rest)
        agg_out = rest.pop(0)
        if with_deg:
            deg_out = rest.pop(0)
        src_idx = rest.pop(0)
        dst_idx = rest.pop(0)
        bufs = [rest.pop(0) for _ in range(NB)]
        zbuf = rest.pop(0)
        if with_deg:
            hist = rest.pop(0)
            degstage = rest.pop(0)
            iidx = rest.pop(0)
        agg_sh = rest.pop(0)
        if with_deg:
            deg_sh = rest.pop(0)
        gsem = [rest.pop(0) for _ in range(NB)]
        ssem = [rest.pop(0) for _ in range(NB)]

        c = lax.axis_index("c")
        s = lax.axis_index("s")
        base_row = s * RPT
        ones_v = jnp.ones((16,), jnp.float32)

        def zrow(i, _):
            for k in range(DH // 16):
                zbuf[i, pl.ds(k * 16, 16)] = jnp.zeros((16,), jnp.float32)
            return 0

        lax.fori_loop(0, ZROWS, zrow, 0)
        for p in range(RPT // ZROWS):
            pltpu.sync_copy(zbuf, agg_sh.at[pl.ds(base_row + p * ZROWS, ZROWS)])

        if with_deg:
            def zh(i, _):
                hist[i] = jnp.zeros((16,), jnp.float32)
                return 0

            lax.fori_loop(0, N_PAD // 16, zh, 0)

            def zds(i, _):
                degstage[i] = jnp.zeros((16,), jnp.float32)
                return 0

            lax.fori_loop(0, HRPT, zds, 0)
            pltpu.sync_copy(degstage, deg_sh.at[pl.ds(s * HRPT, HRPT)])
            for r in range(N_PAD // 16 // CH):
                for k in range(CH // 16):
                    iidx[r, pl.ds(k * 16, 16)] = (
                        lax.iota(jnp.int32, 16) + (r * CH + k * 16))

        plsc.subcore_barrier()

        lo = s * G
        pltpu.sync_copy(src_hbm.at[pl.ds(lo, G)], src_idx)
        pltpu.sync_copy(dst_hbm.at[pl.ds(lo, G)], dst_idx)
        off = c * N

        def offrow(i, _):
            for k in range(SR // 16):
                v = src_idx[i, pl.ds(k * 16, 16)]
                src_idx[i, pl.ds(k * 16, 16)] = v + off
            return 0

        lax.fori_loop(0, G, offrow, 0)

        def gather_wait(b, j):
            pltpu.make_async_copy(x_hbm.at[src_idx.at[j]], bufs[b],
                                  gsem[b]).wait()

        def scatter_wait(b, j):
            pltpu.make_async_copy(bufs[b], agg_sh.at[dst_idx.at[j]],
                                  ssem[b]).wait()

        for b in range(L):
            pltpu.async_copy(x_hbm.at[src_idx.at[b]], bufs[b], gsem[b])

        def group(g, _):
            for b in range(NB):
                j = g * NB + b
                bn = (b + L) % NB
                gather_wait(b, j)
                pltpu.async_copy(bufs[b], agg_sh.at[dst_idx.at[j]], ssem[b],
                                 add=True)
                if with_deg:
                    @pl.when((j % 2) == c)
                    def _():
                        for k in range(SR // 16):
                            d16 = dst_idx[j, pl.ds(k * 16, 16)]
                            plsc.addupdate_scatter(
                                hist, [d16 >> 4, d16 & 15], ones_v)
                jn = j + L

                @pl.when(jn < G)
                def _():
                    @pl.when(j >= NB - L)
                    def _():
                        scatter_wait(bn, jn - NB)
                    pltpu.async_copy(x_hbm.at[src_idx.at[jn]], bufs[bn],
                                     gsem[bn])
            return 0

        lax.fori_loop(0, G // NB, group, 0)

        for b in range(NB):
            scatter_wait(b, G - NB + b)


        if with_deg:
            for r in range(N_PAD // 16 // CH):
                pltpu.sync_copy(hist.at[pl.ds(r * CH, CH)],
                                deg_sh.at[iidx.at[r]], add=True)

        plsc.subcore_barrier()

        pltpu.sync_copy(agg_sh.at[pl.ds(base_row, RPT)],
                        agg_out.at[c, pl.ds(base_row, RPT)])
        if with_deg:
            pltpu.sync_copy(deg_sh.at[pl.ds(s * HRPT, HRPT)],
                            deg_out.at[c, pl.ds(s * HRPT, HRPT)])

    return body


def _make_sc(with_deg):
    out_type = [jax.ShapeDtypeStruct((NC, N_PAD, DH), jnp.float32)]
    scratch = [
        pltpu.VMEM((G, SR), jnp.int32),
        pltpu.VMEM((G, SR), jnp.int32),
    ]
    scratch += [pltpu.VMEM((SR, DH), jnp.float32) for _ in range(NB)]
    if with_deg:
        out_type.append(
            jax.ShapeDtypeStruct((NC, N_PAD // 16, 16), jnp.float32))
    scratch.append(pltpu.VMEM((ZROWS, DH), jnp.float32))
    if with_deg:
        scratch.append(pltpu.VMEM((N_PAD // 16, 16), jnp.float32))
        scratch.append(pltpu.VMEM((HRPT, 16), jnp.float32))
        scratch.append(pltpu.VMEM((N_PAD // 16 // CH, CH), jnp.int32))
    scratch.append(pltpu.VMEM_SHARED((N_PAD, DH), jnp.float32))
    if with_deg:
        scratch.append(
            pltpu.VMEM_SHARED((N_PAD // 16, 16), jnp.float32))
    scratch += [pltpu.SemaphoreType.DMA for _ in range(2 * NB)]
    return pl.kernel(
        _sc_body(with_deg),
        out_type=out_type,
        mesh=_MESH,
        scratch_types=scratch,
        compiler_params=pltpu.CompilerParams(
            use_tc_tiling_on_sc=False, needs_layout_passes=False),
    )


_sc_agg_deg = _make_sc(True)
_sc_agg = _make_sc(False)

BLK = 2000


def _tc_body1(x_ref, a0, a1, d, ws, wn, b, out_ref):
    x = x_ref[...]
    agg = jnp.concatenate([a0[...], a1[...]], axis=1)
    deg = d[0] + d[1]
    hn = agg / jnp.maximum(deg, 1.0)
    y = jnp.dot(x, ws[...], preferred_element_type=jnp.float32)
    y = y + jnp.dot(hn, wn[...], preferred_element_type=jnp.float32)
    y = jnp.maximum(y + b[...], 0.0)
    out_ref[0] = y[:, :DH]
    out_ref[1] = y[:, DH:]


def _tc_body2(h_ref, a0, a1, d, ws, wn, b, out_ref):
    x = jnp.concatenate([h_ref[0], h_ref[1]], axis=1)
    agg = jnp.concatenate([a0[...], a1[...]], axis=1)
    deg = d[0] + d[1]
    hn = agg / jnp.maximum(deg, 1.0)
    y = jnp.dot(x, ws[...], preferred_element_type=jnp.float32)
    y = y + jnp.dot(hn, wn[...], preferred_element_type=jnp.float32)
    out_ref[...] = y + b[...]


_AGG_SPEC = pl.BlockSpec((BLK, DH), lambda i: (i, 0))
_DEG_SPEC = pl.BlockSpec((2, BLK, 1), lambda i: (0, i, 0))
_W_SPEC = pl.BlockSpec((D, D), lambda i: (0, 0))
_B_SPEC = pl.BlockSpec((1, D), lambda i: (0, 0))
_H2_SPEC = pl.BlockSpec((2, BLK, DH), lambda i: (0, i, 0))

_tc_fuse1 = pl.pallas_call(
    _tc_body1,
    grid=(N // BLK,),
    in_specs=[
        pl.BlockSpec((BLK, D), lambda i: (i, 0)),
        _AGG_SPEC, _AGG_SPEC, _DEG_SPEC, _W_SPEC, _W_SPEC, _B_SPEC,
    ],
    out_specs=_H2_SPEC,
    out_shape=jax.ShapeDtypeStruct((2, N, DH), jnp.float32),
)

_tc_fuse2 = pl.pallas_call(
    _tc_body2,
    grid=(N // BLK,),
    in_specs=[
        _H2_SPEC,
        _AGG_SPEC, _AGG_SPEC, _DEG_SPEC, _W_SPEC, _W_SPEC, _B_SPEC,
    ],
    out_specs=pl.BlockSpec((BLK, D), lambda i: (i, 0)),
    out_shape=jax.ShapeDtypeStruct((N, D), jnp.float32),
)


def kernel(in_feat, edge_index, W_self1, W_neigh1, b1, W_self2, W_neigh2, b2):
    ei = edge_index.astype(jnp.int32)
    pad = E_PAD - E
    src2 = jnp.concatenate(
        [ei[0], jnp.zeros((pad,), jnp.int32)]).reshape(NROW, SR)
    dst2d = jnp.concatenate(
        [ei[1], jnp.full((pad,), N, jnp.int32)]).reshape(NROW, SR)

    xcat = jnp.concatenate([in_feat[:, :DH], in_feat[:, DH:]], axis=0)
    agg1, degc = _sc_agg_deg(xcat, src2, dst2d)
    deg16 = degc.reshape(NC, N_PAD, 1)
    h2 = _tc_fuse1(in_feat, agg1[0], agg1[1], deg16,
                   W_self1, W_neigh1, b1.reshape(1, D))
    (agg2,) = _sc_agg(h2.reshape(2 * N, DH), src2, dst2d)
    out = _tc_fuse2(h2, agg2[0], agg2[1], deg16,
                    W_self2, W_neigh2, b2.reshape(1, D))
    return out

# --- scband reference (transcript-rebuilt; emitter-appended) ---
"""Pipeline reference for scband-graph-sage-86749749444804 (READ-ONLY COPY).

The authoritative reference and input builder live on the scoring server;
editing this copy changes nothing except your own understanding.
"""

import jax, jax.numpy as jnp
import numpy as np

N = 10000
E = 320000
D_IN = 128
D_H = 128


def setup_inputs(seed: int = 0) -> dict:
    key = jax.random.key(seed)
    ks = jax.random.split(key, 9)
    in_feat = jax.random.normal(ks[0], (N, D_IN), dtype=jnp.float32)
    edge_index = jax.random.randint(ks[1], (2, E), 0, N, dtype=jnp.int64)
    s1 = 1.0 / np.sqrt(D_IN)
    s2 = 1.0 / np.sqrt(D_H)
    W_self1 = jax.random.uniform(ks[2], (D_IN, D_H), jnp.float32, -s1, s1)
    W_neigh1 = jax.random.uniform(ks[3], (D_IN, D_H), jnp.float32, -s1, s1)
    b1 = jnp.zeros((D_H,), jnp.float32)
    W_self2 = jax.random.uniform(ks[4], (D_H, D_H), jnp.float32, -s2, s2)
    W_neigh2 = jax.random.uniform(ks[5], (D_H, D_H), jnp.float32, -s2, s2)
    b2 = jnp.zeros((D_H,), jnp.float32)
    return {"in_feat": in_feat, "edge_index": edge_index,
            "W_self1": W_self1, "W_neigh1": W_neigh1, "b1": b1,
            "W_self2": W_self2, "W_neigh2": W_neigh2, "b2": b2}


def _sage_conv(x, src, dst, W_self, W_neigh, b):
    # DGL SAGEConv with 'mean' aggregator:
    # h_neigh = mean_{u in N(v)} x_u ; rst = fc_self(x_v) + fc_neigh(h_neigh) + b
    msgs = jnp.take(x, src, axis=0)                       # gather over edges
    agg = jax.ops.segment_sum(msgs, dst, num_segments=N)  # scatter-add by dst
    deg = jax.ops.segment_sum(jnp.ones((src.shape[0],), x.dtype), dst, num_segments=N)
    h_neigh = agg / jnp.clip(deg, 1.0, None)[:, None]
    return x @ W_self + h_neigh @ W_neigh + b


def reference(in_feat, edge_index, W_self1, W_neigh1, b1, W_self2, W_neigh2, b2):
    src = edge_index[0]
    dst = edge_index[1]
    h = _sage_conv(in_feat, src, dst, W_self1, W_neigh1, b1)
    h = jax.nn.relu(h)
    h = _sage_conv(h, src, dst, W_self2, W_neigh2, b2)
    return h

if __name__ == "__main__":
    import jax
    _d = setup_inputs()
    print(jax.jit(kernel)(*tuple(_d.values())))

</pallas_src>

<mosaic_0001>
#map = affine_map<(d0, d1) -> (0, 0)>
#map1 = affine_map<(d0, d1) -> (0, 0, 0)>
module attributes {stable_mosaic.version = 14 : i64} {
  func.func @body(%arg0: i32, %arg1: i32, %arg2: memref<20000x64xf32, #tpu.memory_space<hbm>>, %arg3: memref<4000x80xi32, #tpu.memory_space<hbm>>, %arg4: memref<4000x80xi32, #tpu.memory_space<hbm>>, %arg5: memref<2x10240x64xf32, #tpu.memory_space<hbm>>, %arg6: memref<2x640x16xf32, #tpu.memory_space<hbm>>, %arg7: memref<250x80xi32, #tpu.memory_space<vmem>>, %arg8: memref<250x80xi32, #tpu.memory_space<vmem>>, %arg9: memref<80x64xf32, #tpu.memory_space<vmem>>, %arg10: memref<80x64xf32, #tpu.memory_space<vmem>>, %arg11: memref<80x64xf32, #tpu.memory_space<vmem>>, %arg12: memref<80x64xf32, #tpu.memory_space<vmem>>, %arg13: memref<80x64xf32, #tpu.memory_space<vmem>>, %arg14: memref<32x64xf32, #tpu.memory_space<vmem>>, %arg15: memref<640x16xf32, #tpu.memory_space<vmem>>, %arg16: memref<40x16xf32, #tpu.memory_space<vmem>>, %arg17: memref<5x128xi32, #tpu.memory_space<vmem>>, %arg18: memref<10240x64xf32, #tpu.memory_space<vmem_shared>>, %arg19: memref<640x16xf32, #tpu.memory_space<vmem_shared>>, %arg20: memref<!tpu.dma_semaphore, #tpu.memory_space<semaphore_mem>>, %arg21: memref<!tpu.dma_semaphore, #tpu.memory_space<semaphore_mem>>, %arg22: memref<!tpu.dma_semaphore, #tpu.memory_space<semaphore_mem>>, %arg23: memref<!tpu.dma_semaphore, #tpu.memory_space<semaphore_mem>>, %arg24: memref<!tpu.dma_semaphore, #tpu.memory_space<semaphore_mem>>, %arg25: memref<!tpu.dma_semaphore, #tpu.memory_space<semaphore_mem>>, %arg26: memref<!tpu.dma_semaphore, #tpu.memory_space<semaphore_mem>>, %arg27: memref<!tpu.dma_semaphore, #tpu.memory_space<semaphore_mem>>, %arg28: memref<!tpu.dma_semaphore, #tpu.memory_space<semaphore_mem>>, %arg29: memref<!tpu.dma_semaphore, #tpu.memory_space<semaphore_mem>>) attributes {dimension_semantics = [#tpu.dimension_semantics<core_parallel>, #tpu.dimension_semantics<subcore_parallel>], iteration_bounds = array<i64: 2, 16>, scalar_prefetch = 0 : i64, scratch_operands = 23 : i64, tpu.core_type = #tpu.core_type<sc_vector_subcore>, window_params = [{transform_indices = #map}, {transform_indices = #map}, {transform_indices = #map}, {transform_indices = #map1}, {transform_indices = #map1}]} {
    %mul3A = arith.constant 640 : i32
    %mul3A_0 = arith.muli %arg1, %mul3A : i32
    %broadcast_in_dim3A = arith.constant 1.000000e+00 : f32
    %broadcast_in_dim3A_1 = vector.broadcast %broadcast_in_dim3A : f32 to vector<16xf32>
    %scan3A = arith.constant 0 : i32
    %scan3A_2 = arith.constant 0 : i32
    %scan3A_3 = arith.constant 32 : i32
    %scan3A_4 = arith.addi %scan3A_2, %scan3A_3 : i32
    %scan3A_5 = arith.constant 1 : i32
    %scan3A_6 = scf.for %scan3A_469 = %scan3A_2 to %scan3A_4 step %scan3A_5 iter_args(%scan3A_470 = %scan3A) -> (i32)  : i32 {
      %broadcast_in_dim3A_471 = arith.constant 0.000000e+00 : f32
      %broadcast_in_dim3A_472 = vector.broadcast %broadcast_in_dim3A_471 : f32 to vector<16xf32>
      %swap3A_473 = arith.index_cast %scan3A_469 : i32 to index
      %swap3A_474 = arith.constant 0 : index
      %swap3A_475 = tpu.vector_load %arg14[%swap3A_473, %swap3A_474] {strides = array<i32>} : memref<32x64xf32, #tpu.memory_space<vmem>>, vector<16xf32>,
      tpu.vector_store %arg14[%swap3A_473, %swap3A_474], %broadcast_in_dim3A_472 {strides = array<i32>} : memref<32x64xf32, #tpu.memory_space<vmem>>, vector<16xf32>,
      %broadcast_in_dim3A_476 = arith.constant 0.000000e+00 : f32
      %broadcast_in_dim3A_477 = vector.broadcast %broadcast_in_dim3A_476 : f32 to vector<16xf32>
      %swap3A_478 = arith.index_cast %scan3A_469 : i32 to index
      %swap3A_479 = arith.constant 16 : index
      %swap3A_480 = tpu.vector_load %arg14[%swap3A_478, %swap3A_479] {strides = array<i32>} : memref<32x64xf32, #tpu.memory_space<vmem>>, vector<16xf32>,
      tpu.vector_store %arg14[%swap3A_478, %swap3A_479], %broadcast_in_dim3A_477 {strides = array<i32>} : memref<32x64xf32, #tpu.memory_space<vmem>>, vector<16xf32>,
      %broadcast_in_dim3A_481 = arith.constant 0.000000e+00 : f32
      %broadcast_in_dim3A_482 = vector.broadcast %broadcast_in_dim3A_481 : f32 to vector<16xf32>
      %swap3A_483 = arith.index_cast %scan3A_469 : i32 to index
      %swap3A_484 = arith.constant 32 : index
      %swap3A_485 = tpu.vector_load %arg14[%swap3A_483, %swap3A_484] {strides = array<i32>} : memref<32x64xf32, #tpu.memory_space<vmem>>, vector<16xf32>,
      tpu.vector_store %arg14[%swap3A_483, %swap3A_484], %broadcast_in_dim3A_482 {strides = array<i32>} : memref<32x64xf32, #tpu.memory_space<vmem>>, vector<16xf32>,
      %broadcast_in_dim3A_486 = arith.constant 0.000000e+00 : f32
      %broadcast_in_dim3A_487 = vector.broadcast %broadcast_in_dim3A_486 : f32 to vector<16xf32>
      %swap3A_488 = arith.index_cast %scan3A_469 : i32 to index
      %swap3A_489 = arith.constant 48 : index
      %swap3A_490 = tpu.vector_load %arg14[%swap3A_488, %swap3A_489] {strides = array<i32>} : memref<32x64xf32, #tpu.memory_space<vmem>>, vector<16xf32>,
      tpu.vector_store %arg14[%swap3A_488, %swap3A_489], %broadcast_in_dim3A_487 {strides = array<i32>} : memref<32x64xf32, #tpu.memory_space<vmem>>, vector<16xf32>,
      %scan3A_491 = arith.constant 0 : i32
      scf.yield %scan3A_491 : i32
    }
    %scan3A_7 = arith.constant 32 : i32
    %add3A = arith.constant 0 : i32
    %add3A_8 = arith.addi %mul3A_0, %add3A : i32
    "tpu.region"() ({
      %run_scoped3A_469 = tpu.sem_alloc : memref<!tpu.dma_semaphore, #tpu.memory_space<semaphore_mem>>
      %dma_start3A_470 = arith.constant 0 : i32
      %dma_start3A_471 = tpu.memref_slice %arg18[%add3A_8, %dma_start3A_470] : memref<10240x64xf32, #tpu.memory_space<vmem_shared>> -> memref<32x64xf32, #tpu.memory_space<vmem_shared>>
      %dma_start3A_472 = arith.constant 0 : i32
      %dma_start3A_473 = tpu.memref_slice %arg18[%add3A_8, %dma_start3A_472] : memref<10240x64xf32, #tpu.memory_space<vmem_shared>> -> memref<32x64xf32, #tpu.memory_space<vmem_shared>>
      tpu.enqueue_dma source(%arg14 : memref<32x64xf32, #tpu.memory_space<vmem>>) target(%dma_start3A_473 : memref<32x64xf32, #tpu.memory_space<vmem_shared>>) target_semaphore(%run_scoped3A_469 : memref<!tpu.dma_semaphore, #tpu.memory_space<semaphore_mem>>)
      %dma_wait3A_474 = arith.constant 0 : i32
      %dma_wait3A_475 = tpu.memref_slice %arg18[%add3A_8, %dma_wait3A_474] : memref<10240x64xf32, #tpu.memory_space<vmem_shared>> -> memref<32x64xf32, #tpu.memory_space<vmem_shared>>
      %dma_wait3A_476 = arith.constant 0 : i32
      %dma_wait3A_477 = tpu.memref_slice %arg18[%add3A_8, %dma_wait3A_476] : memref<10240x64xf32, #tpu.memory_space<vmem_shared>> -> memref<32x64xf32, #tpu.memory_space<vmem_shared>>
      tpu.wait_dma2 semaphore(%run_scoped3A_469 : memref<!tpu.dma_semaphore, #tpu.memory_space<semaphore_mem>>) src(%arg14 : memref<32x64xf32, #tpu.memory_space<vmem>>) dst(%dma_wait3A_477 : memref<32x64xf32, #tpu.memory_space<vmem_shared>>)
      tpu.yield
    }) : () -> ()
    %add3A_9 = arith.constant 32 : i32
    %add3A_10 = arith.addi %mul3A_0, %add3A_9 : i32
    "tpu.region"() ({
      %run_scoped3A_469 = tpu.sem_alloc : memref<!tpu.dma_semaphore, #tpu.memory_space<semaphore_mem>>
      %dma_start3A_470 = arith.constant 0 : i32
      %dma_start3A_471 = tpu.memref_slice %arg18[%add3A_10, %dma_start3A_470] : memref<10240x64xf32, #tpu.memory_space<vmem_shared>> -> memref<32x64xf32, #tpu.memory_space<vmem_shared>>
      %dma_start3A_472 = arith.constant 0 : i32
      %dma_start3A_473 = tpu.memref_slice %arg18[%add3A_10, %dma_start3A_472] : memref<10240x64xf32, #tpu.memory_space<vmem_shared>> -> memref<32x64xf32, #tpu.memory_space<vmem_shared>>
      tpu.enqueue_dma source(%arg14 : memref<32x64xf32, #tpu.memory_space<vmem>>) target(%dma_start3A_473 : memref<32x64xf32, #tpu.memory_space<vmem_shared>>) target_semaphore(%run_scoped3A_469 : memref<!tpu.dma_semaphore, #tpu.memory_space<semaphore_mem>>)
      %dma_wait3A_474 = arith.constant 0 : i32
      %dma_wait3A_475 = tpu.memref_slice %arg18[%add3A_10, %dma_wait3A_474] : memref<10240x64xf32, #tpu.memory_space<vmem_shared>> -> memref<32x64xf32, #tpu.memory_space<vmem_shared>>
      %dma_wait3A_476 = arith.constant 0 : i32
      %dma_wait3A_477 = tpu.memref_slice %arg18[%add3A_10, %dma_wait3A_476] : memref<10240x64xf32, #tpu.memory_space<vmem_shared>> -> memref<32x64xf32, #tpu.memory_space<vmem_shared>>
      tpu.wait_dma2 semaphore(%run_scoped3A_469 : memref<!tpu.dma_semaphore, #tpu.memory_space<semaphore_mem>>) src(%arg14 : memref<32x64xf32, #tpu.memory_space<vmem>>) dst(%dma_wait3A_477 : memref<32x64xf32, #tpu.memory_space<vmem_shared>>)
      tpu.yield
    }) : () -> ()
    %add3A_11 = arith.constant 64 : i32
    %add3A_12 = arith.addi %mul3A_0, %add3A_11 : i32
    "tpu.region"() ({
      %run_scoped3A_469 = tpu.sem_alloc : memref<!tpu.dma_semaphore, #tpu.memory_space<semaphore_mem>>
      %dma_start3A_470 = arith.constant 0 : i32
      %dma_start3A_471 = tpu.memref_slice %arg18[%add3A_12, %dma_start3A_470] : memref<10240x64xf32, #tpu.memory_space<vmem_shared>> -> memref<32x64xf32, #tpu.memory_space<vmem_shared>>
      %dma_start3A_472 = arith.constant 0 : i32
      %dma_start3A_473 = tpu.memref_slice %arg18[%add3A_12, %dma_start3A_472] : memref<10240x64xf32, #tpu.memory_space<vmem_shared>> -> memref<32x64xf32, #tpu.memory_space<vmem_shared>>
      tpu.enqueue_dma source(%arg14 : memref<32x64xf32, #tpu.memory_space<vmem>>) target(%dma_start3A_473 : memref<32x64xf32, #tpu.memory_space<vmem_shared>>) target_semaphore(%run_scoped3A_469 : memref<!tpu.dma_semaphore, #tpu.memory_space<semaphore_mem>>)
      %dma_wait3A_474 = arith.constant 0 : i32
      %dma_wait3A_475 = tpu.memref_slice %arg18[%add3A_12, %dma_wait3A_474] : memref<10240x64xf32, #tpu.memory_space<vmem_shared>> -> memref<32x64xf32, #tpu.memory_space<vmem_shared>>
      %dma_wait3A_476 = arith.constant 0 : i32
      %dma_wait3A_477 = tpu.memref_slice %arg18[%add3A_12, %dma_wait3A_476] : memref<10240x64xf32, #tpu.memory_space<vmem_shared>> -> memref<32x64xf32, #tpu.memory_space<vmem_shared>>
      tpu.wait_dma2 semaphore(%run_scoped3A_469 : memref<!tpu.dma_semaphore, #tpu.memory_space<semaphore_mem>>) src(%arg14 : memref<32x64xf32, #tpu.memory_space<vmem>>) dst(%dma_wait3A_477 : memref<32x64xf32, #tpu.memory_space<vmem_shared>>)
      tpu.yield
    }) : () -> ()
    %add3A_13 = arith.constant 96 : i32
    %add3A_14 = arith.addi %mul3A_0, %add3A_13 : i32
    "tpu.region"() ({
      %run_scoped3A_469 = tpu.sem_alloc : memref<!tpu.dma_semaphore, #tpu.memory_space<semaphore_mem>>
      %dma_start3A_470 = arith.constant 0 : i32
      %dma_start3A_471 = tpu.memref_slice %arg18[%add3A_14, %dma_start3A_470] : memref<10240x64xf32, #tpu.memory_space<vmem_shared>> -> memref<32x64xf32, #tpu.memory_space<vmem_shared>>
      %dma_start3A_472 = arith.constant 0 : i32
      %dma_start3A_473 = tpu.memref_slice %arg18[%add3A_14, %dma_start3A_472] : memref<10240x64xf32, #tpu.memory_space<vmem_shared>> -> memref<32x64xf32, #tpu.memory_space<vmem_shared>>
      tpu.enqueue_dma source(%arg14 : memref<32x64xf32, #tpu.memory_space<vmem>>) target(%dma_start3A_473 : memref<32x64xf32, #tpu.memory_space<vmem_shared>>) target_semaphore(%run_scoped3A_469 : memref<!tpu.dma_semaphore, #tpu.memory_space<semaphore_mem>>)
      %dma_wait3A_474 = arith.constant 0 : i32
      %dma_wait3A_475 = tpu.memref_slice %arg18[%add3A_14, %dma_wait3A_474] : memref<10240x64xf32, #tpu.memory_space<vmem_shared>> -> memref<32x64xf32, #tpu.memory_space<vmem_shared>>
      %dma_wait3A_476 = arith.constant 0 : i32
      %dma_wait3A_477 = tpu.memref_slice %arg18[%add3A_14, %dma_wait3A_476] : memref<10240x64xf32, #tpu.memory_space<vmem_shared>> -> memref<32x64xf32, #tpu.memory_space<vmem_shared>>
      tpu.wait_dma2 semaphore(%run_scoped3A_469 : memref<!tpu.dma_semaphore, #tpu.memory_space<semaphore_mem>>) src(%arg14 : memref<32x64xf32, #tpu.memory_space<vmem>>) dst(%dma_wait3A_477 : memref<32x64xf32, #tpu.memory_space<vmem_shared>>)
      tpu.yield
    }) : () -> ()
    %add3A_15 = arith.constant 128 : i32
    %add3A_16 = arith.addi %mul3A_0, %add3A_15 : i32
    "tpu.region"() ({
      %run_scoped3A_469 = tpu.sem_alloc : memref<!tpu.dma_semaphore, #tpu.memory_space<semaphore_mem>>
      %dma_start3A_470 = arith.constant 0 : i32
      %dma_start3A_471 = tpu.memref_slice %arg18[%add3A_16, %dma_start3A_470] : memref<10240x64xf32, #tpu.memory_space<vmem_shared>> -> memref<32x64xf32, #tpu.memory_space<vmem_shared>>
      %dma_start3A_472 = arith.constant 0 : i32
      %dma_start3A_473 = tpu.memref_slice %arg18[%add3A_16, %dma_start3A_472] : memref<10240x64xf32, #tpu.memory_space<vmem_shared>> -> memref<32x64xf32, #tpu.memory_space<vmem_shared>>
      tpu.enqueue_dma source(%arg14 : memref<32x64xf32, #tpu.memory_space<vmem>>) target(%dma_start3A_473 : memref<32x64xf32, #tpu.memory_space<vmem_shared>>) target_semaphore(%run_scoped3A_469 : memref<!tpu.dma_semaphore, #tpu.memory_space<semaphore_mem>>)
      %dma_wait3A_474 = arith.constant 0 : i32
      %dma_wait3A_475 = tpu.memref_slice %arg18[%add3A_16, %dma_wait3A_474] : memref<10240x64xf32, #tpu.memory_space<vmem_shared>> -> memref<32x64xf32, #tpu.memory_space<vmem_shared>>
      %dma_wait3A_476 = arith.constant 0 : i32
      %dma_wait3A_477 = tpu.memref_slice %arg18[%add3A_16, %dma_wait3A_476] : memref<10240x64xf32, #tpu.memory_space<vmem_shared>> -> memref<32x64xf32, #tpu.memory_space<vmem_shared>>
      tpu.wait_dma2 semaphore(%run_scoped3A_469 : memref<!tpu.dma_semaphore, #tpu.memory_space<semaphore_mem>>) src(%arg14 : memref<32x64xf32, #tpu.memory_space<vmem>>) dst(%dma_wait3A_477 : memref<32x64xf32, #tpu.memory_space<vmem_shared>>)
      tpu.yield
    }) : () -> ()
    %add3A_17 = arith.constant 160 : i32
    %add3A_18 = arith.addi %mul3A_0, %add3A_17 : i32
    "tpu.region"() ({
      %run_scoped3A_469 = tpu.sem_alloc : memref<!tpu.dma_semaphore, #tpu.memory_space<semaphore_mem>>
      %dma_start3A_470 = arith.constant 0 : i32
      %dma_start3A_471 = tpu.memref_slice %arg18[%add3A_18, %dma_start3A_470] : memref<10240x64xf32, #tpu.memory_space<vmem_shared>> -> memref<32x64xf32, #tpu.memory_space<vmem_shared>>
      %dma_start3A_472 = arith.constant 0 : i32
      %dma_start3A_473 = tpu.memref_slice %arg18[%add3A_18, %dma_start3A_472] : memref<10240x64xf32, #tpu.memory_space<vmem_shared>> -> memref<32x64xf32, #tpu.memory_space<vmem_shared>>
      tpu.enqueue_dma source(%arg14 : memref<32x64xf32, #tpu.memory_space<vmem>>) target(%dma_start3A_473 : memref<32x64xf32, #tpu.memory_space<vmem_shared>>) target_semaphore(%run_scoped3A_469 : memref<!tpu.dma_semaphore, #tpu.memory_space<semaphore_mem>>)
      %dma_wait3A_474 = arith.constant 0 : i32
      %dma_wait3A_475 = tpu.memref_slice %arg18[%add3A_18, %dma_wait3A_474] : memref<10240x64xf32, #tpu.memory_space<vmem_shared>> -> memref<32x64xf32, #tpu.memory_space<vmem_shared>>
      %dma_wait3A_476 = arith.constant 0 : i32
      %dma_wait3A_477 = tpu.memref_slice %arg18[%add3A_18, %dma_wait3A_476] : memref<10240x64xf32, #tpu.memory_space<vmem_shared>> -> memref<32x64xf32, #tpu.memory_space<vmem_shared>>
      tpu.wait_dma2 semaphore(%run_scoped3A_469 : memref<!tpu.dma_semaphore, #tpu.memory_space<semaphore_mem>>) src(%arg14 : memref<32x64xf32, #tpu.memory_space<vmem>>) dst(%dma_wait3A_477 : memref<32x64xf32, #tpu.memory_space<vmem_shared>>)
      tpu.yield
    }) : () -> ()
    %add3A_19 = arith.constant 192 : i32
    %add3A_20 = arith.addi %mul3A_0, %add3A_19 : i32
    "tpu.region"() ({
      %run_scoped3A_469 = tpu.sem_alloc : memref<!tpu.dma_semaphore, #tpu.memory_space<semaphore_mem>>
      %dma_start3A_470 = arith.constant 0 : i32
      %dma_start3A_471 = tpu.memref_slice %arg18[%add3A_20, %dma_start3A_470] : memref<10240x64xf32, #tpu.memory_space<vmem_shared>> -> memref<32x64xf32, #tpu.memory_space<vmem_shared>>
      %dma_start3A_472 = arith.constant 0 : i32
      %dma_start3A_473 = tpu.memref_slice %arg18[%add3A_20, %dma_start3A_472] : memref<10240x64xf32, #tpu.memory_space<vmem_shared>> -> memref<32x64xf32, #tpu.memory_space<vmem_shared>>
      tpu.enqueue_dma source(%arg14 : memref<32x64xf32, #tpu.memory_space<vmem>>) target(%dma_start3A_473 : memref<32x64xf32, #tpu.memory_space<vmem_shared>>) target_semaphore(%run_scoped3A_469 : memref<!tpu.dma_semaphore, #tpu.memory_space<semaphore_mem>>)
      %dma_wait3A_474 = arith.constant 0 : i32
      %dma_wait3A_475 = tpu.memref_slice %arg18[%add3A_20, %dma_wait3A_474] : memref<10240x64xf32, #tpu.memory_space<vmem_shared>> -> memref<32x64xf32, #tpu.memory_space<vmem_shared>>
      %dma_wait3A_476 = arith.constant 0 : i32
      %dma_wait3A_477 = tpu.memref_slice %arg18[%add3A_20, %dma_wait3A_476] : memref<10240x64xf32, #tpu.memory_space<vmem_shared>> -> memref<32x64xf32, #tpu.memory_space<vmem_shared>>
      tpu.wait_dma2 semaphore(%run_scoped3A_469 : memref<!tpu.dma_semaphore, #tpu.memory_space<semaphore_mem>>) src(%arg14 : memref<32x64xf32, #tpu.memory_space<vmem>>) dst(%dma_wait3A_477 : memref<32x64xf32, #tpu.memory_space<vmem_shared>>)
      tpu.yield
    }) : () -> ()
    %add3A_21 = arith.constant 224 : i32
    %add3A_22 = arith.addi %mul3A_0, %add3A_21 : i32
    "tpu.region"() ({
      %run_scoped3A_469 = tpu.sem_alloc : memref<!tpu.dma_semaphore, #tpu.memory_space<semaphore_mem>>
      %dma_start3A_470 = arith.constant 0 : i32
      %dma_start3A_471 = tpu.memref_slice %arg18[%add3A_22, %dma_start3A_470] : memref<10240x64xf32, #tpu.memory_space<vmem_shared>> -> memref<32x64xf32, #tpu.memory_space<vmem_shared>>
      %dma_start3A_472 = arith.constant 0 : i32
      %dma_start3A_473 = tpu.memref_slice %arg18[%add3A_22, %dma_start3A_472] : memref<10240x64xf32, #tpu.memory_space<vmem_shared>> -> memref<32x64xf32, #tpu.memory_space<vmem_shared>>
      tpu.enqueue_dma source(%arg14 : memref<32x64xf32, #tpu.memory_space<vmem>>) target(%dma_start3A_473 : memref<32x64xf32, #tpu.memory_space<vmem_shared>>) target_semaphore(%run_scoped3A_469 : memref<!tpu.dma_semaphore, #tpu.memory_space<semaphore_mem>>)
      %dma_wait3A_474 = arith.constant 0 : i32
      %dma_wait3A_475 = tpu.memref_slice %arg18[%add3A_22, %dma_wait3A_474] : memref<10240x64xf32, #tpu.memory_space<vmem_shared>> -> memref<32x64xf32, #tpu.memory_space<vmem_shared>>
      %dma_wait3A_476 = arith.constant 0 : i32
      %dma_wait3A_477 = tpu.memref_slice %arg18[%add3A_22, %dma_wait3A_476] : memref<10240x64xf32, #tpu.memory_space<vmem_shared>> -> memref<32x64xf32, #tpu.memory_space<vmem_shared>>
      tpu.wait_dma2 semaphore(%run_scoped3A_469 : memref<!tpu.dma_semaphore, #tpu.memory_space<semaphore_mem>>) src(%arg14 : memref<32x64xf32, #tpu.memory_space<vmem>>) dst(%dma_wait3A_477 : memref<32x64xf32, #tpu.memory_space<vmem_shared>>)
      tpu.yield
    }) : () -> ()
    %add3A_23 = arith.constant 256 : i32
    %add3A_24 = arith.addi %mul3A_0, %add3A_23 : i32
    "tpu.region"() ({
      %run_scoped3A_469 = tpu.sem_alloc : memref<!tpu.dma_semaphore, #tpu.memory_space<semaphore_mem>>
      %dma_start3A_470 = arith.constant 0 : i32
      %dma_start3A_471 = tpu.memref_slice %arg18[%add3A_24, %dma_start3A_470] : memref<10240x64xf32, #tpu.memory_space<vmem_shared>> -> memref<32x64xf32, #tpu.memory_space<vmem_shared>>
      %dma_start3A_472 = arith.constant 0 : i32
      %dma_start3A_473 = tpu.memref_slice %arg18[%add3A_24, %dma_start3A_472] : memref<10240x64xf32, #tpu.memory_space<vmem_shared>> -> memref<32x64xf32, #tpu.memory_space<vmem_shared>>
      tpu.enqueue_dma source(%arg14 : memref<32x64xf32, #tpu.memory_space<vmem>>) target(%dma_start3A_473 : memref<32x64xf32, #tpu.memory_space<vmem_shared>>) target_semaphore(%run_scoped3A_469 : memref<!tpu.dma_semaphore, #tpu.memory_space<semaphore_mem>>)
      %dma_wait3A_474 = arith.constant 0 : i32
      %dma_wait3A_475 = tpu.memref_slice %arg18[%add3A_24, %dma_wait3A_474] : memref<10240x64xf32, #tpu.memory_space<vmem_shared>> -> memref<32x64xf32, #tpu.memory_space<vmem_shared>>
      %dma_wait3A_476 = arith.constant 0 : i32
      %dma_wait3A_477 = tpu.memref_slice %arg18[%add3A_24, %dma_wait3A_476] : memref<10240x64xf32, #tpu.memory_space<vmem_shared>> -> memref<32x64xf32, #tpu.memory_space<vmem_shared>>
      tpu.wait_dma2 semaphore(%run_scoped3A_469 : memref<!tpu.dma_semaphore, #tpu.memory_space<semaphore_mem>>) src(%arg14 : memref<32x64xf32, #tpu.memory_space<vmem>>) dst(%dma_wait3A_477 : memref<32x64xf32, #tpu.memory_space<vmem_shared>>)
      tpu.yield
    }) : () -> ()
    %add3A_25 = arith.constant 288 : i32
    %add3A_26 = arith.addi %mul3A_0, %add3A_25 : i32
    "tpu.region"() ({
      %run_scoped3A_469 = tpu.sem_alloc : memref<!tpu.dma_semaphore, #tpu.memory_space<semaphore_mem>>
      %dma_start3A_470 = arith.constant 0 : i32
      %dma_start3A_471 = tpu.memref_slice %arg18[%add3A_26, %dma_start3A_470] : memref<10240x64xf32, #tpu.memory_space<vmem_shared>> -> memref<32x64xf32, #tpu.memory_space<vmem_shared>>
      %dma_start3A_472 = arith.constant 0 : i32
      %dma_start3A_473 = tpu.memref_slice %arg18[%add3A_26, %dma_start3A_472] : memref<10240x64xf32, #tpu.memory_space<vmem_shared>> -> memref<32x64xf32, #tpu.memory_space<vmem_shared>>
      tpu.enqueue_dma source(%arg14 : memref<32x64xf32, #tpu.memory_space<vmem>>) target(%dma_start3A_473 : memref<32x64xf32, #tpu.memory_space<vmem_shared>>) target_semaphore(%run_scoped3A_469 : memref<!tpu.dma_semaphore, #tpu.memory_space<semaphore_mem>>)
      %dma_wait3A_474 = arith.constant 0 : i32
      %dma_wait3A_475 = tpu.memref_slice %arg18[%add3A_26, %dma_wait3A_474] : memref<10240x64xf32, #tpu.memory_space<vmem_shared>> -> memref<32x64xf32, #tpu.memory_space<vmem_shared>>
      %dma_wait3A_476 = arith.constant 0 : i32
      %dma_wait3A_477 = tpu.memref_slice %arg18[%add3A_26, %dma_wait3A_476] : memref<10240x64xf32, #tpu.memory_space<vmem_shared>> -> memref<32x64xf32, #tpu.memory_space<vmem_shared>>
      tpu.wait_dma2 semaphore(%run_scoped3A_469 : memref<!tpu.dma_semaphore, #tpu.memory_space<semaphore_mem>>) src(%arg14 : memref<32x64xf32, #tpu.memory_space<vmem>>) dst(%dma_wait3A_477 : memref<32x64xf32, #tpu.memory_space<vmem_shared>>)
      tpu.yield
    }) : () -> ()
    %add3A_27 = arith.constant 320 : i32
    %add3A_28 = arith.addi %mul3A_0, %add3A_27 : i32
    "tpu.region"() ({
      %run_scoped3A_469 = tpu.sem_alloc : memref<!tpu.dma_semaphore, #tpu.memory_space<semaphore_mem>>
      %dma_start3A_470 = arith.constant 0 : i32
      %dma_start3A_471 = tpu.memref_slice %arg18[%add3A_28, %dma_start3A_470] : memref<10240x64xf32, #tpu.memory_space<vmem_shared>> -> memref<32x64xf32, #tpu.memory_space<vmem_shared>>
      %dma_start3A_472 = arith.constant 0 : i32
      %dma_start3A_473 = tpu.memref_slice %arg18[%add3A_28, %dma_start3A_472] : memref<10240x64xf32, #tpu.memory_space<vmem_shared>> -> memref<32x64xf32, #tpu.memory_space<vmem_shared>>
      tpu.enqueue_dma source(%arg14 : memref<32x64xf32, #tpu.memory_space<vmem>>) target(%dma_start3A_473 : memref<32x64xf32, #tpu.memory_space<vmem_shared>>) target_semaphore(%run_scoped3A_469 : memref<!tpu.dma_semaphore, #tpu.memory_space<semaphore_mem>>)
      %dma_wait3A_474 = arith.constant 0 : i32
      %dma_wait3A_475 = tpu.memref_slice %arg18[%add3A_28, %dma_wait3A_474] : memref<10240x64xf32, #tpu.memory_space<vmem_shared>> -> memref<32x64xf32, #tpu.memory_space<vmem_shared>>
      %dma_wait3A_476 = arith.constant 0 : i32
      %dma_wait3A_477 = tpu.memref_slice %arg18[%add3A_28, %dma_wait3A_476] : memref<10240x64xf32, #tpu.memory_space<vmem_shared>> -> memref<32x64xf32, #tpu.memory_space<vmem_shared>>
      tpu.wait_dma2 semaphore(%run_scoped3A_469 : memref<!tpu.dma_semaphore, #tpu.memory_space<semaphore_mem>>) src(%arg14 : memref<32x64xf32, #tpu.memory_space<vmem>>) dst(%dma_wait3A_477 : memref<32x64xf32, #tpu.memory_space<vmem_shared>>)
      tpu.yield
    }) : () -> ()
    %add3A_29 = arith.constant 352 : i32
    %add3A_30 = arith.addi %mul3A_0, %add3A_29 : i32
    "tpu.region"() ({
      %run_scoped3A_469 = tpu.sem_alloc : memref<!tpu.dma_semaphore, #tpu.memory_space<semaphore_mem>>
      %dma_start3A_470 = arith.constant 0 : i32
      %dma_start3A_471 = tpu.memref_slice %arg18[%add3A_30, %dma_start3A_470] : memref<10240x64xf32, #tpu.memory_space<vmem_shared>> -> memref<32x64xf32, #tpu.memory_space<vmem_shared>>
      %dma_start3A_472 = arith.constant 0 : i32
      %dma_start3A_473 = tpu.memref_slice %arg18[%add3A_30, %dma_start3A_472] : memref<10240x64xf32, #tpu.memory_space<vmem_shared>> -> memref<32x64xf32, #tpu.memory_space<vmem_shared>>
      tpu.enqueue_dma source(%arg14 : memref<32x64xf32, #tpu.memory_space<vmem>>) target(%dma_start3A_473 : memref<32x64xf32, #tpu.memory_space<vmem_shared>>) target_semaphore(%run_scoped3A_469 : memref<!tpu.dma_semaphore, #tpu.memory_space<semaphore_mem>>)
      %dma_wait3A_474 = arith.constant 0 : i32
      %dma_wait3A_475 = tpu.memref_slice %arg18[%add3A_30, %dma_wait3A_474] : memref<10240x64xf32, #tpu.memory_space<vmem_shared>> -> memref<32x64xf32, #tpu.memory_space<vmem_shared>>
      %dma_wait3A_476 = arith.constant 0 : i32
      %dma_wait3A_477 = tpu.memref_slice %arg18[%add3A_30, %dma_wait3A_476] : memref<10240x64xf32, #tpu.memory_space<vmem_shared>> -> memref<32x64xf32, #tpu.memory_space<vmem_shared>>
      tpu.wait_dma2 semaphore(%run_scoped3A_469 : memref<!tpu.dma_semaphore, #tpu.memory_space<semaphore_mem>>) src(%arg14 : memref<32x64xf32, #tpu.memory_space<vmem>>) dst(%dma_wait3A_477 : memref<32x64xf32, #tpu.memory_space<vmem_shared>>)
      tpu.yield
    }) : () -> ()
    %add3A_31 = arith.constant 384 : i32
    %add3A_32 = arith.addi %mul3A_0, %add3A_31 : i32
    "tpu.region"() ({
      %run_scoped3A_469 = tpu.sem_alloc : memref<!tpu.dma_semaphore, #tpu.memory_space<semaphore_mem>>
      %dma_start3A_470 = arith.constant 0 : i32
      %dma_start3A_471 = tpu.memref_slice %arg18[%add3A_32, %dma_start3A_470] : memref<10240x64xf32, #tpu.memory_space<vmem_shared>> -> memref<32x64xf32, #tpu.memory_space<vmem_shared>>
      %dma_start3A_472 = arith.constant 0 : i32
      %dma_start3A_473 = tpu.memref_slice %arg18[%add3A_32, %dma_start3A_472] : memref<10240x64xf32, #tpu.memory_space<vmem_shared>> -> memref<32x64xf32, #tpu.memory_space<vmem_shared>>
      tpu.enqueue_dma source(%arg14 : memref<32x64xf32, #tpu.memory_space<vmem>>) target(%dma_start3A_473 : memref<32x64xf32, #tpu.memory_space<vmem_shared>>) target_semaphore(%run_scoped3A_469 : memref<!tpu.dma_semaphore, #tpu.memory_space<semaphore_mem>>)
      %dma_wait3A_474 = arith.constant 0 : i32
      %dma_wait3A_475 = tpu.memref_slice %arg18[%add3A_32, %dma_wait3A_474] : memref<10240x64xf32, #tpu.memory_space<vmem_shared>> -> memref<32x64xf32, #tpu.memory_space<vmem_shared>>
      %dma_wait3A_476 = arith.constant 0 : i32
      %dma_wait3A_477 = tpu.memref_slice %arg18[%add3A_32, %dma_wait3A_476] : memref<10240x64xf32, #tpu.memory_space<vmem_shared>> -> memref<32x64xf32, #tpu.memory_space<vmem_shared>>
      tpu.wait_dma2 semaphore(%run_scoped3A_469 : memref<!tpu.dma_semaphore, #tpu.memory_space<semaphore_mem>>) src(%arg14 : memref<32x64xf32, #tpu.memory_space<vmem>>) dst(%dma_wait3A_477 : memref<32x64xf32, #tpu.memory_space<vmem_shared>>)
      tpu.yield
    }) : () -> ()
    %add3A_33 = arith.constant 416 : i32
    %add3A_34 = arith.addi %mul3A_0, %add3A_33 : i32
    "tpu.region"() ({
      %run_scoped3A_469 = tpu.sem_alloc : memref<!tpu.dma_semaphore, #tpu.memory_space<semaphore_mem>>
      %dma_start3A_470 = arith.constant 0 : i32
      %dma_start3A_471 = tpu.memref_slice %arg18[%add3A_34, %dma_start3A_470] : memref<10240x64xf32, #tpu.memory_space<vmem_shared>> -> memref<32x64xf32, #tpu.memory_space<vmem_shared>>
      %dma_start3A_472 = arith.constant 0 : i32
      %dma_start3A_473 = tpu.memref_slice %arg18[%add3A_34, %dma_start3A_472] : memref<10240x64xf32, #tpu.memory_space<vmem_shared>> -> memref<32x64xf32, #tpu.memory_space<vmem_shared>>
      tpu.enqueue_dma source(%arg14 : memref<32x64xf32, #tpu.memory_space<vmem>>) target(%dma_start3A_473 : memref<32x64xf32, #tpu.memory_space<vmem_shared>>) target_semaphore(%run_scoped3A_469 : memref<!tpu.dma_semaphore, #tpu.memory_space<semaphore_mem>>)
      %dma_wait3A_474 = arith.constant 0 : i32
      %dma_wait3A_475 = tpu.memref_slice %arg18[%add3A_34, %dma_wait3A_474] : memref<10240x64xf32, #tpu.memory_space<vmem_shared>> -> memref<32x64xf32, #tpu.memory_space<vmem_shared>>
      %dma_wait3A_476 = arith.constant 0 : i32
      %dma_wait3A_477 = tpu.memref_slice %arg18[%add3A_34, %dma_wait3A_476] : memref<10240x64xf32, #tpu.memory_space<vmem_shared>> -> memref<32x64xf32, #tpu.memory_space<vmem_shared>>
      tpu.wait_dma2 semaphore(%run_scoped3A_469 : memref<!tpu.dma_semaphore, #tpu.memory_space<semaphore_mem>>) src(%arg14 : memref<32x64xf32, #tpu.memory_space<vmem>>) dst(%dma_wait3A_477 : memref<32x64xf32, #tpu.memory_space<vmem_shared>>)
      tpu.yield
    }) : () -> ()
    %add3A_35 = arith.constant 448 : i32
    %add3A_36 = arith.addi %mul3A_0, %add3A_35 : i32
    "tpu.region"() ({
      %run_scoped3A_469 = tpu.sem_alloc : memref<!tpu.dma_semaphore, #tpu.memory_space<semaphore_mem>>
      %dma_start3A_470 = arith.constant 0 : i32
      %dma_start3A_471 = tpu.memref_slice %arg18[%add3A_36, %dma_start3A_470] : memref<10240x64xf32, #tpu.memory_space<vmem_shared>> -> memref<32x64xf32, #tpu.memory_space<vmem_shared>>
      %dma_start3A_472 = arith.constant 0 : i32
      %dma_start3A_473 = tpu.memref_slice %arg18[%add3A_36, %dma_start3A_472] : memref<10240x64xf32, #tpu.memory_space<vmem_shared>> -> memref<32x64xf32, #tpu.memory_space<vmem_shared>>
      tpu.enqueue_dma source(%arg14 : memref<32x64xf32, #tpu.memory_space<vmem>>) target(%dma_start3A_473 : memref<32x64xf32, #tpu.memory_space<vmem_shared>>) target_semaphore(%run_scoped3A_469 : memref<!tpu.dma_semaphore, #tpu.memory_space<semaphore_mem>>)
      %dma_wait3A_474 = arith.constant 0 : i32
      %dma_wait3A_475 = tpu.memref_slice %arg18[%add3A_36, %dma_wait3A_474] : memref<10240x64xf32, #tpu.memory_space<vmem_shared>> -> memref<32x64xf32, #tpu.memory_space<vmem_shared>>
      %dma_wait3A_476 = arith.constant 0 : i32
      %dma_wait3A_477 = tpu.memref_slice %arg18[%add3A_36, %dma_wait3A_476] : memref<10240x64xf32, #tpu.memory_space<vmem_shared>> -> memref<32x64xf32, #tpu.memory_space<vmem_shared>>
      tpu.wait_dma2 semaphore(%run_scoped3A_469 : memref<!tpu.dma_semaphore, #tpu.memory_space<semaphore_mem>>) src(%arg14 : memref<32x64xf32, #tpu.memory_space<vmem>>) dst(%dma_wait3A_477 : memref<32x64xf32, #tpu.memory_space<vmem_shared>>)
      tpu.yield
    }) : () -> ()
    %add3A_37 = arith.constant 480 : i32
    %add3A_38 = arith.addi %mul3A_0, %add3A_37 : i32
    "tpu.region"() ({
      %run_scoped3A_469 = tpu.sem_alloc : memref<!tpu.dma_semaphore, #tpu.memory_space<semaphore_mem>>
      %dma_start3A_470 = arith.constant 0 : i32
      %dma_start3A_471 = tpu.memref_slice %arg18[%add3A_38, %dma_start3A_470] : memref<10240x64xf32, #tpu.memory_space<vmem_shared>> -> memref<32x64xf32, #tpu.memory_space<vmem_shared>>
      %dma_start3A_472 = arith.constant 0 : i32
      %dma_start3A_473 = tpu.memref_slice %arg18[%add3A_38, %dma_start3A_472] : memref<10240x64xf32, #tpu.memory_space<vmem_shared>> -> memref<32x64xf32, #tpu.memory_space<vmem_shared>>
      tpu.enqueue_dma source(%arg14 : memref<32x64xf32, #tpu.memory_space<vmem>>) target(%dma_start3A_473 : memref<32x64xf32, #tpu.memory_space<vmem_shared>>) target_semaphore(%run_scoped3A_469 : memref<!tpu.dma_semaphore, #tpu.memory_space<semaphore_mem>>)
      %dma_wait3A_474 = arith.constant 0 : i32
      %dma_wait3A_475 = tpu.memref_slice %arg18[%add3A_38, %dma_wait3A_474] : memref<10240x64xf32, #tpu.memory_space<vmem_shared>> -> memref<32x64xf32, #tpu.memory_space<vmem_shared>>
      %dma_wait3A_476 = arith.constant 0 : i32
      %dma_wait3A_477 = tpu.memref_slice %arg18[%add3A_38, %dma_wait3A_476] : memref<10240x64xf32, #tpu.memory_space<vmem_shared>> -> memref<32x64xf32, #tpu.memory_space<vmem_shared>>
      tpu.wait_dma2 semaphore(%run_scoped3A_469 : memref<!tpu.dma_semaphore, #tpu.memory_space<semaphore_mem>>) src(%arg14 : memref<32x64xf32, #tpu.memory_space<vmem>>) dst(%dma_wait3A_477 : memref<32x64xf32, #tpu.memory_space<vmem_shared>>)
      tpu.yield
    }) : () -> ()
    %add3A_39 = arith.constant 512 : i32
    %add3A_40 = arith.addi %mul3A_0, %add3A_39 : i32
    "tpu.region"() ({
      %run_scoped3A_469 = tpu.sem_alloc : memref<!tpu.dma_semaphore, #tpu.memory_space<semaphore_mem>>
      %dma_start3A_470 = arith.constant 0 : i32
      %dma_start3A_471 = tpu.memref_slice %arg18[%add3A_40, %dma_start3A_470] : memref<10240x64xf32, #tpu.memory_space<vmem_shared>> -> memref<32x64xf32, #tpu.memory_space<vmem_shared>>
      %dma_start3A_472 = arith.constant 0 : i32
      %dma_start3A_473 = tpu.memref_slice %arg18[%add3A_40, %dma_start3A_472] : memref<10240x64xf32, #tpu.memory_space<vmem_shared>> -> memref<32x64xf32, #tpu.memory_space<vmem_shared>>
      tpu.enqueue_dma source(%arg14 : memref<32x64xf32, #tpu.memory_space<vmem>>) target(%dma_start3A_473 : memref<32x64xf32, #tpu.memory_space<vmem_shared>>) target_semaphore(%run_scoped3A_469 : memref<!tpu.dma_semaphore, #tpu.memory_space<semaphore_mem>>)
      %dma_wait3A_474 = arith.constant 0 : i32
      %dma_wait3A_475 = tpu.memref_slice %arg18[%add3A_40, %dma_wait3A_474] : memref<10240x64xf32, #tpu.memory_space<vmem_shared>> -> memref<32x64xf32, #tpu.memory_space<vmem_shared>>
      %dma_wait3A_476 = arith.constant 0 : i32
      %dma_wait3A_477 = tpu.memref_slice %arg18[%add3A_40, %dma_wait3A_476] : memref<10240x64xf32, #tpu.memory_space<vmem_shared>> -> memref<32x64xf32, #tpu.memory_space<vmem_shared>>
      tpu.wait_dma2 semaphore(%run_scoped3A_469 : memref<!tpu.dma_semaphore, #tpu.memory_space<semaphore_mem>>) src(%arg14 : memref<32x64xf32, #tpu.memory_space<vmem>>) dst(%dma_wait3A_477 : memref<32x64xf32, #tpu.memory_space<vmem_shared>>)
      tpu.yield
    }) : () -> ()
    %add3A_41 = arith.constant 544 : i32
    %add3A_42 = arith.addi %mul3A_0, %add3A_41 : i32
    "tpu.region"() ({
      %run_scoped3A_469 = tpu.sem_alloc : memref<!tpu.dma_semaphore, #tpu.memory_space<semaphore_mem>>
      %dma_start3A_470 = arith.constant 0 : i32
      %dma_start3A_471 = tpu.memref_slice %arg18[%add3A_42, %dma_start3A_470] : memref<10240x64xf32, #tpu.memory_space<vmem_shared>> -> memref<32x64xf32, #tpu.memory_space<vmem_shared>>
      %dma_start3A_472 = arith.constant 0 : i32
      %dma_start3A_473 = tpu.memref_slice %arg18[%add3A_42, %dma_start3A_472] : memref<10240x64xf32, #tpu.memory_space<vmem_shared>> -> memref<32x64xf32, #tpu.memory_space<vmem_shared>>
      tpu.enqueue_dma source(%arg14 : memref<32x64xf32, #tpu.memory_space<vmem>>) target(%dma_start3A_473 : memref<32x64xf32, #tpu.memory_space<vmem_shared>>) target_semaphore(%run_scoped3A_469 : memref<!tpu.dma_semaphore, #tpu.memory_space<semaphore_mem>>)
      %dma_wait3A_474 = arith.constant 0 : i32
      %dma_wait3A_475 = tpu.memref_slice %arg18[%add3A_42, %dma_wait3A_474] : memref<10240x64xf32, #tpu.memory_space<vmem_shared>> -> memref<32x64xf32, #tpu.memory_space<vmem_shared>>
      %dma_wait3A_476 = arith.constant 0 : i32
      %dma_wait3A_477 = tpu.memref_slice %arg18[%add3A_42, %dma_wait3A_476] : memref<10240x64xf32, #tpu.memory_space<vmem_shared>> -> memref<32x64xf32, #tpu.memory_space<vmem_shared>>
      tpu.wait_dma2 semaphore(%run_scoped3A_469 : memref<!tpu.dma_semaphore, #tpu.memory_space<semaphore_mem>>) src(%arg14 : memref<32x64xf32, #tpu.memory_space<vmem>>) dst(%dma_wait3A_477 : memref<32x64xf32, #tpu.memory_space<vmem_shared>>)
      tpu.yield
    }) : () -> ()
    %add3A_43 = arith.constant 576 : i32
    %add3A_44 = arith.addi %mul3A_0, %add3A_43 : i32
    "tpu.region"() ({
      %run_scoped3A_469 = tpu.sem_alloc : memref<!tpu.dma_semaphore, #tpu.memory_space<semaphore_mem>>
      %dma_start3A_470 = arith.constant 0 : i32
      %dma_start3A_471 = tpu.memref_slice %arg18[%add3A_44, %dma_start3A_470] : memref<10240x64xf32, #tpu.memory_space<vmem_shared>> -> memref<32x64xf32, #tpu.memory_space<vmem_shared>>
      %dma_start3A_472 = arith.constant 0 : i32
      %dma_start3A_473 = tpu.memref_slice %arg18[%add3A_44, %dma_start3A_472] : memref<10240x64xf32, #tpu.memory_space<vmem_shared>> -> memref<32x64xf32, #tpu.memory_space<vmem_shared>>
      tpu.enqueue_dma source(%arg14 : memref<32x64xf32, #tpu.memory_space<vmem>>) target(%dma_start3A_473 : memref<32x64xf32, #tpu.memory_space<vmem_shared>>) target_semaphore(%run_scoped3A_469 : memref<!tpu.dma_semaphore, #tpu.memory_space<semaphore_mem>>)
      %dma_wait3A_474 = arith.constant 0 : i32
      %dma_wait3A_475 = tpu.memref_slice %arg18[%add3A_44, %dma_wait3A_474] : memref<10240x64xf32, #tpu.memory_space<vmem_shared>> -> memref<32x64xf32, #tpu.memory_space<vmem_shared>>
      %dma_wait3A_476 = arith.constant 0 : i32
      %dma_wait3A_477 = tpu.memref_slice %arg18[%add3A_44, %dma_wait3A_476] : memref<10240x64xf32, #tpu.memory_space<vmem_shared>> -> memref<32x64xf32, #tpu.memory_space<vmem_shared>>
      tpu.wait_dma2 semaphore(%run_scoped3A_469 : memref<!tpu.dma_semaphore, #tpu.memory_space<semaphore_mem>>) src(%arg14 : memref<32x64xf32, #tpu.memory_space<vmem>>) dst(%dma_wait3A_477 : memref<32x64xf32, #tpu.memory_space<vmem_shared>>)
      tpu.yield
    }) : () -> ()
    %add3A_45 = arith.constant 608 : i32
    %add3A_46 = arith.addi %mul3A_0, %add3A_45 : i32
    "tpu.region"() ({
      %run_scoped3A_469 = tpu.sem_alloc : memref<!tpu.dma_semaphore, #tpu.memory_space<semaphore_mem>>
      %dma_start3A_470 = arith.constant 0 : i32
      %dma_start3A_471 = tpu.memref_slice %arg18[%add3A_46, %dma_start3A_470] : memref<10240x64xf32, #tpu.memory_space<vmem_shared>> -> memref<32x64xf32, #tpu.memory_space<vmem_shared>>
      %dma_start3A_472 = arith.constant 0 : i32
      %dma_start3A_473 = tpu.memref_slice %arg18[%add3A_46, %dma_start3A_472] : memref<10240x64xf32, #tpu.memory_space<vmem_shared>> -> memref<32x64xf32, #tpu.memory_space<vmem_shared>>
      tpu.enqueue_dma source(%arg14 : memref<32x64xf32, #tpu.memory_space<vmem>>) target(%dma_start3A_473 : memref<32x64xf32, #tpu.memory_space<vmem_shared>>) target_semaphore(%run_scoped3A_469 : memref<!tpu.dma_semaphore, #tpu.memory_space<semaphore_mem>>)
      %dma_wait3A_474 = arith.constant 0 : i32
      %dma_wait3A_475 = tpu.memref_slice %arg18[%add3A_46, %dma_wait3A_474] : memref<10240x64xf32, #tpu.memory_space<vmem_shared>> -> memref<32x64xf32, #tpu.memory_space<vmem_shared>>
      %dma_wait3A_476 = arith.constant 0 : i32
      %dma_wait3A_477 = tpu.memref_slice %arg18[%add3A_46, %dma_wait3A_476] : memref<10240x64xf32, #tpu.memory_space<vmem_shared>> -> memref<32x64xf32, #tpu.memory_space<vmem_shared>>
      tpu.wait_dma2 semaphore(%run_scoped3A_469 : memref<!tpu.dma_semaphore, #tpu.memory_space<semaphore_mem>>) src(%arg14 : memref<32x64xf32, #tpu.memory_space<vmem>>) dst(%dma_wait3A_477 : memref<32x64xf32, #tpu.memory_space<vmem_shared>>)
      tpu.yield
    }) : () -> ()
    %scan3A_47 = arith.constant 0 : i32
    %scan3A_48 = arith.constant 0 : i32
    %scan3A_49 = arith.constant 640 : i32
    %scan3A_50 = arith.addi %scan3A_48, %scan3A_49 : i32
    %scan3A_51 = arith.constant 1 : i32
    %scan3A_52 = scf.for %scan3A_469 = %scan3A_48 to %scan3A_50 step %scan3A_51 iter_args(%scan3A_470 = %scan3A_47) -> (i32)  : i32 {
      %broadcast_in_dim3A_471 = arith.constant 0.000000e+00 : f32
      %broadcast_in_dim3A_472 = vector.broadcast %broadcast_in_dim3A_471 : f32 to vector<16xf32>
      %swap3A_473 = arith.index_cast %scan3A_469 : i32 to index
      %swap3A_474 = arith.constant 0 : index
      %swap3A_475 = tpu.vector_load %arg15[%swap3A_473, %swap3A_474] {strides = array<i32>} : memref<640x16xf32, #tpu.memory_space<vmem>>, vector<16xf32>,
      tpu.vector_store %arg15[%swap3A_473, %swap3A_474], %broadcast_in_dim3A_472 {strides = array<i32>} : memref<640x16xf32, #tpu.memory_space<vmem>>, vector<16xf32>,
      %scan3A_476 = arith.constant 0 : i32
      scf.yield %scan3A_476 : i32
    }
    %scan3A_53 = arith.constant 640 : i32
    %scan3A_54 = arith.constant 0 : i32
    %scan3A_55 = arith.constant 0 : i32
    %scan3A_56 = arith.constant 40 : i32
    %scan3A_57 = arith.addi %scan3A_55, %scan3A_56 : i32
    %scan3A_58 = arith.constant 1 : i32
    %scan3A_59 = scf.for %scan3A_469 = %scan3A_55 to %scan3A_57 step %scan3A_58 iter_args(%scan3A_470 = %scan3A_54) -> (i32)  : i32 {
      %broadcast_in_dim3A_471 = arith.constant 0.000000e+00 : f32
      %broadcast_in_dim3A_472 = vector.broadcast %broadcast_in_dim3A_471 : f32 to vector<16xf32>
      %swap3A_473 = arith.index_cast %scan3A_469 : i32 to index
      %swap3A_474 = arith.constant 0 : index
      %swap3A_475 = tpu.vector_load %arg16[%swap3A_473, %swap3A_474] {strides = array<i32>} : memref<40x16xf32, #tpu.memory_space<vmem>>, vector<16xf32>,
      tpu.vector_store %arg16[%swap3A_473, %swap3A_474], %broadcast_in_dim3A_472 {strides = array<i32>} : memref<40x16xf32, #tpu.memory_space<vmem>>, vector<16xf32>,
      %scan3A_476 = arith.constant 0 : i32
      scf.yield %scan3A_476 : i32
    }
    %scan3A_60 = arith.constant 40 : i32
    %mul3A_61 = arith.constant 40 : i32
    %mul3A_62 = arith.muli %arg1, %mul3A_61 : i32
    "tpu.region"() ({
      %run_scoped3A_469 = tpu.sem_alloc : memref<!tpu.dma_semaphore, #tpu.memory_space<semaphore_mem>>
      %dma_start3A_470 = arith.constant 0 : i32
      %dma_start3A_471 = tpu.memref_slice %arg19[%mul3A_62, %dma_start3A_470] : memref<640x16xf32, #tpu.memory_space<vmem_shared>> -> memref<40x16xf32, #tpu.memory_space<vmem_shared>>
      %dma_start3A_472 = arith.constant 0 : i32
      %dma_start3A_473 = tpu.memref_slice %arg19[%mul3A_62, %dma_start3A_472] : memref<640x16xf32, #tpu.memory_space<vmem_shared>> -> memref<40x16xf32, #tpu.memory_space<vmem_shared>>
      tpu.enqueue_dma source(%arg16 : memref<40x16xf32, #tpu.memory_space<vmem>>) target(%dma_start3A_473 : memref<40x16xf32, #tpu.memory_space<vmem_shared>>) target_semaphore(%run_scoped3A_469 : memref<!tpu.dma_semaphore, #tpu.memory_space<semaphore_mem>>)
      %dma_wait3A_474 = arith.constant 0 : i32
      %dma_wait3A_475 = tpu.memref_slice %arg19[%mul3A_62, %dma_wait3A_474] : memref<640x16xf32, #tpu.memory_space<vmem_shared>> -> memref<40x16xf32, #tpu.memory_space<vmem_shared>>
      %dma_wait3A_476 = arith.constant 0 : i32
      %dma_wait3A_477 = tpu.memref_slice %arg19[%mul3A_62, %dma_wait3A_476] : memref<640x16xf32, #tpu.memory_space<vmem_shared>> -> memref<40x16xf32, #tpu.memory_space<vmem_shared>>
      tpu.wait_dma2 semaphore(%run_scoped3A_469 : memref<!tpu.dma_semaphore, #tpu.memory_space<semaphore_mem>>) src(%arg16 : memref<40x16xf32, #tpu.memory_space<vmem>>) dst(%dma_wait3A_477 : memref<40x16xf32, #tpu.memory_space<vmem_shared>>)
      tpu.yield
    }) : () -> ()
    %iota3A = tpu.iota {dimensions = array<i32: 0>} : vector<16xi32>
    %add3A_63 = arith.constant 0 : i32
    %add3A_64 = vector.broadcast %add3A_63 : i32 to vector<16xi32>
    %add3A_65 = arith.addi %iota3A, %add3A_64 : vector<16xi32>
    %swap3A = arith.constant 0 : i32
    %swap3A_66 = arith.index_cast %swap3A : i32 to index
    %swap3A_67 = arith.constant 0 : index
    %swap3A_68 = tpu.vector_load %arg17[%swap3A_66, %swap3A_67] {strides = array<i32>} : memref<5x128xi32, #tpu.memory_space<vmem>>, vector<16xi32>,
    tpu.vector_store %arg17[%swap3A_66, %swap3A_67], %add3A_65 {strides = array<i32>} : memref<5x128xi32, #tpu.memory_space<vmem>>, vector<16xi32>,
    %iota3A_69 = tpu.iota {dimensions = array<i32: 0>} : vector<16xi32>
    %add3A_70 = arith.constant 16 : i32
    %add3A_71 = vector.broadcast %add3A_70 : i32 to vector<16xi32>
    %add3A_72 = arith.addi %iota3A_69, %add3A_71 : vector<16xi32>
    %swap3A_73 = arith.constant 0 : i32
    %swap3A_74 = arith.index_cast %swap3A_73 : i32 to index
    %swap3A_75 = arith.constant 16 : index
    %swap3A_76 = tpu.vector_load %arg17[%swap3A_74, %swap3A_75] {strides = array<i32>} : memref<5x128xi32, #tpu.memory_space<vmem>>, vector<16xi32>,
    tpu.vector_store %arg17[%swap3A_74, %swap3A_75], %add3A_72 {strides = array<i32>} : memref<5x128xi32, #tpu.memory_space<vmem>>, vector<16xi32>,
    %iota3A_77 = tpu.iota {dimensions = array<i32: 0>} : vector<16xi32>
    %add3A_78 = arith.constant 32 : i32
    %add3A_79 = vector.broadcast %add3A_78 : i32 to vector<16xi32>
    %add3A_80 = arith.addi %iota3A_77, %add3A_79 : vector<16xi32>
    %swap3A_81 = arith.constant 0 : i32
    %swap3A_82 = arith.index_cast %swap3A_81 : i32 to index
    %swap3A_83 = arith.constant 32 : index
    %swap3A_84 = tpu.vector_load %arg17[%swap3A_82, %swap3A_83] {strides = array<i32>} : memref<5x128xi32, #tpu.memory_space<vmem>>, vector<16xi32>,
    tpu.vector_store %arg17[%swap3A_82, %swap3A_83], %add3A_80 {strides = array<i32>} : memref<5x128xi32, #tpu.memory_space<vmem>>, vector<16xi32>,
    %iota3A_85 = tpu.iota {dimensions = array<i32: 0>} : vector<16xi32>
    %add3A_86 = arith.constant 48 : i32
    %add3A_87 = vector.broadcast %add3A_86 : i32 to vector<16xi32>
    %add3A_88 = arith.addi %iota3A_85, %add3A_87 : vector<16xi32>
    %swap3A_89 = arith.constant 0 : i32
    %swap3A_90 = arith.index_cast %swap3A_89 : i32 to index
    %swap3A_91 = arith.constant 48 : index
    %swap3A_92 = tpu.vector_load %arg17[%swap3A_90, %swap3A_91] {strides = array<i32>} : memref<5x128xi32, #tpu.memory_space<vmem>>, vector<16xi32>,
    tpu.vector_store %arg17[%swap3A_90, %swap3A_91], %add3A_88 {strides = array<i32>} : memref<5x128xi32, #tpu.memory_space<vmem>>, vector<16xi32>,
    %iota3A_93 = tpu.iota {dimensions = array<i32: 0>} : vector<16xi32>
    %add3A_94 = arith.constant 64 : i32
    %add3A_95 = vector.broadcast %add3A_94 : i32 to vector<16xi32>
    %add3A_96 = arith.addi %iota3A_93, %add3A_95 : vector<16xi32>
    %swap3A_97 = arith.constant 0 : i32
    %swap3A_98 = arith.index_cast %swap3A_97 : i32 to index
    %swap3A_99 = arith.constant 64 : index
    %swap3A_100 = tpu.vector_load %arg17[%swap3A_98, %swap3A_99] {strides = array<i32>} : memref<5x128xi32, #tpu.memory_space<vmem>>, vector<16xi32>,
    tpu.vector_store %arg17[%swap3A_98, %swap3A_99], %add3A_96 {strides = array<i32>} : memref<5x128xi32, #tpu.memory_space<vmem>>, vector<16xi32>,
    %iota3A_101 = tpu.iota {dimensions = array<i32: 0>} : vector<16xi32>
    %add3A_102 = arith.constant 80 : i32
    %add3A_103 = vector.broadcast %add3A_102 : i32 to vector<16xi32>
    %add3A_104 = arith.addi %iota3A_101, %add3A_103 : vector<16xi32>
    %swap3A_105 = arith.constant 0 : i32
    %swap3A_106 = arith.index_cast %swap3A_105 : i32 to index
    %swap3A_107 = arith.constant 80 : index
    %swap3A_108 = tpu.vector_load %arg17[%swap3A_106, %swap3A_107] {strides = array<i32>} : memref<5x128xi32, #tpu.memory_space<vmem>>, vector<16xi32>,
    tpu.vector_store %arg17[%swap3A_106, %swap3A_107], %add3A_104 {strides = array<i32>} : memref<5x128xi32, #tpu.memory_space<vmem>>, vector<16xi32>,
    %iota3A_109 = tpu.iota {dimensions = array<i32: 0>} : vector<16xi32>
    %add3A_110 = arith.constant 96 : i32
    %add3A_111 = vector.broadcast %add3A_110 : i32 to vector<16xi32>
    %add3A_112 = arith.addi %iota3A_109, %add3A_111 : vector<16xi32>
    %swap3A_113 = arith.constant 0 : i32
    %swap3A_114 = arith.index_cast %swap3A_113 : i32 to index
    %swap3A_115 = arith.constant 96 : index
    %swap3A_116 = tpu.vector_load %arg17[%swap3A_114, %swap3A_115] {strides = array<i32>} : memref<5x128xi32, #tpu.memory_space<vmem>>, vector<16xi32>,
    tpu.vector_store %arg17[%swap3A_114, %swap3A_115], %add3A_112 {strides = array<i32>} : memref<5x128xi32, #tpu.memory_space<vmem>>, vector<16xi32>,
    %iota3A_117 = tpu.iota {dimensions = array<i32: 0>} : vector<16xi32>
    %add3A_118 = arith.constant 112 : i32
    %add3A_119 = vector.broadcast %add3A_118 : i32 to vector<16xi32>
    %add3A_120 = arith.addi %iota3A_117, %add3A_119 : vector<16xi32>
    %swap3A_121 = arith.constant 0 : i32
    %swap3A_122 = arith.index_cast %swap3A_121 : i32 to index
    %swap3A_123 = arith.constant 112 : index
    %swap3A_124 = tpu.vector_load %arg17[%swap3A_122, %swap3A_123] {strides = array<i32>} : memref<5x128xi32, #tpu.memory_space<vmem>>, vector<16xi32>,
    tpu.vector_store %arg17[%swap3A_122, %swap3A_123], %add3A_120 {strides = array<i32>} : memref<5x128xi32, #tpu.memory_space<vmem>>, vector<16xi32>,
    %iota3A_125 = tpu.iota {dimensions = array<i32: 0>} : vector<16xi32>
    %add3A_126 = arith.constant 128 : i32
    %add3A_127 = vector.broadcast %add3A_126 : i32 to vector<16xi32>
    %add3A_128 = arith.addi %iota3A_125, %add3A_127 : vector<16xi32>
    %swap3A_129 = arith.constant 1 : i32
    %swap3A_130 = arith.index_cast %swap3A_129 : i32 to index
    %swap3A_131 = arith.constant 0 : index
    %swap3A_132 = tpu.vector_load %arg17[%swap3A_130, %swap3A_131] {strides = array<i32>} : memref<5x128xi32, #tpu.memory_space<vmem>>, vector<16xi32>,
    tpu.vector_store %arg17[%swap3A_130, %swap3A_131], %add3A_128 {strides = array<i32>} : memref<5x128xi32, #tpu.memory_space<vmem>>, vector<16xi32>,
    %iota3A_133 = tpu.iota {dimensions = array<i32: 0>} : vector<16xi32>
    %add3A_134 = arith.constant 144 : i32
    %add3A_135 = vector.broadcast %add3A_134 : i32 to vector<16xi32>
    %add3A_136 = arith.addi %iota3A_133, %add3A_135 : vector<16xi32>
    %swap3A_137 = arith.constant 1 : i32
    %swap3A_138 = arith.index_cast %swap3A_137 : i32 to index
    %swap3A_139 = arith.constant 16 : index
    %swap3A_140 = tpu.vector_load %arg17[%swap3A_138, %swap3A_139] {strides = array<i32>} : memref<5x128xi32, #tpu.memory_space<vmem>>, vector<16xi32>,
    tpu.vector_store %arg17[%swap3A_138, %swap3A_139], %add3A_136 {strides = array<i32>} : memref<5x128xi32, #tpu.memory_space<vmem>>, vector<16xi32>,
    %iota3A_141 = tpu.iota {dimensions = array<i32: 0>} : vector<16xi32>
    %add3A_142 = arith.constant 160 : i32
    %add3A_143 = vector.broadcast %add3A_142 : i32 to vector<16xi32>
    %add3A_144 = arith.addi %iota3A_141, %add3A_143 : vector<16xi32>
    %swap3A_145 = arith.constant 1 : i32
    %swap3A_146 = arith.index_cast %swap3A_145 : i32 to index
    %swap3A_147 = arith.constant 32 : index
    %swap3A_148 = tpu.vector_load %arg17[%swap3A_146, %swap3A_147] {strides = array<i32>} : memref<5x128xi32, #tpu.memory_space<vmem>>, vector<16xi32>,
    tpu.vector_store %arg17[%swap3A_146, %swap3A_147], %add3A_144 {strides = array<i32>} : memref<5x128xi32, #tpu.memory_space<vmem>>, vector<16xi32>,
    %iota3A_149 = tpu.iota {dimensions = array<i32: 0>} : vector<16xi32>
    %add3A_150 = arith.constant 176 : i32
    %add3A_151 = vector.broadcast %add3A_150 : i32 to vector<16xi32>
    %add3A_152 = arith.addi %iota3A_149, %add3A_151 : vector<16xi32>
    %swap3A_153 = arith.constant 1 : i32
    %swap3A_154 = arith.index_cast %swap3A_153 : i32 to index
    %swap3A_155 = arith.constant 48 : index
    %swap3A_156 = tpu.vector_load %arg17[%swap3A_154, %swap3A_155] {strides = array<i32>} : memref<5x128xi32, #tpu.memory_space<vmem>>, vector<16xi32>,
    tpu.vector_store %arg17[%swap3A_154, %swap3A_155], %add3A_152 {strides = array<i32>} : memref<5x128xi32, #tpu.memory_space<vmem>>, vector<16xi32>,
    %iota3A_157 = tpu.iota {dimensions = array<i32: 0>} : vector<16xi32>
    %add3A_158 = arith.constant 192 : i32
    %add3A_159 = vector.broadcast %add3A_158 : i32 to vector<16xi32>
    %add3A_160 = arith.addi %iota3A_157, %add3A_159 : vector<16xi32>
    %swap3A_161 = arith.constant 1 : i32
    %swap3A_162 = arith.index_cast %swap3A_161 : i32 to index
    %swap3A_163 = arith.constant 64 : index
    %swap3A_164 = tpu.vector_load %arg17[%swap3A_162, %swap3A_163] {strides = array<i32>} : memref<5x128xi32, #tpu.memory_space<vmem>>, vector<16xi32>,
    tpu.vector_store %arg17[%swap3A_162, %swap3A_163], %add3A_160 {strides = array<i32>} : memref<5x128xi32, #tpu.memory_space<vmem>>, vector<16xi32>,
    %iota3A_165 = tpu.iota {dimensions = array<i32: 0>} : vector<16xi32>
    %add3A_166 = arith.constant 208 : i32
    %add3A_167 = vector.broadcast %add3A_166 : i32 to vector<16xi32>
    %add3A_168 = arith.addi %iota3A_165, %add3A_167 : vector<16xi32>
    %swap3A_169 = arith.constant 1 : i32
    %swap3A_170 = arith.index_cast %swap3A_169 : i32 to index
    %swap3A_171 = arith.constant 80 : index
    %swap3A_172 = tpu.vector_load %arg17[%swap3A_170, %swap3A_171] {strides = array<i32>} : memref<5x128xi32, #tpu.memory_space<vmem>>, vector<16xi32>,
    tpu.vector_store %arg17[%swap3A_170, %swap3A_171], %add3A_168 {strides = array<i32>} : memref<5x128xi32, #tpu.memory_space<vmem>>, vector<16xi32>,
    %iota3A_173 = tpu.iota {dimensions = array<i32: 0>} : vector<16xi32>
    %add3A_174 = arith.constant 224 : i32
    %add3A_175 = vector.broadcast %add3A_174 : i32 to vector<16xi32>
    %add3A_176 = arith.addi %iota3A_173, %add3A_175 : vector<16xi32>
    %swap3A_177 = arith.constant 1 : i32
    %swap3A_178 = arith.index_cast %swap3A_177 : i32 to index
    %swap3A_179 = arith.constant 96 : index
    %swap3A_180 = tpu.vector_load %arg17[%swap3A_178, %swap3A_179] {strides = array<i32>} : memref<5x128xi32, #tpu.memory_space<vmem>>, vector<16xi32>,
    tpu.vector_store %arg17[%swap3A_178, %swap3A_179], %add3A_176 {strides = array<i32>} : memref<5x128xi32, #tpu.memory_space<vmem>>, vector<16xi32>,
    %iota3A_181 = tpu.iota {dimensions = array<i32: 0>} : vector<16xi32>
    %add3A_182 = arith.constant 240 : i32
    %add3A_183 = vector.broadcast %add3A_182 : i32 to vector<16xi32>
    %add3A_184 = arith.addi %iota3A_181, %add3A_183 : vector<16xi32>
    %swap3A_185 = arith.constant 1 : i32
    %swap3A_186 = arith.index_cast %swap3A_185 : i32 to index
    %swap3A_187 = arith.constant 112 : index
    %swap3A_188 = tpu.vector_load %arg17[%swap3A_186, %swap3A_187] {strides = array<i32>} : memref<5x128xi32, #tpu.memory_space<vmem>>, vector<16xi32>,
    tpu.vector_store %arg17[%swap3A_186, %swap3A_187], %add3A_184 {strides = array<i32>} : memref<5x128xi32, #tpu.memory_space<vmem>>, vector<16xi32>,
    %iota3A_189 = tpu.iota {dimensions = array<i32: 0>} : vector<16xi32>
    %add3A_190 = arith.constant 256 : i32
    %add3A_191 = vector.broadcast %add3A_190 : i32 to vector<16xi32>
    %add3A_192 = arith.addi %iota3A_189, %add3A_191 : vector<16xi32>
    %swap3A_193 = arith.constant 2 : i32
    %swap3A_194 = arith.index_cast %swap3A_193 : i32 to index
    %swap3A_195 = arith.constant 0 : index
    %swap3A_196 = tpu.vector_load %arg17[%swap3A_194, %swap3A_195] {strides = array<i32>} : memref<5x128xi32, #tpu.memory_space<vmem>>, vector<16xi32>,
    tpu.vector_store %arg17[%swap3A_194, %swap3A_195], %add3A_192 {strides = array<i32>} : memref<5x128xi32, #tpu.memory_space<vmem>>, vector<16xi32>,
    %iota3A_197 = tpu.iota {dimensions = array<i32: 0>} : vector<16xi32>
    %add3A_198 = arith.constant 272 : i32
    %add3A_199 = vector.broadcast %add3A_198 : i32 to vector<16xi32>
    %add3A_200 = arith.addi %iota3A_197, %add3A_199 : vector<16xi32>
    %swap3A_201 = arith.constant 2 : i32
    %swap3A_202 = arith.index_cast %swap3A_201 : i32 to index
    %swap3A_203 = arith.constant 16 : index
    %swap3A_204 = tpu.vector_load %arg17[%swap3A_202, %swap3A_203] {strides = array<i32>} : memref<5x128xi32, #tpu.memory_space<vmem>>, vector<16xi32>,
    tpu.vector_store %arg17[%swap3A_202, %swap3A_203], %add3A_200 {strides = array<i32>} : memref<5x128xi32, #tpu.memory_space<vmem>>, vector<16xi32>,
    %iota3A_205 = tpu.iota {dimensions = array<i32: 0>} : vector<16xi32>
    %add3A_206 = arith.constant 288 : i32
    %add3A_207 = vector.broadcast %add3A_206 : i32 to vector<16xi32>
    %add3A_208 = arith.addi %iota3A_205, %add3A_207 : vector<16xi32>
    %swap3A_209 = arith.constant 2 : i32
    %swap3A_210 = arith.index_cast %swap3A_209 : i32 to index
    %swap3A_211 = arith.constant 32 : index
    %swap3A_212 = tpu.vector_load %arg17[%swap3A_210, %swap3A_211] {strides = array<i32>} : memref<5x128xi32, #tpu.memory_space<vmem>>, vector<16xi32>,
    tpu.vector_store %arg17[%swap3A_210, %swap3A_211], %add3A_208 {strides = array<i32>} : memref<5x128xi32, #tpu.memory_space<vmem>>, vector<16xi32>,
    %iota3A_213 = tpu.iota {dimensions = array<i32: 0>} : vector<16xi32>
    %add3A_214 = arith.constant 304 : i32
    %add3A_215 = vector.broadcast %add3A_214 : i32 to vector<16xi32>
    %add3A_216 = arith.addi %iota3A_213, %add3A_215 : vector<16xi32>
    %swap3A_217 = arith.constant 2 : i32
    %swap3A_218 = arith.index_cast %swap3A_217 : i32 to index
    %swap3A_219 = arith.constant 48 : index
    %swap3A_220 = tpu.vector_load %arg17[%swap3A_218, %swap3A_219] {strides = array<i32>} : memref<5x128xi32, #tpu.memory_space<vmem>>, vector<16xi32>,
    tpu.vector_store %arg17[%swap3A_218, %swap3A_219], %add3A_216 {strides = array<i32>} : memref<5x128xi32, #tpu.memory_space<vmem>>, vector<16xi32>,
    %iota3A_221 = tpu.iota {dimensions = array<i32: 0>} : vector<16xi32>
    %add3A_222 = arith.constant 320 : i32
    %add3A_223 = vector.broadcast %add3A_222 : i32 to vector<16xi32>
    %add3A_224 = arith.addi %iota3A_221, %add3A_223 : vector<16xi32>
    %swap3A_225 = arith.constant 2 : i32
    %swap3A_226 = arith.index_cast %swap3A_225 : i32 to index
    %swap3A_227 = arith.constant 64 : index
    %swap3A_228 = tpu.vector_load %arg17[%swap3A_226, %swap3A_227] {strides = array<i32>} : memref<5x128xi32, #tpu.memory_space<vmem>>, vector<16xi32>,
    tpu.vector_store %arg17[%swap3A_226, %swap3A_227], %add3A_224 {strides = array<i32>} : memref<5x128xi32, #tpu.memory_space<vmem>>, vector<16xi32>,
    %iota3A_229 = tpu.iota {dimensions = array<i32: 0>} : vector<16xi32>
    %add3A_230 = arith.constant 336 : i32
    %add3A_231 = vector.broadcast %add3A_230 : i32 to vector<16xi32>
    %add3A_232 = arith.addi %iota3A_229, %add3A_231 : vector<16xi32>
    %swap3A_233 = arith.constant 2 : i32
    %swap3A_234 = arith.index_cast %swap3A_233 : i32 to index
    %swap3A_235 = arith.constant 80 : index
    %swap3A_236 = tpu.vector_load %arg17[%swap3A_234, %swap3A_235] {strides = array<i32>} : memref<5x128xi32, #tpu.memory_space<vmem>>, vector<16xi32>,
    tpu.vector_store %arg17[%swap3A_234, %swap3A_235], %add3A_232 {strides = array<i32>} : memref<5x128xi32, #tpu.memory_space<vmem>>, vector<16xi32>,
    %iota3A_237 = tpu.iota {dimensions = array<i32: 0>} : vector<16xi32>
    %add3A_238 = arith.constant 352 : i32
    %add3A_239 = vector.broadcast %add3A_238 : i32 to vector<16xi32>
    %add3A_240 = arith.addi %iota3A_237, %add3A_239 : vector<16xi32>
    %swap3A_241 = arith.constant 2 : i32
    %swap3A_242 = arith.index_cast %swap3A_241 : i32 to index
    %swap3A_243 = arith.constant 96 : index
    %swap3A_244 = tpu.vector_load %arg17[%swap3A_242, %swap3A_243] {strides = array<i32>} : memref<5x128xi32, #tpu.memory_space<vmem>>, vector<16xi32>,
    tpu.vector_store %arg17[%swap3A_242, %swap3A_243], %add3A_240 {strides = array<i32>} : memref<5x128xi32, #tpu.memory_space<vmem>>, vector<16xi32>,
    %iota3A_245 = tpu.iota {dimensions = array<i32: 0>} : vector<16xi32>
    %add3A_246 = arith.constant 368 : i32
    %add3A_247 = vector.broadcast %add3A_246 : i32 to vector<16xi32>
    %add3A_248 = arith.addi %iota3A_245, %add3A_247 : vector<16xi32>
    %swap3A_249 = arith.constant 2 : i32
    %swap3A_250 = arith.index_cast %swap3A_249 : i32 to index
    %swap3A_251 = arith.constant 112 : index
    %swap3A_252 = tpu.vector_load %arg17[%swap3A_250, %swap3A_251] {strides = array<i32>} : memref<5x128xi32, #tpu.memory_space<vmem>>, vector<16xi32>,
    tpu.vector_store %arg17[%swap3A_250, %swap3A_251], %add3A_248 {strides = array<i32>} : memref<5x128xi32, #tpu.memory_space<vmem>>, vector<16xi32>,
    %iota3A_253 = tpu.iota {dimensions = array<i32: 0>} : vector<16xi32>
    %add3A_254 = arith.constant 384 : i32
    %add3A_255 = vector.broadcast %add3A_254 : i32 to vector<16xi32>
    %add3A_256 = arith.addi %iota3A_253, %add3A_255 : vector<16xi32>
    %swap3A_257 = arith.constant 3 : i32
    %swap3A_258 = arith.index_cast %swap3A_257 : i32 to index
    %swap3A_259 = arith.constant 0 : index
    %swap3A_260 = tpu.vector_load %arg17[%swap3A_258, %swap3A_259] {strides = array<i32>} : memref<5x128xi32, #tpu.memory_space<vmem>>, vector<16xi32>,
    tpu.vector_store %arg17[%swap3A_258, %swap3A_259], %add3A_256 {strides = array<i32>} : memref<5x128xi32, #tpu.memory_space<vmem>>, vector<16xi32>,
    %iota3A_261 = tpu.iota {dimensions = array<i32: 0>} : vector<16xi32>
    %add3A_262 = arith.constant 400 : i32
    %add3A_263 = vector.broadcast %add3A_262 : i32 to vector<16xi32>
    %add3A_264 = arith.addi %iota3A_261, %add3A_263 : vector<16xi32>
    %swap3A_265 = arith.constant 3 : i32
    %swap3A_266 = arith.index_cast %swap3A_265 : i32 to index
    %swap3A_267 = arith.constant 16 : index
    %swap3A_268 = tpu.vector_load %arg17[%swap3A_266, %swap3A_267] {strides = array<i32>} : memref<5x128xi32, #tpu.memory_space<vmem>>, vector<16xi32>,
    tpu.vector_store %arg17[%swap3A_266, %swap3A_267], %add3A_264 {strides = array<i32>} : memref<5x128xi32, #tpu.memory_space<vmem>>, vector<16xi32>,
    %iota3A_269 = tpu.iota {dimensions = array<i32: 0>} : vector<16xi32>
    %add3A_270 = arith.constant 416 : i32
    %add3A_271 = vector.broadcast %add3A_270 : i32 to vector<16xi32>
    %add3A_272 = arith.addi %iota3A_269, %add3A_271 : vector<16xi32>
    %swap3A_273 = arith.constant 3 : i32
    %swap3A_274 = arith.index_cast %swap3A_273 : i32 to index
    %swap3A_275 = arith.constant 32 : index
    %swap3A_276 = tpu.vector_load %arg17[%swap3A_274, %swap3A_275] {strides = array<i32>} : memref<5x128xi32, #tpu.memory_space<vmem>>, vector<16xi32>,
    tpu.vector_store %arg17[%swap3A_274, %swap3A_275], %add3A_272 {strides = array<i32>} : memref<5x128xi32, #tpu.memory_space<vmem>>, vector<16xi32>,
    %iota3A_277 = tpu.iota {dimensions = array<i32: 0>} : vector<16xi32>
    %add3A_278 = arith.constant 432 : i32
    %add3A_279 = vector.broadcast %add3A_278 : i32 to vector<16xi32>
    %add3A_280 = arith.addi %iota3A_277, %add3A_279 : vector<16xi32>
    %swap3A_281 = arith.constant 3 : i32
    %swap3A_282 = arith.index_cast %swap3A_281 : i32 to index
    %swap3A_283 = arith.constant 48 : index
    %swap3A_284 = tpu.vector_load %arg17[%swap3A_282, %swap3A_283] {strides = array<i32>} : memref<5x128xi32, #tpu.memory_space<vmem>>, vector<16xi32>,
    tpu.vector_store %arg17[%swap3A_282, %swap3A_283], %add3A_280 {strides = array<i32>} : memref<5x128xi32, #tpu.memory_space<vmem>>, vector<16xi32>,
    %iota3A_285 = tpu.iota {dimensions = array<i32: 0>} : vector<16xi32>
    %add3A_286 = arith.constant 448 : i32
    %add3A_287 = vector.broadcast %add3A_286 : i32 to vector<16xi32>
    %add3A_288 = arith.addi %iota3A_285, %add3A_287 : vector<16xi32>
    %swap3A_289 = arith.constant 3 : i32
    %swap3A_290 = arith.index_cast %swap3A_289 : i32 to index
    %swap3A_291 = arith.constant 64 : index
    %swap3A_292 = tpu.vector_load %arg17[%swap3A_290, %swap3A_291] {strides = array<i32>} : memref<5x128xi32, #tpu.memory_space<vmem>>, vector<16xi32>,
    tpu.vector_store %arg17[%swap3A_290, %swap3A_291], %add3A_288 {strides = array<i32>} : memref<5x128xi32, #tpu.memory_space<vmem>>, vector<16xi32>,
    %iota3A_293 = tpu.iota {dimensions = array<i32: 0>} : vector<16xi32>
    %add3A_294 = arith.constant 464 : i32
    %add3A_295 = vector.broadcast %add3A_294 : i32 to vector<16xi32>
    %add3A_296 = arith.addi %iota3A_293, %add3A_295 : vector<16xi32>
    %swap3A_297 = arith.constant 3 : i32
    %swap3A_298 = arith.index_cast %swap3A_297 : i32 to index
    %swap3A_299 = arith.constant 80 : index
    %swap3A_300 = tpu.vector_load %arg17[%swap3A_298, %swap3A_299] {strides = array<i32>} : memref<5x128xi32, #tpu.memory_space<vmem>>, vector<16xi32>,
    tpu.vector_store %arg17[%swap3A_298, %swap3A_299], %add3A_296 {strides = array<i32>} : memref<5x128xi32, #tpu.memory_space<vmem>>, vector<16xi32>,
    %iota3A_301 = tpu.iota {dimensions = array<i32: 0>} : vector<16xi32>
    %add3A_302 = arith.constant 480 : i32
    %add3A_303 = vector.broadcast %add3A_302 : i32 to vector<16xi32>
    %add3A_304 = arith.addi %iota3A_301, %add3A_303 : vector<16xi32>
    %swap3A_305 = arith.constant 3 : i32
    %swap3A_306 = arith.index_cast %swap3A_305 : i32 to index
    %swap3A_307 = arith.constant 96 : index
    %swap3A_308 = tpu.vector_load %arg17[%swap3A_306, %swap3A_307] {strides = array<i32>} : memref<5x128xi32, #tpu.memory_space<vmem>>, vector<16xi32>,
    tpu.vector_store %arg17[%swap3A_306, %swap3A_307], %add3A_304 {strides = array<i32>} : memref<5x128xi32, #tpu.memory_space<vmem>>, vector<16xi32>,
    %iota3A_309 = tpu.iota {dimensions = array<i32: 0>} : vector<16xi32>
    %add3A_310 = arith.constant 496 : i32
    %add3A_311 = vector.broadcast %add3A_310 : i32 to vector<16xi32>
    %add3A_312 = arith.addi %iota3A_309, %add3A_311 : vector<16xi32>
    %swap3A_313 = arith.constant 3 : i32
    %swap3A_314 = arith.index_cast %swap3A_313 : i32 to index
    %swap3A_315 = arith.constant 112 : index
    %swap3A_316 = tpu.vector_load %arg17[%swap3A_314, %swap3A_315] {strides = array<i32>} : memref<5x128xi32, #tpu.memory_space<vmem>>, vector<16xi32>,
    tpu.vector_store %arg17[%swap3A_314, %swap3A_315], %add3A_312 {strides = array<i32>} : memref<5x128xi32, #tpu.memory_space<vmem>>, vector<16xi32>,
    %iota3A_317 = tpu.iota {dimensions = array<i32: 0>} : vector<16xi32>
    %add3A_318 = arith.constant 512 : i32
    %add3A_319 = vector.broadcast %add3A_318 : i32 to vector<16xi32>
    %add3A_320 = arith.addi %iota3A_317, %add3A_319 : vector<16xi32>
    %swap3A_321 = arith.constant 4 : i32
    %swap3A_322 = arith.index_cast %swap3A_321 : i32 to index
    %swap3A_323 = arith.constant 0 : index
    %swap3A_324 = tpu.vector_load %arg17[%swap3A_322, %swap3A_323] {strides = array<i32>} : memref<5x128xi32, #tpu.memory_space<vmem>>, vector<16xi32>,
    tpu.vector_store %arg17[%swap3A_322, %swap3A_323], %add3A_320 {strides = array<i32>} : memref<5x128xi32, #tpu.memory_space<vmem>>, vector<16xi32>,
    %iota3A_325 = tpu.iota {dimensions = array<i32: 0>} : vector<16xi32>
    %add3A_326 = arith.constant 528 : i32
    %add3A_327 = vector.broadcast %add3A_326 : i32 to vector<16xi32>
    %add3A_328 = arith.addi %iota3A_325, %add3A_327 : vector<16xi32>
    %swap3A_329 = arith.constant 4 : i32
    %swap3A_330 = arith.index_cast %swap3A_329 : i32 to index
    %swap3A_331 = arith.constant 16 : index
    %swap3A_332 = tpu.vector_load %arg17[%swap3A_330, %swap3A_331] {strides = array<i32>} : memref<5x128xi32, #tpu.memory_space<vmem>>, vector<16xi32>,
    tpu.vector_store %arg17[%swap3A_330, %swap3A_331], %add3A_328 {strides = array<i32>} : memref<5x128xi32, #tpu.memory_space<vmem>>, vector<16xi32>,
    %iota3A_333 = tpu.iota {dimensions = array<i32: 0>} : vector<16xi32>
    %add3A_334 = arith.constant 544 : i32
    %add3A_335 = vector.broadcast %add3A_334 : i32 to vector<16xi32>
    %add3A_336 = arith.addi %iota3A_333, %add3A_335 : vector<16xi32>
    %swap3A_337 = arith.constant 4 : i32
    %swap3A_338 = arith.index_cast %swap3A_337 : i32 to index
    %swap3A_339 = arith.constant 32 : index
    %swap3A_340 = tpu.vector_load %arg17[%swap3A_338, %swap3A_339] {strides = array<i32>} : memref<5x128xi32, #tpu.memory_space<vmem>>, vector<16xi32>,
    tpu.vector_store %arg17[%swap3A_338, %swap3A_339], %add3A_336 {strides = array<i32>} : memref<5x128xi32, #tpu.memory_space<vmem>>, vector<16xi32>,
    %iota3A_341 = tpu.iota {dimensions = array<i32: 0>} : vector<16xi32>
    %add3A_342 = arith.constant 560 : i32
    %add3A_343 = vector.broadcast %add3A_342 : i32 to vector<16xi32>
    %add3A_344 = arith.addi %iota3A_341, %add3A_343 : vector<16xi32>
    %swap3A_345 = arith.constant 4 : i32
    %swap3A_346 = arith.index_cast %swap3A_345 : i32 to index
    %swap3A_347 = arith.constant 48 : index
    %swap3A_348 = tpu.vector_load %arg17[%swap3A_346, %swap3A_347] {strides = array<i32>} : memref<5x128xi32, #tpu.memory_space<vmem>>, vector<16xi32>,
    tpu.vector_store %arg17[%swap3A_346, %swap3A_347], %add3A_344 {strides = array<i32>} : memref<5x128xi32, #tpu.memory_space<vmem>>, vector<16xi32>,
    %iota3A_349 = tpu.iota {dimensions = array<i32: 0>} : vector<16xi32>
    %add3A_350 = arith.constant 576 : i32
    %add3A_351 = vector.broadcast %add3A_350 : i32 to vector<16xi32>
    %add3A_352 = arith.addi %iota3A_349, %add3A_351 : vector<16xi32>
    %swap3A_353 = arith.constant 4 : i32
    %swap3A_354 = arith.index_cast %swap3A_353 : i32 to index
    %swap3A_355 = arith.constant 64 : index
    %swap3A_356 = tpu.vector_load %arg17[%swap3A_354, %swap3A_355] {strides = array<i32>} : memref<5x128xi32, #tpu.memory_space<vmem>>, vector<16xi32>,
    tpu.vector_store %arg17[%swap3A_354, %swap3A_355], %add3A_352 {strides = array<i32>} : memref<5x128xi32, #tpu.memory_space<vmem>>, vector<16xi32>,
    %iota3A_357 = tpu.iota {dimensions = array<i32: 0>} : vector<16xi32>
    %add3A_358 = arith.constant 592 : i32
    %add3A_359 = vector.broadcast %add3A_358 : i32 to vector<16xi32>
    %add3A_360 = arith.addi %iota3A_357, %add3A_359 : vector<16xi32>
    %swap3A_361 = arith.constant 4 : i32
    %swap3A_362 = arith.index_cast %swap3A_361 : i32 to index
    %swap3A_363 = arith.constant 80 : index
    %swap3A_364 = tpu.vector_load %arg17[%swap3A_362, %swap3A_363] {strides = array<i32>} : memref<5x128xi32, #tpu.memory_space<vmem>>, vector<16xi32>,
    tpu.vector_store %arg17[%swap3A_362, %swap3A_363], %add3A_360 {strides = array<i32>} : memref<5x128xi32, #tpu.memory_space<vmem>>, vector<16xi32>,
    %iota3A_365 = tpu.iota {dimensions = array<i32: 0>} : vector<16xi32>
    %add3A_366 = arith.constant 608 : i32
    %add3A_367 = vector.broadcast %add3A_366 : i32 to vector<16xi32>
    %add3A_368 = arith.addi %iota3A_365, %add3A_367 : vector<16xi32>
    %swap3A_369 = arith.constant 4 : i32
    %swap3A_370 = arith.index_cast %swap3A_369 : i32 to index
    %swap3A_371 = arith.constant 96 : index
    %swap3A_372 = tpu.vector_load %arg17[%swap3A_370, %swap3A_371] {strides = array<i32>} : memref<5x128xi32, #tpu.memory_space<vmem>>, vector<16xi32>,
    tpu.vector_store %arg17[%swap3A_370, %swap3A_371], %add3A_368 {strides = array<i32>} : memref<5x128xi32, #tpu.memory_space<vmem>>, vector<16xi32>,
    %iota3A_373 = tpu.iota {dimensions = array<i32: 0>} : vector<16xi32>
    %add3A_374 = arith.constant 624 : i32
    %add3A_375 = vector.broadcast %add3A_374 : i32 to vector<16xi32>
    %add3A_376 = arith.addi %iota3A_373, %add3A_375 : vector<16xi32>
    %swap3A_377 = arith.constant 4 : i32
    %swap3A_378 = arith.index_cast %swap3A_377 : i32 to index
    %swap3A_379 = arith.constant 112 : index
    %swap3A_380 = tpu.vector_load %arg17[%swap3A_378, %swap3A_379] {strides = array<i32>} : memref<5x128xi32, #tpu.memory_space<vmem>>, vector<16xi32>,
    tpu.vector_store %arg17[%swap3A_378, %swap3A_379], %add3A_376 {strides = array<i32>} : memref<5x128xi32, #tpu.memory_space<vmem>>, vector<16xi32>,
    %barrier3A = arith.constant 0 : index
    tpu.barrier barrier_id(%barrier3A)
    %mul3A_381 = arith.constant 250 : i32
    %mul3A_382 = arith.muli %arg1, %mul3A_381 : i32
    "tpu.region"() ({
      %run_scoped3A_469 = tpu.sem_alloc : memref<!tpu.dma_semaphore, #tpu.memory_space<semaphore_mem>>
      %dma_start3A_470 = arith.constant 0 : i32
      %dma_start3A_471 = tpu.memref_slice %arg3[%mul3A_382, %dma_start3A_470] : memref<4000x80xi32, #tpu.memory_space<hbm>> -> memref<250x80xi32, #tpu.memory_space<hbm>>
      %dma_start3A_472 = arith.constant 0 : i32
      %dma_start3A_473 = tpu.memref_slice %arg3[%mul3A_382, %dma_start3A_472] : memref<4000x80xi32, #tpu.memory_space<hbm>> -> memref<250x80xi32, #tpu.memory_space<hbm>>
      tpu.enqueue_dma source(%dma_start3A_473 : memref<250x80xi32, #tpu.memory_space<hbm>>) target(%arg7 : memref<250x80xi32, #tpu.memory_space<vmem>>) target_semaphore(%run_scoped3A_469 : memref<!tpu.dma_semaphore, #tpu.memory_space<semaphore_mem>>)
      %dma_wait3A_474 = arith.constant 0 : i32
      %dma_wait3A_475 = tpu.memref_slice %arg3[%mul3A_382, %dma_wait3A_474] : memref<4000x80xi32, #tpu.memory_space<hbm>> -> memref<250x80xi32, #tpu.memory_space<hbm>>
      %dma_wait3A_476 = arith.constant 0 : i32
      %dma_wait3A_477 = tpu.memref_slice %arg3[%mul3A_382, %dma_wait3A_476] : memref<4000x80xi32, #tpu.memory_space<hbm>> -> memref<250x80xi32, #tpu.memory_space<hbm>>
      tpu.wait_dma2 semaphore(%run_scoped3A_469 : memref<!tpu.dma_semaphore, #tpu.memory_space<semaphore_mem>>) src(%dma_wait3A_477 : memref<250x80xi32, #tpu.memory_space<hbm>>) dst(%arg7 : memref<250x80xi32, #tpu.memory_space<vmem>>)
      tpu.yield
    }) : () -> ()
    "tpu.region"() ({
      %run_scoped3A_469 = tpu.sem_alloc : memref<!tpu.dma_semaphore, #tpu.memory_space<semaphore_mem>>
      %dma_start3A_470 = arith.constant 0 : i32
      %dma_start3A_471 = tpu.memref_slice %arg4[%mul3A_382, %dma_start3A_470] : memref<4000x80xi32, #tpu.memory_space<hbm>> -> memref<250x80xi32, #tpu.memory_space<hbm>>
      %dma_start3A_472 = arith.constant 0 : i32
      %dma_start3A_473 = tpu.memref_slice %arg4[%mul3A_382, %dma_start3A_472] : memref<4000x80xi32, #tpu.memory_space<hbm>> -> memref<250x80xi32, #tpu.memory_space<hbm>>
      tpu.enqueue_dma source(%dma_start3A_473 : memref<250x80xi32, #tpu.memory_space<hbm>>) target(%arg8 : memref<250x80xi32, #tpu.memory_space<vmem>>) target_semaphore(%run_scoped3A_469 : memref<!tpu.dma_semaphore, #tpu.memory_space<semaphore_mem>>)
      %dma_wait3A_474 = arith.constant 0 : i32
      %dma_wait3A_475 = tpu.memref_slice %arg4[%mul3A_382, %dma_wait3A_474] : memref<4000x80xi32, #tpu.memory_space<hbm>> -> memref<250x80xi32, #tpu.memory_space<hbm>>
      %dma_wait3A_476 = arith.constant 0 : i32
      %dma_wait3A_477 = tpu.memref_slice %arg4[%mul3A_382, %dma_wait3A_476] : memref<4000x80xi32, #tpu.memory_space<hbm>> -> memref<250x80xi32, #tpu.memory_space<hbm>>
      tpu.wait_dma2 semaphore(%run_scoped3A_469 : memref<!tpu.dma_semaphore, #tpu.memory_space<semaphore_mem>>) src(%dma_wait3A_477 : memref<250x80xi32, #tpu.memory_space<hbm>>) dst(%arg8 : memref<250x80xi32, #tpu.memory_space<vmem>>)
      tpu.yield
    }) : () -> ()
    %mul3A_383 = arith.constant 10000 : i32
    %mul3A_384 = arith.muli %arg0, %mul3A_383 : i32
    %scan3A_385 = arith.constant 0 : i32
    %scan3A_386 = arith.constant 0 : i32
    %scan3A_387 = arith.constant 250 : i32
    %scan3A_388 = arith.addi %scan3A_386, %scan3A_387 : i32
    %scan3A_389 = arith.constant 1 : i32
    %scan3A_390 = scf.for %scan3A_469 = %scan3A_386 to %scan3A_388 step %scan3A_389 iter_args(%scan3A_470 = %scan3A_385) -> (i32)  : i32 {
      %get3A = arith.index_cast %scan3A_469 : i32 to index
      %get3A_471 = arith.constant 0 : index
      %get3A_472 = tpu.vector_load %arg7[%get3A, %get3A_471] {strides = array<i32>} : memref<250x80xi32, #tpu.memory_space<vmem>>, vector<16xi32>,
      %add3A_473 = vector.broadcast %mul3A_384 : i32 to vector<16xi32>
      %add3A_474 = arith.addi %get3A_472, %add3A_473 : vector<16xi32>
      %swap3A_475 = arith.index_cast %scan3A_469 : i32 to index
      %swap3A_476 = arith.constant 0 : index
      %swap3A_477 = tpu.vector_load %arg7[%swap3A_475, %swap3A_476] {strides = array<i32>} : memref<250x80xi32, #tpu.memory_space<vmem>>, vector<16xi32>,
      tpu.vector_store %arg7[%swap3A_475, %swap3A_476], %add3A_474 {strides = array<i32>} : memref<250x80xi32, #tpu.memory_space<vmem>>, vector<16xi32>,
      %get3A_478 = arith.index_cast %scan3A_469 : i32 to index
      %get3A_479 = arith.constant 16 : index
      %get3A_480 = tpu.vector_load %arg7[%get3A_478, %get3A_479] {strides = array<i32>} : memref<250x80xi32, #tpu.memory_space<vmem>>, vector<16xi32>,
      %add3A_481 = vector.broadcast %mul3A_384 : i32 to vector<16xi32>
      %add3A_482 = arith.addi %get3A_480, %add3A_481 : vector<16xi32>
      %swap3A_483 = arith.index_cast %scan3A_469 : i32 to index
      %swap3A_484 = arith.constant 16 : index
      %swap3A_485 = tpu.vector_load %arg7[%swap3A_483, %swap3A_484] {strides = array<i32>} : memref<250x80xi32, #tpu.memory_space<vmem>>, vector<16xi32>,
      tpu.vector_store %arg7[%swap3A_483, %swap3A_484], %add3A_482 {strides = array<i32>} : memref<250x80xi32, #tpu.memory_space<vmem>>, vector<16xi32>,
      %get3A_486 = arith.index_cast %scan3A_469 : i32 to index
      %get3A_487 = arith.constant 32 : index
      %get3A_488 = tpu.vector_load %arg7[%get3A_486, %get3A_487] {strides = array<i32>} : memref<250x80xi32, #tpu.memory_space<vmem>>, vector<16xi32>,
      %add3A_489 = vector.broadcast %mul3A_384 : i32 to vector<16xi32>
      %add3A_490 = arith.addi %get3A_488, %add3A_489 : vector<16xi32>
      %swap3A_491 = arith.index_cast %scan3A_469 : i32 to index
      %swap3A_492 = arith.constant 32 : index
      %swap3A_493 = tpu.vector_load %arg7[%swap3A_491, %swap3A_492] {strides = array<i32>} : memref<250x80xi32, #tpu.memory_space<vmem>>, vector<16xi32>,
      tpu.vector_store %arg7[%swap3A_491, %swap3A_492], %add3A_490 {strides = array<i32>} : memref<250x80xi32, #tpu.memory_space<vmem>>, vector<16xi32>,
      %get3A_494 = arith.index_cast %scan3A_469 : i32 to index
      %get3A_495 = arith.constant 48 : index
      %get3A_496 = tpu.vector_load %arg7[%get3A_494, %get3A_495] {strides = array<i32>} : memref<250x80xi32, #tpu.memory_space<vmem>>, vector<16xi32>,
      %add3A_497 = vector.broadcast %mul3A_384 : i32 to vector<16xi32>
      %add3A_498 = arith.addi %get3A_496, %add3A_497 : vector<16xi32>
      %swap3A_499 = arith.index_cast %scan3A_469 : i32 to index
      %swap3A_500 = arith.constant 48 : index
      %swap3A_501 = tpu.vector_load %arg7[%swap3A_499, %swap3A_500] {strides = array<i32>} : memref<250x80xi32, #tpu.memory_space<vmem>>, vector<16xi32>,
      tpu.vector_store %arg7[%swap3A_499, %swap3A_500], %add3A_498 {strides = array<i32>} : memref<250x80xi32, #tpu.memory_space<vmem>>, vector<16xi32>,
      %get3A_502 = arith.index_cast %scan3A_469 : i32 to index
      %get3A_503 = arith.constant 64 : index
      %get3A_504 = tpu.vector_load %arg7[%get3A_502, %get3A_503] {strides = array<i32>} : memref<250x80xi32, #tpu.memory_space<vmem>>, vector<16xi32>,
      %add3A_505 = vector.broadcast %mul3A_384 : i32 to vector<16xi32>
      %add3A_506 = arith.addi %get3A_504, %add3A_505 : vector<16xi32>
      %swap3A_507 = arith.index_cast %scan3A_469 : i32 to index
      %swap3A_508 = arith.constant 64 : index
      %swap3A_509 = tpu.vector_load %arg7[%swap3A_507, %swap3A_508] {strides = array<i32>} : memref<250x80xi32, #tpu.memory_space<vmem>>, vector<16xi32>,
      tpu.vector_store %arg7[%swap3A_507, %swap3A_508], %add3A_506 {strides = array<i32>} : memref<250x80xi32, #tpu.memory_space<vmem>>, vector<16xi32>,
      %scan3A_510 = arith.constant 0 : i32
      scf.yield %scan3A_510 : i32
    }
    %scan3A_391 = arith.constant 250 : i32
    %dma_start3A = arith.constant 0 : i32
    %dma_start3A_392 = arith.constant 0 : i32
    %dma_start3A_393 = tpu.memref_slice %arg7[%dma_start3A, %dma_start3A_392] : memref<250x80xi32, #tpu.memory_space<vmem>> -> memref<1x80xi32, #tpu.memory_space<vmem>>
    %dma_start3A_394 = tpu.memref_squeeze %dma_start3A_393 : memref<1x80xi32, #tpu.memory_space<vmem>> -> memref<80xi32, #tpu.memory_space<vmem>>
    %dma_start3A_395 = arith.constant 0 : i32
    %dma_start3A_396 = arith.constant 0 : i32
    %dma_start3A_397 = tpu.memref_slice %arg2[%dma_start3A_395, %dma_start3A_396] : memref<20000x64xf32, #tpu.memory_space<hbm>> -> memref<20000x64xf32, #tpu.memory_space<hbm>>
    tpu.enqueue_indirect_dma source(%dma_start3A_397 : memref<20000x64xf32, #tpu.memory_space<hbm>>) target(%arg9 : memref<80x64xf32, #tpu.memory_space<vmem>>) offsets(%dma_start3A_394 : memref<80xi32, #tpu.memory_space<vmem>>) semaphore(%arg20 : memref<!tpu.dma_semaphore, #tpu.memory_space<semaphore_mem>>)
    %dma_start3A_398 = arith.constant 1 : i32
    %dma_start3A_399 = arith.constant 0 : i32
    %dma_start3A_400 = tpu.memref_slice %arg7[%dma_start3A_398, %dma_start3A_399] : memref<250x80xi32, #tpu.memory_space<vmem>> -> memref<1x80xi32, #tpu.memory_space<vmem>>
    %dma_start3A_401 = tpu.memref_squeeze %dma_start3A_400 : memref<1x80xi32, #tpu.memory_space<vmem>> -> memref<80xi32, #tpu.memory_space<vmem>>
    %dma_start3A_402 = arith.constant 0 : i32
    %dma_start3A_403 = arith.constant 0 : i32
    %dma_start3A_404 = tpu.memref_slice %arg2[%dma_start3A_402, %dma_start3A_403] : memref<20000x64xf32, #tpu.memory_space<hbm>> -> memref<20000x64xf32, #tpu.memory_space<hbm>>
    tpu.enqueue_indirect_dma source(%dma_start3A_404 : memref<20000x64xf32, #tpu.memory_space<hbm>>) target(%arg10 : memref<80x64xf32, #tpu.memory_space<vmem>>) offsets(%dma_start3A_401 : memref<80xi32, #tpu.memory_space<vmem>>) semaphore(%arg21 : memref<!tpu.dma_semaphore, #tpu.memory_space<semaphore_mem>>)
    %dma_start3A_405 = arith.constant 2 : i32
    %dma_start3A_406 = arith.constant 0 : i32
    %dma_start3A_407 = tpu.memref_slice %arg7[%dma_start3A_405, %dma_start3A_406] : memref<250x80xi32, #tpu.memory_space<vmem>> -> memref<1x80xi32, #tpu.memory_space<vmem>>
    %dma_start3A_408 = tpu.memref_squeeze %dma_start3A_407 : memref<1x80xi32, #tpu.memory_space<vmem>> -> memref<80xi32, #tpu.memory_space<vmem>>
    %dma_start3A_409 = arith.constant 0 : i32
    %dma_start3A_410 = arith.constant 0 : i32
    %dma_start3A_411 = tpu.memref_slice %arg2[%dma_start3A_409, %dma_start3A_410] : memref<20000x64xf32, #tpu.memory_space<hbm>> -> memref<20000x64xf32, #tpu.memory_space<hbm>>
    tpu.enqueue_indirect_dma source(%dma_start3A_411 : memref<20000x64xf32, #tpu.memory_space<hbm>>) target(%arg11 : memref<80x64xf32, #tpu.memory_space<vmem>>) offsets(%dma_start3A_408 : memref<80xi32, #tpu.memory_space<vmem>>) semaphore(%arg22 : memref<!tpu.dma_semaphore, #tpu.memory_space<semaphore_mem>>)
    %dma_start3A_412 = arith.constant 3 : i32
    %dma_start3A_413 = arith.constant 0 : i32
    %dma_start3A_414 = tpu.memref_slice %arg7[%dma_start3A_412, %dma_start3A_413] : memref<250x80xi32, #tpu.memory_space<vmem>> -> memref<1x80xi32, #tpu.memory_space<vmem>>
    %dma_start3A_415 = tpu.memref_squeeze %dma_start3A_414 : memref<1x80xi32, #tpu.memory_space<vmem>> -> memref<80xi32, #tpu.memory_space<vmem>>
    %dma_start3A_416 = arith.constant 0 : i32
    %dma_start3A_417 = arith.constant 0 : i32
    %dma_start3A_418 = tpu.memref_slice %arg2[%dma_start3A_416, %dma_start3A_417] : memref<20000x64xf32, #tpu.memory_space<hbm>> -> memref<20000x64xf32, #tpu.memory_space<hbm>>
    tpu.enqueue_indirect_dma source(%dma_start3A_418 : memref<20000x64xf32, #tpu.memory_space<hbm>>) target(%arg12 : memref<80x64xf32, #tpu.memory_space<vmem>>) offsets(%dma_start3A_415 : memref<80xi32, #tpu.memory_space<vmem>>) semaphore(%arg23 : memref<!tpu.dma_semaphore, #tpu.memory_space<semaphore_mem>>)
    %scan3A_419 = arith.constant 0 : i32
    %scan3A_420 = arith.constant 0 : i32
    %scan3A_421 = arith.constant 50 : i32
    %scan3A_422 = arith.addi %scan3A_420, %scan3A_421 : i32
    %scan3A_423 = arith.constant 1 : i32
    %scan3A_424 = scf.for %scan3A_469 = %scan3A_420 to %scan3A_422 step %scan3A_423 iter_args(%scan3A_470 = %scan3A_419) -> (i32)  : i32 {
      %mul3A_471 = arith.constant 5 : i32
      %mul3A_472 = arith.muli %scan3A_469, %mul3A_471 : i32
      %add3A_473 = arith.constant 0 : i32
      %add3A_474 = arith.addi %mul3A_472, %add3A_473 : i32
      %dma_wait3A_475 = arith.constant 0 : i32
      %dma_wait3A_476 = tpu.memref_slice %arg7[%add3A_474, %dma_wait3A_475] : memref<250x80xi32, #tpu.memory_space<vmem>> -> memref<1x80xi32, #tpu.memory_space<vmem>>
      %dma_wait3A_477 = tpu.memref_squeeze %dma_wait3A_476 : memref<1x80xi32, #tpu.memory_space<vmem>> -> memref<80xi32, #tpu.memory_space<vmem>>
      %dma_wait3A_478 = arith.constant 0 : i32
      %dma_wait3A_479 = arith.constant 0 : i32
      %dma_wait3A_480 = tpu.memref_slice %arg2[%dma_wait3A_478, %dma_wait3A_479] : memref<20000x64xf32, #tpu.memory_space<hbm>> -> memref<20000x64xf32, #tpu.memory_space<hbm>>
      tpu.wait_indirect_dma semaphore(%arg20 : memref<!tpu.dma_semaphore, #tpu.memory_space<semaphore_mem>>) src(%dma_wait3A_480 : memref<20000x64xf32, #tpu.memory_space<hbm>>) dst(%arg9 : memref<80x64xf32, #tpu.memory_space<vmem>>)
      %dma_start3A_481 = arith.constant 0 : i32
      %dma_start3A_482 = tpu.memref_slice %arg8[%add3A_474, %dma_start3A_481] : memref<250x80xi32, #tpu.memory_space<vmem>> -> memref<1x80xi32, #tpu.memory_space<vmem>>
      %dma_start3A_483 = tpu.memref_squeeze %dma_start3A_482 : memref<1x80xi32, #tpu.memory_space<vmem>> -> memref<80xi32, #tpu.memory_space<vmem>>
      %dma_start3A_484 = arith.constant 0 : i32
      %dma_start3A_485 = arith.constant 0 : i32
      %dma_start3A_486 = tpu.memref_slice %arg18[%dma_start3A_484, %dma_start3A_485] : memref<10240x64xf32, #tpu.memory_space<vmem_shared>> -> memref<10240x64xf32, #tpu.memory_space<vmem_shared>>
      tpu.enqueue_indirect_dma source(%arg9 : memref<80x64xf32, #tpu.memory_space<vmem>>) target(%dma_start3A_486 : memref<10240x64xf32, #tpu.memory_space<vmem_shared>>) offsets(%dma_start3A_483 : memref<80xi32, #tpu.memory_space<vmem>>) semaphore(%arg25 : memref<!tpu.dma_semaphore, #tpu.memory_space<semaphore_mem>>) {add = true}
      %jit3A = arith.constant 2 : i32
      %eq3A = arith.constant 0 : i32
      %eq3A_487 = arith.cmpi eq, %jit3A, %eq3A : i32
      %jit3A_488 = arith.constant 1 : i32
      %select_n3A = arith.select %eq3A_487, %jit3A_488, %jit3A : i32
      %rem3A = arith.remsi %add3A_474, %select_n3A : i32
      %ne3A = arith.constant 0 : i32
      %ne3A_489 = arith.cmpi ne, %rem3A, %ne3A : i32
      %lt3A = arith.constant 0 : i32
      %lt3A_490 = arith.cmpi slt, %rem3A, %lt3A : i32
      %lt3A_491 = arith.constant 0 : i32
      %lt3A_492 = arith.cmpi slt, %select_n3A, %lt3A_491 : i32
      %ne3A_493 = arith.xori %lt3A_490, %lt3A_492 : i1
      %and3A = arith.andi %ne3A_493, %ne3A_489 : i1
      %add3A_494 = arith.addi %rem3A, %select_n3A : i32
      %select_n3A_495 = arith.select %and3A, %add3A_494, %rem3A : i32
      %eq3A_496 = arith.cmpi eq, %select_n3A_495, %arg0 : i32
      %convert_element_type3A = arith.extui %eq3A_496 : i1 to i32
      %cond3A = arith.constant 0 : i32
      %cond3A_497 = arith.cmpi ne, %convert_element_type3A, %cond3A : i32
      scf.if %cond3A_497 {
        %get3A = arith.index_cast %add3A_474 : i32 to index
        %get3A_678 = arith.constant 0 : index
        %get3A_679 = tpu.vector_load %arg8[%get3A, %get3A_678] {strides = array<i32>} : memref<250x80xi32, #tpu.memory_space<vmem>>, vector<16xi32>,
        %shift_right_arithmetic3A = arith.constant 4 : i32
        %shift_right_arithmetic3A_680 = vector.broadcast %shift_right_arithmetic3A : i32 to vector<16xi32>
        %shift_right_arithmetic3A_681 = arith.shrsi %get3A_679, %shift_right_arithmetic3A_680 : vector<16xi32>
        %and3A_682 = arith.constant 15 : i32
        %and3A_683 = vector.broadcast %and3A_682 : i32 to vector<16xi32>
        %and3A_684 = arith.andi %get3A_679, %and3A_683 : vector<16xi32>
        tpu.vector_store_idx %arg15[%shift_right_arithmetic3A_681, %and3A_684], %broadcast_in_dim3A_1 {add = true} : memref<640x16xf32, #tpu.memory_space<vmem>>[vector<16xi32>, vector<16xi32>], vector<16xf32>,
        %get3A_685 = arith.index_cast %add3A_474 : i32 to index
        %get3A_686 = arith.constant 16 : index
        %get3A_687 = tpu.vector_load %arg8[%get3A_685, %get3A_686] {strides = array<i32>} : memref<250x80xi32, #tpu.memory_space<vmem>>, vector<16xi32>,
        %shift_right_arithmetic3A_688 = arith.constant 4 : i32
        %shift_right_arithmetic3A_689 = vector.broadcast %shift_right_arithmetic3A_688 : i32 to vector<16xi32>
        %shift_right_arithmetic3A_690 = arith.shrsi %get3A_687, %shift_right_arithmetic3A_689 : vector<16xi32>
        %and3A_691 = arith.constant 15 : i32
        %and3A_692 = vector.broadcast %and3A_691 : i32 to vector<16xi32>
        %and3A_693 = arith.andi %get3A_687, %and3A_692 : vector<16xi32>
        tpu.vector_store_idx %arg15[%shift_right_arithmetic3A_690, %and3A_693], %broadcast_in_dim3A_1 {add = true} : memref<640x16xf32, #tpu.memory_space<vmem>>[vector<16xi32>, vector<16xi32>], vector<16xf32>,
        %get3A_694 = arith.index_cast %add3A_474 : i32 to index
        %get3A_695 = arith.constant 32 : index
        %get3A_696 = tpu.vector_load %arg8[%get3A_694, %get3A_695] {strides = array<i32>} : memref<250x80xi32, #tpu.memory_space<vmem>>, vector<16xi32>,
        %shift_right_arithmetic3A_697 = arith.constant 4 : i32
        %shift_right_arithmetic3A_698 = vector.broadcast %shift_right_arithmetic3A_697 : i32 to vector<16xi32>
        %shift_right_arithmetic3A_699 = arith.shrsi %get3A_696, %shift_right_arithmetic3A_698 : vector<16xi32>
        %and3A_700 = arith.constant 15 : i32
        %and3A_701 = vector.broadcast %and3A_700 : i32 to vector<16xi32>
        %and3A_702 = arith.andi %get3A_696, %and3A_701 : vector<16xi32>
        tpu.vector_store_idx %arg15[%shift_right_arithmetic3A_699, %and3A_702], %broadcast_in_dim3A_1 {add = true} : memref<640x16xf32, #tpu.memory_space<vmem>>[vector<16xi32>, vector<16xi32>], vector<16xf32>,
        %get3A_703 = arith.index_cast %add3A_474 : i32 to index
        %get3A_704 = arith.constant 48 : index
        %get3A_705 = tpu.vector_load %arg8[%get3A_703, %get3A_704] {strides = array<i32>} : memref<250x80xi32, #tpu.memory_space<vmem>>, vector<16xi32>,
        %shift_right_arithmetic3A_706 = arith.constant 4 : i32
        %shift_right_arithmetic3A_707 = vector.broadcast %shift_right_arithmetic3A_706 : i32 to vector<16xi32>
        %shift_right_arithmetic3A_708 = arith.shrsi %get3A_705, %shift_right_arithmetic3A_707 : vector<16xi32>
        %and3A_709 = arith.constant 15 : i32
        %and3A_710 = vector.broadcast %and3A_709 : i32 to vector<16xi32>
        %and3A_711 = arith.andi %get3A_705, %and3A_710 : vector<16xi32>
        tpu.vector_store_idx %arg15[%shift_right_arithmetic3A_708, %and3A_711], %broadcast_in_dim3A_1 {add = true} : memref<640x16xf32, #tpu.memory_space<vmem>>[vector<16xi32>, vector<16xi32>], vector<16xf32>,
        %get3A_712 = arith.index_cast %add3A_474 : i32 to index
        %get3A_713 = arith.constant 64 : index
        %get3A_714 = tpu.vector_load %arg8[%get3A_712, %get3A_713] {strides = array<i32>} : memref<250x80xi32, #tpu.memory_space<vmem>>, vector<16xi32>,
        %shift_right_arithmetic3A_715 = arith.constant 4 : i32
        %shift_right_arithmetic3A_716 = vector.broadcast %shift_right_arithmetic3A_715 : i32 to vector<16xi32>
        %shift_right_arithmetic3A_717 = arith.shrsi %get3A_714, %shift_right_arithmetic3A_716 : vector<16xi32>
        %and3A_718 = arith.constant 15 : i32
        %and3A_719 = vector.broadcast %and3A_718 : i32 to vector<16xi32>
        %and3A_720 = arith.andi %get3A_714, %and3A_719 : vector<16xi32>
        tpu.vector_store_idx %arg15[%shift_right_arithmetic3A_717, %and3A_720], %broadcast_in_dim3A_1 {add = true} : memref<640x16xf32, #tpu.memory_space<vmem>>[vector<16xi32>, vector<16xi32>], vector<16xf32>,
      } else {
      }
      %add3A_498 = arith.constant 4 : i32
      %add3A_499 = arith.addi %add3A_474, %add3A_498 : i32
      %lt3A_500 = arith.constant 250 : i32
      %lt3A_501 = arith.cmpi slt, %add3A_499, %lt3A_500 : i32
      %convert_element_type3A_502 = arith.extui %lt3A_501 : i1 to i32
      %cond3A_503 = arith.constant 0 : i32
      %cond3A_504 = arith.cmpi ne, %convert_element_type3A_502, %cond3A_503 : i32
      scf.if %cond3A_504 {
        %ge3A = arith.constant 1 : i32
        %ge3A_678 = arith.cmpi sge, %add3A_474, %ge3A : i32
        %convert_element_type3A_679 = arith.extui %ge3A_678 : i1 to i32
        %cond3A_680 = arith.constant 0 : i32
        %cond3A_681 = arith.cmpi ne, %convert_element_type3A_679, %cond3A_680 : i32
        scf.if %cond3A_681 {
          %sub3A = arith.constant 5 : i32
          %sub3A_688 = arith.subi %add3A_499, %sub3A : i32
          %dma_wait3A_689 = arith.constant 0 : i32
          %dma_wait3A_690 = tpu.memref_slice %arg8[%sub3A_688, %dma_wait3A_689] : memref<250x80xi32, #tpu.memory_space<vmem>> -> memref<1x80xi32, #tpu.memory_space<vmem>>
          %dma_wait3A_691 = tpu.memref_squeeze %dma_wait3A_690 : memref<1x80xi32, #tpu.memory_space<vmem>> -> memref<80xi32, #tpu.memory_space<vmem>>
          %dma_wait3A_692 = arith.constant 0 : i32
          %dma_wait3A_693 = arith.constant 0 : i32
          %dma_wait3A_694 = tpu.memref_slice %arg18[%dma_wait3A_692, %dma_wait3A_693] : memref<10240x64xf32, #tpu.memory_space<vmem_shared>> -> memref<10240x64xf32, #tpu.memory_space<vmem_shared>>
          tpu.wait_indirect_dma semaphore(%arg29 : memref<!tpu.dma_semaphore, #tpu.memory_space<semaphore_mem>>) src(%arg13 : memref<80x64xf32, #tpu.memory_space<vmem>>) dst(%dma_wait3A_694 : memref<10240x64xf32, #tpu.memory_space<vmem_shared>>)
        } else {
        }
        %dma_start3A_682 = arith.constant 0 : i32
        %dma_start3A_683 = tpu.memref_slice %arg7[%add3A_499, %dma_start3A_682] : memref<250x80xi32, #tpu.memory_space<vmem>> -> memref<1x80xi32, #tpu.memory_space<vmem>>
        %dma_start3A_684 = tpu.memref_squeeze %dma_start3A_683 : memref<1x80xi32, #tpu.memory_space<vmem>> -> memref<80xi32, #tpu.memory_space<vmem>>
        %dma_start3A_685 = arith.constant 0 : i32
        %dma_start3A_686 = arith.constant 0 : i32
        %dma_start3A_687 = tpu.memref_slice %arg2[%dma_start3A_685, %dma_start3A_686] : memref<20000x64xf32, #tpu.memory_space<hbm>> -> memref<20000x64xf32, #tpu.memory_space<hbm>>
        tpu.enqueue_indirect_dma source(%dma_start3A_687 : memref<20000x64xf32, #tpu.memory_space<hbm>>) target(%arg13 : memref<80x64xf32, #tpu.memory_space<vmem>>) offsets(%dma_start3A_684 : memref<80xi32, #tpu.memory_space<vmem>>) semaphore(%arg24 : memref<!tpu.dma_semaphore, #tpu.memory_space<semaphore_mem>>)
      } else {
      }
      %mul3A_505 = arith.constant 5 : i32
      %mul3A_506 = arith.muli %scan3A_469, %mul3A_505 : i32
      %add3A_507 = arith.constant 1 : i32
      %add3A_508 = arith.addi %mul3A_506, %add3A_507 : i32
      %dma_wait3A_509 = arith.constant 0 : i32
      %dma_wait3A_510 = tpu.memref_slice %arg7[%add3A_508, %dma_wait3A_509] : memref<250x80xi32, #tpu.memory_space<vmem>> -> memref<1x80xi32, #tpu.memory_space<vmem>>
      %dma_wait3A_511 = tpu.memref_squeeze %dma_wait3A_510 : memref<1x80xi32, #tpu.memory_space<vmem>> -> memref<80xi32, #tpu.memory_space<vmem>>
      %dma_wait3A_512 = arith.constant 0 : i32
      %dma_wait3A_513 = arith.constant 0 : i32
      %dma_wait3A_514 = tpu.memref_slice %arg2[%dma_wait3A_512, %dma_wait3A_513] : memref<20000x64xf32, #tpu.memory_space<hbm>> -> memref<20000x64xf32, #tpu.memory_space<hbm>>
      tpu.wait_indirect_dma semaphore(%arg21 : memref<!tpu.dma_semaphore, #tpu.memory_space<semaphore_mem>>) src(%dma_wait3A_514 : memref<20000x64xf32, #tpu.memory_space<hbm>>) dst(%arg10 : memref<80x64xf32, #tpu.memory_space<vmem>>)
      %dma_start3A_515 = arith.constant 0 : i32
      %dma_start3A_516 = tpu.memref_slice %arg8[%add3A_508, %dma_start3A_515] : memref<250x80xi32, #tpu.memory_space<vmem>> -> memref<1x80xi32, #tpu.memory_space<vmem>>
      %dma_start3A_517 = tpu.memref_squeeze %dma_start3A_516 : memref<1x80xi32, #tpu.memory_space<vmem>> -> memref<80xi32, #tpu.memory_space<vmem>>
      %dma_start3A_518 = arith.constant 0 : i32
      %dma_start3A_519 = arith.constant 0 : i32
      %dma_start3A_520 = tpu.memref_slice %arg18[%dma_start3A_518, %dma_start3A_519] : memref<10240x64xf32, #tpu.memory_space<vmem_shared>> -> memref<10240x64xf32, #tpu.memory_space<vmem_shared>>
      tpu.enqueue_indirect_dma source(%arg10 : memref<80x64xf32, #tpu.memory_space<vmem>>) target(%dma_start3A_520 : memref<10240x64xf32, #tpu.memory_space<vmem_shared>>) offsets(%dma_start3A_517 : memref<80xi32, #tpu.memory_space<vmem>>) semaphore(%arg26 : memref<!tpu.dma_semaphore, #tpu.memory_space<semaphore_mem>>) {add = true}
      %jit3A_521 = arith.constant 2 : i32
      %eq3A_522 = arith.constant 0 : i32
      %eq3A_523 = arith.cmpi eq, %jit3A_521, %eq3A_522 : i32
      %jit3A_524 = arith.constant 1 : i32
      %select_n3A_525 = arith.select %eq3A_523, %jit3A_524, %jit3A_521 : i32
      %rem3A_526 = arith.remsi %add3A_508, %select_n3A_525 : i32
      %ne3A_527 = arith.constant 0 : i32
      %ne3A_528 = arith.cmpi ne, %rem3A_526, %ne3A_527 : i32
      %lt3A_529 = arith.constant 0 : i32
      %lt3A_530 = arith.cmpi slt, %rem3A_526, %lt3A_529 : i32
      %lt3A_531 = arith.constant 0 : i32
      %lt3A_532 = arith.cmpi slt, %select_n3A_525, %lt3A_531 : i32
      %ne3A_533 = arith.xori %lt3A_530, %lt3A_532 : i1
      %and3A_534 = arith.andi %ne3A_533, %ne3A_528 : i1
      %add3A_535 = arith.addi %rem3A_526, %select_n3A_525 : i32
      %select_n3A_536 = arith.select %and3A_534, %add3A_535, %rem3A_526 : i32
      %eq3A_537 = arith.cmpi eq, %select_n3A_536, %arg0 : i32
      %convert_element_type3A_538 = arith.extui %eq3A_537 : i1 to i32
      %cond3A_539 = arith.constant 0 : i32
      %cond3A_540 = arith.cmpi ne, %convert_element_type3A_538, %cond3A_539 : i32
      scf.if %cond3A_540 {
        %get3A = arith.index_cast %add3A_508 : i32 to index
        %get3A_678 = arith.constant 0 : index
        %get3A_679 = tpu.vector_load %arg8[%get3A, %get3A_678] {strides = array<i32>} : memref<250x80xi32, #tpu.memory_space<vmem>>, vector<16xi32>,
        %shift_right_arithmetic3A = arith.constant 4 : i32
        %shift_right_arithmetic3A_680 = vector.broadcast %shift_right_arithmetic3A : i32 to vector<16xi32>
        %shift_right_arithmetic3A_681 = arith.shrsi %get3A_679, %shift_right_arithmetic3A_680 : vector<16xi32>
        %and3A_682 = arith.constant 15 : i32
        %and3A_683 = vector.broadcast %and3A_682 : i32 to vector<16xi32>
        %and3A_684 = arith.andi %get3A_679, %and3A_683 : vector<16xi32>
        tpu.vector_store_idx %arg15[%shift_right_arithmetic3A_681, %and3A_684], %broadcast_in_dim3A_1 {add = true} : memref<640x16xf32, #tpu.memory_space<vmem>>[vector<16xi32>, vector<16xi32>], vector<16xf32>,
        %get3A_685 = arith.index_cast %add3A_508 : i32 to index
        %get3A_686 = arith.constant 16 : index
        %get3A_687 = tpu.vector_load %arg8[%get3A_685, %get3A_686] {strides = array<i32>} : memref<250x80xi32, #tpu.memory_space<vmem>>, vector<16xi32>,
        %shift_right_arithmetic3A_688 = arith.constant 4 : i32
        %shift_right_arithmetic3A_689 = vector.broadcast %shift_right_arithmetic3A_688 : i32 to vector<16xi32>
        %shift_right_arithmetic3A_690 = arith.shrsi %get3A_687, %shift_right_arithmetic3A_689 : vector<16xi32>
        %and3A_691 = arith.constant 15 : i32
        %and3A_692 = vector.broadcast %and3A_691 : i32 to vector<16xi32>
        %and3A_693 = arith.andi %get3A_687, %and3A_692 : vector<16xi32>
        tpu.vector_store_idx %arg15[%shift_right_arithmetic3A_690, %and3A_693], %broadcast_in_dim3A_1 {add = true} : memref<640x16xf32, #tpu.memory_space<vmem>>[vector<16xi32>, vector<16xi32>], vector<16xf32>,
        %get3A_694 = arith.index_cast %add3A_508 : i32 to index
        %get3A_695 = arith.constant 32 : index
        %get3A_696 = tpu.vector_load %arg8[%get3A_694, %get3A_695] {strides = array<i32>} : memref<250x80xi32, #tpu.memory_space<vmem>>, vector<16xi32>,
        %shift_right_arithmetic3A_697 = arith.constant 4 : i32
        %shift_right_arithmetic3A_698 = vector.broadcast %shift_right_arithmetic3A_697 : i32 to vector<16xi32>
        %shift_right_arithmetic3A_699 = arith.shrsi %get3A_696, %shift_right_arithmetic3A_698 : vector<16xi32>
        %and3A_700 = arith.constant 15 : i32
        %and3A_701 = vector.broadcast %and3A_700 : i32 to vector<16xi32>
        %and3A_702 = arith.andi %get3A_696, %and3A_701 : vector<16xi32>
        tpu.vector_store_idx %arg15[%shift_right_arithmetic3A_699, %and3A_702], %broadcast_in_dim3A_1 {add = true} : memref<640x16xf32, #tpu.memory_space<vmem>>[vector<16xi32>, vector<16xi32>], vector<16xf32>,
        %get3A_703 = arith.index_cast %add3A_508 : i32 to index
        %get3A_704 = arith.constant 48 : index
        %get3A_705 = tpu.vector_load %arg8[%get3A_703, %get3A_704] {strides = array<i32>} : memref<250x80xi32, #tpu.memory_space<vmem>>, vector<16xi32>,
        %shift_right_arithmetic3A_706 = arith.constant 4 : i32
        %shift_right_arithmetic3A_707 = vector.broadcast %shift_right_arithmetic3A_706 : i32 to vector<16xi32>
        %shift_right_arithmetic3A_708 = arith.shrsi %get3A_705, %shift_right_arithmetic3A_707 : vector<16xi32>
        %and3A_709 = arith.constant 15 : i32
        %and3A_710 = vector.broadcast %and3A_709 : i32 to vector<16xi32>
        %and3A_711 = arith.andi %get3A_705, %and3A_710 : vector<16xi32>
        tpu.vector_store_idx %arg15[%shift_right_arithmetic3A_708, %and3A_711], %broadcast_in_dim3A_1 {add = true} : memref<640x16xf32, #tpu.memory_space<vmem>>[vector<16xi32>, vector<16xi32>], vector<16xf32>,
        %get3A_712 = arith.index_cast %add3A_508 : i32 to index
        %get3A_713 = arith.constant 64 : index
        %get3A_714 = tpu.vector_load %arg8[%get3A_712, %get3A_713] {strides = array<i32>} : memref<250x80xi32, #tpu.memory_space<vmem>>, vector<16xi32>,
        %shift_right_arithmetic3A_715 = arith.constant 4 : i32
        %shift_right_arithmetic3A_716 = vector.broadcast %shift_right_arithmetic3A_715 : i32 to vector<16xi32>
        %shift_right_arithmetic3A_717 = arith.shrsi %get3A_714, %shift_right_arithmetic3A_716 : vector<16xi32>
        %and3A_718 = arith.constant 15 : i32
        %and3A_719 = vector.broadcast %and3A_718 : i32 to vector<16xi32>
        %and3A_720 = arith.andi %get3A_714, %and3A_719 : vector<16xi32>
        tpu.vector_store_idx %arg15[%shift_right_arithmetic3A_717, %and3A_720], %broadcast_in_dim3A_1 {add = true} : memref<640x16xf32, #tpu.memory_space<vmem>>[vector<16xi32>, vector<16xi32>], vector<16xf32>,
      } else {
      }
      %add3A_541 = arith.constant 4 : i32
      %add3A_542 = arith.addi %add3A_508, %add3A_541 : i32
      %lt3A_543 = arith.constant 250 : i32
      %lt3A_544 = arith.cmpi slt, %add3A_542, %lt3A_543 : i32
      %convert_element_type3A_545 = arith.extui %lt3A_544 : i1 to i32
      %cond3A_546 = arith.constant 0 : i32
      %cond3A_547 = arith.cmpi ne, %convert_element_type3A_545, %cond3A_546 : i32
      scf.if %cond3A_547 {
        %ge3A = arith.constant 1 : i32
        %ge3A_678 = arith.cmpi sge, %add3A_508, %ge3A : i32
        %convert_element_type3A_679 = arith.extui %ge3A_678 : i1 to i32
        %cond3A_680 = arith.constant 0 : i32
        %cond3A_681 = arith.cmpi ne, %convert_element_type3A_679, %cond3A_680 : i32
        scf.if %cond3A_681 {
          %sub3A = arith.constant 5 : i32
          %sub3A_688 = arith.subi %add3A_542, %sub3A : i32
          %dma_wait3A_689 = arith.constant 0 : i32
          %dma_wait3A_690 = tpu.memref_slice %arg8[%sub3A_688, %dma_wait3A_689] : memref<250x80xi32, #tpu.memory_space<vmem>> -> memref<1x80xi32, #tpu.memory_space<vmem>>
          %dma_wait3A_691 = tpu.memref_squeeze %dma_wait3A_690 : memref<1x80xi32, #tpu.memory_space<vmem>> -> memref<80xi32, #tpu.memory_space<vmem>>
          %dma_wait3A_692 = arith.constant 0 : i32
          %dma_wait3A_693 = arith.constant 0 : i32
          %dma_wait3A_694 = tpu.memref_slice %arg18[%dma_wait3A_692, %dma_wait3A_693] : memref<10240x64xf32, #tpu.memory_space<vmem_shared>> -> memref<10240x64xf32, #tpu.memory_space<vmem_shared>>
          tpu.wait_indirect_dma semaphore(%arg25 : memref<!tpu.dma_semaphore, #tpu.memory_space<semaphore_mem>>) src(%arg9 : memref<80x64xf32, #tpu.memory_space<vmem>>) dst(%dma_wait3A_694 : memref<10240x64xf32, #tpu.memory_space<vmem_shared>>)
        } else {
        }
        %dma_start3A_682 = arith.constant 0 : i32
        %dma_start3A_683 = tpu.memref_slice %arg7[%add3A_542, %dma_start3A_682] : memref<250x80xi32, #tpu.memory_space<vmem>> -> memref<1x80xi32, #tpu.memory_space<vmem>>
        %dma_start3A_684 = tpu.memref_squeeze %dma_start3A_683 : memref<1x80xi32, #tpu.memory_space<vmem>> -> memref<80xi32, #tpu.memory_space<vmem>>
        %dma_start3A_685 = arith.constant 0 : i32
        %dma_start3A_686 = arith.constant 0 : i32
        %dma_start3A_687 = tpu.memref_slice %arg2[%dma_start3A_685, %dma_start3A_686] : memref<20000x64xf32, #tpu.memory_space<hbm>> -> memref<20000x64xf32, #tpu.memory_space<hbm>>
        tpu.enqueue_indirect_dma source(%dma_start3A_687 : memref<20000x64xf32, #tpu.memory_space<hbm>>) target(%arg9 : memref<80x64xf32, #tpu.memory_space<vmem>>) offsets(%dma_start3A_684 : memref<80xi32, #tpu.memory_space<vmem>>) semaphore(%arg20 : memref<!tpu.dma_semaphore, #tpu.memory_space<semaphore_mem>>)
      } else {
      }
      %mul3A_548 = arith.constant 5 : i32
      %mul3A_549 = arith.muli %scan3A_469, %mul3A_548 : i32
      %add3A_550 = arith.constant 2 : i32
      %add3A_551 = arith.addi %mul3A_549, %add3A_550 : i32
      %dma_wait3A_552 = arith.constant 0 : i32
      %dma_wait3A_553 = tpu.memref_slice %arg7[%add3A_551, %dma_wait3A_552] : memref<250x80xi32, #tpu.memory_space<vmem>> -> memref<1x80xi32, #tpu.memory_space<vmem>>
      %dma_wait3A_554 = tpu.memref_squeeze %dma_wait3A_553 : memref<1x80xi32, #tpu.memory_space<vmem>> -> memref<80xi32, #tpu.memory_space<vmem>>
      %dma_wait3A_555 = arith.constant 0 : i32
      %dma_wait3A_556 = arith.constant 0 : i32
      %dma_wait3A_557 = tpu.memref_slice %arg2[%dma_wait3A_555, %dma_wait3A_556] : memref<20000x64xf32, #tpu.memory_space<hbm>> -> memref<20000x64xf32, #tpu.memory_space<hbm>>
      tpu.wait_indirect_dma semaphore(%arg22 : memref<!tpu.dma_semaphore, #tpu.memory_space<semaphore_mem>>) src(%dma_wait3A_557 : memref<20000x64xf32, #tpu.memory_space<hbm>>) dst(%arg11 : memref<80x64xf32, #tpu.memory_space<vmem>>)
      %dma_start3A_558 = arith.constant 0 : i32
      %dma_start3A_559 = tpu.memref_slice %arg8[%add3A_551, %dma_start3A_558] : memref<250x80xi32, #tpu.memory_space<vmem>> -> memref<1x80xi32, #tpu.memory_space<vmem>>
      %dma_start3A_560 = tpu.memref_squeeze %dma_start3A_559 : memref<1x80xi32, #tpu.memory_space<vmem>> -> memref<80xi32, #tpu.memory_space<vmem>>
      %dma_start3A_561 = arith.constant 0 : i32
      %dma_start3A_562 = arith.constant 0 : i32
      %dma_start3A_563 = tpu.memref_slice %arg18[%dma_start3A_561, %dma_start3A_562] : memref<10240x64xf32, #tpu.memory_space<vmem_shared>> -> memref<10240x64xf32, #tpu.memory_space<vmem_shared>>
      tpu.enqueue_indirect_dma source(%arg11 : memref<80x64xf32, #tpu.memory_space<vmem>>) target(%dma_start3A_563 : memref<10240x64xf32, #tpu.memory_space<vmem_shared>>) offsets(%dma_start3A_560 : memref<80xi32, #tpu.memory_space<vmem>>) semaphore(%arg27 : memref<!tpu.dma_semaphore, #tpu.memory_space<semaphore_mem>>) {add = true}
      %jit3A_564 = arith.constant 2 : i32
      %eq3A_565 = arith.constant 0 : i32
      %eq3A_566 = arith.cmpi eq, %jit3A_564, %eq3A_565 : i32
      %jit3A_567 = arith.constant 1 : i32
      %select_n3A_568 = arith.select %eq3A_566, %jit3A_567, %jit3A_564 : i32
      %rem3A_569 = arith.remsi %add3A_551, %select_n3A_568 : i32
      %ne3A_570 = arith.constant 0 : i32
      %ne3A_571 = arith.cmpi ne, %rem3A_569, %ne3A_570 : i32
      %lt3A_572 = arith.constant 0 : i32
      %lt3A_573 = arith.cmpi slt, %rem3A_569, %lt3A_572 : i32
      %lt3A_574 = arith.constant 0 : i32
      %lt3A_575 = arith.cmpi slt, %select_n3A_568, %lt3A_574 : i32
      %ne3A_576 = arith.xori %lt3A_573, %lt3A_575 : i1
      %and3A_577 = arith.andi %ne3A_576, %ne3A_571 : i1
      %add3A_578 = arith.addi %rem3A_569, %select_n3A_568 : i32
      %select_n3A_579 = arith.select %and3A_577, %add3A_578, %rem3A_569 : i32
      %eq3A_580 = arith.cmpi eq, %select_n3A_579, %arg0 : i32
      %convert_element_type3A_581 = arith.extui %eq3A_580 : i1 to i32
      %cond3A_582 = arith.constant 0 : i32
      %cond3A_583 = arith.cmpi ne, %convert_element_type3A_581, %cond3A_582 : i32
      scf.if %cond3A_583 {
        %get3A = arith.index_cast %add3A_551 : i32 to index
        %get3A_678 = arith.constant 0 : index
        %get3A_679 = tpu.vector_load %arg8[%get3A, %get3A_678] {strides = array<i32>} : memref<250x80xi32, #tpu.memory_space<vmem>>, vector<16xi32>,
        %shift_right_arithmetic3A = arith.constant 4 : i32
        %shift_right_arithmetic3A_680 = vector.broadcast %shift_right_arithmetic3A : i32 to vector<16xi32>
        %shift_right_arithmetic3A_681 = arith.shrsi %get3A_679, %shift_right_arithmetic3A_680 : vector<16xi32>
        %and3A_682 = arith.constant 15 : i32
        %and3A_683 = vector.broadcast %and3A_682 : i32 to vector<16xi32>
        %and3A_684 = arith.andi %get3A_679, %and3A_683 : vector<16xi32>
        tpu.vector_store_idx %arg15[%shift_right_arithmetic3A_681, %and3A_684], %broadcast_in_dim3A_1 {add = true} : memref<640x16xf32, #tpu.memory_space<vmem>>[vector<16xi32>, vector<16xi32>], vector<16xf32>,
        %get3A_685 = arith.index_cast %add3A_551 : i32 to index
        %get3A_686 = arith.constant 16 : index
        %get3A_687 = tpu.vector_load %arg8[%get3A_685, %get3A_686] {strides = array<i32>} : memref<250x80xi32, #tpu.memory_space<vmem>>, vector<16xi32>,
        %shift_right_arithmetic3A_688 = arith.constant 4 : i32
        %shift_right_arithmetic3A_689 = vector.broadcast %shift_right_arithmetic3A_688 : i32 to vector<16xi32>
        %shift_right_arithmetic3A_690 = arith.shrsi %get3A_687, %shift_right_arithmetic3A_689 : vector<16xi32>
        %and3A_691 = arith.constant 15 : i32
        %and3A_692 = vector.broadcast %and3A_691 : i32 to vector<16xi32>
        %and3A_693 = arith.andi %get3A_687, %and3A_692 : vector<16xi32>
        tpu.vector_store_idx %arg15[%shift_right_arithmetic3A_690, %and3A_693], %broadcast_in_dim3A_1 {add = true} : memref<640x16xf32, #tpu.memory_space<vmem>>[vector<16xi32>, vector<16xi32>], vector<16xf32>,
        %get3A_694 = arith.index_cast %add3A_551 : i32 to index
        %get3A_695 = arith.constant 32 : index
        %get3A_696 = tpu.vector_load %arg8[%get3A_694, %get3A_695] {strides = array<i32>} : memref<250x80xi32, #tpu.memory_space<vmem>>, vector<16xi32>,
        %shift_right_arithmetic3A_697 = arith.constant 4 : i32
        %shift_right_arithmetic3A_698 = vector.broadcast %shift_right_arithmetic3A_697 : i32 to vector<16xi32>
        %shift_right_arithmetic3A_699 = arith.shrsi %get3A_696, %shift_right_arithmetic3A_698 : vector<16xi32>
        %and3A_700 = arith.constant 15 : i32
        %and3A_701 = vector.broadcast %and3A_700 : i32 to vector<16xi32>
        %and3A_702 = arith.andi %get3A_696, %and3A_701 : vector<16xi32>
        tpu.vector_store_idx %arg15[%shift_right_arithmetic3A_699, %and3A_702], %broadcast_in_dim3A_1 {add = true} : memref<640x16xf32, #tpu.memory_space<vmem>>[vector<16xi32>, vector<16xi32>], vector<16xf32>,
        %get3A_703 = arith.index_cast %add3A_551 : i32 to index
        %get3A_704 = arith.constant 48 : index
        %get3A_705 = tpu.vector_load %arg8[%get3A_703, %get3A_704] {strides = array<i32>} : memref<250x80xi32, #tpu.memory_space<vmem>>, vector<16xi32>,
        %shift_right_arithmetic3A_706 = arith.constant 4 : i32
        %shift_right_arithmetic3A_707 = vector.broadcast %shift_right_arithmetic3A_706 : i32 to vector<16xi32>
        %shift_right_arithmetic3A_708 = arith.shrsi %get3A_705, %shift_right_arithmetic3A_707 : vector<16xi32>
        %and3A_709 = arith.constant 15 : i32
        %and3A_710 = vector.broadcast %and3A_709 : i32 to vector<16xi32>
        %and3A_711 = arith.andi %get3A_705, %and3A_710 : vector<16xi32>
        tpu.vector_store_idx %arg15[%shift_right_arithmetic3A_708, %and3A_711], %broadcast_in_dim3A_1 {add = true} : memref<640x16xf32, #tpu.memory_space<vmem>>[vector<16xi32>, vector<16xi32>], vector<16xf32>,
        %get3A_712 = arith.index_cast %add3A_551 : i32 to index
        %get3A_713 = arith.constant 64 : index
        %get3A_714 = tpu.vector_load %arg8[%get3A_712, %get3A_713] {strides = array<i32>} : memref<250x80xi32, #tpu.memory_space<vmem>>, vector<16xi32>,
        %shift_right_arithmetic3A_715 = arith.constant 4 : i32
        %shift_right_arithmetic3A_716 = vector.broadcast %shift_right_arithmetic3A_715 : i32 to vector<16xi32>
        %shift_right_arithmetic3A_717 = arith.shrsi %get3A_714, %shift_right_arithmetic3A_716 : vector<16xi32>
        %and3A_718 = arith.constant 15 : i32
        %and3A_719 = vector.broadcast %and3A_718 : i32 to vector<16xi32>
        %and3A_720 = arith.andi %get3A_714, %and3A_719 : vector<16xi32>
        tpu.vector_store_idx %arg15[%shift_right_arithmetic3A_717, %and3A_720], %broadcast_in_dim3A_1 {add = true} : memref<640x16xf32, #tpu.memory_space<vmem>>[vector<16xi32>, vector<16xi32>], vector<16xf32>,
      } else {
      }
      %add3A_584 = arith.constant 4 : i32
      %add3A_585 = arith.addi %add3A_551, %add3A_584 : i32
      %lt3A_586 = arith.constant 250 : i32
      %lt3A_587 = arith.cmpi slt, %add3A_585, %lt3A_586 : i32
      %convert_element_type3A_588 = arith.extui %lt3A_587 : i1 to i32
      %cond3A_589 = arith.constant 0 : i32
      %cond3A_590 = arith.cmpi ne, %convert_element_type3A_588, %cond3A_589 : i32
      scf.if %cond3A_590 {
        %ge3A = arith.constant 1 : i32
        %ge3A_678 = arith.cmpi sge, %add3A_551, %ge3A : i32
        %convert_element_type3A_679 = arith.extui %ge3A_678 : i1 to i32
        %cond3A_680 = arith.constant 0 : i32
        %cond3A_681 = arith.cmpi ne, %convert_element_type3A_679, %cond3A_680 : i32
        scf.if %cond3A_681 {
          %sub3A = arith.constant 5 : i32
          %sub3A_688 = arith.subi %add3A_585, %sub3A : i32
          %dma_wait3A_689 = arith.constant 0 : i32
          %dma_wait3A_690 = tpu.memref_slice %arg8[%sub3A_688, %dma_wait3A_689] : memref<250x80xi32, #tpu.memory_space<vmem>> -> memref<1x80xi32, #tpu.memory_space<vmem>>
          %dma_wait3A_691 = tpu.memref_squeeze %dma_wait3A_690 : memref<1x80xi32, #tpu.memory_space<vmem>> -> memref<80xi32, #tpu.memory_space<vmem>>
          %dma_wait3A_692 = arith.constant 0 : i32
          %dma_wait3A_693 = arith.constant 0 : i32
          %dma_wait3A_694 = tpu.memref_slice %arg18[%dma_wait3A_692, %dma_wait3A_693] : memref<10240x64xf32, #tpu.memory_space<vmem_shared>> -> memref<10240x64xf32, #tpu.memory_space<vmem_shared>>
          tpu.wait_indirect_dma semaphore(%arg26 : memref<!tpu.dma_semaphore, #tpu.memory_space<semaphore_mem>>) src(%arg10 : memref<80x64xf32, #tpu.memory_space<vmem>>) dst(%dma_wait3A_694 : memref<10240x64xf32, #tpu.memory_space<vmem_shared>>)
        } else {
        }
        %dma_start3A_682 = arith.constant 0 : i32
        %dma_start3A_683 = tpu.memref_slice %arg7[%add3A_585, %dma_start3A_682] : memref<250x80xi32, #tpu.memory_space<vmem>> -> memref<1x80xi32, #tpu.memory_space<vmem>>
        %dma_start3A_684 = tpu.memref_squeeze %dma_start3A_683 : memref<1x80xi32, #tpu.memory_space<vmem>> -> memref<80xi32, #tpu.memory_space<vmem>>
        %dma_start3A_685 = arith.constant 0 : i32
        %dma_start3A_686 = arith.constant 0 : i32
        %dma_start3A_687 = tpu.memref_slice %arg2[%dma_start3A_685, %dma_start3A_686] : memref<20000x64xf32, #tpu.memory_space<hbm>> -> memref<20000x64xf32, #tpu.memory_space<hbm>>
        tpu.enqueue_indirect_dma source(%dma_start3A_687 : memref<20000x64xf32, #tpu.memory_space<hbm>>) target(%arg10 : memref<80x64xf32, #tpu.memory_space<vmem>>) offsets(%dma_start3A_684 : memref<80xi32, #tpu.memory_space<vmem>>) semaphore(%arg21 : memref<!tpu.dma_semaphore, #tpu.memory_space<semaphore_mem>>)
      } else {
      }
      %mul3A_591 = arith.constant 5 : i32
      %mul3A_592 = arith.muli %scan3A_469, %mul3A_591 : i32
      %add3A_593 = arith.constant 3 : i32
      %add3A_594 = arith.addi %mul3A_592, %add3A_593 : i32
      %dma_wait3A_595 = arith.constant 0 : i32
      %dma_wait3A_596 = tpu.memref_slice %arg7[%add3A_594, %dma_wait3A_595] : memref<250x80xi32, #tpu.memory_space<vmem>> -> memref<1x80xi32, #tpu.memory_space<vmem>>
      %dma_wait3A_597 = tpu.memref_squeeze %dma_wait3A_596 : memref<1x80xi32, #tpu.memory_space<vmem>> -> memref<80xi32, #tpu.memory_space<vmem>>
      %dma_wait3A_598 = arith.constant 0 : i32
      %dma_wait3A_599 = arith.constant 0 : i32
      %dma_wait3A_600 = tpu.memref_slice %arg2[%dma_wait3A_598, %dma_wait3A_599] : memref<20000x64xf32, #tpu.memory_space<hbm>> -> memref<20000x64xf32, #tpu.memory_space<hbm>>
      tpu.wait_indirect_dma semaphore(%arg23 : memref<!tpu.dma_semaphore, #tpu.memory_space<semaphore_mem>>) src(%dma_wait3A_600 : memref<20000x64xf32, #tpu.memory_space<hbm>>) dst(%arg12 : memref<80x64xf32, #tpu.memory_space<vmem>>)
      %dma_start3A_601 = arith.constant 0 : i32
      %dma_start3A_602 = tpu.memref_slice %arg8[%add3A_594, %dma_start3A_601] : memref<250x80xi32, #tpu.memory_space<vmem>> -> memref<1x80xi32, #tpu.memory_space<vmem>>
      %dma_start3A_603 = tpu.memref_squeeze %dma_start3A_602 : memref<1x80xi32, #tpu.memory_space<vmem>> -> memref<80xi32, #tpu.memory_space<vmem>>
      %dma_start3A_604 = arith.constant 0 : i32
      %dma_start3A_605 = arith.constant 0 : i32
      %dma_start3A_606 = tpu.memref_slice %arg18[%dma_start3A_604, %dma_start3A_605] : memref<10240x64xf32, #tpu.memory_space<vmem_shared>> -> memref<10240x64xf32, #tpu.memory_space<vmem_shared>>
      tpu.enqueue_indirect_dma source(%arg12 : memref<80x64xf32, #tpu.memory_space<vmem>>) target(%dma_start3A_606 : memref<10240x64xf32, #tpu.memory_space<vmem_shared>>) offsets(%dma_start3A_603 : memref<80xi32, #tpu.memory_space<vmem>>) semaphore(%arg28 : memref<!tpu.dma_semaphore, #tpu.memory_space<semaphore_mem>>) {add = true}
      %jit3A_607 = arith.constant 2 : i32
      %eq3A_608 = arith.constant 0 : i32
      %eq3A_609 = arith.cmpi eq, %jit3A_607, %eq3A_608 : i32
      %jit3A_610 = arith.constant 1 : i32
      %select_n3A_611 = arith.select %eq3A_609, %jit3A_610, %jit3A_607 : i32
      %rem3A_612 = arith.remsi %add3A_594, %select_n3A_611 : i32
      %ne3A_613 = arith.constant 0 : i32
      %ne3A_614 = arith.cmpi ne, %rem3A_612, %ne3A_613 : i32
      %lt3A_615 = arith.constant 0 : i32
      %lt3A_616 = arith.cmpi slt, %rem3A_612, %lt3A_615 : i32
      %lt3A_617 = arith.constant 0 : i32
      %lt3A_618 = arith.cmpi slt, %select_n3A_611, %lt3A_617 : i32
      %ne3A_619 = arith.xori %lt3A_616, %lt3A_618 : i1
      %and3A_620 = arith.andi %ne3A_619, %ne3A_614 : i1
      %add3A_621 = arith.addi %rem3A_612, %select_n3A_611 : i32
      %select_n3A_622 = arith.select %and3A_620, %add3A_621, %rem3A_612 : i32
      %eq3A_623 = arith.cmpi eq, %select_n3A_622, %arg0 : i32
      %convert_element_type3A_624 = arith.extui %eq3A_623 : i1 to i32
      %cond3A_625 = arith.constant 0 : i32
      %cond3A_626 = arith.cmpi ne, %convert_element_type3A_624, %cond3A_625 : i32
      scf.if %cond3A_626 {
        %get3A = arith.index_cast %add3A_594 : i32 to index
        %get3A_678 = arith.constant 0 : index
        %get3A_679 = tpu.vector_load %arg8[%get3A, %get3A_678] {strides = array<i32>} : memref<250x80xi32, #tpu.memory_space<vmem>>, vector<16xi32>,
        %shift_right_arithmetic3A = arith.constant 4 : i32
        %shift_right_arithmetic3A_680 = vector.broadcast %shift_right_arithmetic3A : i32 to vector<16xi32>
        %shift_right_arithmetic3A_681 = arith.shrsi %get3A_679, %shift_right_arithmetic3A_680 : vector<16xi32>
        %and3A_682 = arith.constant 15 : i32
        %and3A_683 = vector.broadcast %and3A_682 : i32 to vector<16xi32>
        %and3A_684 = arith.andi %get3A_679, %and3A_683 : vector<16xi32>
        tpu.vector_store_idx %arg15[%shift_right_arithmetic3A_681, %and3A_684], %broadcast_in_dim3A_1 {add = true} : memref<640x16xf32, #tpu.memory_space<vmem>>[vector<16xi32>, vector<16xi32>], vector<16xf32>,
        %get3A_685 = arith.index_cast %add3A_594 : i32 to index
        %get3A_686 = arith.constant 16 : index
        %get3A_687 = tpu.vector_load %arg8[%get3A_685, %get3A_686] {strides = array<i32>} : memref<250x80xi32, #tpu.memory_space<vmem>>, vector<16xi32>,
        %shift_right_arithmetic3A_688 = arith.constant 4 : i32
        %shift_right_arithmetic3A_689 = vector.broadcast %shift_right_arithmetic3A_688 : i32 to vector<16xi32>
        %shift_right_arithmetic3A_690 = arith.shrsi %get3A_687, %shift_right_arithmetic3A_689 : vector<16xi32>
        %and3A_691 = arith.constant 15 : i32
        %and3A_692 = vector.broadcast %and3A_691 : i32 to vector<16xi32>
        %and3A_693 = arith.andi %get3A_687, %and3A_692 : vector<16xi32>
        tpu.vector_store_idx %arg15[%shift_right_arithmetic3A_690, %and3A_693], %broadcast_in_dim3A_1 {add = true} : memref<640x16xf32, #tpu.memory_space<vmem>>[vector<16xi32>, vector<16xi32>], vector<16xf32>,
        %get3A_694 = arith.index_cast %add3A_594 : i32 to index
        %get3A_695 = arith.constant 32 : index
        %get3A_696 = tpu.vector_load %arg8[%get3A_694, %get3A_695] {strides = array<i32>} : memref<250x80xi32, #tpu.memory_space<vmem>>, vector<16xi32>,
        %shift_right_arithmetic3A_697 = arith.constant 4 : i32
        %shift_right_arithmetic3A_698 = vector.broadcast %shift_right_arithmetic3A_697 : i32 to vector<16xi32>
        %shift_right_arithmetic3A_699 = arith.shrsi %get3A_696, %shift_right_arithmetic3A_698 : vector<16xi32>
        %and3A_700 = arith.constant 15 : i32
        %and3A_701 = vector.broadcast %and3A_700 : i32 to vector<16xi32>
        %and3A_702 = arith.andi %get3A_696, %and3A_701 : vector<16xi32>
        tpu.vector_store_idx %arg15[%shift_right_arithmetic3A_699, %and3A_702], %broadcast_in_dim3A_1 {add = true} : memref<640x16xf32, #tpu.memory_space<vmem>>[vector<16xi32>, vector<16xi32>], vector<16xf32>,
        %get3A_703 = arith.index_cast %add3A_594 : i32 to index
        %get3A_704 = arith.constant 48 : index
        %get3A_705 = tpu.vector_load %arg8[%get3A_703, %get3A_704] {strides = array<i32>} : memref<250x80xi32, #tpu.memory_space<vmem>>, vector<16xi32>,
        %shift_right_arithmetic3A_706 = arith.constant 4 : i32
        %shift_right_arithmetic3A_707 = vector.broadcast %shift_right_arithmetic3A_706 : i32 to vector<16xi32>
        %shift_right_arithmetic3A_708 = arith.shrsi %get3A_705, %shift_right_arithmetic3A_707 : vector<16xi32>
        %and3A_709 = arith.constant 15 : i32
        %and3A_710 = vector.broadcast %and3A_709 : i32 to vector<16xi32>
        %and3A_711 = arith.andi %get3A_705, %and3A_710 : vector<16xi32>
        tpu.vector_store_idx %arg15[%shift_right_arithmetic3A_708, %and3A_711], %broadcast_in_dim3A_1 {add = true} : memref<640x16xf32, #tpu.memory_space<vmem>>[vector<16xi32>, vector<16xi32>], vector<16xf32>,
        %get3A_712 = arith.index_cast %add3A_594 : i32 to index
        %get3A_713 = arith.constant 64 : index
        %get3A_714 = tpu.vector_load %arg8[%get3A_712, %get3A_713] {strides = array<i32>} : memref<250x80xi32, #tpu.memory_space<vmem>>, vector<16xi32>,
        %shift_right_arithmetic3A_715 = arith.constant 4 : i32
        %shift_right_arithmetic3A_716 = vector.broadcast %shift_right_arithmetic3A_715 : i32 to vector<16xi32>
        %shift_right_arithmetic3A_717 = arith.shrsi %get3A_714, %shift_right_arithmetic3A_716 : vector<16xi32>
        %and3A_718 = arith.constant 15 : i32
        %and3A_719 = vector.broadcast %and3A_718 : i32 to vector<16xi32>
        %and3A_720 = arith.andi %get3A_714, %and3A_719 : vector<16xi32>
        tpu.vector_store_idx %arg15[%shift_right_arithmetic3A_717, %and3A_720], %broadcast_in_dim3A_1 {add = true} : memref<640x16xf32, #tpu.memory_space<vmem>>[vector<16xi32>, vector<16xi32>], vector<16xf32>,
      } else {
      }
      %add3A_627 = arith.constant 4 : i32
      %add3A_628 = arith.addi %add3A_594, %add3A_627 : i32
      %lt3A_629 = arith.constant 250 : i32
      %lt3A_630 = arith.cmpi slt, %add3A_628, %lt3A_629 : i32
      %convert_element_type3A_631 = arith.extui %lt3A_630 : i1 to i32
      %cond3A_632 = arith.constant 0 : i32
      %cond3A_633 = arith.cmpi ne, %convert_element_type3A_631, %cond3A_632 : i32
      scf.if %cond3A_633 {
        %ge3A = arith.constant 1 : i32
        %ge3A_678 = arith.cmpi sge, %add3A_594, %ge3A : i32
        %convert_element_type3A_679 = arith.extui %ge3A_678 : i1 to i32
        %cond3A_680 = arith.constant 0 : i32
        %cond3A_681 = arith.cmpi ne, %convert_element_type3A_679, %cond3A_680 : i32
        scf.if %cond3A_681 {
          %sub3A = arith.constant 5 : i32
          %sub3A_688 = arith.subi %add3A_628, %sub3A : i32
          %dma_wait3A_689 = arith.constant 0 : i32
          %dma_wait3A_690 = tpu.memref_slice %arg8[%sub3A_688, %dma_wait3A_689] : memref<250x80xi32, #tpu.memory_space<vmem>> -> memref<1x80xi32, #tpu.memory_space<vmem>>
          %dma_wait3A_691 = tpu.memref_squeeze %dma_wait3A_690 : memref<1x80xi32, #tpu.memory_space<vmem>> -> memref<80xi32, #tpu.memory_space<vmem>>
          %dma_wait3A_692 = arith.constant 0 : i32
          %dma_wait3A_693 = arith.constant 0 : i32
          %dma_wait3A_694 = tpu.memref_slice %arg18[%dma_wait3A_692, %dma_wait3A_693] : memref<10240x64xf32, #tpu.memory_space<vmem_shared>> -> memref<10240x64xf32, #tpu.memory_space<vmem_shared>>
          tpu.wait_indirect_dma semaphore(%arg27 : memref<!tpu.dma_semaphore, #tpu.memory_space<semaphore_mem>>) src(%arg11 : memref<80x64xf32, #tpu.memory_space<vmem>>) dst(%dma_wait3A_694 : memref<10240x64xf32, #tpu.memory_space<vmem_shared>>)
        } else {
        }
        %dma_start3A_682 = arith.constant 0 : i32
        %dma_start3A_683 = tpu.memref_slice %arg7[%add3A_628, %dma_start3A_682] : memref<250x80xi32, #tpu.memory_space<vmem>> -> memref<1x80xi32, #tpu.memory_space<vmem>>
        %dma_start3A_684 = tpu.memref_squeeze %dma_start3A_683 : memref<1x80xi32, #tpu.memory_space<vmem>> -> memref<80xi32, #tpu.memory_space<vmem>>
        %dma_start3A_685 = arith.constant 0 : i32
        %dma_start3A_686 = arith.constant 0 : i32
        %dma_start3A_687 = tpu.memref_slice %arg2[%dma_start3A_685, %dma_start3A_686] : memref<20000x64xf32, #tpu.memory_space<hbm>> -> memref<20000x64xf32, #tpu.memory_space<hbm>>
        tpu.enqueue_indirect_dma source(%dma_start3A_687 : memref<20000x64xf32, #tpu.memory_space<hbm>>) target(%arg11 : memref<80x64xf32, #tpu.memory_space<vmem>>) offsets(%dma_start3A_684 : memref<80xi32, #tpu.memory_space<vmem>>) semaphore(%arg22 : memref<!tpu.dma_semaphore, #tpu.memory_space<semaphore_mem>>)
      } else {
      }
      %mul3A_634 = arith.constant 5 : i32
      %mul3A_635 = arith.muli %scan3A_469, %mul3A_634 : i32
      %add3A_636 = arith.constant 4 : i32
      %add3A_637 = arith.addi %mul3A_635, %add3A_636 : i32
      %dma_wait3A_638 = arith.constant 0 : i32
      %dma_wait3A_639 = tpu.memref_slice %arg7[%add3A_637, %dma_wait3A_638] : memref<250x80xi32, #tpu.memory_space<vmem>> -> memref<1x80xi32, #tpu.memory_space<vmem>>
      %dma_wait3A_640 = tpu.memref_squeeze %dma_wait3A_639 : memref<1x80xi32, #tpu.memory_space<vmem>> -> memref<80xi32, #tpu.memory_space<vmem>>
      %dma_wait3A_641 = arith.constant 0 : i32
      %dma_wait3A_642 = arith.constant 0 : i32
      %dma_wait3A_643 = tpu.memref_slice %arg2[%dma_wait3A_641, %dma_wait3A_642] : memref<20000x64xf32, #tpu.memory_space<hbm>> -> memref<20000x64xf32, #tpu.memory_space<hbm>>
      tpu.wait_indirect_dma semaphore(%arg24 : memref<!tpu.dma_semaphore, #tpu.memory_space<semaphore_mem>>) src(%dma_wait3A_643 : memref<20000x64xf32, #tpu.memory_space<hbm>>) dst(%arg13 : memref<80x64xf32, #tpu.memory_space<vmem>>)
      %dma_start3A_644 = arith.constant 0 : i32
      %dma_start3A_645 = tpu.memref_slice %arg8[%add3A_637, %dma_start3A_644] : memref<250x80xi32, #tpu.memory_space<vmem>> -> memref<1x80xi32, #tpu.memory_space<vmem>>
      %dma_start3A_646 = tpu.memref_squeeze %dma_start3A_645 : memref<1x80xi32, #tpu.memory_space<vmem>> -> memref<80xi32, #tpu.memory_space<vmem>>
      %dma_start3A_647 = arith.constant 0 : i32
      %dma_start3A_648 = arith.constant 0 : i32
      %dma_start3A_649 = tpu.memref_slice %arg18[%dma_start3A_647, %dma_start3A_648] : memref<10240x64xf32, #tpu.memory_space<vmem_shared>> -> memref<10240x64xf32, #tpu.memory_space<vmem_shared>>
      tpu.enqueue_indirect_dma source(%arg13 : memref<80x64xf32, #tpu.memory_space<vmem>>) target(%dma_start3A_649 : memref<10240x64xf32, #tpu.memory_space<vmem_shared>>) offsets(%dma_start3A_646 : memref<80xi32, #tpu.memory_space<vmem>>) semaphore(%arg29 : memref<!tpu.dma_semaphore, #tpu.memory_space<semaphore_mem>>) {add = true}
      %jit3A_650 = arith.constant 2 : i32
      %eq3A_651 = arith.constant 0 : i32
      %eq3A_652 = arith.cmpi eq, %jit3A_650, %eq3A_651 : i32
      %jit3A_653 = arith.constant 1 : i32
      %select_n3A_654 = arith.select %eq3A_652, %jit3A_653, %jit3A_650 : i32
      %rem3A_655 = arith.remsi %add3A_637, %select_n3A_654 : i32
      %ne3A_656 = arith.constant 0 : i32
      %ne3A_657 = arith.cmpi ne, %rem3A_655, %ne3A_656 : i32
      %lt3A_658 = arith.constant 0 : i32
      %lt3A_659 = arith.cmpi slt, %rem3A_655, %lt3A_658 : i32
      %lt3A_660 = arith.constant 0 : i32
      %lt3A_661 = arith.cmpi slt, %select_n3A_654, %lt3A_660 : i32
      %ne3A_662 = arith.xori %lt3A_659, %lt3A_661 : i1
      %and3A_663 = arith.andi %ne3A_662, %ne3A_657 : i1
      %add3A_664 = arith.addi %rem3A_655, %select_n3A_654 : i32
      %select_n3A_665 = arith.select %and3A_663, %add3A_664, %rem3A_655 : i32
      %eq3A_666 = arith.cmpi eq, %select_n3A_665, %arg0 : i32
      %convert_element_type3A_667 = arith.extui %eq3A_666 : i1 to i32
      %cond3A_668 = arith.constant 0 : i32
      %cond3A_669 = arith.cmpi ne, %convert_element_type3A_667, %cond3A_668 : i32
      scf.if %cond3A_669 {
        %get3A = arith.index_cast %add3A_637 : i32 to index
        %get3A_678 = arith.constant 0 : index
        %get3A_679 = tpu.vector_load %arg8[%get3A, %get3A_678] {strides = array<i32>} : memref<250x80xi32, #tpu.memory_space<vmem>>, vector<16xi32>,
        %shift_right_arithmetic3A = arith.constant 4 : i32
        %shift_right_arithmetic3A_680 = vector.broadcast %shift_right_arithmetic3A : i32 to vector<16xi32>
        %shift_right_arithmetic3A_681 = arith.shrsi %get3A_679, %shift_right_arithmetic3A_680 : vector<16xi32>
        %and3A_682 = arith.constant 15 : i32
        %and3A_683 = vector.broadcast %and3A_682 : i32 to vector<16xi32>
        %and3A_684 = arith.andi %get3A_679, %and3A_683 : vector<16xi32>
        tpu.vector_store_idx %arg15[%shift_right_arithmetic3A_681, %and3A_684], %broadcast_in_dim3A_1 {add = true} : memref<640x16xf32, #tpu.memory_space<vmem>>[vector<16xi32>, vector<16xi32>], vector<16xf32>,
        %get3A_685 = arith.index_cast %add3A_637 : i32 to index
        %get3A_686 = arith.constant 16 : index
        %get3A_687 = tpu.vector_load %arg8[%get3A_685, %get3A_686] {strides = array<i32>} : memref<250x80xi32, #tpu.memory_space<vmem>>, vector<16xi32>,
        %shift_right_arithmetic3A_688 = arith.constant 4 : i32
        %shift_right_arithmetic3A_689 = vector.broadcast %shift_right_arithmetic3A_688 : i32 to vector<16xi32>
        %shift_right_arithmetic3A_690 = arith.shrsi %get3A_687, %shift_right_arithmetic3A_689 : vector<16xi32>
        %and3A_691 = arith.constant 15 : i32
        %and3A_692 = vector.broadcast %and3A_691 : i32 to vector<16xi32>
        %and3A_693 = arith.andi %get3A_687, %and3A_692 : vector<16xi32>
        tpu.vector_store_idx %arg15[%shift_right_arithmetic3A_690, %and3A_693], %broadcast_in_dim3A_1 {add = true} : memref<640x16xf32, #tpu.memory_space<vmem>>[vector<16xi32>, vector<16xi32>], vector<16xf32>,
        %get3A_694 = arith.index_cast %add3A_637 : i32 to index
        %get3A_695 = arith.constant 32 : index
        %get3A_696 = tpu.vector_load %arg8[%get3A_694, %get3A_695] {strides = array<i32>} : memref<250x80xi32, #tpu.memory_space<vmem>>, vector<16xi32>,
        %shift_right_arithmetic3A_697 = arith.constant 4 : i32
        %shift_right_arithmetic3A_698 = vector.broadcast %shift_right_arithmetic3A_697 : i32 to vector<16xi32>
        %shift_right_arithmetic3A_699 = arith.shrsi %get3A_696, %shift_right_arithmetic3A_698 : vector<16xi32>
        %and3A_700 = arith.constant 15 : i32
        %and3A_701 = vector.broadcast %and3A_700 : i32 to vector<16xi32>
        %and3A_702 = arith.andi %get3A_696, %and3A_701 : vector<16xi32>
        tpu.vector_store_idx %arg15[%shift_right_arithmetic3A_699, %and3A_702], %broadcast_in_dim3A_1 {add = true} : memref<640x16xf32, #tpu.memory_space<vmem>>[vector<16xi32>, vector<16xi32>], vector<16xf32>,
        %get3A_703 = arith.index_cast %add3A_637 : i32 to index
        %get3A_704 = arith.constant 48 : index
        %get3A_705 = tpu.vector_load %arg8[%get3A_703, %get3A_704] {strides = array<i32>} : memref<250x80xi32, #tpu.memory_space<vmem>>, vector<16xi32>,
        %shift_right_arithmetic3A_706 = arith.constant 4 : i32
        %shift_right_arithmetic3A_707 = vector.broadcast %shift_right_arithmetic3A_706 : i32 to vector<16xi32>
        %shift_right_arithmetic3A_708 = arith.shrsi %get3A_705, %shift_right_arithmetic3A_707 : vector<16xi32>
        %and3A_709 = arith.constant 15 : i32
        %and3A_710 = vector.broadcast %and3A_709 : i32 to vector<16xi32>
        %and3A_711 = arith.andi %get3A_705, %and3A_710 : vector<16xi32>
        tpu.vector_store_idx %arg15[%shift_right_arithmetic3A_708, %and3A_711], %broadcast_in_dim3A_1 {add = true} : memref<640x16xf32, #tpu.memory_space<vmem>>[vector<16xi32>, vector<16xi32>], vector<16xf32>,
        %get3A_712 = arith.index_cast %add3A_637 : i32 to index
        %get3A_713 = arith.constant 64 : index
        %get3A_714 = tpu.vector_load %arg8[%get3A_712, %get3A_713] {strides = array<i32>} : memref<250x80xi32, #tpu.memory_space<vmem>>, vector<16xi32>,
        %shift_right_arithmetic3A_715 = arith.constant 4 : i32
        %shift_right_arithmetic3A_716 = vector.broadcast %shift_right_arithmetic3A_715 : i32 to vector<16xi32>
        %shift_right_arithmetic3A_717 = arith.shrsi %get3A_714, %shift_right_arithmetic3A_716 : vector<16xi32>
        %and3A_718 = arith.constant 15 : i32
        %and3A_719 = vector.broadcast %and3A_718 : i32 to vector<16xi32>
        %and3A_720 = arith.andi %get3A_714, %and3A_719 : vector<16xi32>
        tpu.vector_store_idx %arg15[%shift_right_arithmetic3A_717, %and3A_720], %broadcast_in_dim3A_1 {add = true} : memref<640x16xf32, #tpu.memory_space<vmem>>[vector<16xi32>, vector<16xi32>], vector<16xf32>,
      } else {
      }
      %add3A_670 = arith.constant 4 : i32
      %add3A_671 = arith.addi %add3A_637, %add3A_670 : i32
      %lt3A_672 = arith.constant 250 : i32
      %lt3A_673 = arith.cmpi slt, %add3A_671, %lt3A_672 : i32
      %convert_element_type3A_674 = arith.extui %lt3A_673 : i1 to i32
      %cond3A_675 = arith.constant 0 : i32
      %cond3A_676 = arith.cmpi ne, %convert_element_type3A_674, %cond3A_675 : i32
      scf.if %cond3A_676 {
        %ge3A = arith.constant 1 : i32
        %ge3A_678 = arith.cmpi sge, %add3A_637, %ge3A : i32
        %convert_element_type3A_679 = arith.extui %ge3A_678 : i1 to i32
        %cond3A_680 = arith.constant 0 : i32
        %cond3A_681 = arith.cmpi ne, %convert_element_type3A_679, %cond3A_680 : i32
        scf.if %cond3A_681 {
          %sub3A = arith.constant 5 : i32
          %sub3A_688 = arith.subi %add3A_671, %sub3A : i32
          %dma_wait3A_689 = arith.constant 0 : i32
          %dma_wait3A_690 = tpu.memref_slice %arg8[%sub3A_688, %dma_wait3A_689] : memref<250x80xi32, #tpu.memory_space<vmem>> -> memref<1x80xi32, #tpu.memory_space<vmem>>
          %dma_wait3A_691 = tpu.memref_squeeze %dma_wait3A_690 : memref<1x80xi32, #tpu.memory_space<vmem>> -> memref<80xi32, #tpu.memory_space<vmem>>
          %dma_wait3A_692 = arith.constant 0 : i32
          %dma_wait3A_693 = arith.constant 0 : i32
          %dma_wait3A_694 = tpu.memref_slice %arg18[%dma_wait3A_692, %dma_wait3A_693] : memref<10240x64xf32, #tpu.memory_space<vmem_shared>> -> memref<10240x64xf32, #tpu.memory_space<vmem_shared>>
          tpu.wait_indirect_dma semaphore(%arg28 : memref<!tpu.dma_semaphore, #tpu.memory_space<semaphore_mem>>) src(%arg12 : memref<80x64xf32, #tpu.memory_space<vmem>>) dst(%dma_wait3A_694 : memref<10240x64xf32, #tpu.memory_space<vmem_shared>>)
        } else {
        }
        %dma_start3A_682 = arith.constant 0 : i32
        %dma_start3A_683 = tpu.memref_slice %arg7[%add3A_671, %dma_start3A_682] : memref<250x80xi32, #tpu.memory_space<vmem>> -> memref<1x80xi32, #tpu.memory_space<vmem>>
        %dma_start3A_684 = tpu.memref_squeeze %dma_start3A_683 : memref<1x80xi32, #tpu.memory_space<vmem>> -> memref<80xi32, #tpu.memory_space<vmem>>
        %dma_start3A_685 = arith.constant 0 : i32
        %dma_start3A_686 = arith.constant 0 : i32
        %dma_start3A_687 = tpu.memref_slice %arg2[%dma_start3A_685, %dma_start3A_686] : memref<20000x64xf32, #tpu.memory_space<hbm>> -> memref<20000x64xf32, #tpu.memory_space<hbm>>
        tpu.enqueue_indirect_dma source(%dma_start3A_687 : memref<20000x64xf32, #tpu.memory_space<hbm>>) target(%arg12 : memref<80x64xf32, #tpu.memory_space<vmem>>) offsets(%dma_start3A_684 : memref<80xi32, #tpu.memory_space<vmem>>) semaphore(%arg23 : memref<!tpu.dma_semaphore, #tpu.memory_space<semaphore_mem>>)
      } else {
      }
      %scan3A_677 = arith.constant 0 : i32
      scf.yield %scan3A_677 : i32
    }
    %scan3A_425 = arith.constant 50 : i32
    %dma_wait3A = arith.constant 245 : i32
    %dma_wait3A_426 = arith.constant 0 : i32
    %dma_wait3A_427 = tpu.memref_slice %arg8[%dma_wait3A, %dma_wait3A_426] : memref<250x80xi32, #tpu.memory_space<vmem>> -> memref<1x80xi32, #tpu.memory_space<vmem>>
    %dma_wait3A_428 = tpu.memref_squeeze %dma_wait3A_427 : memref<1x80xi32, #tpu.memory_space<vmem>> -> memref<80xi32, #tpu.memory_space<vmem>>
    %dma_wait3A_429 = arith.constant 0 : i32
    %dma_wait3A_430 = arith.constant 0 : i32
    %dma_wait3A_431 = tpu.memref_slice %arg18[%dma_wait3A_429, %dma_wait3A_430] : memref<10240x64xf32, #tpu.memory_space<vmem_shared>> -> memref<10240x64xf32, #tpu.memory_space<vmem_shared>>
    tpu.wait_indirect_dma semaphore(%arg25 : memref<!tpu.dma_semaphore, #tpu.memory_space<semaphore_mem>>) src(%arg9 : memref<80x64xf32, #tpu.memory_space<vmem>>) dst(%dma_wait3A_431 : memref<10240x64xf32, #tpu.memory_space<vmem_shared>>)
    %dma_wait3A_432 = arith.constant 246 : i32
    %dma_wait3A_433 = arith.constant 0 : i32
    %dma_wait3A_434 = tpu.memref_slice %arg8[%dma_wait3A_432, %dma_wait3A_433] : memref<250x80xi32, #tpu.memory_space<vmem>> -> memref<1x80xi32, #tpu.memory_space<vmem>>
    %dma_wait3A_435 = tpu.memref_squeeze %dma_wait3A_434 : memref<1x80xi32, #tpu.memory_space<vmem>> -> memref<80xi32, #tpu.memory_space<vmem>>
    %dma_wait3A_436 = arith.constant 0 : i32
    %dma_wait3A_437 = arith.constant 0 : i32
    %dma_wait3A_438 = tpu.memref_slice %arg18[%dma_wait3A_436, %dma_wait3A_437] : memref<10240x64xf32, #tpu.memory_space<vmem_shared>> -> memref<10240x64xf32, #tpu.memory_space<vmem_shared>>
    tpu.wait_indirect_dma semaphore(%arg26 : memref<!tpu.dma_semaphore, #tpu.memory_space<semaphore_mem>>) src(%arg10 : memref<80x64xf32, #tpu.memory_space<vmem>>) dst(%dma_wait3A_438 : memref<10240x64xf32, #tpu.memory_space<vmem_shared>>)
    %dma_wait3A_439 = arith.constant 247 : i32
    %dma_wait3A_440 = arith.constant 0 : i32
    %dma_wait3A_441 = tpu.memref_slice %arg8[%dma_wait3A_439, %dma_wait3A_440] : memref<250x80xi32, #tpu.memory_space<vmem>> -> memref<1x80xi32, #tpu.memory_space<vmem>>
    %dma_wait3A_442 = tpu.memref_squeeze %dma_wait3A_441 : memref<1x80xi32, #tpu.memory_space<vmem>> -> memref<80xi32, #tpu.memory_space<vmem>>
    %dma_wait3A_443 = arith.constant 0 : i32
    %dma_wait3A_444 = arith.constant 0 : i32
    %dma_wait3A_445 = tpu.memref_slice %arg18[%dma_wait3A_443, %dma_wait3A_444] : memref<10240x64xf32, #tpu.memory_space<vmem_shared>> -> memref<10240x64xf32, #tpu.memory_space<vmem_shared>>
    tpu.wait_indirect_dma semaphore(%arg27 : memref<!tpu.dma_semaphore, #tpu.memory_space<semaphore_mem>>) src(%arg11 : memref<80x64xf32, #tpu.memory_space<vmem>>) dst(%dma_wait3A_445 : memref<10240x64xf32, #tpu.memory_space<vmem_shared>>)
    %dma_wait3A_446 = arith.constant 248 : i32
    %dma_wait3A_447 = arith.constant 0 : i32
    %dma_wait3A_448 = tpu.memref_slice %arg8[%dma_wait3A_446, %dma_wait3A_447] : memref<250x80xi32, #tpu.memory_space<vmem>> -> memref<1x80xi32, #tpu.memory_space<vmem>>
    %dma_wait3A_449 = tpu.memref_squeeze %dma_wait3A_448 : memref<1x80xi32, #tpu.memory_space<vmem>> -> memref<80xi32, #tpu.memory_space<vmem>>
    %dma_wait3A_450 = arith.constant 0 : i32
    %dma_wait3A_451 = arith.constant 0 : i32
    %dma_wait3A_452 = tpu.memref_slice %arg18[%dma_wait3A_450, %dma_wait3A_451] : memref<10240x64xf32, #tpu.memory_space<vmem_shared>> -> memref<10240x64xf32, #tpu.memory_space<vmem_shared>>
    tpu.wait_indirect_dma semaphore(%arg28 : memref<!tpu.dma_semaphore, #tpu.memory_space<semaphore_mem>>) src(%arg12 : memref<80x64xf32, #tpu.memory_space<vmem>>) dst(%dma_wait3A_452 : memref<10240x64xf32, #tpu.memory_space<vmem_shared>>)
    %dma_wait3A_453 = arith.constant 249 : i32
    %dma_wait3A_454 = arith.constant 0 : i32
    %dma_wait3A_455 = tpu.memref_slice %arg8[%dma_wait3A_453, %dma_wait3A_454] : memref<250x80xi32, #tpu.memory_space<vmem>> -> memref<1x80xi32, #tpu.memory_space<vmem>>
    %dma_wait3A_456 = tpu.memref_squeeze %dma_wait3A_455 : memref<1x80xi32, #tpu.memory_space<vmem>> -> memref<80xi32, #tpu.memory_space<vmem>>
    %dma_wait3A_457 = arith.constant 0 : i32
    %dma_wait3A_458 = arith.constant 0 : i32
    %dma_wait3A_459 = tpu.memref_slice %arg18[%dma_wait3A_457, %dma_wait3A_458] : memref<10240x64xf32, #tpu.memory_space<vmem_shared>> -> memref<10240x64xf32, #tpu.memory_space<vmem_shared>>
    tpu.wait_indirect_dma semaphore(%arg29 : memref<!tpu.dma_semaphore, #tpu.memory_space<semaphore_mem>>) src(%arg13 : memref<80x64xf32, #tpu.memory_space<vmem>>) dst(%dma_wait3A_459 : memref<10240x64xf32, #tpu.memory_space<vmem_shared>>)
    %run_scoped3A = arith.constant 0 : i32
    "tpu.region"() ({
      %run_scoped3A_469 = tpu.sem_alloc : memref<!tpu.dma_semaphore, #tpu.memory_space<semaphore_mem>>
      %dma_start3A_470 = arith.constant 0 : i32
      %dma_start3A_471 = arith.constant 0 : i32
      %dma_start3A_472 = tpu.memref_slice %arg15[%dma_start3A_470, %dma_start3A_471] : memref<640x16xf32, #tpu.memory_space<vmem>> -> memref<128x16xf32, #tpu.memory_space<vmem>>
      %dma_start3A_473 = arith.constant 0 : i32
      %dma_start3A_474 = tpu.memref_slice %arg17[%run_scoped3A, %dma_start3A_473] : memref<5x128xi32, #tpu.memory_space<vmem>> -> memref<1x128xi32, #tpu.memory_space<vmem>>
      %dma_start3A_475 = tpu.memref_squeeze %dma_start3A_474 : memref<1x128xi32, #tpu.memory_space<vmem>> -> memref<128xi32, #tpu.memory_space<vmem>>
      %dma_start3A_476 = arith.constant 0 : i32
      %dma_start3A_477 = arith.constant 0 : i32
      %dma_start3A_478 = tpu.memref_slice %arg19[%dma_start3A_476, %dma_start3A_477] : memref<640x16xf32, #tpu.memory_space<vmem_shared>> -> memref<640x16xf32, #tpu.memory_space<vmem_shared>>
      tpu.enqueue_indirect_dma source(%dma_start3A_472 : memref<128x16xf32, #tpu.memory_space<vmem>>) target(%dma_start3A_478 : memref<640x16xf32, #tpu.memory_space<vmem_shared>>) offsets(%dma_start3A_475 : memref<128xi32, #tpu.memory_space<vmem>>) semaphore(%run_scoped3A_469 : memref<!tpu.dma_semaphore, #tpu.memory_space<semaphore_mem>>) {add = true}
      %dma_wait3A_479 = arith.constant 0 : i32
      %dma_wait3A_480 = arith.constant 0 : i32
      %dma_wait3A_481 = tpu.memref_slice %arg15[%dma_wait3A_479, %dma_wait3A_480] : memref<640x16xf32, #tpu.memory_space<vmem>> -> memref<128x16xf32, #tpu.memory_space<vmem>>
      %dma_wait3A_482 = arith.constant 0 : i32
      %dma_wait3A_483 = tpu.memref_slice %arg17[%run_scoped3A, %dma_wait3A_482] : memref<5x128xi32, #tpu.memory_space<vmem>> -> memref<1x128xi32, #tpu.memory_space<vmem>>
      %dma_wait3A_484 = tpu.memref_squeeze %dma_wait3A_483 : memref<1x128xi32, #tpu.memory_space<vmem>> -> memref<128xi32, #tpu.memory_space<vmem>>
      %dma_wait3A_485 = arith.constant 0 : i32
      %dma_wait3A_486 = arith.constant 0 : i32
      %dma_wait3A_487 = tpu.memref_slice %arg19[%dma_wait3A_485, %dma_wait3A_486] : memref<640x16xf32, #tpu.memory_space<vmem_shared>> -> memref<640x16xf32, #tpu.memory_space<vmem_shared>>
      tpu.wait_indirect_dma semaphore(%run_scoped3A_469 : memref<!tpu.dma_semaphore, #tpu.memory_space<semaphore_mem>>) src(%dma_wait3A_481 : memref<128x16xf32, #tpu.memory_space<vmem>>) dst(%dma_wait3A_487 : memref<640x16xf32, #tpu.memory_space<vmem_shared>>)
      tpu.yield
    }) : () -> ()
    %run_scoped3A_460 = arith.constant 1 : i32
    "tpu.region"() ({
      %run_scoped3A_469 = tpu.sem_alloc : memref<!tpu.dma_semaphore, #tpu.memory_space<semaphore_mem>>
      %dma_start3A_470 = arith.constant 128 : i32
      %dma_start3A_471 = arith.constant 0 : i32
      %dma_start3A_472 = tpu.memref_slice %arg15[%dma_start3A_470, %dma_start3A_471] : memref<640x16xf32, #tpu.memory_space<vmem>> -> memref<128x16xf32, #tpu.memory_space<vmem>>
      %dma_start3A_473 = arith.constant 0 : i32
      %dma_start3A_474 = tpu.memref_slice %arg17[%run_scoped3A_460, %dma_start3A_473] : memref<5x128xi32, #tpu.memory_space<vmem>> -> memref<1x128xi32, #tpu.memory_space<vmem>>
      %dma_start3A_475 = tpu.memref_squeeze %dma_start3A_474 : memref<1x128xi32, #tpu.memory_space<vmem>> -> memref<128xi32, #tpu.memory_space<vmem>>
      %dma_start3A_476 = arith.constant 0 : i32
      %dma_start3A_477 = arith.constant 0 : i32
      %dma_start3A_478 = tpu.memref_slice %arg19[%dma_start3A_476, %dma_start3A_477] : memref<640x16xf32, #tpu.memory_space<vmem_shared>> -> memref<640x16xf32, #tpu.memory_space<vmem_shared>>
      tpu.enqueue_indirect_dma source(%dma_start3A_472 : memref<128x16xf32, #tpu.memory_space<vmem>>) target(%dma_start3A_478 : memref<640x16xf32, #tpu.memory_space<vmem_shared>>) offsets(%dma_start3A_475 : memref<128xi32, #tpu.memory_space<vmem>>) semaphore(%run_scoped3A_469 : memref<!tpu.dma_semaphore, #tpu.memory_space<semaphore_mem>>) {add = true}
      %dma_wait3A_479 = arith.constant 128 : i32
      %dma_wait3A_480 = arith.constant 0 : i32
      %dma_wait3A_481 = tpu.memref_slice %arg15[%dma_wait3A_479, %dma_wait3A_480] : memref<640x16xf32, #tpu.memory_space<vmem>> -> memref<128x16xf32, #tpu.memory_space<vmem>>
      %dma_wait3A_482 = arith.constant 0 : i32
      %dma_wait3A_483 = tpu.memref_slice %arg17[%run_scoped3A_460, %dma_wait3A_482] : memref<5x128xi32, #tpu.memory_space<vmem>> -> memref<1x128xi32, #tpu.memory_space<vmem>>
      %dma_wait3A_484 = tpu.memref_squeeze %dma_wait3A_483 : memref<1x128xi32, #tpu.memory_space<vmem>> -> memref<128xi32, #tpu.memory_space<vmem>>
      %dma_wait3A_485 = arith.constant 0 : i32
      %dma_wait3A_486 = arith.constant 0 : i32
      %dma_wait3A_487 = tpu.memref_slice %arg19[%dma_wait3A_485, %dma_wait3A_486] : memref<640x16xf32, #tpu.memory_space<vmem_shared>> -> memref<640x16xf32, #tpu.memory_space<vmem_shared>>
      tpu.wait_indirect_dma semaphore(%run_scoped3A_469 : memref<!tpu.dma_semaphore, #tpu.memory_space<semaphore_mem>>) src(%dma_wait3A_481 : memref<128x16xf32, #tpu.memory_space<vmem>>) dst(%dma_wait3A_487 : memref<640x16xf32, #tpu.memory_space<vmem_shared>>)
      tpu.yield
    }) : () -> ()
    %run_scoped3A_461 = arith.constant 2 : i32
    "tpu.region"() ({
      %run_scoped3A_469 = tpu.sem_alloc : memref<!tpu.dma_semaphore, #tpu.memory_space<semaphore_mem>>
      %dma_start3A_470 = arith.constant 256 : i32
      %dma_start3A_471 = arith.constant 0 : i32
      %dma_start3A_472 = tpu.memref_slice %arg15[%dma_start3A_470, %dma_start3A_471] : memref<640x16xf32, #tpu.memory_space<vmem>> -> memref<128x16xf32, #tpu.memory_space<vmem>>
      %dma_start3A_473 = arith.constant 0 : i32
      %dma_start3A_474 = tpu.memref_slice %arg17[%run_scoped3A_461, %dma_start3A_473] : memref<5x128xi32, #tpu.memory_space<vmem>> -> memref<1x128xi32, #tpu.memory_space<vmem>>
      %dma_start3A_475 = tpu.memref_squeeze %dma_start3A_474 : memref<1x128xi32, #tpu.memory_space<vmem>> -> memref<128xi32, #tpu.memory_space<vmem>>
      %dma_start3A_476 = arith.constant 0 : i32
      %dma_start3A_477 = arith.constant 0 : i32
      %dma_start3A_478 = tpu.memref_slice %arg19[%dma_start3A_476, %dma_start3A_477] : memref<640x16xf32, #tpu.memory_space<vmem_shared>> -> memref<640x16xf32, #tpu.memory_space<vmem_shared>>
      tpu.enqueue_indirect_dma source(%dma_start3A_472 : memref<128x16xf32, #tpu.memory_space<vmem>>) target(%dma_start3A_478 : memref<640x16xf32, #tpu.memory_space<vmem_shared>>) offsets(%dma_start3A_475 : memref<128xi32, #tpu.memory_space<vmem>>) semaphore(%run_scoped3A_469 : memref<!tpu.dma_semaphore, #tpu.memory_space<semaphore_mem>>) {add = true}
      %dma_wait3A_479 = arith.constant 256 : i32
      %dma_wait3A_480 = arith.constant 0 : i32
      %dma_wait3A_481 = tpu.memref_slice %arg15[%dma_wait3A_479, %dma_wait3A_480] : memref<640x16xf32, #tpu.memory_space<vmem>> -> memref<128x16xf32, #tpu.memory_space<vmem>>
      %dma_wait3A_482 = arith.constant 0 : i32
      %dma_wait3A_483 = tpu.memref_slice %arg17[%run_scoped3A_461, %dma_wait3A_482] : memref<5x128xi32, #tpu.memory_space<vmem>> -> memref<1x128xi32, #tpu.memory_space<vmem>>
      %dma_wait3A_484 = tpu.memref_squeeze %dma_wait3A_483 : memref<1x128xi32, #tpu.memory_space<vmem>> -> memref<128xi32, #tpu.memory_space<vmem>>
      %dma_wait3A_485 = arith.constant 0 : i32
      %dma_wait3A_486 = arith.constant 0 : i32
      %dma_wait3A_487 = tpu.memref_slice %arg19[%dma_wait3A_485, %dma_wait3A_486] : memref<640x16xf32, #tpu.memory_space<vmem_shared>> -> memref<640x16xf32, #tpu.memory_space<vmem_shared>>
      tpu.wait_indirect_dma semaphore(%run_scoped3A_469 : memref<!tpu.dma_semaphore, #tpu.memory_space<semaphore_mem>>) src(%dma_wait3A_481 : memref<128x16xf32, #tpu.memory_space<vmem>>) dst(%dma_wait3A_487 : memref<640x16xf32, #tpu.memory_space<vmem_shared>>)
      tpu.yield
    }) : () -> ()
    %run_scoped3A_462 = arith.constant 3 : i32
    "tpu.region"() ({
      %run_scoped3A_469 = tpu.sem_alloc : memref<!tpu.dma_semaphore, #tpu.memory_space<semaphore_mem>>
      %dma_start3A_470 = arith.constant 384 : i32
      %dma_start3A_471 = arith.constant 0 : i32
      %dma_start3A_472 = tpu.memref_slice %arg15[%dma_start3A_470, %dma_start3A_471] : memref<640x16xf32, #tpu.memory_space<vmem>> -> memref<128x16xf32, #tpu.memory_space<vmem>>
      %dma_start3A_473 = arith.constant 0 : i32
      %dma_start3A_474 = tpu.memref_slice %arg17[%run_scoped3A_462, %dma_start3A_473] : memref<5x128xi32, #tpu.memory_space<vmem>> -> memref<1x128xi32, #tpu.memory_space<vmem>>
      %dma_start3A_475 = tpu.memref_squeeze %dma_start3A_474 : memref<1x128xi32, #tpu.memory_space<vmem>> -> memref<128xi32, #tpu.memory_space<vmem>>
      %dma_start3A_476 = arith.constant 0 : i32
      %dma_start3A_477 = arith.constant 0 : i32
      %dma_start3A_478 = tpu.memref_slice %arg19[%dma_start3A_476, %dma_start3A_477] : memref<640x16xf32, #tpu.memory_space<vmem_shared>> -> memref<640x16xf32, #tpu.memory_space<vmem_shared>>
      tpu.enqueue_indirect_dma source(%dma_start3A_472 : memref<128x16xf32, #tpu.memory_space<vmem>>) target(%dma_start3A_478 : memref<640x16xf32, #tpu.memory_space<vmem_shared>>) offsets(%dma_start3A_475 : memref<128xi32, #tpu.memory_space<vmem>>) semaphore(%run_scoped3A_469 : memref<!tpu.dma_semaphore, #tpu.memory_space<semaphore_mem>>) {add = true}
      %dma_wait3A_479 = arith.constant 384 : i32
      %dma_wait3A_480 = arith.constant 0 : i32
      %dma_wait3A_481 = tpu.memref_slice %arg15[%dma_wait3A_479, %dma_wait3A_480] : memref<640x16xf32, #tpu.memory_space<vmem>> -> memref<128x16xf32, #tpu.memory_space<vmem>>
      %dma_wait3A_482 = arith.constant 0 : i32
      %dma_wait3A_483 = tpu.memref_slice %arg17[%run_scoped3A_462, %dma_wait3A_482] : memref<5x128xi32, #tpu.memory_space<vmem>> -> memref<1x128xi32, #tpu.memory_space<vmem>>
      %dma_wait3A_484 = tpu.memref_squeeze %dma_wait3A_483 : memref<1x128xi32, #tpu.memory_space<vmem>> -> memref<128xi32, #tpu.memory_space<vmem>>
      %dma_wait3A_485 = arith.constant 0 : i32
      %dma_wait3A_486 = arith.constant 0 : i32
      %dma_wait3A_487 = tpu.memref_slice %arg19[%dma_wait3A_485, %dma_wait3A_486] : memref<640x16xf32, #tpu.memory_space<vmem_shared>> -> memref<640x16xf32, #tpu.memory_space<vmem_shared>>
      tpu.wait_indirect_dma semaphore(%run_scoped3A_469 : memref<!tpu.dma_semaphore, #tpu.memory_space<semaphore_mem>>) src(%dma_wait3A_481 : memref<128x16xf32, #tpu.memory_space<vmem>>) dst(%dma_wait3A_487 : memref<640x16xf32, #tpu.memory_space<vmem_shared>>)
      tpu.yield
    }) : () -> ()
    %run_scoped3A_463 = arith.constant 4 : i32
    "tpu.region"() ({
      %run_scoped3A_469 = tpu.sem_alloc : memref<!tpu.dma_semaphore, #tpu.memory_space<semaphore_mem>>
      %dma_start3A_470 = arith.constant 512 : i32
      %dma_start3A_471 = arith.constant 0 : i32
      %dma_start3A_472 = tpu.memref_slice %arg15[%dma_start3A_470, %dma_start3A_471] : memref<640x16xf32, #tpu.memory_space<vmem>> -> memref<128x16xf32, #tpu.memory_space<vmem>>
      %dma_start3A_473 = arith.constant 0 : i32
      %dma_start3A_474 = tpu.memref_slice %arg17[%run_scoped3A_463, %dma_start3A_473] : memref<5x128xi32, #tpu.memory_space<vmem>> -> memref<1x128xi32, #tpu.memory_space<vmem>>
      %dma_start3A_475 = tpu.memref_squeeze %dma_start3A_474 : memref<1x128xi32, #tpu.memory_space<vmem>> -> memref<128xi32, #tpu.memory_space<vmem>>
      %dma_start3A_476 = arith.constant 0 : i32
      %dma_start3A_477 = arith.constant 0 : i32
      %dma_start3A_478 = tpu.memref_slice %arg19[%dma_start3A_476, %dma_start3A_477] : memref<640x16xf32, #tpu.memory_space<vmem_shared>> -> memref<640x16xf32, #tpu.memory_space<vmem_shared>>
      tpu.enqueue_indirect_dma source(%dma_start3A_472 : memref<128x16xf32, #tpu.memory_space<vmem>>) target(%dma_start3A_478 : memref<640x16xf32, #tpu.memory_space<vmem_shared>>) offsets(%dma_start3A_475 : memref<128xi32, #tpu.memory_space<vmem>>) semaphore(%run_scoped3A_469 : memref<!tpu.dma_semaphore, #tpu.memory_space<semaphore_mem>>) {add = true}
      %dma_wait3A_479 = arith.constant 512 : i32
      %dma_wait3A_480 = arith.constant 0 : i32
      %dma_wait3A_481 = tpu.memref_slice %arg15[%dma_wait3A_479, %dma_wait3A_480] : memref<640x16xf32, #tpu.memory_space<vmem>> -> memref<128x16xf32, #tpu.memory_space<vmem>>
      %dma_wait3A_482 = arith.constant 0 : i32
      %dma_wait3A_483 = tpu.memref_slice %arg17[%run_scoped3A_463, %dma_wait3A_482] : memref<5x128xi32, #tpu.memory_space<vmem>> -> memref<1x128xi32, #tpu.memory_space<vmem>>
      %dma_wait3A_484 = tpu.memref_squeeze %dma_wait3A_483 : memref<1x128xi32, #tpu.memory_space<vmem>> -> memref<128xi32, #tpu.memory_space<vmem>>
      %dma_wait3A_485 = arith.constant 0 : i32
      %dma_wait3A_486 = arith.constant 0 : i32
      %dma_wait3A_487 = tpu.memref_slice %arg19[%dma_wait3A_485, %dma_wait3A_486] : memref<640x16xf32, #tpu.memory_space<vmem_shared>> -> memref<640x16xf32, #tpu.memory_space<vmem_shared>>
      tpu.wait_indirect_dma semaphore(%run_scoped3A_469 : memref<!tpu.dma_semaphore, #tpu.memory_space<semaphore_mem>>) src(%dma_wait3A_481 : memref<128x16xf32, #tpu.memory_space<vmem>>) dst(%dma_wait3A_487 : memref<640x16xf32, #tpu.memory_space<vmem_shared>>)
      tpu.yield
    }) : () -> ()
    %barrier3A_464 = arith.constant 0 : index
    tpu.barrier barrier_id(%barrier3A_464)
    "tpu.region"() ({
      %run_scoped3A_469 = tpu.sem_alloc : memref<!tpu.dma_semaphore, #tpu.memory_space<semaphore_mem>>
      %dma_start3A_470 = arith.constant 0 : i32
      %dma_start3A_471 = tpu.memref_slice %arg5[%arg0, %mul3A_0, %dma_start3A_470] : memref<2x10240x64xf32, #tpu.memory_space<hbm>> -> memref<1x640x64xf32, #tpu.memory_space<hbm>>
      %dma_start3A_472 = tpu.memref_squeeze %dma_start3A_471 : memref<1x640x64xf32, #tpu.memory_space<hbm>> -> memref<640x64xf32, #tpu.memory_space<hbm>>
      %dma_start3A_473 = arith.constant 0 : i32
      %dma_start3A_474 = tpu.memref_slice %arg18[%mul3A_0, %dma_start3A_473] : memref<10240x64xf32, #tpu.memory_space<vmem_shared>> -> memref<640x64xf32, #tpu.memory_space<vmem_shared>>
      tpu.enqueue_dma source(%dma_start3A_474 : memref<640x64xf32, #tpu.memory_space<vmem_shared>>) target(%dma_start3A_472 : memref<640x64xf32, #tpu.memory_space<hbm>>) target_semaphore(%run_scoped3A_469 : memref<!tpu.dma_semaphore, #tpu.memory_space<semaphore_mem>>)
      %dma_wait3A_475 = arith.constant 0 : i32
      %dma_wait3A_476 = tpu.memref_slice %arg5[%arg0, %mul3A_0, %dma_wait3A_475] : memref<2x10240x64xf32, #tpu.memory_space<hbm>> -> memref<1x640x64xf32, #tpu.memory_space<hbm>>
      %dma_wait3A_477 = tpu.memref_squeeze %dma_wait3A_476 : memref<1x640x64xf32, #tpu.memory_space<hbm>> -> memref<640x64xf32, #tpu.memory_space<hbm>>
      %dma_wait3A_478 = arith.constant 0 : i32
      %dma_wait3A_479 = tpu.memref_slice %arg18[%mul3A_0, %dma_wait3A_478] : memref<10240x64xf32, #tpu.memory_space<vmem_shared>> -> memref<640x64xf32, #tpu.memory_space<vmem_shared>>
      tpu.wait_dma2 semaphore(%run_scoped3A_469 : memref<!tpu.dma_semaphore, #tpu.memory_space<semaphore_mem>>) src(%dma_wait3A_479 : memref<640x64xf32, #tpu.memory_space<vmem_shared>>) dst(%dma_wait3A_477 : memref<640x64xf32, #tpu.memory_space<hbm>>)
      tpu.yield
    }) : () -> ()
    %mul3A_465 = arith.constant 40 : i32
    %mul3A_466 = arith.muli %arg1, %mul3A_465 : i32
    %mul3A_467 = arith.constant 40 : i32
    %mul3A_468 = arith.muli %arg1, %mul3A_467 : i32
    "tpu.region"() ({
      %run_scoped3A_469 = tpu.sem_alloc : memref<!tpu.dma_semaphore, #tpu.memory_space<semaphore_mem>>
      %dma_start3A_470 = arith.constant 0 : i32
      %dma_start3A_471 = tpu.memref_slice %arg6[%arg0, %mul3A_468, %dma_start3A_470] : memref<2x640x16xf32, #tpu.memory_space<hbm>> -> memref<1x40x16xf32, #tpu.memory_space<hbm>>
      %dma_start3A_472 = tpu.memref_squeeze %dma_start3A_471 : memref<1x40x16xf32, #tpu.memory_space<hbm>> -> memref<40x16xf32, #tpu.memory_space<hbm>>
      %dma_start3A_473 = arith.constant 0 : i32
      %dma_start3A_474 = tpu.memref_slice %arg19[%mul3A_466, %dma_start3A_473] : memref<640x16xf32, #tpu.memory_space<vmem_shared>> -> memref<40x16xf32, #tpu.memory_space<vmem_shared>>
      tpu.enqueue_dma source(%dma_start3A_474 : memref<40x16xf32, #tpu.memory_space<vmem_shared>>) target(%dma_start3A_472 : memref<40x16xf32, #tpu.memory_space<hbm>>) target_semaphore(%run_scoped3A_469 : memref<!tpu.dma_semaphore, #tpu.memory_space<semaphore_mem>>)
      %dma_wait3A_475 = arith.constant 0 : i32
      %dma_wait3A_476 = tpu.memref_slice %arg6[%arg0, %mul3A_468, %dma_wait3A_475] : memref<2x640x16xf32, #tpu.memory_space<hbm>> -> memref<1x40x16xf32, #tpu.memory_space<hbm>>
      %dma_wait3A_477 = tpu.memref_squeeze %dma_wait3A_476 : memref<1x40x16xf32, #tpu.memory_space<hbm>> -> memref<40x16xf32, #tpu.memory_space<hbm>>
      %dma_wait3A_478 = arith.constant 0 : i32
      %dma_wait3A_479 = tpu.memref_slice %arg19[%mul3A_466, %dma_wait3A_478] : memref<640x16xf32, #tpu.memory_space<vmem_shared>> -> memref<40x16xf32, #tpu.memory_space<vmem_shared>>
      tpu.wait_dma2 semaphore(%run_scoped3A_469 : memref<!tpu.dma_semaphore, #tpu.memory_space<semaphore_mem>>) src(%dma_wait3A_479 : memref<40x16xf32, #tpu.memory_space<vmem_shared>>) dst(%dma_wait3A_477 : memref<40x16xf32, #tpu.memory_space<hbm>>)
      tpu.yield
    }) : () -> ()
    return
  }
}

#map = affine_map<(d0, d1) -> (0, 0)>
#map1 = affine_map<(d0, d1) -> (0, 0, 0)>
module attributes {stable_mosaic.version = 14 : i64} {
  func.func @body(%arg0: i32, %arg1: i32, %arg2: memref<20000x64xf32, #tpu.memory_space<hbm>>, %arg3: memref<4000x80xi32, #tpu.memory_space<hbm>>, %arg4: memref<4000x80xi32, #tpu.memory_space<hbm>>, %arg5: memref<2x10240x64xf32, #tpu.memory_space<hbm>>, %arg6: memref<250x80xi32, #tpu.memory_space<vmem>>, %arg7: memref<250x80xi32, #tpu.memory_space<vmem>>, %arg8: memref<80x64xf32, #tpu.memory_space<vmem>>, %arg9: memref<80x64xf32, #tpu.memory_space<vmem>>, %arg10: memref<80x64xf32, #tpu.memory_space<vmem>>, %arg11: memref<80x64xf32, #tpu.memory_space<vmem>>, %arg12: memref<80x64xf32, #tpu.memory_space<vmem>>, %arg13: memref<32x64xf32, #tpu.memory_space<vmem>>, %arg14: memref<10240x64xf32, #tpu.memory_space<vmem_shared>>, %arg15: memref<!tpu.dma_semaphore, #tpu.memory_space<semaphore_mem>>, %arg16: memref<!tpu.dma_semaphore, #tpu.memory_space<semaphore_mem>>, %arg17: memref<!tpu.dma_semaphore, #tpu.memory_space<semaphore_mem>>, %arg18: memref<!tpu.dma_semaphore, #tpu.memory_space<semaphore_mem>>, %arg19: memref<!tpu.dma_semaphore, #tpu.memory_space<semaphore_mem>>, %arg20: memref<!tpu.dma_semaphore, #tpu.memory_space<semaphore_mem>>, %arg21: memref<!tpu.dma_semaphore, #tpu.memory_space<semaphore_mem>>, %arg22: memref<!tpu.dma_semaphore, #tpu.memory_space<semaphore_mem>>, %arg23: memref<!tpu.dma_semaphore, #tpu.memory_space<semaphore_mem>>, %arg24: memref<!tpu.dma_semaphore, #tpu.memory_space<semaphore_mem>>) attributes {dimension_semantics = [#tpu.dimension_semantics<core_parallel>, #tpu.dimension_semantics<subcore_parallel>], iteration_bounds = array<i64: 2, 16>, scalar_prefetch = 0 : i64, scratch_operands = 19 : i64, tpu.core_type = #tpu.core_type<sc_vector_subcore>, window_params = [{transform_indices = #map}, {transform_indices = #map}, {transform_indices = #map}, {transform_indices = #map1}]} {
    %mul3A = arith.constant 640 : i32
    %mul3A_0 = arith.muli %arg1, %mul3A : i32
    %broadcast_in_dim3A = arith.constant 1.000000e+00 : f32
    %broadcast_in_dim3A_1 = vector.broadcast %broadcast_in_dim3A : f32 to vector<16xf32>
    %scan3A = arith.constant 0 : i32
    %scan3A_2 = arith.constant 0 : i32
    %scan3A_3 = arith.constant 32 : i32
    %scan3A_4 = arith.addi %scan3A_2, %scan3A_3 : i32
    %scan3A_5 = arith.constant 1 : i32
    %scan3A_6 = scf.for %scan3A_127 = %scan3A_2 to %scan3A_4 step %scan3A_5 iter_args(%scan3A_128 = %scan3A) -> (i32)  : i32 {
      %broadcast_in_dim3A_129 = arith.constant 0.000000e+00 : f32
      %broadcast_in_dim3A_130 = vector.broadcast %broadcast_in_dim3A_129 : f32 to vector<16xf32>
      %swap3A = arith.index_cast %scan3A_127 : i32 to index
      %swap3A_131 = arith.constant 0 : index
      %swap3A_132 = tpu.vector_load %arg13[%swap3A, %swap3A_131] {strides = array<i32>} : memref<32x64xf32, #tpu.memory_space<vmem>>, vector<16xf32>,
      tpu.vector_store %arg13[%swap3A, %swap3A_131], %broadcast_in_dim3A_130 {strides = array<i32>} : memref<32x64xf32, #tpu.memory_space<vmem>>, vector<16xf32>,
      %broadcast_in_dim3A_133 = arith.constant 0.000000e+00 : f32
      %broadcast_in_dim3A_134 = vector.broadcast %broadcast_in_dim3A_133 : f32 to vector<16xf32>
      %swap3A_135 = arith.index_cast %scan3A_127 : i32 to index
      %swap3A_136 = arith.constant 16 : index
      %swap3A_137 = tpu.vector_load %arg13[%swap3A_135, %swap3A_136] {strides = array<i32>} : memref<32x64xf32, #tpu.memory_space<vmem>>, vector<16xf32>,
      tpu.vector_store %arg13[%swap3A_135, %swap3A_136], %broadcast_in_dim3A_134 {strides = array<i32>} : memref<32x64xf32, #tpu.memory_space<vmem>>, vector<16xf32>,
      %broadcast_in_dim3A_138 = arith.constant 0.000000e+00 : f32
      %broadcast_in_dim3A_139 = vector.broadcast %broadcast_in_dim3A_138 : f32 to vector<16xf32>
      %swap3A_140 = arith.index_cast %scan3A_127 : i32 to index
      %swap3A_141 = arith.constant 32 : index
      %swap3A_142 = tpu.vector_load %arg13[%swap3A_140, %swap3A_141] {strides = array<i32>} : memref<32x64xf32, #tpu.memory_space<vmem>>, vector<16xf32>,
      tpu.vector_store %arg13[%swap3A_140, %swap3A_141], %broadcast_in_dim3A_139 {strides = array<i32>} : memref<32x64xf32, #tpu.memory_space<vmem>>, vector<16xf32>,
      %broadcast_in_dim3A_143 = arith.constant 0.000000e+00 : f32
      %broadcast_in_dim3A_144 = vector.broadcast %broadcast_in_dim3A_143 : f32 to vector<16xf32>
      %swap3A_145 = arith.index_cast %scan3A_127 : i32 to index
      %swap3A_146 = arith.constant 48 : index
      %swap3A_147 = tpu.vector_load %arg13[%swap3A_145, %swap3A_146] {strides = array<i32>} : memref<32x64xf32, #tpu.memory_space<vmem>>, vector<16xf32>,
      tpu.vector_store %arg13[%swap3A_145, %swap3A_146], %broadcast_in_dim3A_144 {strides = array<i32>} : memref<32x64xf32, #tpu.memory_space<vmem>>, vector<16xf32>,
      %scan3A_148 = arith.constant 0 : i32
      scf.yield %scan3A_148 : i32
    }
    %scan3A_7 = arith.constant 32 : i32
    %add3A = arith.constant 0 : i32
    %add3A_8 = arith.addi %mul3A_0, %add3A : i32
    "tpu.region"() ({
      %run_scoped3A = tpu.sem_alloc : memref<!tpu.dma_semaphore, #tpu.memory_space<semaphore_mem>>
      %dma_start3A_127 = arith.constant 0 : i32
      %dma_start3A_128 = tpu.memref_slice %arg14[%add3A_8, %dma_start3A_127] : memref<10240x64xf32, #tpu.memory_space<vmem_shared>> -> memref<32x64xf32, #tpu.memory_space<vmem_shared>>
      %dma_start3A_129 = arith.constant 0 : i32
      %dma_start3A_130 = tpu.memref_slice %arg14[%add3A_8, %dma_start3A_129] : memref<10240x64xf32, #tpu.memory_space<vmem_shared>> -> memref<32x64xf32, #tpu.memory_space<vmem_shared>>
      tpu.enqueue_dma source(%arg13 : memref<32x64xf32, #tpu.memory_space<vmem>>) target(%dma_start3A_130 : memref<32x64xf32, #tpu.memory_space<vmem_shared>>) target_semaphore(%run_scoped3A : memref<!tpu.dma_semaphore, #tpu.memory_space<semaphore_mem>>)
      %dma_wait3A_131 = arith.constant 0 : i32
      %dma_wait3A_132 = tpu.memref_slice %arg14[%add3A_8, %dma_wait3A_131] : memref<10240x64xf32, #tpu.memory_space<vmem_shared>> -> memref<32x64xf32, #tpu.memory_space<vmem_shared>>
      %dma_wait3A_133 = arith.constant 0 : i32
      %dma_wait3A_134 = tpu.memref_slice %arg14[%add3A_8, %dma_wait3A_133] : memref<10240x64xf32, #tpu.memory_space<vmem_shared>> -> memref<32x64xf32, #tpu.memory_space<vmem_shared>>
      tpu.wait_dma2 semaphore(%run_scoped3A : memref<!tpu.dma_semaphore, #tpu.memory_space<semaphore_mem>>) src(%arg13 : memref<32x64xf32, #tpu.memory_space<vmem>>) dst(%dma_wait3A_134 : memref<32x64xf32, #tpu.memory_space<vmem_shared>>)
      tpu.yield
    }) : () -> ()
    %add3A_9 = arith.constant 32 : i32
    %add3A_10 = arith.addi %mul3A_0, %add3A_9 : i32
    "tpu.region"() ({
      %run_scoped3A = tpu.sem_alloc : memref<!tpu.dma_semaphore, #tpu.memory_space<semaphore_mem>>
      %dma_start3A_127 = arith.constant 0 : i32
      %dma_start3A_128 = tpu.memref_slice %arg14[%add3A_10, %dma_start3A_127] : memref<10240x64xf32, #tpu.memory_space<vmem_shared>> -> memref<32x64xf32, #tpu.memory_space<vmem_shared>>
      %dma_start3A_129 = arith.constant 0 : i32
      %dma_start3A_130 = tpu.memref_slice %arg14[%add3A_10, %dma_start3A_129] : memref<10240x64xf32, #tpu.memory_space<vmem_shared>> -> memref<32x64xf32, #tpu.memory_space<vmem_shared>>
      tpu.enqueue_dma source(%arg13 : memref<32x64xf32, #tpu.memory_space<vmem>>) target(%dma_start3A_130 : memref<32x64xf32, #tpu.memory_space<vmem_shared>>) target_semaphore(%run_scoped3A : memref<!tpu.dma_semaphore, #tpu.memory_space<semaphore_mem>>)
      %dma_wait3A_131 = arith.constant 0 : i32
      %dma_wait3A_132 = tpu.memref_slice %arg14[%add3A_10, %dma_wait3A_131] : memref<10240x64xf32, #tpu.memory_space<vmem_shared>> -> memref<32x64xf32, #tpu.memory_space<vmem_shared>>
      %dma_wait3A_133 = arith.constant 0 : i32
      %dma_wait3A_134 = tpu.memref_slice %arg14[%add3A_10, %dma_wait3A_133] : memref<10240x64xf32, #tpu.memory_space<vmem_shared>> -> memref<32x64xf32, #tpu.memory_space<vmem_shared>>
      tpu.wait_dma2 semaphore(%run_scoped3A : memref<!tpu.dma_semaphore, #tpu.memory_space<semaphore_mem>>) src(%arg13 : memref<32x64xf32, #tpu.memory_space<vmem>>) dst(%dma_wait3A_134 : memref<32x64xf32, #tpu.memory_space<vmem_shared>>)
      tpu.yield
    }) : () -> ()
    %add3A_11 = arith.constant 64 : i32
    %add3A_12 = arith.addi %mul3A_0, %add3A_11 : i32
    "tpu.region"() ({
      %run_scoped3A = tpu.sem_alloc : memref<!tpu.dma_semaphore, #tpu.memory_space<semaphore_mem>>
      %dma_start3A_127 = arith.constant 0 : i32
      %dma_start3A_128 = tpu.memref_slice %arg14[%add3A_12, %dma_start3A_127] : memref<10240x64xf32, #tpu.memory_space<vmem_shared>> -> memref<32x64xf32, #tpu.memory_space<vmem_shared>>
      %dma_start3A_129 = arith.constant 0 : i32
      %dma_start3A_130 = tpu.memref_slice %arg14[%add3A_12, %dma_start3A_129] : memref<10240x64xf32, #tpu.memory_space<vmem_shared>> -> memref<32x64xf32, #tpu.memory_space<vmem_shared>>
      tpu.enqueue_dma source(%arg13 : memref<32x64xf32, #tpu.memory_space<vmem>>) target(%dma_start3A_130 : memref<32x64xf32, #tpu.memory_space<vmem_shared>>) target_semaphore(%run_scoped3A : memref<!tpu.dma_semaphore, #tpu.memory_space<semaphore_mem>>)
      %dma_wait3A_131 = arith.constant 0 : i32
      %dma_wait3A_132 = tpu.memref_slice %arg14[%add3A_12, %dma_wait3A_131] : memref<10240x64xf32, #tpu.memory_space<vmem_shared>> -> memref<32x64xf32, #tpu.memory_space<vmem_shared>>
      %dma_wait3A_133 = arith.constant 0 : i32
      %dma_wait3A_134 = tpu.memref_slice %arg14[%add3A_12, %dma_wait3A_133] : memref<10240x64xf32, #tpu.memory_space<vmem_shared>> -> memref<32x64xf32, #tpu.memory_space<vmem_shared>>
      tpu.wait_dma2 semaphore(%run_scoped3A : memref<!tpu.dma_semaphore, #tpu.memory_space<semaphore_mem>>) src(%arg13 : memref<32x64xf32, #tpu.memory_space<vmem>>) dst(%dma_wait3A_134 : memref<32x64xf32, #tpu.memory_space<vmem_shared>>)
      tpu.yield
    }) : () -> ()
    %add3A_13 = arith.constant 96 : i32
    %add3A_14 = arith.addi %mul3A_0, %add3A_13 : i32
    "tpu.region"() ({
      %run_scoped3A = tpu.sem_alloc : memref<!tpu.dma_semaphore, #tpu.memory_space<semaphore_mem>>
      %dma_start3A_127 = arith.constant 0 : i32
      %dma_start3A_128 = tpu.memref_slice %arg14[%add3A_14, %dma_start3A_127] : memref<10240x64xf32, #tpu.memory_space<vmem_shared>> -> memref<32x64xf32, #tpu.memory_space<vmem_shared>>
      %dma_start3A_129 = arith.constant 0 : i32
      %dma_start3A_130 = tpu.memref_slice %arg14[%add3A_14, %dma_start3A_129] : memref<10240x64xf32, #tpu.memory_space<vmem_shared>> -> memref<32x64xf32, #tpu.memory_space<vmem_shared>>
      tpu.enqueue_dma source(%arg13 : memref<32x64xf32, #tpu.memory_space<vmem>>) target(%dma_start3A_130 : memref<32x64xf32, #tpu.memory_space<vmem_shared>>) target_semaphore(%run_scoped3A : memref<!tpu.dma_semaphore, #tpu.memory_space<semaphore_mem>>)
      %dma_wait3A_131 = arith.constant 0 : i32
      %dma_wait3A_132 = tpu.memref_slice %arg14[%add3A_14, %dma_wait3A_131] : memref<10240x64xf32, #tpu.memory_space<vmem_shared>> -> memref<32x64xf32, #tpu.memory_space<vmem_shared>>
      %dma_wait3A_133 = arith.constant 0 : i32
      %dma_wait3A_134 = tpu.memref_slice %arg14[%add3A_14, %dma_wait3A_133] : memref<10240x64xf32, #tpu.memory_space<vmem_shared>> -> memref<32x64xf32, #tpu.memory_space<vmem_shared>>
      tpu.wait_dma2 semaphore(%run_scoped3A : memref<!tpu.dma_semaphore, #tpu.memory_space<semaphore_mem>>) src(%arg13 : memref<32x64xf32, #tpu.memory_space<vmem>>) dst(%dma_wait3A_134 : memref<32x64xf32, #tpu.memory_space<vmem_shared>>)
      tpu.yield
    }) : () -> ()
    %add3A_15 = arith.constant 128 : i32
    %add3A_16 = arith.addi %mul3A_0, %add3A_15 : i32
    "tpu.region"() ({
      %run_scoped3A = tpu.sem_alloc : memref<!tpu.dma_semaphore, #tpu.memory_space<semaphore_mem>>
      %dma_start3A_127 = arith.constant 0 : i32
      %dma_start3A_128 = tpu.memref_slice %arg14[%add3A_16, %dma_start3A_127] : memref<10240x64xf32, #tpu.memory_space<vmem_shared>> -> memref<32x64xf32, #tpu.memory_space<vmem_shared>>
      %dma_start3A_129 = arith.constant 0 : i32
      %dma_start3A_130 = tpu.memref_slice %arg14[%add3A_16, %dma_start3A_129] : memref<10240x64xf32, #tpu.memory_space<vmem_shared>> -> memref<32x64xf32, #tpu.memory_space<vmem_shared>>
      tpu.enqueue_dma source(%arg13 : memref<32x64xf32, #tpu.memory_space<vmem>>) target(%dma_start3A_130 : memref<32x64xf32, #tpu.memory_space<vmem_shared>>) target_semaphore(%run_scoped3A : memref<!tpu.dma_semaphore, #tpu.memory_space<semaphore_mem>>)
      %dma_wait3A_131 = arith.constant 0 : i32
      %dma_wait3A_132 = tpu.memref_slice %arg14[%add3A_16, %dma_wait3A_131] : memref<10240x64xf32, #tpu.memory_space<vmem_shared>> -> memref<32x64xf32, #tpu.memory_space<vmem_shared>>
      %dma_wait3A_133 = arith.constant 0 : i32
      %dma_wait3A_134 = tpu.memref_slice %arg14[%add3A_16, %dma_wait3A_133] : memref<10240x64xf32, #tpu.memory_space<vmem_shared>> -> memref<32x64xf32, #tpu.memory_space<vmem_shared>>
      tpu.wait_dma2 semaphore(%run_scoped3A : memref<!tpu.dma_semaphore, #tpu.memory_space<semaphore_mem>>) src(%arg13 : memref<32x64xf32, #tpu.memory_space<vmem>>) dst(%dma_wait3A_134 : memref<32x64xf32, #tpu.memory_space<vmem_shared>>)
      tpu.yield
    }) : () -> ()
    %add3A_17 = arith.constant 160 : i32
    %add3A_18 = arith.addi %mul3A_0, %add3A_17 : i32
    "tpu.region"() ({
      %run_scoped3A = tpu.sem_alloc : memref<!tpu.dma_semaphore, #tpu.memory_space<semaphore_mem>>
      %dma_start3A_127 = arith.constant 0 : i32
      %dma_start3A_128 = tpu.memref_slice %arg14[%add3A_18, %dma_start3A_127] : memref<10240x64xf32, #tpu.memory_space<vmem_shared>> -> memref<32x64xf32, #tpu.memory_space<vmem_shared>>
      %dma_start3A_129 = arith.constant 0 : i32
      %dma_start3A_130 = tpu.memref_slice %arg14[%add3A_18, %dma_start3A_129] : memref<10240x64xf32, #tpu.memory_space<vmem_shared>> -> memref<32x64xf32, #tpu.memory_space<vmem_shared>>
      tpu.enqueue_dma source(%arg13 : memref<32x64xf32, #tpu.memory_space<vmem>>) target(%dma_start3A_130 : memref<32x64xf32, #tpu.memory_space<vmem_shared>>) target_semaphore(%run_scoped3A : memref<!tpu.dma_semaphore, #tpu.memory_space<semaphore_mem>>)
      %dma_wait3A_131 = arith.constant 0 : i32
      %dma_wait3A_132 = tpu.memref_slice %arg14[%add3A_18, %dma_wait3A_131] : memref<10240x64xf32, #tpu.memory_space<vmem_shared>> -> memref<32x64xf32, #tpu.memory_space<vmem_shared>>
      %dma_wait3A_133 = arith.constant 0 : i32
      %dma_wait3A_134 = tpu.memref_slice %arg14[%add3A_18, %dma_wait3A_133] : memref<10240x64xf32, #tpu.memory_space<vmem_shared>> -> memref<32x64xf32, #tpu.memory_space<vmem_shared>>
      tpu.wait_dma2 semaphore(%run_scoped3A : memref<!tpu.dma_semaphore, #tpu.memory_space<semaphore_mem>>) src(%arg13 : memref<32x64xf32, #tpu.memory_space<vmem>>) dst(%dma_wait3A_134 : memref<32x64xf32, #tpu.memory_space<vmem_shared>>)
      tpu.yield
    }) : () -> ()
    %add3A_19 = arith.constant 192 : i32
    %add3A_20 = arith.addi %mul3A_0, %add3A_19 : i32
    "tpu.region"() ({
      %run_scoped3A = tpu.sem_alloc : memref<!tpu.dma_semaphore, #tpu.memory_space<semaphore_mem>>
      %dma_start3A_127 = arith.constant 0 : i32
      %dma_start3A_128 = tpu.memref_slice %arg14[%add3A_20, %dma_start3A_127] : memref<10240x64xf32, #tpu.memory_space<vmem_shared>> -> memref<32x64xf32, #tpu.memory_space<vmem_shared>>
      %dma_start3A_129 = arith.constant 0 : i32
      %dma_start3A_130 = tpu.memref_slice %arg14[%add3A_20, %dma_start3A_129] : memref<10240x64xf32, #tpu.memory_space<vmem_shared>> -> memref<32x64xf32, #tpu.memory_space<vmem_shared>>
      tpu.enqueue_dma source(%arg13 : memref<32x64xf32, #tpu.memory_space<vmem>>) target(%dma_start3A_130 : memref<32x64xf32, #tpu.memory_space<vmem_shared>>) target_semaphore(%run_scoped3A : memref<!tpu.dma_semaphore, #tpu.memory_space<semaphore_mem>>)
      %dma_wait3A_131 = arith.constant 0 : i32
      %dma_wait3A_132 = tpu.memref_slice %arg14[%add3A_20, %dma_wait3A_131] : memref<10240x64xf32, #tpu.memory_space<vmem_shared>> -> memref<32x64xf32, #tpu.memory_space<vmem_shared>>
      %dma_wait3A_133 = arith.constant 0 : i32
      %dma_wait3A_134 = tpu.memref_slice %arg14[%add3A_20, %dma_wait3A_133] : memref<10240x64xf32, #tpu.memory_space<vmem_shared>> -> memref<32x64xf32, #tpu.memory_space<vmem_shared>>
      tpu.wait_dma2 semaphore(%run_scoped3A : memref<!tpu.dma_semaphore, #tpu.memory_space<semaphore_mem>>) src(%arg13 : memref<32x64xf32, #tpu.memory_space<vmem>>) dst(%dma_wait3A_134 : memref<32x64xf32, #tpu.memory_space<vmem_shared>>)
      tpu.yield
    }) : () -> ()
    %add3A_21 = arith.constant 224 : i32
    %add3A_22 = arith.addi %mul3A_0, %add3A_21 : i32
    "tpu.region"() ({
      %run_scoped3A = tpu.sem_alloc : memref<!tpu.dma_semaphore, #tpu.memory_space<semaphore_mem>>
      %dma_start3A_127 = arith.constant 0 : i32
      %dma_start3A_128 = tpu.memref_slice %arg14[%add3A_22, %dma_start3A_127] : memref<10240x64xf32, #tpu.memory_space<vmem_shared>> -> memref<32x64xf32, #tpu.memory_space<vmem_shared>>
      %dma_start3A_129 = arith.constant 0 : i32
      %dma_start3A_130 = tpu.memref_slice %arg14[%add3A_22, %dma_start3A_129] : memref<10240x64xf32, #tpu.memory_space<vmem_shared>> -> memref<32x64xf32, #tpu.memory_space<vmem_shared>>
      tpu.enqueue_dma source(%arg13 : memref<32x64xf32, #tpu.memory_space<vmem>>) target(%dma_start3A_130 : memref<32x64xf32, #tpu.memory_space<vmem_shared>>) target_semaphore(%run_scoped3A : memref<!tpu.dma_semaphore, #tpu.memory_space<semaphore_mem>>)
      %dma_wait3A_131 = arith.constant 0 : i32
      %dma_wait3A_132 = tpu.memref_slice %arg14[%add3A_22, %dma_wait3A_131] : memref<10240x64xf32, #tpu.memory_space<vmem_shared>> -> memref<32x64xf32, #tpu.memory_space<vmem_shared>>
      %dma_wait3A_133 = arith.constant 0 : i32
      %dma_wait3A_134 = tpu.memref_slice %arg14[%add3A_22, %dma_wait3A_133] : memref<10240x64xf32, #tpu.memory_space<vmem_shared>> -> memref<32x64xf32, #tpu.memory_space<vmem_shared>>
      tpu.wait_dma2 semaphore(%run_scoped3A : memref<!tpu.dma_semaphore, #tpu.memory_space<semaphore_mem>>) src(%arg13 : memref<32x64xf32, #tpu.memory_space<vmem>>) dst(%dma_wait3A_134 : memref<32x64xf32, #tpu.memory_space<vmem_shared>>)
      tpu.yield
    }) : () -> ()
    %add3A_23 = arith.constant 256 : i32
    %add3A_24 = arith.addi %mul3A_0, %add3A_23 : i32
    "tpu.region"() ({
      %run_scoped3A = tpu.sem_alloc : memref<!tpu.dma_semaphore, #tpu.memory_space<semaphore_mem>>
      %dma_start3A_127 = arith.constant 0 : i32
      %dma_start3A_128 = tpu.memref_slice %arg14[%add3A_24, %dma_start3A_127] : memref<10240x64xf32, #tpu.memory_space<vmem_shared>> -> memref<32x64xf32, #tpu.memory_space<vmem_shared>>
      %dma_start3A_129 = arith.constant 0 : i32
      %dma_start3A_130 = tpu.memref_slice %arg14[%add3A_24, %dma_start3A_129] : memref<10240x64xf32, #tpu.memory_space<vmem_shared>> -> memref<32x64xf32, #tpu.memory_space<vmem_shared>>
      tpu.enqueue_dma source(%arg13 : memref<32x64xf32, #tpu.memory_space<vmem>>) target(%dma_start3A_130 : memref<32x64xf32, #tpu.memory_space<vmem_shared>>) target_semaphore(%run_scoped3A : memref<!tpu.dma_semaphore, #tpu.memory_space<semaphore_mem>>)
      %dma_wait3A_131 = arith.constant 0 : i32
      %dma_wait3A_132 = tpu.memref_slice %arg14[%add3A_24, %dma_wait3A_131] : memref<10240x64xf32, #tpu.memory_space<vmem_shared>> -> memref<32x64xf32, #tpu.memory_space<vmem_shared>>
      %dma_wait3A_133 = arith.constant 0 : i32
      %dma_wait3A_134 = tpu.memref_slice %arg14[%add3A_24, %dma_wait3A_133] : memref<10240x64xf32, #tpu.memory_space<vmem_shared>> -> memref<32x64xf32, #tpu.memory_space<vmem_shared>>
      tpu.wait_dma2 semaphore(%run_scoped3A : memref<!tpu.dma_semaphore, #tpu.memory_space<semaphore_mem>>) src(%arg13 : memref<32x64xf32, #tpu.memory_space<vmem>>) dst(%dma_wait3A_134 : memref<32x64xf32, #tpu.memory_space<vmem_shared>>)
      tpu.yield
    }) : () -> ()
    %add3A_25 = arith.constant 288 : i32
    %add3A_26 = arith.addi %mul3A_0, %add3A_25 : i32
    "tpu.region"() ({
      %run_scoped3A = tpu.sem_alloc : memref<!tpu.dma_semaphore, #tpu.memory_space<semaphore_mem>>
      %dma_start3A_127 = arith.constant 0 : i32
      %dma_start3A_128 = tpu.memref_slice %arg14[%add3A_26, %dma_start3A_127] : memref<10240x64xf32, #tpu.memory_space<vmem_shared>> -> memref<32x64xf32, #tpu.memory_space<vmem_shared>>
      %dma_start3A_129 = arith.constant 0 : i32
      %dma_start3A_130 = tpu.memref_slice %arg14[%add3A_26, %dma_start3A_129] : memref<10240x64xf32, #tpu.memory_space<vmem_shared>> -> memref<32x64xf32, #tpu.memory_space<vmem_shared>>
      tpu.enqueue_dma source(%arg13 : memref<32x64xf32, #tpu.memory_space<vmem>>) target(%dma_start3A_130 : memref<32x64xf32, #tpu.memory_space<vmem_shared>>) target_semaphore(%run_scoped3A : memref<!tpu.dma_semaphore, #tpu.memory_space<semaphore_mem>>)
      %dma_wait3A_131 = arith.constant 0 : i32
      %dma_wait3A_132 = tpu.memref_slice %arg14[%add3A_26, %dma_wait3A_131] : memref<10240x64xf32, #tpu.memory_space<vmem_shared>> -> memref<32x64xf32, #tpu.memory_space<vmem_shared>>
      %dma_wait3A_133 = arith.constant 0 : i32
      %dma_wait3A_134 = tpu.memref_slice %arg14[%add3A_26, %dma_wait3A_133] : memref<10240x64xf32, #tpu.memory_space<vmem_shared>> -> memref<32x64xf32, #tpu.memory_space<vmem_shared>>
      tpu.wait_dma2 semaphore(%run_scoped3A : memref<!tpu.dma_semaphore, #tpu.memory_space<semaphore_mem>>) src(%arg13 : memref<32x64xf32, #tpu.memory_space<vmem>>) dst(%dma_wait3A_134 : memref<32x64xf32, #tpu.memory_space<vmem_shared>>)
      tpu.yield
    }) : () -> ()
    %add3A_27 = arith.constant 320 : i32
    %add3A_28 = arith.addi %mul3A_0, %add3A_27 : i32
    "tpu.region"() ({
      %run_scoped3A = tpu.sem_alloc : memref<!tpu.dma_semaphore, #tpu.memory_space<semaphore_mem>>
      %dma_start3A_127 = arith.constant 0 : i32
      %dma_start3A_128 = tpu.memref_slice %arg14[%add3A_28, %dma_start3A_127] : memref<10240x64xf32, #tpu.memory_space<vmem_shared>> -> memref<32x64xf32, #tpu.memory_space<vmem_shared>>
      %dma_start3A_129 = arith.constant 0 : i32
      %dma_start3A_130 = tpu.memref_slice %arg14[%add3A_28, %dma_start3A_129] : memref<10240x64xf32, #tpu.memory_space<vmem_shared>> -> memref<32x64xf32, #tpu.memory_space<vmem_shared>>
      tpu.enqueue_dma source(%arg13 : memref<32x64xf32, #tpu.memory_space<vmem>>) target(%dma_start3A_130 : memref<32x64xf32, #tpu.memory_space<vmem_shared>>) target_semaphore(%run_scoped3A : memref<!tpu.dma_semaphore, #tpu.memory_space<semaphore_mem>>)
      %dma_wait3A_131 = arith.constant 0 : i32
      %dma_wait3A_132 = tpu.memref_slice %arg14[%add3A_28, %dma_wait3A_131] : memref<10240x64xf32, #tpu.memory_space<vmem_shared>> -> memref<32x64xf32, #tpu.memory_space<vmem_shared>>
      %dma_wait3A_133 = arith.constant 0 : i32
      %dma_wait3A_134 = tpu.memref_slice %arg14[%add3A_28, %dma_wait3A_133] : memref<10240x64xf32, #tpu.memory_space<vmem_shared>> -> memref<32x64xf32, #tpu.memory_space<vmem_shared>>
      tpu.wait_dma2 semaphore(%run_scoped3A : memref<!tpu.dma_semaphore, #tpu.memory_space<semaphore_mem>>) src(%arg13 : memref<32x64xf32, #tpu.memory_space<vmem>>) dst(%dma_wait3A_134 : memref<32x64xf32, #tpu.memory_space<vmem_shared>>)
      tpu.yield
    }) : () -> ()
    %add3A_29 = arith.constant 352 : i32
    %add3A_30 = arith.addi %mul3A_0, %add3A_29 : i32
    "tpu.region"() ({
      %run_scoped3A = tpu.sem_alloc : memref<!tpu.dma_semaphore, #tpu.memory_space<semaphore_mem>>
      %dma_start3A_127 = arith.constant 0 : i32
      %dma_start3A_128 = tpu.memref_slice %arg14[%add3A_30, %dma_start3A_127] : memref<10240x64xf32, #tpu.memory_space<vmem_shared>> -> memref<32x64xf32, #tpu.memory_space<vmem_shared>>
      %dma_start3A_129 = arith.constant 0 : i32
      %dma_start3A_130 = tpu.memref_slice %arg14[%add3A_30, %dma_start3A_129] : memref<10240x64xf32, #tpu.memory_space<vmem_shared>> -> memref<32x64xf32, #tpu.memory_space<vmem_shared>>
      tpu.enqueue_dma source(%arg13 : memref<32x64xf32, #tpu.memory_space<vmem>>) target(%dma_start3A_130 : memref<32x64xf32, #tpu.memory_space<vmem_shared>>) target_semaphore(%run_scoped3A : memref<!tpu.dma_semaphore, #tpu.memory_space<semaphore_mem>>)
      %dma_wait3A_131 = arith.constant 0 : i32
      %dma_wait3A_132 = tpu.memref_slice %arg14[%add3A_30, %dma_wait3A_131] : memref<10240x64xf32, #tpu.memory_space<vmem_shared>> -> memref<32x64xf32, #tpu.memory_space<vmem_shared>>
      %dma_wait3A_133 = arith.constant 0 : i32
      %dma_wait3A_134 = tpu.memref_slice %arg14[%add3A_30, %dma_wait3A_133] : memref<10240x64xf32, #tpu.memory_space<vmem_shared>> -> memref<32x64xf32, #tpu.memory_space<vmem_shared>>
      tpu.wait_dma2 semaphore(%run_scoped3A : memref<!tpu.dma_semaphore, #tpu.memory_space<semaphore_mem>>) src(%arg13 : memref<32x64xf32, #tpu.memory_space<vmem>>) dst(%dma_wait3A_134 : memref<32x64xf32, #tpu.memory_space<vmem_shared>>)
      tpu.yield
    }) : () -> ()
    %add3A_31 = arith.constant 384 : i32
    %add3A_32 = arith.addi %mul3A_0, %add3A_31 : i32
    "tpu.region"() ({
      %run_scoped3A = tpu.sem_alloc : memref<!tpu.dma_semaphore, #tpu.memory_space<semaphore_mem>>
      %dma_start3A_127 = arith.constant 0 : i32
      %dma_start3A_128 = tpu.memref_slice %arg14[%add3A_32, %dma_start3A_127] : memref<10240x64xf32, #tpu.memory_space<vmem_shared>> -> memref<32x64xf32, #tpu.memory_space<vmem_shared>>
      %dma_start3A_129 = arith.constant 0 : i32
      %dma_start3A_130 = tpu.memref_slice %arg14[%add3A_32, %dma_start3A_129] : memref<10240x64xf32, #tpu.memory_space<vmem_shared>> -> memref<32x64xf32, #tpu.memory_space<vmem_shared>>
      tpu.enqueue_dma source(%arg13 : memref<32x64xf32, #tpu.memory_space<vmem>>) target(%dma_start3A_130 : memref<32x64xf32, #tpu.memory_space<vmem_shared>>) target_semaphore(%run_scoped3A : memref<!tpu.dma_semaphore, #tpu.memory_space<semaphore_mem>>)
      %dma_wait3A_131 = arith.constant 0 : i32
      %dma_wait3A_132 = tpu.memref_slice %arg14[%add3A_32, %dma_wait3A_131] : memref<10240x64xf32, #tpu.memory_space<vmem_shared>> -> memref<32x64xf32, #tpu.memory_space<vmem_shared>>
      %dma_wait3A_133 = arith.constant 0 : i32
      %dma_wait3A_134 = tpu.memref_slice %arg14[%add3A_32, %dma_wait3A_133] : memref<10240x64xf32, #tpu.memory_space<vmem_shared>> -> memref<32x64xf32, #tpu.memory_space<vmem_shared>>
      tpu.wait_dma2 semaphore(%run_scoped3A : memref<!tpu.dma_semaphore, #tpu.memory_space<semaphore_mem>>) src(%arg13 : memref<32x64xf32, #tpu.memory_space<vmem>>) dst(%dma_wait3A_134 : memref<32x64xf32, #tpu.memory_space<vmem_shared>>)
      tpu.yield
    }) : () -> ()
    %add3A_33 = arith.constant 416 : i32
    %add3A_34 = arith.addi %mul3A_0, %add3A_33 : i32
    "tpu.region"() ({
      %run_scoped3A = tpu.sem_alloc : memref<!tpu.dma_semaphore, #tpu.memory_space<semaphore_mem>>
      %dma_start3A_127 = arith.constant 0 : i32
      %dma_start3A_128 = tpu.memref_slice %arg14[%add3A_34, %dma_start3A_127] : memref<10240x64xf32, #tpu.memory_space<vmem_shared>> -> memref<32x64xf32, #tpu.memory_space<vmem_shared>>
      %dma_start3A_129 = arith.constant 0 : i32
      %dma_start3A_130 = tpu.memref_slice %arg14[%add3A_34, %dma_start3A_129] : memref<10240x64xf32, #tpu.memory_space<vmem_shared>> -> memref<32x64xf32, #tpu.memory_space<vmem_shared>>
      tpu.enqueue_dma source(%arg13 : memref<32x64xf32, #tpu.memory_space<vmem>>) target(%dma_start3A_130 : memref<32x64xf32, #tpu.memory_space<vmem_shared>>) target_semaphore(%run_scoped3A : memref<!tpu.dma_semaphore, #tpu.memory_space<semaphore_mem>>)
      %dma_wait3A_131 = arith.constant 0 : i32
      %dma_wait3A_132 = tpu.memref_slice %arg14[%add3A_34, %dma_wait3A_131] : memref<10240x64xf32, #tpu.memory_space<vmem_shared>> -> memref<32x64xf32, #tpu.memory_space<vmem_shared>>
      %dma_wait3A_133 = arith.constant 0 : i32
      %dma_wait3A_134 = tpu.memref_slice %arg14[%add3A_34, %dma_wait3A_133] : memref<10240x64xf32, #tpu.memory_space<vmem_shared>> -> memref<32x64xf32, #tpu.memory_space<vmem_shared>>
      tpu.wait_dma2 semaphore(%run_scoped3A : memref<!tpu.dma_semaphore, #tpu.memory_space<semaphore_mem>>) src(%arg13 : memref<32x64xf32, #tpu.memory_space<vmem>>) dst(%dma_wait3A_134 : memref<32x64xf32, #tpu.memory_space<vmem_shared>>)
      tpu.yield
    }) : () -> ()
    %add3A_35 = arith.constant 448 : i32
    %add3A_36 = arith.addi %mul3A_0, %add3A_35 : i32
    "tpu.region"() ({
      %run_scoped3A = tpu.sem_alloc : memref<!tpu.dma_semaphore, #tpu.memory_space<semaphore_mem>>
      %dma_start3A_127 = arith.constant 0 : i32
      %dma_start3A_128 = tpu.memref_slice %arg14[%add3A_36, %dma_start3A_127] : memref<10240x64xf32, #tpu.memory_space<vmem_shared>> -> memref<32x64xf32, #tpu.memory_space<vmem_shared>>
      %dma_start3A_129 = arith.constant 0 : i32
      %dma_start3A_130 = tpu.memref_slice %arg14[%add3A_36, %dma_start3A_129] : memref<10240x64xf32, #tpu.memory_space<vmem_shared>> -> memref<32x64xf32, #tpu.memory_space<vmem_shared>>
      tpu.enqueue_dma source(%arg13 : memref<32x64xf32, #tpu.memory_space<vmem>>) target(%dma_start3A_130 : memref<32x64xf32, #tpu.memory_space<vmem_shared>>) target_semaphore(%run_scoped3A : memref<!tpu.dma_semaphore, #tpu.memory_space<semaphore_mem>>)
      %dma_wait3A_131 = arith.constant 0 : i32
      %dma_wait3A_132 = tpu.memref_slice %arg14[%add3A_36, %dma_wait3A_131] : memref<10240x64xf32, #tpu.memory_space<vmem_shared>> -> memref<32x64xf32, #tpu.memory_space<vmem_shared>>
      %dma_wait3A_133 = arith.constant 0 : i32
      %dma_wait3A_134 = tpu.memref_slice %arg14[%add3A_36, %dma_wait3A_133] : memref<10240x64xf32, #tpu.memory_space<vmem_shared>> -> memref<32x64xf32, #tpu.memory_space<vmem_shared>>
      tpu.wait_dma2 semaphore(%run_scoped3A : memref<!tpu.dma_semaphore, #tpu.memory_space<semaphore_mem>>) src(%arg13 : memref<32x64xf32, #tpu.memory_space<vmem>>) dst(%dma_wait3A_134 : memref<32x64xf32, #tpu.memory_space<vmem_shared>>)
      tpu.yield
    }) : () -> ()
    %add3A_37 = arith.constant 480 : i32
    %add3A_38 = arith.addi %mul3A_0, %add3A_37 : i32
    "tpu.region"() ({
      %run_scoped3A = tpu.sem_alloc : memref<!tpu.dma_semaphore, #tpu.memory_space<semaphore_mem>>
      %dma_start3A_127 = arith.constant 0 : i32
      %dma_start3A_128 = tpu.memref_slice %arg14[%add3A_38, %dma_start3A_127] : memref<10240x64xf32, #tpu.memory_space<vmem_shared>> -> memref<32x64xf32, #tpu.memory_space<vmem_shared>>
      %dma_start3A_129 = arith.constant 0 : i32
      %dma_start3A_130 = tpu.memref_slice %arg14[%add3A_38, %dma_start3A_129] : memref<10240x64xf32, #tpu.memory_space<vmem_shared>> -> memref<32x64xf32, #tpu.memory_space<vmem_shared>>
      tpu.enqueue_dma source(%arg13 : memref<32x64xf32, #tpu.memory_space<vmem>>) target(%dma_start3A_130 : memref<32x64xf32, #tpu.memory_space<vmem_shared>>) target_semaphore(%run_scoped3A : memref<!tpu.dma_semaphore, #tpu.memory_space<semaphore_mem>>)
      %dma_wait3A_131 = arith.constant 0 : i32
      %dma_wait3A_132 = tpu.memref_slice %arg14[%add3A_38, %dma_wait3A_131] : memref<10240x64xf32, #tpu.memory_space<vmem_shared>> -> memref<32x64xf32, #tpu.memory_space<vmem_shared>>
      %dma_wait3A_133 = arith.constant 0 : i32
      %dma_wait3A_134 = tpu.memref_slice %arg14[%add3A_38, %dma_wait3A_133] : memref<10240x64xf32, #tpu.memory_space<vmem_shared>> -> memref<32x64xf32, #tpu.memory_space<vmem_shared>>
      tpu.wait_dma2 semaphore(%run_scoped3A : memref<!tpu.dma_semaphore, #tpu.memory_space<semaphore_mem>>) src(%arg13 : memref<32x64xf32, #tpu.memory_space<vmem>>) dst(%dma_wait3A_134 : memref<32x64xf32, #tpu.memory_space<vmem_shared>>)
      tpu.yield
    }) : () -> ()
    %add3A_39 = arith.constant 512 : i32
    %add3A_40 = arith.addi %mul3A_0, %add3A_39 : i32
    "tpu.region"() ({
      %run_scoped3A = tpu.sem_alloc : memref<!tpu.dma_semaphore, #tpu.memory_space<semaphore_mem>>
      %dma_start3A_127 = arith.constant 0 : i32
      %dma_start3A_128 = tpu.memref_slice %arg14[%add3A_40, %dma_start3A_127] : memref<10240x64xf32, #tpu.memory_space<vmem_shared>> -> memref<32x64xf32, #tpu.memory_space<vmem_shared>>
      %dma_start3A_129 = arith.constant 0 : i32
      %dma_start3A_130 = tpu.memref_slice %arg14[%add3A_40, %dma_start3A_129] : memref<10240x64xf32, #tpu.memory_space<vmem_shared>> -> memref<32x64xf32, #tpu.memory_space<vmem_shared>>
      tpu.enqueue_dma source(%arg13 : memref<32x64xf32, #tpu.memory_space<vmem>>) target(%dma_start3A_130 : memref<32x64xf32, #tpu.memory_space<vmem_shared>>) target_semaphore(%run_scoped3A : memref<!tpu.dma_semaphore, #tpu.memory_space<semaphore_mem>>)
      %dma_wait3A_131 = arith.constant 0 : i32
      %dma_wait3A_132 = tpu.memref_slice %arg14[%add3A_40, %dma_wait3A_131] : memref<10240x64xf32, #tpu.memory_space<vmem_shared>> -> memref<32x64xf32, #tpu.memory_space<vmem_shared>>
      %dma_wait3A_133 = arith.constant 0 : i32
      %dma_wait3A_134 = tpu.memref_slice %arg14[%add3A_40, %dma_wait3A_133] : memref<10240x64xf32, #tpu.memory_space<vmem_shared>> -> memref<32x64xf32, #tpu.memory_space<vmem_shared>>
      tpu.wait_dma2 semaphore(%run_scoped3A : memref<!tpu.dma_semaphore, #tpu.memory_space<semaphore_mem>>) src(%arg13 : memref<32x64xf32, #tpu.memory_space<vmem>>) dst(%dma_wait3A_134 : memref<32x64xf32, #tpu.memory_space<vmem_shared>>)
      tpu.yield
    }) : () -> ()
    %add3A_41 = arith.constant 544 : i32
    %add3A_42 = arith.addi %mul3A_0, %add3A_41 : i32
    "tpu.region"() ({
      %run_scoped3A = tpu.sem_alloc : memref<!tpu.dma_semaphore, #tpu.memory_space<semaphore_mem>>
      %dma_start3A_127 = arith.constant 0 : i32
      %dma_start3A_128 = tpu.memref_slice %arg14[%add3A_42, %dma_start3A_127] : memref<10240x64xf32, #tpu.memory_space<vmem_shared>> -> memref<32x64xf32, #tpu.memory_space<vmem_shared>>
      %dma_start3A_129 = arith.constant 0 : i32
      %dma_start3A_130 = tpu.memref_slice %arg14[%add3A_42, %dma_start3A_129] : memref<10240x64xf32, #tpu.memory_space<vmem_shared>> -> memref<32x64xf32, #tpu.memory_space<vmem_shared>>
      tpu.enqueue_dma source(%arg13 : memref<32x64xf32, #tpu.memory_space<vmem>>) target(%dma_start3A_130 : memref<32x64xf32, #tpu.memory_space<vmem_shared>>) target_semaphore(%run_scoped3A : memref<!tpu.dma_semaphore, #tpu.memory_space<semaphore_mem>>)
      %dma_wait3A_131 = arith.constant 0 : i32
      %dma_wait3A_132 = tpu.memref_slice %arg14[%add3A_42, %dma_wait3A_131] : memref<10240x64xf32, #tpu.memory_space<vmem_shared>> -> memref<32x64xf32, #tpu.memory_space<vmem_shared>>
      %dma_wait3A_133 = arith.constant 0 : i32
      %dma_wait3A_134 = tpu.memref_slice %arg14[%add3A_42, %dma_wait3A_133] : memref<10240x64xf32, #tpu.memory_space<vmem_shared>> -> memref<32x64xf32, #tpu.memory_space<vmem_shared>>
      tpu.wait_dma2 semaphore(%run_scoped3A : memref<!tpu.dma_semaphore, #tpu.memory_space<semaphore_mem>>) src(%arg13 : memref<32x64xf32, #tpu.memory_space<vmem>>) dst(%dma_wait3A_134 : memref<32x64xf32, #tpu.memory_space<vmem_shared>>)
      tpu.yield
    }) : () -> ()
    %add3A_43 = arith.constant 576 : i32
    %add3A_44 = arith.addi %mul3A_0, %add3A_43 : i32
    "tpu.region"() ({
      %run_scoped3A = tpu.sem_alloc : memref<!tpu.dma_semaphore, #tpu.memory_space<semaphore_mem>>
      %dma_start3A_127 = arith.constant 0 : i32
      %dma_start3A_128 = tpu.memref_slice %arg14[%add3A_44, %dma_start3A_127] : memref<10240x64xf32, #tpu.memory_space<vmem_shared>> -> memref<32x64xf32, #tpu.memory_space<vmem_shared>>
      %dma_start3A_129 = arith.constant 0 : i32
      %dma_start3A_130 = tpu.memref_slice %arg14[%add3A_44, %dma_start3A_129] : memref<10240x64xf32, #tpu.memory_space<vmem_shared>> -> memref<32x64xf32, #tpu.memory_space<vmem_shared>>
      tpu.enqueue_dma source(%arg13 : memref<32x64xf32, #tpu.memory_space<vmem>>) target(%dma_start3A_130 : memref<32x64xf32, #tpu.memory_space<vmem_shared>>) target_semaphore(%run_scoped3A : memref<!tpu.dma_semaphore, #tpu.memory_space<semaphore_mem>>)
      %dma_wait3A_131 = arith.constant 0 : i32
      %dma_wait3A_132 = tpu.memref_slice %arg14[%add3A_44, %dma_wait3A_131] : memref<10240x64xf32, #tpu.memory_space<vmem_shared>> -> memref<32x64xf32, #tpu.memory_space<vmem_shared>>
      %dma_wait3A_133 = arith.constant 0 : i32
      %dma_wait3A_134 = tpu.memref_slice %arg14[%add3A_44, %dma_wait3A_133] : memref<10240x64xf32, #tpu.memory_space<vmem_shared>> -> memref<32x64xf32, #tpu.memory_space<vmem_shared>>
      tpu.wait_dma2 semaphore(%run_scoped3A : memref<!tpu.dma_semaphore, #tpu.memory_space<semaphore_mem>>) src(%arg13 : memref<32x64xf32, #tpu.memory_space<vmem>>) dst(%dma_wait3A_134 : memref<32x64xf32, #tpu.memory_space<vmem_shared>>)
      tpu.yield
    }) : () -> ()
    %add3A_45 = arith.constant 608 : i32
    %add3A_46 = arith.addi %mul3A_0, %add3A_45 : i32
    "tpu.region"() ({
      %run_scoped3A = tpu.sem_alloc : memref<!tpu.dma_semaphore, #tpu.memory_space<semaphore_mem>>
      %dma_start3A_127 = arith.constant 0 : i32
      %dma_start3A_128 = tpu.memref_slice %arg14[%add3A_46, %dma_start3A_127] : memref<10240x64xf32, #tpu.memory_space<vmem_shared>> -> memref<32x64xf32, #tpu.memory_space<vmem_shared>>
      %dma_start3A_129 = arith.constant 0 : i32
      %dma_start3A_130 = tpu.memref_slice %arg14[%add3A_46, %dma_start3A_129] : memref<10240x64xf32, #tpu.memory_space<vmem_shared>> -> memref<32x64xf32, #tpu.memory_space<vmem_shared>>
      tpu.enqueue_dma source(%arg13 : memref<32x64xf32, #tpu.memory_space<vmem>>) target(%dma_start3A_130 : memref<32x64xf32, #tpu.memory_space<vmem_shared>>) target_semaphore(%run_scoped3A : memref<!tpu.dma_semaphore, #tpu.memory_space<semaphore_mem>>)
      %dma_wait3A_131 = arith.constant 0 : i32
      %dma_wait3A_132 = tpu.memref_slice %arg14[%add3A_46, %dma_wait3A_131] : memref<10240x64xf32, #tpu.memory_space<vmem_shared>> -> memref<32x64xf32, #tpu.memory_space<vmem_shared>>
      %dma_wait3A_133 = arith.constant 0 : i32
      %dma_wait3A_134 = tpu.memref_slice %arg14[%add3A_46, %dma_wait3A_133] : memref<10240x64xf32, #tpu.memory_space<vmem_shared>> -> memref<32x64xf32, #tpu.memory_space<vmem_shared>>
      tpu.wait_dma2 semaphore(%run_scoped3A : memref<!tpu.dma_semaphore, #tpu.memory_space<semaphore_mem>>) src(%arg13 : memref<32x64xf32, #tpu.memory_space<vmem>>) dst(%dma_wait3A_134 : memref<32x64xf32, #tpu.memory_space<vmem_shared>>)
      tpu.yield
    }) : () -> ()
    %barrier3A = arith.constant 0 : index
    tpu.barrier barrier_id(%barrier3A)
    %mul3A_47 = arith.constant 250 : i32
    %mul3A_48 = arith.muli %arg1, %mul3A_47 : i32
    "tpu.region"() ({
      %run_scoped3A = tpu.sem_alloc : memref<!tpu.dma_semaphore, #tpu.memory_space<semaphore_mem>>
      %dma_start3A_127 = arith.constant 0 : i32
      %dma_start3A_128 = tpu.memref_slice %arg3[%mul3A_48, %dma_start3A_127] : memref<4000x80xi32, #tpu.memory_space<hbm>> -> memref<250x80xi32, #tpu.memory_space<hbm>>
      %dma_start3A_129 = arith.constant 0 : i32
      %dma_start3A_130 = tpu.memref_slice %arg3[%mul3A_48, %dma_start3A_129] : memref<4000x80xi32, #tpu.memory_space<hbm>> -> memref<250x80xi32, #tpu.memory_space<hbm>>
      tpu.enqueue_dma source(%dma_start3A_130 : memref<250x80xi32, #tpu.memory_space<hbm>>) target(%arg6 : memref<250x80xi32, #tpu.memory_space<vmem>>) target_semaphore(%run_scoped3A : memref<!tpu.dma_semaphore, #tpu.memory_space<semaphore_mem>>)
      %dma_wait3A_131 = arith.constant 0 : i32
      %dma_wait3A_132 = tpu.memref_slice %arg3[%mul3A_48, %dma_wait3A_131] : memref<4000x80xi32, #tpu.memory_space<hbm>> -> memref<250x80xi32, #tpu.memory_space<hbm>>
      %dma_wait3A_133 = arith.constant 0 : i32
      %dma_wait3A_134 = tpu.memref_slice %arg3[%mul3A_48, %dma_wait3A_133] : memref<4000x80xi32, #tpu.memory_space<hbm>> -> memref<250x80xi32, #tpu.memory_space<hbm>>
      tpu.wait_dma2 semaphore(%run_scoped3A : memref<!tpu.dma_semaphore, #tpu.memory_space<semaphore_mem>>) src(%dma_wait3A_134 : memref<250x80xi32, #tpu.memory_space<hbm>>) dst(%arg6 : memref<250x80xi32, #tpu.memory_space<vmem>>)
      tpu.yield
    }) : () -> ()
    "tpu.region"() ({
      %run_scoped3A = tpu.sem_alloc : memref<!tpu.dma_semaphore, #tpu.memory_space<semaphore_mem>>
      %dma_start3A_127 = arith.constant 0 : i32
      %dma_start3A_128 = tpu.memref_slice %arg4[%mul3A_48, %dma_start3A_127] : memref<4000x80xi32, #tpu.memory_space<hbm>> -> memref<250x80xi32, #tpu.memory_space<hbm>>
      %dma_start3A_129 = arith.constant 0 : i32
      %dma_start3A_130 = tpu.memref_slice %arg4[%mul3A_48, %dma_start3A_129] : memref<4000x80xi32, #tpu.memory_space<hbm>> -> memref<250x80xi32, #tpu.memory_space<hbm>>
      tpu.enqueue_dma source(%dma_start3A_130 : memref<250x80xi32, #tpu.memory_space<hbm>>) target(%arg7 : memref<250x80xi32, #tpu.memory_space<vmem>>) target_semaphore(%run_scoped3A : memref<!tpu.dma_semaphore, #tpu.memory_space<semaphore_mem>>)
      %dma_wait3A_131 = arith.constant 0 : i32
      %dma_wait3A_132 = tpu.memref_slice %arg4[%mul3A_48, %dma_wait3A_131] : memref<4000x80xi32, #tpu.memory_space<hbm>> -> memref<250x80xi32, #tpu.memory_space<hbm>>
      %dma_wait3A_133 = arith.constant 0 : i32
      %dma_wait3A_134 = tpu.memref_slice %arg4[%mul3A_48, %dma_wait3A_133] : memref<4000x80xi32, #tpu.memory_space<hbm>> -> memref<250x80xi32, #tpu.memory_space<hbm>>
      tpu.wait_dma2 semaphore(%run_scoped3A : memref<!tpu.dma_semaphore, #tpu.memory_space<semaphore_mem>>) src(%dma_wait3A_134 : memref<250x80xi32, #tpu.memory_space<hbm>>) dst(%arg7 : memref<250x80xi32, #tpu.memory_space<vmem>>)
      tpu.yield
    }) : () -> ()
    %mul3A_49 = arith.constant 10000 : i32
    %mul3A_50 = arith.muli %arg0, %mul3A_49 : i32
    %scan3A_51 = arith.constant 0 : i32
    %scan3A_52 = arith.constant 0 : i32
    %scan3A_53 = arith.constant 250 : i32
    %scan3A_54 = arith.addi %scan3A_52, %scan3A_53 : i32
    %scan3A_55 = arith.constant 1 : i32
    %scan3A_56 = scf.for %scan3A_127 = %scan3A_52 to %scan3A_54 step %scan3A_55 iter_args(%scan3A_128 = %scan3A_51) -> (i32)  : i32 {
      %get3A = arith.index_cast %scan3A_127 : i32 to index
      %get3A_129 = arith.constant 0 : index
      %get3A_130 = tpu.vector_load %arg6[%get3A, %get3A_129] {strides = array<i32>} : memref<250x80xi32, #tpu.memory_space<vmem>>, vector<16xi32>,
      %add3A_131 = vector.broadcast %mul3A_50 : i32 to vector<16xi32>
      %add3A_132 = arith.addi %get3A_130, %add3A_131 : vector<16xi32>
      %swap3A = arith.index_cast %scan3A_127 : i32 to index
      %swap3A_133 = arith.constant 0 : index
      %swap3A_134 = tpu.vector_load %arg6[%swap3A, %swap3A_133] {strides = array<i32>} : memref<250x80xi32, #tpu.memory_space<vmem>>, vector<16xi32>,
      tpu.vector_store %arg6[%swap3A, %swap3A_133], %add3A_132 {strides = array<i32>} : memref<250x80xi32, #tpu.memory_space<vmem>>, vector<16xi32>,
      %get3A_135 = arith.index_cast %scan3A_127 : i32 to index
      %get3A_136 = arith.constant 16 : index
      %get3A_137 = tpu.vector_load %arg6[%get3A_135, %get3A_136] {strides = array<i32>} : memref<250x80xi32, #tpu.memory_space<vmem>>, vector<16xi32>,
      %add3A_138 = vector.broadcast %mul3A_50 : i32 to vector<16xi32>
      %add3A_139 = arith.addi %get3A_137, %add3A_138 : vector<16xi32>
      %swap3A_140 = arith.index_cast %scan3A_127 : i32 to index
      %swap3A_141 = arith.constant 16 : index
      %swap3A_142 = tpu.vector_load %arg6[%swap3A_140, %swap3A_141] {strides = array<i32>} : memref<250x80xi32, #tpu.memory_space<vmem>>, vector<16xi32>,
      tpu.vector_store %arg6[%swap3A_140, %swap3A_141], %add3A_139 {strides = array<i32>} : memref<250x80xi32, #tpu.memory_space<vmem>>, vector<16xi32>,
      %get3A_143 = arith.index_cast %scan3A_127 : i32 to index
      %get3A_144 = arith.constant 32 : index
      %get3A_145 = tpu.vector_load %arg6[%get3A_143, %get3A_144] {strides = array<i32>} : memref<250x80xi32, #tpu.memory_space<vmem>>, vector<16xi32>,
      %add3A_146 = vector.broadcast %mul3A_50 : i32 to vector<16xi32>
      %add3A_147 = arith.addi %get3A_145, %add3A_146 : vector<16xi32>
      %swap3A_148 = arith.index_cast %scan3A_127 : i32 to index
      %swap3A_149 = arith.constant 32 : index
      %swap3A_150 = tpu.vector_load %arg6[%swap3A_148, %swap3A_149] {strides = array<i32>} : memref<250x80xi32, #tpu.memory_space<vmem>>, vector<16xi32>,
      tpu.vector_store %arg6[%swap3A_148, %swap3A_149], %add3A_147 {strides = array<i32>} : memref<250x80xi32, #tpu.memory_space<vmem>>, vector<16xi32>,
      %get3A_151 = arith.index_cast %scan3A_127 : i32 to index
      %get3A_152 = arith.constant 48 : index
      %get3A_153 = tpu.vector_load %arg6[%get3A_151, %get3A_152] {strides = array<i32>} : memref<250x80xi32, #tpu.memory_space<vmem>>, vector<16xi32>,
      %add3A_154 = vector.broadcast %mul3A_50 : i32 to vector<16xi32>
      %add3A_155 = arith.addi %get3A_153, %add3A_154 : vector<16xi32>
      %swap3A_156 = arith.index_cast %scan3A_127 : i32 to index
      %swap3A_157 = arith.constant 48 : index
      %swap3A_158 = tpu.vector_load %arg6[%swap3A_156, %swap3A_157] {strides = array<i32>} : memref<250x80xi32, #tpu.memory_space<vmem>>, vector<16xi32>,
      tpu.vector_store %arg6[%swap3A_156, %swap3A_157], %add3A_155 {strides = array<i32>} : memref<250x80xi32, #tpu.memory_space<vmem>>, vector<16xi32>,
      %get3A_159 = arith.index_cast %scan3A_127 : i32 to index
      %get3A_160 = arith.constant 64 : index
      %get3A_161 = tpu.vector_load %arg6[%get3A_159, %get3A_160] {strides = array<i32>} : memref<250x80xi32, #tpu.memory_space<vmem>>, vector<16xi32>,
      %add3A_162 = vector.broadcast %mul3A_50 : i32 to vector<16xi32>
      %add3A_163 = arith.addi %get3A_161, %add3A_162 : vector<16xi32>
      %swap3A_164 = arith.index_cast %scan3A_127 : i32 to index
      %swap3A_165 = arith.constant 64 : index
      %swap3A_166 = tpu.vector_load %arg6[%swap3A_164, %swap3A_165] {strides = array<i32>} : memref<250x80xi32, #tpu.memory_space<vmem>>, vector<16xi32>,
      tpu.vector_store %arg6[%swap3A_164, %swap3A_165], %add3A_163 {strides = array<i32>} : memref<250x80xi32, #tpu.memory_space<vmem>>, vector<16xi32>,
      %scan3A_167 = arith.constant 0 : i32
      scf.yield %scan3A_167 : i32
    }
    %scan3A_57 = arith.constant 250 : i32
    %dma_start3A = arith.constant 0 : i32
    %dma_start3A_58 = arith.constant 0 : i32
    %dma_start3A_59 = tpu.memref_slice %arg6[%dma_start3A, %dma_start3A_58] : memref<250x80xi32, #tpu.memory_space<vmem>> -> memref<1x80xi32, #tpu.memory_space<vmem>>
    %dma_start3A_60 = tpu.memref_squeeze %dma_start3A_59 : memref<1x80xi32, #tpu.memory_space<vmem>> -> memref<80xi32, #tpu.memory_space<vmem>>
    %dma_start3A_61 = arith.constant 0 : i32
    %dma_start3A_62 = arith.constant 0 : i32
    %dma_start3A_63 = tpu.memref_slice %arg2[%dma_start3A_61, %dma_start3A_62] : memref<20000x64xf32, #tpu.memory_space<hbm>> -> memref<20000x64xf32, #tpu.memory_space<hbm>>
    tpu.enqueue_indirect_dma source(%dma_start3A_63 : memref<20000x64xf32, #tpu.memory_space<hbm>>) target(%arg8 : memref<80x64xf32, #tpu.memory_space<vmem>>) offsets(%dma_start3A_60 : memref<80xi32, #tpu.memory_space<vmem>>) semaphore(%arg15 : memref<!tpu.dma_semaphore, #tpu.memory_space<semaphore_mem>>)
    %dma_start3A_64 = arith.constant 1 : i32
    %dma_start3A_65 = arith.constant 0 : i32
    %dma_start3A_66 = tpu.memref_slice %arg6[%dma_start3A_64, %dma_start3A_65] : memref<250x80xi32, #tpu.memory_space<vmem>> -> memref<1x80xi32, #tpu.memory_space<vmem>>
    %dma_start3A_67 = tpu.memref_squeeze %dma_start3A_66 : memref<1x80xi32, #tpu.memory_space<vmem>> -> memref<80xi32, #tpu.memory_space<vmem>>
    %dma_start3A_68 = arith.constant 0 : i32
    %dma_start3A_69 = arith.constant 0 : i32
    %dma_start3A_70 = tpu.memref_slice %arg2[%dma_start3A_68, %dma_start3A_69] : memref<20000x64xf32, #tpu.memory_space<hbm>> -> memref<20000x64xf32, #tpu.memory_space<hbm>>
    tpu.enqueue_indirect_dma source(%dma_start3A_70 : memref<20000x64xf32, #tpu.memory_space<hbm>>) target(%arg9 : memref<80x64xf32, #tpu.memory_space<vmem>>) offsets(%dma_start3A_67 : memref<80xi32, #tpu.memory_space<vmem>>) semaphore(%arg16 : memref<!tpu.dma_semaphore, #tpu.memory_space<semaphore_mem>>)
    %dma_start3A_71 = arith.constant 2 : i32
    %dma_start3A_72 = arith.constant 0 : i32
    %dma_start3A_73 = tpu.memref_slice %arg6[%dma_start3A_71, %dma_start3A_72] : memref<250x80xi32, #tpu.memory_space<vmem>> -> memref<1x80xi32, #tpu.memory_space<vmem>>
    %dma_start3A_74 = tpu.memref_squeeze %dma_start3A_73 : memref<1x80xi32, #tpu.memory_space<vmem>> -> memref<80xi32, #tpu.memory_space<vmem>>
    %dma_start3A_75 = arith.constant 0 : i32
    %dma_start3A_76 = arith.constant 0 : i32
    %dma_start3A_77 = tpu.memref_slice %arg2[%dma_start3A_75, %dma_start3A_76] : memref<20000x64xf32, #tpu.memory_space<hbm>> -> memref<20000x64xf32, #tpu.memory_space<hbm>>
    tpu.enqueue_indirect_dma source(%dma_start3A_77 : memref<20000x64xf32, #tpu.memory_space<hbm>>) target(%arg10 : memref<80x64xf32, #tpu.memory_space<vmem>>) offsets(%dma_start3A_74 : memref<80xi32, #tpu.memory_space<vmem>>) semaphore(%arg17 : memref<!tpu.dma_semaphore, #tpu.memory_space<semaphore_mem>>)
    %dma_start3A_78 = arith.constant 3 : i32
    %dma_start3A_79 = arith.constant 0 : i32
    %dma_start3A_80 = tpu.memref_slice %arg6[%dma_start3A_78, %dma_start3A_79] : memref<250x80xi32, #tpu.memory_space<vmem>> -> memref<1x80xi32, #tpu.memory_space<vmem>>
    %dma_start3A_81 = tpu.memref_squeeze %dma_start3A_80 : memref<1x80xi32, #tpu.memory_space<vmem>> -> memref<80xi32, #tpu.memory_space<vmem>>
    %dma_start3A_82 = arith.constant 0 : i32
    %dma_start3A_83 = arith.constant 0 : i32
    %dma_start3A_84 = tpu.memref_slice %arg2[%dma_start3A_82, %dma_start3A_83] : memref<20000x64xf32, #tpu.memory_space<hbm>> -> memref<20000x64xf32, #tpu.memory_space<hbm>>
    tpu.enqueue_indirect_dma source(%dma_start3A_84 : memref<20000x64xf32, #tpu.memory_space<hbm>>) target(%arg11 : memref<80x64xf32, #tpu.memory_space<vmem>>) offsets(%dma_start3A_81 : memref<80xi32, #tpu.memory_space<vmem>>) semaphore(%arg18 : memref<!tpu.dma_semaphore, #tpu.memory_space<semaphore_mem>>)
    %scan3A_85 = arith.constant 0 : i32
    %scan3A_86 = arith.constant 0 : i32
    %scan3A_87 = arith.constant 50 : i32
    %scan3A_88 = arith.addi %scan3A_86, %scan3A_87 : i32
    %scan3A_89 = arith.constant 1 : i32
    %scan3A_90 = scf.for %scan3A_127 = %scan3A_86 to %scan3A_88 step %scan3A_89 iter_args(%scan3A_128 = %scan3A_85) -> (i32)  : i32 {
      %mul3A_129 = arith.constant 5 : i32
      %mul3A_130 = arith.muli %scan3A_127, %mul3A_129 : i32
      %add3A_131 = arith.constant 0 : i32
      %add3A_132 = arith.addi %mul3A_130, %add3A_131 : i32
      %dma_wait3A_133 = arith.constant 0 : i32
      %dma_wait3A_134 = tpu.memref_slice %arg6[%add3A_132, %dma_wait3A_133] : memref<250x80xi32, #tpu.memory_space<vmem>> -> memref<1x80xi32, #tpu.memory_space<vmem>>
      %dma_wait3A_135 = tpu.memref_squeeze %dma_wait3A_134 : memref<1x80xi32, #tpu.memory_space<vmem>> -> memref<80xi32, #tpu.memory_space<vmem>>
      %dma_wait3A_136 = arith.constant 0 : i32
      %dma_wait3A_137 = arith.constant 0 : i32
      %dma_wait3A_138 = tpu.memref_slice %arg2[%dma_wait3A_136, %dma_wait3A_137] : memref<20000x64xf32, #tpu.memory_space<hbm>> -> memref<20000x64xf32, #tpu.memory_space<hbm>>
      tpu.wait_indirect_dma semaphore(%arg15 : memref<!tpu.dma_semaphore, #tpu.memory_space<semaphore_mem>>) src(%dma_wait3A_138 : memref<20000x64xf32, #tpu.memory_space<hbm>>) dst(%arg8 : memref<80x64xf32, #tpu.memory_space<vmem>>)
      %dma_start3A_139 = arith.constant 0 : i32
      %dma_start3A_140 = tpu.memref_slice %arg7[%add3A_132, %dma_start3A_139] : memref<250x80xi32, #tpu.memory_space<vmem>> -> memref<1x80xi32, #tpu.memory_space<vmem>>
      %dma_start3A_141 = tpu.memref_squeeze %dma_start3A_140 : memref<1x80xi32, #tpu.memory_space<vmem>> -> memref<80xi32, #tpu.memory_space<vmem>>
      %dma_start3A_142 = arith.constant 0 : i32
      %dma_start3A_143 = arith.constant 0 : i32
      %dma_start3A_144 = tpu.memref_slice %arg14[%dma_start3A_142, %dma_start3A_143] : memref<10240x64xf32, #tpu.memory_space<vmem_shared>> -> memref<10240x64xf32, #tpu.memory_space<vmem_shared>>
      tpu.enqueue_indirect_dma source(%arg8 : memref<80x64xf32, #tpu.memory_space<vmem>>) target(%dma_start3A_144 : memref<10240x64xf32, #tpu.memory_space<vmem_shared>>) offsets(%dma_start3A_141 : memref<80xi32, #tpu.memory_space<vmem>>) semaphore(%arg20 : memref<!tpu.dma_semaphore, #tpu.memory_space<semaphore_mem>>) {add = true}
      %add3A_145 = arith.constant 4 : i32
      %add3A_146 = arith.addi %add3A_132, %add3A_145 : i32
      %lt3A = arith.constant 250 : i32
      %lt3A_147 = arith.cmpi slt, %add3A_146, %lt3A : i32
      %convert_element_type3A = arith.extui %lt3A_147 : i1 to i32
      %cond3A = arith.constant 0 : i32
      %cond3A_148 = arith.cmpi ne, %convert_element_type3A, %cond3A : i32
      scf.if %cond3A_148 {
        %ge3A = arith.constant 1 : i32
        %ge3A_242 = arith.cmpi sge, %add3A_132, %ge3A : i32
        %convert_element_type3A_243 = arith.extui %ge3A_242 : i1 to i32
        %cond3A_244 = arith.constant 0 : i32
        %cond3A_245 = arith.cmpi ne, %convert_element_type3A_243, %cond3A_244 : i32
        scf.if %cond3A_245 {
          %sub3A = arith.constant 5 : i32
          %sub3A_252 = arith.subi %add3A_146, %sub3A : i32
          %dma_wait3A_253 = arith.constant 0 : i32
          %dma_wait3A_254 = tpu.memref_slice %arg7[%sub3A_252, %dma_wait3A_253] : memref<250x80xi32, #tpu.memory_space<vmem>> -> memref<1x80xi32, #tpu.memory_space<vmem>>
          %dma_wait3A_255 = tpu.memref_squeeze %dma_wait3A_254 : memref<1x80xi32, #tpu.memory_space<vmem>> -> memref<80xi32, #tpu.memory_space<vmem>>
          %dma_wait3A_256 = arith.constant 0 : i32
          %dma_wait3A_257 = arith.constant 0 : i32
          %dma_wait3A_258 = tpu.memref_slice %arg14[%dma_wait3A_256, %dma_wait3A_257] : memref<10240x64xf32, #tpu.memory_space<vmem_shared>> -> memref<10240x64xf32, #tpu.memory_space<vmem_shared>>
          tpu.wait_indirect_dma semaphore(%arg24 : memref<!tpu.dma_semaphore, #tpu.memory_space<semaphore_mem>>) src(%arg12 : memref<80x64xf32, #tpu.memory_space<vmem>>) dst(%dma_wait3A_258 : memref<10240x64xf32, #tpu.memory_space<vmem_shared>>)
        } else {
        }
        %dma_start3A_246 = arith.constant 0 : i32
        %dma_start3A_247 = tpu.memref_slice %arg6[%add3A_146, %dma_start3A_246] : memref<250x80xi32, #tpu.memory_space<vmem>> -> memref<1x80xi32, #tpu.memory_space<vmem>>
        %dma_start3A_248 = tpu.memref_squeeze %dma_start3A_247 : memref<1x80xi32, #tpu.memory_space<vmem>> -> memref<80xi32, #tpu.memory_space<vmem>>
        %dma_start3A_249 = arith.constant 0 : i32
        %dma_start3A_250 = arith.constant 0 : i32
        %dma_start3A_251 = tpu.memref_slice %arg2[%dma_start3A_249, %dma_start3A_250] : memref<20000x64xf32, #tpu.memory_space<hbm>> -> memref<20000x64xf32, #tpu.memory_space<hbm>>
        tpu.enqueue_indirect_dma source(%dma_start3A_251 : memref<20000x64xf32, #tpu.memory_space<hbm>>) target(%arg12 : memref<80x64xf32, #tpu.memory_space<vmem>>) offsets(%dma_start3A_248 : memref<80xi32, #tpu.memory_space<vmem>>) semaphore(%arg19 : memref<!tpu.dma_semaphore, #tpu.memory_space<semaphore_mem>>)
      } else {
      }
      %mul3A_149 = arith.constant 5 : i32
      %mul3A_150 = arith.muli %scan3A_127, %mul3A_149 : i32
      %add3A_151 = arith.constant 1 : i32
      %add3A_152 = arith.addi %mul3A_150, %add3A_151 : i32
      %dma_wait3A_153 = arith.constant 0 : i32
      %dma_wait3A_154 = tpu.memref_slice %arg6[%add3A_152, %dma_wait3A_153] : memref<250x80xi32, #tpu.memory_space<vmem>> -> memref<1x80xi32, #tpu.memory_space<vmem>>
      %dma_wait3A_155 = tpu.memref_squeeze %dma_wait3A_154 : memref<1x80xi32, #tpu.memory_space<vmem>> -> memref<80xi32, #tpu.memory_space<vmem>>
      %dma_wait3A_156 = arith.constant 0 : i32
      %dma_wait3A_157 = arith.constant 0 : i32
      %dma_wait3A_158 = tpu.memref_slice %arg2[%dma_wait3A_156, %dma_wait3A_157] : memref<20000x64xf32, #tpu.memory_space<hbm>> -> memref<20000x64xf32, #tpu.memory_space<hbm>>
      tpu.wait_indirect_dma semaphore(%arg16 : memref<!tpu.dma_semaphore, #tpu.memory_space<semaphore_mem>>) src(%dma_wait3A_158 : memref<20000x64xf32, #tpu.memory_space<hbm>>) dst(%arg9 : memref<80x64xf32, #tpu.memory_space<vmem>>)
      %dma_start3A_159 = arith.constant 0 : i32
      %dma_start3A_160 = tpu.memref_slice %arg7[%add3A_152, %dma_start3A_159] : memref<250x80xi32, #tpu.memory_space<vmem>> -> memref<1x80xi32, #tpu.memory_space<vmem>>
      %dma_start3A_161 = tpu.memref_squeeze %dma_start3A_160 : memref<1x80xi32, #tpu.memory_space<vmem>> -> memref<80xi32, #tpu.memory_space<vmem>>
      %dma_start3A_162 = arith.constant 0 : i32
      %dma_start3A_163 = arith.constant 0 : i32
      %dma_start3A_164 = tpu.memref_slice %arg14[%dma_start3A_162, %dma_start3A_163] : memref<10240x64xf32, #tpu.memory_space<vmem_shared>> -> memref<10240x64xf32, #tpu.memory_space<vmem_shared>>
      tpu.enqueue_indirect_dma source(%arg9 : memref<80x64xf32, #tpu.memory_space<vmem>>) target(%dma_start3A_164 : memref<10240x64xf32, #tpu.memory_space<vmem_shared>>) offsets(%dma_start3A_161 : memref<80xi32, #tpu.memory_space<vmem>>) semaphore(%arg21 : memref<!tpu.dma_semaphore, #tpu.memory_space<semaphore_mem>>) {add = true}
      %add3A_165 = arith.constant 4 : i32
      %add3A_166 = arith.addi %add3A_152, %add3A_165 : i32
      %lt3A_167 = arith.constant 250 : i32
      %lt3A_168 = arith.cmpi slt, %add3A_166, %lt3A_167 : i32
      %convert_element_type3A_169 = arith.extui %lt3A_168 : i1 to i32
      %cond3A_170 = arith.constant 0 : i32
      %cond3A_171 = arith.cmpi ne, %convert_element_type3A_169, %cond3A_170 : i32
      scf.if %cond3A_171 {
        %ge3A = arith.constant 1 : i32
        %ge3A_242 = arith.cmpi sge, %add3A_152, %ge3A : i32
        %convert_element_type3A_243 = arith.extui %ge3A_242 : i1 to i32
        %cond3A_244 = arith.constant 0 : i32
        %cond3A_245 = arith.cmpi ne, %convert_element_type3A_243, %cond3A_244 : i32
        scf.if %cond3A_245 {
          %sub3A = arith.constant 5 : i32
          %sub3A_252 = arith.subi %add3A_166, %sub3A : i32
          %dma_wait3A_253 = arith.constant 0 : i32
          %dma_wait3A_254 = tpu.memref_slice %arg7[%sub3A_252, %dma_wait3A_253] : memref<250x80xi32, #tpu.memory_space<vmem>> -> memref<1x80xi32, #tpu.memory_space<vmem>>
          %dma_wait3A_255 = tpu.memref_squeeze %dma_wait3A_254 : memref<1x80xi32, #tpu.memory_space<vmem>> -> memref<80xi32, #tpu.memory_space<vmem>>
          %dma_wait3A_256 = arith.constant 0 : i32
          %dma_wait3A_257 = arith.constant 0 : i32
          %dma_wait3A_258 = tpu.memref_slice %arg14[%dma_wait3A_256, %dma_wait3A_257] : memref<10240x64xf32, #tpu.memory_space<vmem_shared>> -> memref<10240x64xf32, #tpu.memory_space<vmem_shared>>
          tpu.wait_indirect_dma semaphore(%arg20 : memref<!tpu.dma_semaphore, #tpu.memory_space<semaphore_mem>>) src(%arg8 : memref<80x64xf32, #tpu.memory_space<vmem>>) dst(%dma_wait3A_258 : memref<10240x64xf32, #tpu.memory_space<vmem_shared>>)
        } else {
        }
        %dma_start3A_246 = arith.constant 0 : i32
        %dma_start3A_247 = tpu.memref_slice %arg6[%add3A_166, %dma_start3A_246] : memref<250x80xi32, #tpu.memory_space<vmem>> -> memref<1x80xi32, #tpu.memory_space<vmem>>
        %dma_start3A_248 = tpu.memref_squeeze %dma_start3A_247 : memref<1x80xi32, #tpu.memory_space<vmem>> -> memref<80xi32, #tpu.memory_space<vmem>>
        %dma_start3A_249 = arith.constant 0 : i32
        %dma_start3A_250 = arith.constant 0 : i32
        %dma_start3A_251 = tpu.memref_slice %arg2[%dma_start3A_249, %dma_start3A_250] : memref<20000x64xf32, #tpu.memory_space<hbm>> -> memref<20000x64xf32, #tpu.memory_space<hbm>>
        tpu.enqueue_indirect_dma source(%dma_start3A_251 : memref<20000x64xf32, #tpu.memory_space<hbm>>) target(%arg8 : memref<80x64xf32, #tpu.memory_space<vmem>>) offsets(%dma_start3A_248 : memref<80xi32, #tpu.memory_space<vmem>>) semaphore(%arg15 : memref<!tpu.dma_semaphore, #tpu.memory_space<semaphore_mem>>)
      } else {
      }
      %mul3A_172 = arith.constant 5 : i32
      %mul3A_173 = arith.muli %scan3A_127, %mul3A_172 : i32
      %add3A_174 = arith.constant 2 : i32
      %add3A_175 = arith.addi %mul3A_173, %add3A_174 : i32
      %dma_wait3A_176 = arith.constant 0 : i32
      %dma_wait3A_177 = tpu.memref_slice %arg6[%add3A_175, %dma_wait3A_176] : memref<250x80xi32, #tpu.memory_space<vmem>> -> memref<1x80xi32, #tpu.memory_space<vmem>>
      %dma_wait3A_178 = tpu.memref_squeeze %dma_wait3A_177 : memref<1x80xi32, #tpu.memory_space<vmem>> -> memref<80xi32, #tpu.memory_space<vmem>>
      %dma_wait3A_179 = arith.constant 0 : i32
      %dma_wait3A_180 = arith.constant 0 : i32
      %dma_wait3A_181 = tpu.memref_slice %arg2[%dma_wait3A_179, %dma_wait3A_180] : memref<20000x64xf32, #tpu.memory_space<hbm>> -> memref<20000x64xf32, #tpu.memory_space<hbm>>
      tpu.wait_indirect_dma semaphore(%arg17 : memref<!tpu.dma_semaphore, #tpu.memory_space<semaphore_mem>>) src(%dma_wait3A_181 : memref<20000x64xf32, #tpu.memory_space<hbm>>) dst(%arg10 : memref<80x64xf32, #tpu.memory_space<vmem>>)
      %dma_start3A_182 = arith.constant 0 : i32
      %dma_start3A_183 = tpu.memref_slice %arg7[%add3A_175, %dma_start3A_182] : memref<250x80xi32, #tpu.memory_space<vmem>> -> memref<1x80xi32, #tpu.memory_space<vmem>>
      %dma_start3A_184 = tpu.memref_squeeze %dma_start3A_183 : memref<1x80xi32, #tpu.memory_space<vmem>> -> memref<80xi32, #tpu.memory_space<vmem>>
      %dma_start3A_185 = arith.constant 0 : i32
      %dma_start3A_186 = arith.constant 0 : i32
      %dma_start3A_187 = tpu.memref_slice %arg14[%dma_start3A_185, %dma_start3A_186] : memref<10240x64xf32, #tpu.memory_space<vmem_shared>> -> memref<10240x64xf32, #tpu.memory_space<vmem_shared>>
      tpu.enqueue_indirect_dma source(%arg10 : memref<80x64xf32, #tpu.memory_space<vmem>>) target(%dma_start3A_187 : memref<10240x64xf32, #tpu.memory_space<vmem_shared>>) offsets(%dma_start3A_184 : memref<80xi32, #tpu.memory_space<vmem>>) semaphore(%arg22 : memref<!tpu.dma_semaphore, #tpu.memory_space<semaphore_mem>>) {add = true}
      %add3A_188 = arith.constant 4 : i32
      %add3A_189 = arith.addi %add3A_175, %add3A_188 : i32
      %lt3A_190 = arith.constant 250 : i32
      %lt3A_191 = arith.cmpi slt, %add3A_189, %lt3A_190 : i32
      %convert_element_type3A_192 = arith.extui %lt3A_191 : i1 to i32
      %cond3A_193 = arith.constant 0 : i32
      %cond3A_194 = arith.cmpi ne, %convert_element_type3A_192, %cond3A_193 : i32
      scf.if %cond3A_194 {
        %ge3A = arith.constant 1 : i32
        %ge3A_242 = arith.cmpi sge, %add3A_175, %ge3A : i32
        %convert_element_type3A_243 = arith.extui %ge3A_242 : i1 to i32
        %cond3A_244 = arith.constant 0 : i32
        %cond3A_245 = arith.cmpi ne, %convert_element_type3A_243, %cond3A_244 : i32
        scf.if %cond3A_245 {
          %sub3A = arith.constant 5 : i32
          %sub3A_252 = arith.subi %add3A_189, %sub3A : i32
          %dma_wait3A_253 = arith.constant 0 : i32
          %dma_wait3A_254 = tpu.memref_slice %arg7[%sub3A_252, %dma_wait3A_253] : memref<250x80xi32, #tpu.memory_space<vmem>> -> memref<1x80xi32, #tpu.memory_space<vmem>>
          %dma_wait3A_255 = tpu.memref_squeeze %dma_wait3A_254 : memref<1x80xi32, #tpu.memory_space<vmem>> -> memref<80xi32, #tpu.memory_space<vmem>>
          %dma_wait3A_256 = arith.constant 0 : i32
          %dma_wait3A_257 = arith.constant 0 : i32
          %dma_wait3A_258 = tpu.memref_slice %arg14[%dma_wait3A_256, %dma_wait3A_257] : memref<10240x64xf32, #tpu.memory_space<vmem_shared>> -> memref<10240x64xf32, #tpu.memory_space<vmem_shared>>
          tpu.wait_indirect_dma semaphore(%arg21 : memref<!tpu.dma_semaphore, #tpu.memory_space<semaphore_mem>>) src(%arg9 : memref<80x64xf32, #tpu.memory_space<vmem>>) dst(%dma_wait3A_258 : memref<10240x64xf32, #tpu.memory_space<vmem_shared>>)
        } else {
        }
        %dma_start3A_246 = arith.constant 0 : i32
        %dma_start3A_247 = tpu.memref_slice %arg6[%add3A_189, %dma_start3A_246] : memref<250x80xi32, #tpu.memory_space<vmem>> -> memref<1x80xi32, #tpu.memory_space<vmem>>
        %dma_start3A_248 = tpu.memref_squeeze %dma_start3A_247 : memref<1x80xi32, #tpu.memory_space<vmem>> -> memref<80xi32, #tpu.memory_space<vmem>>
        %dma_start3A_249 = arith.constant 0 : i32
        %dma_start3A_250 = arith.constant 0 : i32
        %dma_start3A_251 = tpu.memref_slice %arg2[%dma_start3A_249, %dma_start3A_250] : memref<20000x64xf32, #tpu.memory_space<hbm>> -> memref<20000x64xf32, #tpu.memory_space<hbm>>
        tpu.enqueue_indirect_dma source(%dma_start3A_251 : memref<20000x64xf32, #tpu.memory_space<hbm>>) target(%arg9 : memref<80x64xf32, #tpu.memory_space<vmem>>) offsets(%dma_start3A_248 : memref<80xi32, #tpu.memory_space<vmem>>) semaphore(%arg16 : memref<!tpu.dma_semaphore, #tpu.memory_space<semaphore_mem>>)
      } else {
      }
      %mul3A_195 = arith.constant 5 : i32
      %mul3A_196 = arith.muli %scan3A_127, %mul3A_195 : i32
      %add3A_197 = arith.constant 3 : i32
      %add3A_198 = arith.addi %mul3A_196, %add3A_197 : i32
      %dma_wait3A_199 = arith.constant 0 : i32
      %dma_wait3A_200 = tpu.memref_slice %arg6[%add3A_198, %dma_wait3A_199] : memref<250x80xi32, #tpu.memory_space<vmem>> -> memref<1x80xi32, #tpu.memory_space<vmem>>
      %dma_wait3A_201 = tpu.memref_squeeze %dma_wait3A_200 : memref<1x80xi32, #tpu.memory_space<vmem>> -> memref<80xi32, #tpu.memory_space<vmem>>
      %dma_wait3A_202 = arith.constant 0 : i32
      %dma_wait3A_203 = arith.constant 0 : i32
      %dma_wait3A_204 = tpu.memref_slice %arg2[%dma_wait3A_202, %dma_wait3A_203] : memref<20000x64xf32, #tpu.memory_space<hbm>> -> memref<20000x64xf32, #tpu.memory_space<hbm>>
      tpu.wait_indirect_dma semaphore(%arg18 : memref<!tpu.dma_semaphore, #tpu.memory_space<semaphore_mem>>) src(%dma_wait3A_204 : memref<20000x64xf32, #tpu.memory_space<hbm>>) dst(%arg11 : memref<80x64xf32, #tpu.memory_space<vmem>>)
      %dma_start3A_205 = arith.constant 0 : i32
      %dma_start3A_206 = tpu.memref_slice %arg7[%add3A_198, %dma_start3A_205] : memref<250x80xi32, #tpu.memory_space<vmem>> -> memref<1x80xi32, #tpu.memory_space<vmem>>
      %dma_start3A_207 = tpu.memref_squeeze %dma_start3A_206 : memref<1x80xi32, #tpu.memory_space<vmem>> -> memref<80xi32, #tpu.memory_space<vmem>>
      %dma_start3A_208 = arith.constant 0 : i32
      %dma_start3A_209 = arith.constant 0 : i32
      %dma_start3A_210 = tpu.memref_slice %arg14[%dma_start3A_208, %dma_start3A_209] : memref<10240x64xf32, #tpu.memory_space<vmem_shared>> -> memref<10240x64xf32, #tpu.memory_space<vmem_shared>>
      tpu.enqueue_indirect_dma source(%arg11 : memref<80x64xf32, #tpu.memory_space<vmem>>) target(%dma_start3A_210 : memref<10240x64xf32, #tpu.memory_space<vmem_shared>>) offsets(%dma_start3A_207 : memref<80xi32, #tpu.memory_space<vmem>>) semaphore(%arg23 : memref<!tpu.dma_semaphore, #tpu.memory_space<semaphore_mem>>) {add = true}
      %add3A_211 = arith.constant 4 : i32
      %add3A_212 = arith.addi %add3A_198, %add3A_211 : i32
      %lt3A_213 = arith.constant 250 : i32
      %lt3A_214 = arith.cmpi slt, %add3A_212, %lt3A_213 : i32
      %convert_element_type3A_215 = arith.extui %lt3A_214 : i1 to i32
      %cond3A_216 = arith.constant 0 : i32
      %cond3A_217 = arith.cmpi ne, %convert_element_type3A_215, %cond3A_216 : i32
      scf.if %cond3A_217 {
        %ge3A = arith.constant 1 : i32
        %ge3A_242 = arith.cmpi sge, %add3A_198, %ge3A : i32
        %convert_element_type3A_243 = arith.extui %ge3A_242 : i1 to i32
        %cond3A_244 = arith.constant 0 : i32
        %cond3A_245 = arith.cmpi ne, %convert_element_type3A_243, %cond3A_244 : i32
        scf.if %cond3A_245 {
          %sub3A = arith.constant 5 : i32
          %sub3A_252 = arith.subi %add3A_212, %sub3A : i32
          %dma_wait3A_253 = arith.constant 0 : i32
          %dma_wait3A_254 = tpu.memref_slice %arg7[%sub3A_252, %dma_wait3A_253] : memref<250x80xi32, #tpu.memory_space<vmem>> -> memref<1x80xi32, #tpu.memory_space<vmem>>
          %dma_wait3A_255 = tpu.memref_squeeze %dma_wait3A_254 : memref<1x80xi32, #tpu.memory_space<vmem>> -> memref<80xi32, #tpu.memory_space<vmem>>
          %dma_wait3A_256 = arith.constant 0 : i32
          %dma_wait3A_257 = arith.constant 0 : i32
          %dma_wait3A_258 = tpu.memref_slice %arg14[%dma_wait3A_256, %dma_wait3A_257] : memref<10240x64xf32, #tpu.memory_space<vmem_shared>> -> memref<10240x64xf32, #tpu.memory_space<vmem_shared>>
          tpu.wait_indirect_dma semaphore(%arg22 : memref<!tpu.dma_semaphore, #tpu.memory_space<semaphore_mem>>) src(%arg10 : memref<80x64xf32, #tpu.memory_space<vmem>>) dst(%dma_wait3A_258 : memref<10240x64xf32, #tpu.memory_space<vmem_shared>>)
        } else {
        }
        %dma_start3A_246 = arith.constant 0 : i32
        %dma_start3A_247 = tpu.memref_slice %arg6[%add3A_212, %dma_start3A_246] : memref<250x80xi32, #tpu.memory_space<vmem>> -> memref<1x80xi32, #tpu.memory_space<vmem>>
        %dma_start3A_248 = tpu.memref_squeeze %dma_start3A_247 : memref<1x80xi32, #tpu.memory_space<vmem>> -> memref<80xi32, #tpu.memory_space<vmem>>
        %dma_start3A_249 = arith.constant 0 : i32
        %dma_start3A_250 = arith.constant 0 : i32
        %dma_start3A_251 = tpu.memref_slice %arg2[%dma_start3A_249, %dma_start3A_250] : memref<20000x64xf32, #tpu.memory_space<hbm>> -> memref<20000x64xf32, #tpu.memory_space<hbm>>
        tpu.enqueue_indirect_dma source(%dma_start3A_251 : memref<20000x64xf32, #tpu.memory_space<hbm>>) target(%arg10 : memref<80x64xf32, #tpu.memory_space<vmem>>) offsets(%dma_start3A_248 : memref<80xi32, #tpu.memory_space<vmem>>) semaphore(%arg17 : memref<!tpu.dma_semaphore, #tpu.memory_space<semaphore_mem>>)
      } else {
      }
      %mul3A_218 = arith.constant 5 : i32
      %mul3A_219 = arith.muli %scan3A_127, %mul3A_218 : i32
      %add3A_220 = arith.constant 4 : i32
      %add3A_221 = arith.addi %mul3A_219, %add3A_220 : i32
      %dma_wait3A_222 = arith.constant 0 : i32
      %dma_wait3A_223 = tpu.memref_slice %arg6[%add3A_221, %dma_wait3A_222] : memref<250x80xi32, #tpu.memory_space<vmem>> -> memref<1x80xi32, #tpu.memory_space<vmem>>
      %dma_wait3A_224 = tpu.memref_squeeze %dma_wait3A_223 : memref<1x80xi32, #tpu.memory_space<vmem>> -> memref<80xi32, #tpu.memory_space<vmem>>
      %dma_wait3A_225 = arith.constant 0 : i32
      %dma_wait3A_226 = arith.constant 0 : i32
      %dma_wait3A_227 = tpu.memref_slice %arg2[%dma_wait3A_225, %dma_wait3A_226] : memref<20000x64xf32, #tpu.memory_space<hbm>> -> memref<20000x64xf32, #tpu.memory_space<hbm>>
      tpu.wait_indirect_dma semaphore(%arg19 : memref<!tpu.dma_semaphore, #tpu.memory_space<semaphore_mem>>) src(%dma_wait3A_227 : memref<20000x64xf32, #tpu.memory_space<hbm>>) dst(%arg12 : memref<80x64xf32, #tpu.memory_space<vmem>>)
      %dma_start3A_228 = arith.constant 0 : i32
      %dma_start3A_229 = tpu.memref_slice %arg7[%add3A_221, %dma_start3A_228] : memref<250x80xi32, #tpu.memory_space<vmem>> -> memref<1x80xi32, #tpu.memory_space<vmem>>
      %dma_start3A_230 = tpu.memref_squeeze %dma_start3A_229 : memref<1x80xi32, #tpu.memory_space<vmem>> -> memref<80xi32, #tpu.memory_space<vmem>>
      %dma_start3A_231 = arith.constant 0 : i32
      %dma_start3A_232 = arith.constant 0 : i32
      %dma_start3A_233 = tpu.memref_slice %arg14[%dma_start3A_231, %dma_start3A_232] : memref<10240x64xf32, #tpu.memory_space<vmem_shared>> -> memref<10240x64xf32, #tpu.memory_space<vmem_shared>>
      tpu.enqueue_indirect_dma source(%arg12 : memref<80x64xf32, #tpu.memory_space<vmem>>) target(%dma_start3A_233 : memref<10240x64xf32, #tpu.memory_space<vmem_shared>>) offsets(%dma_start3A_230 : memref<80xi32, #tpu.memory_space<vmem>>) semaphore(%arg24 : memref<!tpu.dma_semaphore, #tpu.memory_space<semaphore_mem>>) {add = true}
      %add3A_234 = arith.constant 4 : i32
      %add3A_235 = arith.addi %add3A_221, %add3A_234 : i32
      %lt3A_236 = arith.constant 250 : i32
      %lt3A_237 = arith.cmpi slt, %add3A_235, %lt3A_236 : i32
      %convert_element_type3A_238 = arith.extui %lt3A_237 : i1 to i32
      %cond3A_239 = arith.constant 0 : i32
      %cond3A_240 = arith.cmpi ne, %convert_element_type3A_238, %cond3A_239 : i32
      scf.if %cond3A_240 {
        %ge3A = arith.constant 1 : i32
        %ge3A_242 = arith.cmpi sge, %add3A_221, %ge3A : i32
        %convert_element_type3A_243 = arith.extui %ge3A_242 : i1 to i32
        %cond3A_244 = arith.constant 0 : i32
        %cond3A_245 = arith.cmpi ne, %convert_element_type3A_243, %cond3A_244 : i32
        scf.if %cond3A_245 {
          %sub3A = arith.constant 5 : i32
          %sub3A_252 = arith.subi %add3A_235, %sub3A : i32
          %dma_wait3A_253 = arith.constant 0 : i32
          %dma_wait3A_254 = tpu.memref_slice %arg7[%sub3A_252, %dma_wait3A_253] : memref<250x80xi32, #tpu.memory_space<vmem>> -> memref<1x80xi32, #tpu.memory_space<vmem>>
          %dma_wait3A_255 = tpu.memref_squeeze %dma_wait3A_254 : memref<1x80xi32, #tpu.memory_space<vmem>> -> memref<80xi32, #tpu.memory_space<vmem>>
          %dma_wait3A_256 = arith.constant 0 : i32
          %dma_wait3A_257 = arith.constant 0 : i32
          %dma_wait3A_258 = tpu.memref_slice %arg14[%dma_wait3A_256, %dma_wait3A_257] : memref<10240x64xf32, #tpu.memory_space<vmem_shared>> -> memref<10240x64xf32, #tpu.memory_space<vmem_shared>>
          tpu.wait_indirect_dma semaphore(%arg23 : memref<!tpu.dma_semaphore, #tpu.memory_space<semaphore_mem>>) src(%arg11 : memref<80x64xf32, #tpu.memory_space<vmem>>) dst(%dma_wait3A_258 : memref<10240x64xf32, #tpu.memory_space<vmem_shared>>)
        } else {
        }
        %dma_start3A_246 = arith.constant 0 : i32
        %dma_start3A_247 = tpu.memref_slice %arg6[%add3A_235, %dma_start3A_246] : memref<250x80xi32, #tpu.memory_space<vmem>> -> memref<1x80xi32, #tpu.memory_space<vmem>>
        %dma_start3A_248 = tpu.memref_squeeze %dma_start3A_247 : memref<1x80xi32, #tpu.memory_space<vmem>> -> memref<80xi32, #tpu.memory_space<vmem>>
        %dma_start3A_249 = arith.constant 0 : i32
        %dma_start3A_250 = arith.constant 0 : i32
        %dma_start3A_251 = tpu.memref_slice %arg2[%dma_start3A_249, %dma_start3A_250] : memref<20000x64xf32, #tpu.memory_space<hbm>> -> memref<20000x64xf32, #tpu.memory_space<hbm>>
        tpu.enqueue_indirect_dma source(%dma_start3A_251 : memref<20000x64xf32, #tpu.memory_space<hbm>>) target(%arg11 : memref<80x64xf32, #tpu.memory_space<vmem>>) offsets(%dma_start3A_248 : memref<80xi32, #tpu.memory_space<vmem>>) semaphore(%arg18 : memref<!tpu.dma_semaphore, #tpu.memory_space<semaphore_mem>>)
      } else {
      }
      %scan3A_241 = arith.constant 0 : i32
      scf.yield %scan3A_241 : i32
    }
    %scan3A_91 = arith.constant 50 : i32
    %dma_wait3A = arith.constant 245 : i32
    %dma_wait3A_92 = arith.constant 0 : i32
    %dma_wait3A_93 = tpu.memref_slice %arg7[%dma_wait3A, %dma_wait3A_92] : memref<250x80xi32, #tpu.memory_space<vmem>> -> memref<1x80xi32, #tpu.memory_space<vmem>>
    %dma_wait3A_94 = tpu.memref_squeeze %dma_wait3A_93 : memref<1x80xi32, #tpu.memory_space<vmem>> -> memref<80xi32, #tpu.memory_space<vmem>>
    %dma_wait3A_95 = arith.constant 0 : i32
    %dma_wait3A_96 = arith.constant 0 : i32
    %dma_wait3A_97 = tpu.memref_slice %arg14[%dma_wait3A_95, %dma_wait3A_96] : memref<10240x64xf32, #tpu.memory_space<vmem_shared>> -> memref<10240x64xf32, #tpu.memory_space<vmem_shared>>
    tpu.wait_indirect_dma semaphore(%arg20 : memref<!tpu.dma_semaphore, #tpu.memory_space<semaphore_mem>>) src(%arg8 : memref<80x64xf32, #tpu.memory_space<vmem>>) dst(%dma_wait3A_97 : memref<10240x64xf32, #tpu.memory_space<vmem_shared>>)
    %dma_wait3A_98 = arith.constant 246 : i32
    %dma_wait3A_99 = arith.constant 0 : i32
    %dma_wait3A_100 = tpu.memref_slice %arg7[%dma_wait3A_98, %dma_wait3A_99] : memref<250x80xi32, #tpu.memory_space<vmem>> -> memref<1x80xi32, #tpu.memory_space<vmem>>
    %dma_wait3A_101 = tpu.memref_squeeze %dma_wait3A_100 : memref<1x80xi32, #tpu.memory_space<vmem>> -> memref<80xi32, #tpu.memory_space<vmem>>
    %dma_wait3A_102 = arith.constant 0 : i32
    %dma_wait3A_103 = arith.constant 0 : i32
    %dma_wait3A_104 = tpu.memref_slice %arg14[%dma_wait3A_102, %dma_wait3A_103] : memref<10240x64xf32, #tpu.memory_space<vmem_shared>> -> memref<10240x64xf32, #tpu.memory_space<vmem_shared>>
    tpu.wait_indirect_dma semaphore(%arg21 : memref<!tpu.dma_semaphore, #tpu.memory_space<semaphore_mem>>) src(%arg9 : memref<80x64xf32, #tpu.memory_space<vmem>>) dst(%dma_wait3A_104 : memref<10240x64xf32, #tpu.memory_space<vmem_shared>>)
    %dma_wait3A_105 = arith.constant 247 : i32
    %dma_wait3A_106 = arith.constant 0 : i32
    %dma_wait3A_107 = tpu.memref_slice %arg7[%dma_wait3A_105, %dma_wait3A_106] : memref<250x80xi32, #tpu.memory_space<vmem>> -> memref<1x80xi32, #tpu.memory_space<vmem>>
    %dma_wait3A_108 = tpu.memref_squeeze %dma_wait3A_107 : memref<1x80xi32, #tpu.memory_space<vmem>> -> memref<80xi32, #tpu.memory_space<vmem>>
    %dma_wait3A_109 = arith.constant 0 : i32
    %dma_wait3A_110 = arith.constant 0 : i32
    %dma_wait3A_111 = tpu.memref_slice %arg14[%dma_wait3A_109, %dma_wait3A_110] : memref<10240x64xf32, #tpu.memory_space<vmem_shared>> -> memref<10240x64xf32, #tpu.memory_space<vmem_shared>>
    tpu.wait_indirect_dma semaphore(%arg22 : memref<!tpu.dma_semaphore, #tpu.memory_space<semaphore_mem>>) src(%arg10 : memref<80x64xf32, #tpu.memory_space<vmem>>) dst(%dma_wait3A_111 : memref<10240x64xf32, #tpu.memory_space<vmem_shared>>)
    %dma_wait3A_112 = arith.constant 248 : i32
    %dma_wait3A_113 = arith.constant 0 : i32
    %dma_wait3A_114 = tpu.memref_slice %arg7[%dma_wait3A_112, %dma_wait3A_113] : memref<250x80xi32, #tpu.memory_space<vmem>> -> memref<1x80xi32, #tpu.memory_space<vmem>>
    %dma_wait3A_115 = tpu.memref_squeeze %dma_wait3A_114 : memref<1x80xi32, #tpu.memory_space<vmem>> -> memref<80xi32, #tpu.memory_space<vmem>>
    %dma_wait3A_116 = arith.constant 0 : i32
    %dma_wait3A_117 = arith.constant 0 : i32
    %dma_wait3A_118 = tpu.memref_slice %arg14[%dma_wait3A_116, %dma_wait3A_117] : memref<10240x64xf32, #tpu.memory_space<vmem_shared>> -> memref<10240x64xf32, #tpu.memory_space<vmem_shared>>
    tpu.wait_indirect_dma semaphore(%arg23 : memref<!tpu.dma_semaphore, #tpu.memory_space<semaphore_mem>>) src(%arg11 : memref<80x64xf32, #tpu.memory_space<vmem>>) dst(%dma_wait3A_118 : memref<10240x64xf32, #tpu.memory_space<vmem_shared>>)
    %dma_wait3A_119 = arith.constant 249 : i32
    %dma_wait3A_120 = arith.constant 0 : i32
    %dma_wait3A_121 = tpu.memref_slice %arg7[%dma_wait3A_119, %dma_wait3A_120] : memref<250x80xi32, #tpu.memory_space<vmem>> -> memref<1x80xi32, #tpu.memory_space<vmem>>
    %dma_wait3A_122 = tpu.memref_squeeze %dma_wait3A_121 : memref<1x80xi32, #tpu.memory_space<vmem>> -> memref<80xi32, #tpu.memory_space<vmem>>
    %dma_wait3A_123 = arith.constant 0 : i32
    %dma_wait3A_124 = arith.constant 0 : i32
    %dma_wait3A_125 = tpu.memref_slice %arg14[%dma_wait3A_123, %dma_wait3A_124] : memref<10240x64xf32, #tpu.memory_space<vmem_shared>> -> memref<10240x64xf32, #tpu.memory_space<vmem_shared>>
    tpu.wait_indirect_dma semaphore(%arg24 : memref<!tpu.dma_semaphore, #tpu.memory_space<semaphore_mem>>) src(%arg12 : memref<80x64xf32, #tpu.memory_space<vmem>>) dst(%dma_wait3A_125 : memref<10240x64xf32, #tpu.memory_space<vmem_shared>>)
    %barrier3A_126 = arith.constant 0 : index
    tpu.barrier barrier_id(%barrier3A_126)
    "tpu.region"() ({
      %run_scoped3A = tpu.sem_alloc : memref<!tpu.dma_semaphore, #tpu.memory_space<semaphore_mem>>
      %dma_start3A_127 = arith.constant 0 : i32
      %dma_start3A_128 = tpu.memref_slice %arg5[%arg0, %mul3A_0, %dma_start3A_127] : memref<2x10240x64xf32, #tpu.memory_space<hbm>> -> memref<1x640x64xf32, #tpu.memory_space<hbm>>
      %dma_start3A_129 = tpu.memref_squeeze %dma_start3A_128 : memref<1x640x64xf32, #tpu.memory_space<hbm>> -> memref<640x64xf32, #tpu.memory_space<hbm>>
      %dma_start3A_130 = arith.constant 0 : i32
      %dma_start3A_131 = tpu.memref_slice %arg14[%mul3A_0, %dma_start3A_130] : memref<10240x64xf32, #tpu.memory_space<vmem_shared>> -> memref<640x64xf32, #tpu.memory_space<vmem_shared>>
      tpu.enqueue_dma source(%dma_start3A_131 : memref<640x64xf32, #tpu.memory_space<vmem_shared>>) target(%dma_start3A_129 : memref<640x64xf32, #tpu.memory_space<hbm>>) target_semaphore(%run_scoped3A : memref<!tpu.dma_semaphore, #tpu.memory_space<semaphore_mem>>)
      %dma_wait3A_132 = arith.constant 0 : i32
      %dma_wait3A_133 = tpu.memref_slice %arg5[%arg0, %mul3A_0, %dma_wait3A_132] : memref<2x10240x64xf32, #tpu.memory_space<hbm>> -> memref<1x640x64xf32, #tpu.memory_space<hbm>>
      %dma_wait3A_134 = tpu.memref_squeeze %dma_wait3A_133 : memref<1x640x64xf32, #tpu.memory_space<hbm>> -> memref<640x64xf32, #tpu.memory_space<hbm>>
      %dma_wait3A_135 = arith.constant 0 : i32
      %dma_wait3A_136 = tpu.memref_slice %arg14[%mul3A_0, %dma_wait3A_135] : memref<10240x64xf32, #tpu.memory_space<vmem_shared>> -> memref<640x64xf32, #tpu.memory_space<vmem_shared>>
      tpu.wait_dma2 semaphore(%run_scoped3A : memref<!tpu.dma_semaphore, #tpu.memory_space<semaphore_mem>>) src(%dma_wait3A_136 : memref<640x64xf32, #tpu.memory_space<vmem_shared>>) dst(%dma_wait3A_134 : memref<640x64xf32, #tpu.memory_space<hbm>>)
      tpu.yield
    }) : () -> ()
    return
  }
}

module attributes {stable_mosaic.version = 14 : i64} {
  func.func @_tc_body1(%arg0: i32, %arg1: memref<2000x128xf32, #tpu.memory_space<vmem>>, %arg2: memref<2000x64xf32, #tpu.memory_space<vmem>>, %arg3: memref<2000x64xf32, #tpu.memory_space<vmem>>, %arg4: memref<2x2000x1xf32, #tpu.memory_space<vmem>>, %arg5: memref<128x128xf32, #tpu.memory_space<vmem>>, %arg6: memref<128x128xf32, #tpu.memory_space<vmem>>, %arg7: memref<1x128xf32, #tpu.memory_space<vmem>>, %arg8: memref<2x2000x64xf32, #tpu.memory_space<vmem>>) attributes {dimension_semantics = [#tpu.dimension_semantics<arbitrary>], iteration_bounds = array<i64: 5>, scalar_prefetch = 0 : i64, scratch_operands = 0 : i64, tpu.core_type = #tpu.core_type<tc>, window_params = [{transform_indices = @transform_0, window_bounds = array<i64: 2000, 128>}, {transform_indices = @transform_1, window_bounds = array<i64: 2000, 64>}, {transform_indices = @transform_2, window_bounds = array<i64: 2000, 64>}, {transform_indices = @transform_3, window_bounds = array<i64: 2, 2000, 1>}, {pipeline_mode = #tpu.pipeline_mode<synchronous>, transform_indices = @transform_4, window_bounds = array<i64: 128, 128>}, {pipeline_mode = #tpu.pipeline_mode<synchronous>, transform_indices = @transform_5, window_bounds = array<i64: 128, 128>}, {pipeline_mode = #tpu.pipeline_mode<synchronous>, transform_indices = @transform_6, window_bounds = array<i64: 1, 128>}, {transform_indices = @transform_7, window_bounds = array<i64: 2, 2000, 64>}]} {
    %get3A = arith.constant 0 : index
    %get3A_0 = arith.constant 0 : index
    %get3A_1 = vector.load %arg1[%get3A, %get3A_0] : memref<2000x128xf32, #tpu.memory_space<vmem>>, vector<2000x128xf32>
    %get3A_2 = arith.constant 0 : index
    %get3A_3 = arith.constant 0 : index
    %get3A_4 = vector.load %arg2[%get3A_2, %get3A_3] : memref<2000x64xf32, #tpu.memory_space<vmem>>, vector<2000x64xf32>
    %get3A_5 = arith.constant 0 : index
    %get3A_6 = arith.constant 0 : index
    %get3A_7 = vector.load %arg3[%get3A_5, %get3A_6] : memref<2000x64xf32, #tpu.memory_space<vmem>>, vector<2000x64xf32>
    %concatenate3A = tpu.concatenate %get3A_4, %get3A_7 in 1 : vector<2000x64xf32>, vector<2000x64xf32> -> vector<2000x128xf32>
    %get3A_8 = arith.constant 0 : index
    %get3A_9 = arith.constant 0 : index
    %get3A_10 = arith.constant 0 : index
    %get3A_11 = vector.load %arg4[%get3A_8, %get3A_9, %get3A_10] : memref<2x2000x1xf32, #tpu.memory_space<vmem>>, vector<1x2000x1xf32>
    %get3A_12 = vector.shape_cast %get3A_11 : vector<1x2000x1xf32> to vector<2000x1xf32>
    %get3A_13 = arith.constant 1 : index
    %get3A_14 = arith.constant 0 : index
    %get3A_15 = arith.constant 0 : index
    %get3A_16 = vector.load %arg4[%get3A_13, %get3A_14, %get3A_15] : memref<2x2000x1xf32, #tpu.memory_space<vmem>>, vector<1x2000x1xf32>
    %get3A_17 = vector.shape_cast %get3A_16 : vector<1x2000x1xf32> to vector<2000x1xf32>
    %add3A = arith.addf %get3A_12, %get3A_17 : vector<2000x1xf32>
    %max3A = arith.constant 1.000000e+00 : f32
    %max3A_18 = vector.broadcast %max3A : f32 to vector<2000x1xf32>
    %max3A_19 = arith.maximumf %add3A, %max3A_18 : vector<2000x1xf32>
    %div3A = vector.broadcast %max3A_19 : vector<2000x1xf32> to vector<2000x128xf32>
    %div3A_20 = arith.divf %concatenate3A, %div3A : vector<2000x128xf32>
    %get3A_21 = arith.constant 0 : index
    %get3A_22 = arith.constant 0 : index
    %get3A_23 = vector.load %arg5[%get3A_21, %get3A_22] : memref<128x128xf32, #tpu.memory_space<vmem>>, vector<128x128xf32>
    %dot_general3A = arith.constant dense<0.000000e+00> : vector<2000x128xf32>
    %dot_general3A_24 = tpu.matmul %get3A_1, %get3A_23, %dot_general3A {dimension_numbers = #tpu.dot_dimension_numbers<[1], [0], [0], [1], [0, 0, 1, 1], [], []>, transpose_lhs_hint = false} : vector<2000x128xf32>, vector<128x128xf32>, vector<2000x128xf32> -> vector<2000x128xf32>
    %get3A_25 = arith.constant 0 : index
    %get3A_26 = arith.constant 0 : index
    %get3A_27 = vector.load %arg6[%get3A_25, %get3A_26] : memref<128x128xf32, #tpu.memory_space<vmem>>, vector<128x128xf32>
    %dot_general3A_28 = arith.constant dense<0.000000e+00> : vector<2000x128xf32>
    %dot_general3A_29 = tpu.matmul %div3A_20, %get3A_27, %dot_general3A_28 {dimension_numbers = #tpu.dot_dimension_numbers<[1], [0], [0], [1], [0, 0, 1, 1], [], []>, transpose_lhs_hint = false} : vector<2000x128xf32>, vector<128x128xf32>, vector<2000x128xf32> -> vector<2000x128xf32>
    %add3A_30 = arith.addf %dot_general3A_24, %dot_general3A_29 : vector<2000x128xf32>
    %get3A_31 = arith.constant 0 : index
    %get3A_32 = arith.constant 0 : index
    %get3A_33 = vector.load %arg7[%get3A_31, %get3A_32] : memref<1x128xf32, #tpu.memory_space<vmem>>, vector<1x128xf32>
    %add3A_34 = vector.broadcast %get3A_33 : vector<1x128xf32> to vector<2000x128xf32>
    %add3A_35 = arith.addf %add3A_30, %add3A_34 : vector<2000x128xf32>
    %max3A_36 = arith.constant 0.000000e+00 : f32
    %max3A_37 = vector.broadcast %max3A_36 : f32 to vector<2000x128xf32>
    %max3A_38 = arith.maximumf %add3A_35, %max3A_37 : vector<2000x128xf32>
    %slice3A = vector.extract_strided_slice %max3A_38 {offsets = [0, 0], sizes = [2000, 64], strides = [1, 1]} : vector<2000x128xf32> to vector<2000x64xf32>
    %swap3A = arith.constant 0 : index
    %swap3A_39 = arith.constant 0 : index
    %swap3A_40 = arith.constant 0 : index
    %swap3A_41 = vector.load %arg8[%swap3A, %swap3A_39, %swap3A_40] : memref<2x2000x64xf32, #tpu.memory_space<vmem>>, vector<1x2000x64xf32>
    %swap3A_42 = vector.shape_cast %swap3A_41 : vector<1x2000x64xf32> to vector<2000x64xf32>
    %swap3A_43 = vector.shape_cast %slice3A : vector<2000x64xf32> to vector<1x2000x64xf32>
    tpu.vector_store %arg8[%swap3A, %swap3A_39, %swap3A_40], %swap3A_43 {strides = array<i32>} : memref<2x2000x64xf32, #tpu.memory_space<vmem>>, vector<1x2000x64xf32>,
    %slice3A_44 = vector.extract_strided_slice %max3A_38 {offsets = [0, 64], sizes = [2000, 64], strides = [1, 1]} : vector<2000x128xf32> to vector<2000x64xf32>
    %swap3A_45 = arith.constant 1 : index
    %swap3A_46 = arith.constant 0 : index
    %swap3A_47 = arith.constant 0 : index
    %swap3A_48 = vector.load %arg8[%swap3A_45, %swap3A_46, %swap3A_47] : memref<2x2000x64xf32, #tpu.memory_space<vmem>>, vector<1x2000x64xf32>
    %swap3A_49 = vector.shape_cast %swap3A_48 : vector<1x2000x64xf32> to vector<2000x64xf32>
    %swap3A_50 = vector.shape_cast %slice3A_44 : vector<2000x64xf32> to vector<1x2000x64xf32>
    tpu.vector_store %arg8[%swap3A_45, %swap3A_46, %swap3A_47], %swap3A_50 {strides = array<i32>} : memref<2x2000x64xf32, #tpu.memory_space<vmem>>, vector<1x2000x64xf32>,
    return
  }
  func.func @transform_0(%arg0: i32) -> (i32, i32) {
    %c0_i32 = arith.constant 0 : i32
    %c0_i32_0 = arith.constant 0 : i32
    return %arg0, %c0_i32 : i32, i32
  }
  func.func @transform_1(%arg0: i32) -> (i32, i32) {
    %c0_i32 = arith.constant 0 : i32
    %c0_i32_0 = arith.constant 0 : i32
    return %arg0, %c0_i32 : i32, i32
  }
  func.func @transform_2(%arg0: i32) -> (i32, i32) {
    %c0_i32 = arith.constant 0 : i32
    %c0_i32_0 = arith.constant 0 : i32
    return %arg0, %c0_i32 : i32, i32
  }
  func.func @transform_3(%arg0: i32) -> (i32, i32, i32) {
    %c0_i32 = arith.constant 0 : i32
    %c0_i32_0 = arith.constant 0 : i32
    %c0_i32_1 = arith.constant 0 : i32
    return %c0_i32, %arg0, %c0_i32_0 : i32, i32, i32
  }
  func.func @transform_4(%arg0: i32) -> (i32, i32) {
    %c0_i32 = arith.constant 0 : i32
    %c0_i32_0 = arith.constant 0 : i32
    %c0_i32_1 = arith.constant 0 : i32
    return %c0_i32, %c0_i32_0 : i32, i32
  }
  func.func @transform_5(%arg0: i32) -> (i32, i32) {
    %c0_i32 = arith.constant 0 : i32
    %c0_i32_0 = arith.constant 0 : i32
    %c0_i32_1 = arith.constant 0 : i32
    return %c0_i32, %c0_i32_0 : i32, i32
  }
  func.func @transform_6(%arg0: i32) -> (i32, i32) {
    %c0_i32 = arith.constant 0 : i32
    %c0_i32_0 = arith.constant 0 : i32
    %c0_i32_1 = arith.constant 0 : i32
    return %c0_i32, %c0_i32_0 : i32, i32
  }
  func.func @transform_7(%arg0: i32) -> (i32, i32, i32) {
    %c0_i32 = arith.constant 0 : i32
    %c0_i32_0 = arith.constant 0 : i32
    %c0_i32_1 = arith.constant 0 : i32
    return %c0_i32, %arg0, %c0_i32_0 : i32, i32, i32
  }
}

module attributes {stable_mosaic.version = 14 : i64} {
  func.func @_tc_body2(%arg0: i32, %arg1: memref<2x2000x64xf32, #tpu.memory_space<vmem>>, %arg2: memref<2000x64xf32, #tpu.memory_space<vmem>>, %arg3: memref<2000x64xf32, #tpu.memory_space<vmem>>, %arg4: memref<2x2000x1xf32, #tpu.memory_space<vmem>>, %arg5: memref<128x128xf32, #tpu.memory_space<vmem>>, %arg6: memref<128x128xf32, #tpu.memory_space<vmem>>, %arg7: memref<1x128xf32, #tpu.memory_space<vmem>>, %arg8: memref<2000x128xf32, #tpu.memory_space<vmem>>) attributes {dimension_semantics = [#tpu.dimension_semantics<arbitrary>], iteration_bounds = array<i64: 5>, scalar_prefetch = 0 : i64, scratch_operands = 0 : i64, tpu.core_type = #tpu.core_type<tc>, window_params = [{transform_indices = @transform_0, window_bounds = array<i64: 2, 2000, 64>}, {transform_indices = @transform_1, window_bounds = array<i64: 2000, 64>}, {transform_indices = @transform_2, window_bounds = array<i64: 2000, 64>}, {transform_indices = @transform_3, window_bounds = array<i64: 2, 2000, 1>}, {pipeline_mode = #tpu.pipeline_mode<synchronous>, transform_indices = @transform_4, window_bounds = array<i64: 128, 128>}, {pipeline_mode = #tpu.pipeline_mode<synchronous>, transform_indices = @transform_5, window_bounds = array<i64: 128, 128>}, {pipeline_mode = #tpu.pipeline_mode<synchronous>, transform_indices = @transform_6, window_bounds = array<i64: 1, 128>}, {transform_indices = @transform_7, window_bounds = array<i64: 2000, 128>}]} {
    %get3A = arith.constant 0 : index
    %get3A_0 = arith.constant 0 : index
    %get3A_1 = arith.constant 0 : index
    %get3A_2 = vector.load %arg1[%get3A, %get3A_0, %get3A_1] : memref<2x2000x64xf32, #tpu.memory_space<vmem>>, vector<1x2000x64xf32>
    %get3A_3 = vector.shape_cast %get3A_2 : vector<1x2000x64xf32> to vector<2000x64xf32>
    %get3A_4 = arith.constant 1 : index
    %get3A_5 = arith.constant 0 : index
    %get3A_6 = arith.constant 0 : index
    %get3A_7 = vector.load %arg1[%get3A_4, %get3A_5, %get3A_6] : memref<2x2000x64xf32, #tpu.memory_space<vmem>>, vector<1x2000x64xf32>
    %get3A_8 = vector.shape_cast %get3A_7 : vector<1x2000x64xf32> to vector<2000x64xf32>
    %concatenate3A = tpu.concatenate %get3A_3, %get3A_8 in 1 : vector<2000x64xf32>, vector<2000x64xf32> -> vector<2000x128xf32>
    %get3A_9 = arith.constant 0 : index
    %get3A_10 = arith.constant 0 : index
    %get3A_11 = vector.load %arg2[%get3A_9, %get3A_10] : memref<2000x64xf32, #tpu.memory_space<vmem>>, vector<2000x64xf32>
    %get3A_12 = arith.constant 0 : index
    %get3A_13 = arith.constant 0 : index
    %get3A_14 = vector.load %arg3[%get3A_12, %get3A_13] : memref<2000x64xf32, #tpu.memory_space<vmem>>, vector<2000x64xf32>
    %concatenate3A_15 = tpu.concatenate %get3A_11, %get3A_14 in 1 : vector<2000x64xf32>, vector<2000x64xf32> -> vector<2000x128xf32>
    %get3A_16 = arith.constant 0 : index
    %get3A_17 = arith.constant 0 : index
    %get3A_18 = arith.constant 0 : index
    %get3A_19 = vector.load %arg4[%get3A_16, %get3A_17, %get3A_18] : memref<2x2000x1xf32, #tpu.memory_space<vmem>>, vector<1x2000x1xf32>
    %get3A_20 = vector.shape_cast %get3A_19 : vector<1x2000x1xf32> to vector<2000x1xf32>
    %get3A_21 = arith.constant 1 : index
    %get3A_22 = arith.constant 0 : index
    %get3A_23 = arith.constant 0 : index
    %get3A_24 = vector.load %arg4[%get3A_21, %get3A_22, %get3A_23] : memref<2x2000x1xf32, #tpu.memory_space<vmem>>, vector<1x2000x1xf32>
    %get3A_25 = vector.shape_cast %get3A_24 : vector<1x2000x1xf32> to vector<2000x1xf32>
    %add3A = arith.addf %get3A_20, %get3A_25 : vector<2000x1xf32>
    %max3A = arith.constant 1.000000e+00 : f32
    %max3A_26 = vector.broadcast %max3A : f32 to vector<2000x1xf32>
    %max3A_27 = arith.maximumf %add3A, %max3A_26 : vector<2000x1xf32>
    %div3A = vector.broadcast %max3A_27 : vector<2000x1xf32> to vector<2000x128xf32>
    %div3A_28 = arith.divf %concatenate3A_15, %div3A : vector<2000x128xf32>
    %get3A_29 = arith.constant 0 : index
    %get3A_30 = arith.constant 0 : index
    %get3A_31 = vector.load %arg5[%get3A_29, %get3A_30] : memref<128x128xf32, #tpu.memory_space<vmem>>, vector<128x128xf32>
    %dot_general3A = arith.constant dense<0.000000e+00> : vector<2000x128xf32>
    %dot_general3A_32 = tpu.matmul %concatenate3A, %get3A_31, %dot_general3A {dimension_numbers = #tpu.dot_dimension_numbers<[1], [0], [0], [1], [0, 0, 1, 1], [], []>, transpose_lhs_hint = false} : vector<2000x128xf32>, vector<128x128xf32>, vector<2000x128xf32> -> vector<2000x128xf32>
    %get3A_33 = arith.constant 0 : index
    %get3A_34 = arith.constant 0 : index
    %get3A_35 = vector.load %arg6[%get3A_33, %get3A_34] : memref<128x128xf32, #tpu.memory_space<vmem>>, vector<128x128xf32>
    %dot_general3A_36 = arith.constant dense<0.000000e+00> : vector<2000x128xf32>
    %dot_general3A_37 = tpu.matmul %div3A_28, %get3A_35, %dot_general3A_36 {dimension_numbers = #tpu.dot_dimension_numbers<[1], [0], [0], [1], [0, 0, 1, 1], [], []>, transpose_lhs_hint = false} : vector<2000x128xf32>, vector<128x128xf32>, vector<2000x128xf32> -> vector<2000x128xf32>
    %add3A_38 = arith.addf %dot_general3A_32, %dot_general3A_37 : vector<2000x128xf32>
    %get3A_39 = arith.constant 0 : index
    %get3A_40 = arith.constant 0 : index
    %get3A_41 = vector.load %arg7[%get3A_39, %get3A_40] : memref<1x128xf32, #tpu.memory_space<vmem>>, vector<1x128xf32>
    %add3A_42 = vector.broadcast %get3A_41 : vector<1x128xf32> to vector<2000x128xf32>
    %add3A_43 = arith.addf %add3A_38, %add3A_42 : vector<2000x128xf32>
    %swap3A = arith.constant 0 : index
    %swap3A_44 = arith.constant 0 : index
    %swap3A_45 = vector.load %arg8[%swap3A, %swap3A_44] : memref<2000x128xf32, #tpu.memory_space<vmem>>, vector<2000x128xf32>
    tpu.vector_store %arg8[%swap3A, %swap3A_44], %add3A_43 {strides = array<i32>} : memref<2000x128xf32, #tpu.memory_space<vmem>>, vector<2000x128xf32>,
    return
  }
  func.func @transform_0(%arg0: i32) -> (i32, i32, i32) {
    %c0_i32 = arith.constant 0 : i32
    %c0_i32_0 = arith.constant 0 : i32
    %c0_i32_1 = arith.constant 0 : i32
    return %c0_i32, %arg0, %c0_i32_0 : i32, i32, i32
  }
  func.func @transform_1(%arg0: i32) -> (i32, i32) {
    %c0_i32 = arith.constant 0 : i32
    %c0_i32_0 = arith.constant 0 : i32
    return %arg0, %c0_i32 : i32, i32
  }
  func.func @transform_2(%arg0: i32) -> (i32, i32) {
    %c0_i32 = arith.constant 0 : i32
    %c0_i32_0 = arith.constant 0 : i32
    return %arg0, %c0_i32 : i32, i32
  }
  func.func @transform_3(%arg0: i32) -> (i32, i32, i32) {
    %c0_i32 = arith.constant 0 : i32
    %c0_i32_0 = arith.constant 0 : i32
    %c0_i32_1 = arith.constant 0 : i32
    return %c0_i32, %arg0, %c0_i32_0 : i32, i32, i32
  }
  func.func @transform_4(%arg0: i32) -> (i32, i32) {
    %c0_i32 = arith.constant 0 : i32
    %c0_i32_0 = arith.constant 0 : i32
    %c0_i32_1 = arith.constant 0 : i32
    return %c0_i32, %c0_i32_0 : i32, i32
  }
  func.func @transform_5(%arg0: i32) -> (i32, i32) {
    %c0_i32 = arith.constant 0 : i32
    %c0_i32_0 = arith.constant 0 : i32
    %c0_i32_1 = arith.constant 0 : i32
    return %c0_i32, %c0_i32_0 : i32, i32
  }
  func.func @transform_6(%arg0: i32) -> (i32, i32) {
    %c0_i32 = arith.constant 0 : i32
    %c0_i32_0 = arith.constant 0 : i32
    %c0_i32_1 = arith.constant 0 : i32
    return %c0_i32, %c0_i32_0 : i32, i32
  }
  func.func @transform_7(%arg0: i32) -> (i32, i32) {
    %c0_i32 = arith.constant 0 : i32
    %c0_i32_0 = arith.constant 0 : i32
    return %arg0, %c0_i32 : i32, i32
  }
}

</mosaic_0001>

<sc_bundles>
// kernel: kernel.6.cloned.1.call-start
scs
__scs_entry_jumppad:
0x0: {  	(pc) =	sbr.rel $0x88, $3  }
0x1: {  	(tag) =	ssettag $0x0;
	lr =	simm.s32 $0x1  }
0x2: {  	[smem:$0x3F99] =	sst lr;
	_ =	strace $0xD0000000  }
0x3: {  	_ = 	snop  }
0x4: {  	_ = 	snop  }
0x5: {  	_ = 	snop  }
0x6: {  	_ = 	snop  }
0x7: {  	_ = 	snop  }
__scs_overlays_trampoline_lowered:
0x8: {  	[smem:$0x3FA8] =	sst s0  }
0x9: {  	[smem:$0x3FA9] =	sst s1  }
0xa: {  	[smem:$0x3FAA] =	sst s2  }
0xb: {  	[smem:$0x3FAB] =	sst s3  }
0xc: {  	[smem:$0x3FAC] =	sst s4  }
0xd: {  	[smem:$0x3FAD] =	sst s5  }
0xe: {  	[smem:$0x3FAE] =	sst s6  }
0xf: {  	[smem:$0x3FAF] =	sst s7  }
0x10: {  	[smem:$0x3FB0] =	sst s8  }
0x11: {  	[smem:$0x3FB1] =	sst s9;
	s0 =	simm.s32 @!p0 $0x0  }
0x12: {  	s1 =	sld [smem:$0x3F97];
	s0 =	simm.s32 @p0 $0x1  }
0x13: {  	[smem:$0x3FB2] =	sst s0;
	s0 =	simm.s32 @!p1 $0x0  }
0x14: {  	s2 =	sld [smem:$0x3F96];
	s0 =	simm.s32 @p1 $0x1  }
0x15: {  	[smem:$0x3FB3] =	sst s0;
	s0 =	simm.s32 @!p2 $0x0  }
0x16: {  	s3 =	sld [smem:$0x3FDB];
	s0 =	simm.s32 @p2 $0x1  }
0x17: {  	s4 =	simm.s32 $0x1BF5;
	[smem:$0x3FB5] =	sst s0  }
0x18: {  	s0 =	sld [smem:$0x3F98];
	_ =	swait.ge [sflag:s4], $0x0  }
0x19: {  	s7 =	sld [smem:$0x3F99]  }
0x1a: {  	s8 =	sadd.s32 $0xFFFFE003, lr  }
0x1b: {  	s9 =	sadd.s32 $0xFFFFFEF7, lr;
	s5 =	simm.s32 $0xFFFFFFFF;
	p2 =	slt.u32 s8, $0xFFFFF086  }
0x1c: {  	p1 =	slt.u32 s9, $0xF7A;
	s5 =	simm.s32 @!p2 $0x0  }
0x1d: {  	s5 =	simm.s32 @p1 $0x1;
	p0 =	seq.s32 s7, s2  }
0x1e: {  	s7 =	smul.u32 @!p0 $0xF7A, s2;
	p2 =	seq.s32 @!p0 s5, $0x0  }
0x1f: {  	s9 =	smul.u32 $0xF7A, s1;
	s8 =	simm.s32 @!p0 $0x1BF5;
	p2 =	por !p2, p0  }
0x20: {  	[sflag:s8] =	ssyncset.s32 @!p0 $0xFFFFF086;
	s6 =	sadd.s32 @!p0 s3, s7;
	s7 =	simm.s32 @!p0 $0x108  }
0x21: {  	s3 =	sadd.s32 s3, s9;
	s6 =	sadd.s32 @!p0 $0x88, s6;
	s7 =	simm.s32 @p2 $0x1082  }
0x22: {  	[simem:s7], [sflag:s8] =	dma.local @!p0 [hbm:s6], $0xF7A  }
0x23: {  	s9 =	sor.u32 $0xD0000000, s2;
	s6 =	simm.s32 $0x108;
	_ =	swait.ge @!p0 [sflag:s8], $0x0  }
0x24: {  	s3 =	sadd.s32 $0x88, s3;
	s6 =	simm.s32 @!p1 $0x1082;
	[sflag:s4] =	ssyncset.s32 $0xFFFFF086  }
0x25: {  	[simem:s6], [sflag:s4] =	dma.local [hbm:s3], $0xF7A  }
0x26: {  	[smem:$0x3F99] =	sst s1;
	(tag) =	ssettag s2;
	_ =	strace s9  }
0x27: {  	s1 =	sld [smem:$0x3FA9]  }
0x28: {  	s2 =	sld [smem:$0x3FAA]  }
0x29: {  	s4 =	sld [smem:$0x3FAC]  }
0x2a: {  	p0 =	seq.s32 s5, $0x0;
	s5 =	sld [smem:$0x3FAD]  }
0x2b: {  	s6 =	sld [smem:$0x3FAE]  }
0x2c: {  	s7 =	sld [smem:$0x3FAF]  }
0x2d: {  	s3 =	simm.s32 $0x108;
	s8 =	sld [smem:$0x3FB0]  }
0x2e: {  	s3 =	simm.s32 @!p0 $0x1082;
	s9 =	sld [smem:$0x3FB1]  }
0x2f: {  	lr =	sadd.s32 s0, s3;
	s0 =	sld [smem:$0x3FA8]  }
0x30: {  	s3 =	sld [smem:$0x3FAB]  }
0x31: {  	[smem:$0x3FB4] =	sst s10  }
0x32: {  	s10 =	sld [smem:$0x3FB2];
	_ =	sdelay $0x3  }
0x33: {  	p0 =	seq.s32 s10, $0x1;
	s10 =	sld [smem:$0x3FB4];
	_ =	sdelay $0x3  }
0x34: {  	[smem:$0x3FB4] =	sst s10  }
0x35: {  	s10 =	sld [smem:$0x3FB3];
	_ =	sdelay $0x3  }
0x36: {  	p1 =	seq.s32 s10, $0x1;
	s10 =	sld [smem:$0x3FB4];
	_ =	sdelay $0x3  }
0x37: {  	[smem:$0x3FB4] =	sst s10  }
0x38: {  	s10 =	sld [smem:$0x3FB5]  }
0x39: {  	_ = 	snop;
	(pc) =	sbr.ind lr, $3  }
0x3a: {  	_ = 	snop  }
0x3b: {  	_ = 	snop  }
0x3c: {  	p2 =	seq.s32 s10, $0x1;
	s10 =	sld [smem:$0x3FB4]  }
0x3d: {  	_ =	shalt  }
0x3e: {  	_ =	shalt  }
0x3f: {  	_ =	shalt  }
0x40: {  	_ =	shalt  }
0x41: {  	_ =	shalt  }
0x42: {  	_ =	shalt  }
0x43: {  	_ =	shalt  }
0x44: {  	_ =	shalt  }
0x45: {  	_ =	shalt  }
0x46: {  	_ =	shalt  }
0x47: {  	_ =	shalt  }
0x48: {  	_ =	shalt  }
0x49: {  	_ =	shalt  }
0x4a: {  	_ =	shalt  }
0x4b: {  	_ =	shalt  }
0x4c: {  	_ =	shalt  }
0x4d: {  	_ =	shalt  }
0x4e: {  	_ =	shalt  }
0x4f: {  	_ =	shalt  }
0x50: {  	_ =	shalt  }
0x51: {  	_ =	shalt  }
0x52: {  	_ =	shalt  }
0x53: {  	_ =	shalt  }
0x54: {  	_ =	shalt  }
0x55: {  	_ =	shalt  }
0x56: {  	_ =	shalt  }
0x57: {  	_ =	shalt  }
0x58: {  	_ =	shalt  }
0x59: {  	_ =	shalt  }
0x5a: {  	_ =	shalt  }
0x5b: {  	_ =	shalt  }
0x5c: {  	_ =	shalt  }
0x5d: {  	_ =	shalt  }
0x5e: {  	_ =	shalt  }
0x5f: {  	_ =	shalt  }
0x60: {  	_ =	shalt  }
0x61: {  	_ =	shalt  }
0x62: {  	_ =	shalt  }
0x63: {  	_ =	shalt  }
0x64: {  	_ =	shalt  }
0x65: {  	_ =	shalt  }
0x66: {  	_ =	shalt  }
0x67: {  	_ =	shalt  }
0x68: {  	_ =	shalt  }
0x69: {  	_ =	shalt  }
0x6a: {  	_ =	shalt  }
0x6b: {  	_ =	shalt  }
0x6c: {  	_ =	shalt  }
0x6d: {  	_ =	shalt  }
0x6e: {  	_ =	shalt  }
0x6f: {  	_ =	shalt  }
0x70: {  	_ =	shalt  }
0x71: {  	_ =	shalt  }
0x72: {  	_ =	shalt  }
0x73: {  	_ =	shalt  }
0x74: {  	_ =	shalt  }
0x75: {  	_ =	shalt  }
0x76: {  	_ =	shalt  }
0x77: {  	_ =	shalt  }
0x78: {  	_ =	shalt  }
0x79: {  	_ =	shalt  }
0x7a: {  	_ =	shalt  }
0x7b: {  	_ =	shalt  }
0x7c: {  	_ =	shalt  }
0x7d: {  	_ =	shalt  }
0x7e: {  	_ =	shalt  }
0x7f: {  	_ =	shalt  }
0x80: {  	_ =	shalt  }
0x81: {  	_ =	shalt  }
0x82: {  	_ =	shalt  }
0x83: {  	_ =	shalt  }
0x84: {  	_ =	shalt  }
0x85: {  	_ =	shalt  }
0x86: {  	_ =	shalt  }
0x87: {  	_ =	shalt  }
.Lfunc_end0:
.L_simem_size_0:
called_computation_lowered:
.L_overlay_start_0:
0x88: {  	s2 =	sld [smem:$0x3FD9]  }
0x89: {  	s3 =	sld [smem:$0x3FFE];
	_ =	sdelay $0x1  }
0x8a: {  	s1 =	srdreg.scid  }
0x8b: {  	s0 =	sand.u32 $0x1, s1  }
0x8c: {  	s17 =	sshll.u32 s0, $0xA;
	s2 =	sadd.s32 s3, s2  }
0x8d: {  	s2 =	sadd.s32 s2, s17  }
0x8e: {  	[smem:$0x3FC0] =	sst s2  }
0x8f: {  	_ = 	snop  }
0x90: {  	s2 =	sld [smem:$0x3FD0];
	(tm) =	ssettm $0x1  }
0x91: {  	s18 =	sld [smem:$0x3FFB];
	_ =	sdelay $0x3  }
0x92: {  	_ =	strace s18  }
0x93: {  	s3 =	sld [smem:$0x3FFC];
	_ =	sdelay $0x3  }
0x94: {  	_ =	strace s3  }
0x95: {  	s3 =	sld [smem:$0x3FFD];
	_ =	sdelay $0x3  }
0x96: {  	_ =	strace s3  }
0x97: {  	_ =	strace $0x8FFFFFFF  }
0x98: {  	s19 =	sld [smem:$0x3FDB];
	_ =	sdelay $0x1  }
0x99: {  	s4 =	simm.s32 $_scs_section_size  }
0x9a: {  	s5 =	simm.s32 $_size__tile_overlayer_lowered;
	s6 =	simm.s32 $_tile_overlayer_lowered  }
0x9b: {  	s22 =	simm.s32 $0x1BFF;
	s21 =	sshll.u32 s6, $0x1;
	s3 =	sadd.s32 s4, s19  }
0x9c: {  	s7 =	simm.s32 $0x0;
	s20 =	sshll.u32 s5, $0x1;
	s5 =	sadd.s32 s21, s3  }
0x9d: {  	[timem:s7], [sflag:s22] =	dma.local [hbm:s5], s20  }
0x9e: {  	_ =	swait.ge [sflag:s22], s20  }
0x9f: {  	s4 =	ssub.s32 $0x0, s20;
	[sflag:s22] =	ssyncset.done $0x0  }
0xa0: {  	[sflag:s22] =	ssyncadd.s32 s4;
	_ =	sdelay $0x1  }
0xa1: {  	s23 =	simm.s32 $0x1B8B  }
0xa2: {  	_ =	swait.ge [sflag:s23], $0x1  }
0xa3: {  	[sflag:s23] =	ssyncset.done $0x0  }
0xa4: {  	s25 =	simm.s32 $0x1B8E;
	s24 =	sld [smem:$0x3FFE];
	[sflag:s23] =	ssyncadd.s32 $0xFFFFFFFF  }
0xa5: {  	s26 =	simm.s32 $execute0_lowered;
	[smem:$0x3FD2] =	sst s25  }
0xa6: {  	s5 =	sshll.u32 s26, $0x1;
	_ =	strace $0x80000046;
	[dreg:$0x1] =	wrdreg $0xFFFFFFFF  }
0xa7: {  	s28 =	simm.s32 $_size_execute0_lowered;
	s3 =	sadd.s32 s3, s5;
	[dreg:$0x0] =	wrdreg $0x0  }
0xa8: {  	s5 =	sshll.u32 s28, $0x1;
	[dreg:$0x2] =	wrdreg s3  }
0xa9: {  	[dreg:$0x3] =	wrdreg s5  }
0xaa: {  	[dreg:$0x4] =	wrdreg $0xC0  }
0xab: {  	_ =	task [dreg:s7], $0x5FFFF  }
0xac: {  	[dreg:$0x1] =	wrdreg $0xFFFFFFFF  }
0xad: {  	[dreg:$0x0] =	wrdreg $0x60  }
0xae: {  	[dreg:$0x2] =	wrdreg s2  }
0xaf: {  	[dreg:$0x3] =	wrdreg s24  }
0xb0: {  	[dreg:$0x4] =	wrdreg $0x135400  }
0xb1: {  	[dreg:$0x5] =	wrdreg $0x1D5400  }
0xb2: {  	[dreg:$0x6] =	wrdreg $0x9  }
0xb3: {  	_ =	task.clear_ibuf [dreg:s7], $0x7FFFF;
	_ =	strace $0x90000046  }
0xb4: {  	s29 =	simm.s32 $0x9;
	_ =	strace $0x80000048  }
0xb5: {  	_ =	swait.ge [sflag:s29], $0x1  }
0xb6: {  	[sflag:s29] =	ssyncadd.s32 $0xFFFFFFFF  }
0xb7: {  	_ =	strace $0x90000048  }
0xb8: {  	_ =	sfence  }
0xb9: {  	s30 =	sld [smem:$0x0];
	_ =	sdelay $0x2  }
0xba: {  	s31 =	sshll.u32 s1, $0xD;
	s1 =	sshrl.u32 s1, $0x2  }
0xbb: {  	s3 =	sand.u32 $0x4000, s31;
	s1 =	sadd.s32 s1, s30  }
0xbc: {  	s0 =	sor.u32 s3, s0;
	s1 =	sshll.u32 s1, $0x11  }
0xbd: {  	s0 =	sor.u32 s1, s0  }
0xbe: {  	s0 =	sadd.s32 $0x8F2B, s0  }
0xbf: {  	[sflag:s0] =	ssyncadd.remote.s32 $0x1  }
0xc0: {  	_ =	sfence.sel $0xFFFF  }
0xc1: {  	[dreg:$0x0] =	wrdreg $0xFFFFFFFF;
	(pc) =	sbr.abs _section_cstart, $3  }
0xc2: {  	[dreg:$0x1] =	wrdreg $0xFFFFFFFF  }
0xc3: {  	_ =	task.clear_ibuf [dreg:s7], $0x2FFFF;
	_ =	strace $0x9FFFFFFF  }
0xc4: {  	(tm) =	ssettm $0x7FFFFFFF  }
0xc5: {  	_ =	shalt  }
tec
execute0_lowered:
.L_overlay_start_1:
0x0: {  	(tag) =	ssettag $0x1  }
0x1: {  	s11 =	stileid.u32  }
0x2: {  	s3 =	smul.u32 $0x9C4, s11  }
0x3: {  	s1 =	rddreg [dreg:$0x0];
	s7 =	smul.u32 $0xA000, s11  }
0x4: {  	s0 =	rddreg [dreg:$0x1];
	s9 =	smul.u32 $0x280, s11  }
0x5: {  	s2 =	rddreg [dreg:$0x2];
	s11 =	smul.u32 $0x28000, s11  }
0x6: {  	s5 =	srdreg.scid;
	s4 =	rddreg [dreg:$0x3];
	s6 =	simm.s32 $0x0  }
0x7: {  	s5 =	sand.u32 $0x1, s5;
	[smem:$0x7FF] =	sst s6;
	s11 =	sshrl.u32 s11, $0x2  }
0x8: {  	s8 =	smul.u32 $0xA0000, s5;
	_ =	strace $0x80000047;
	s11 =	sadd.s32 s11, s2  }
0x9: {  	s10 =	smul.u32 $0x2800, s5;
	s12 =	ssub.s32 $0x2, s5;
	s25 =	sadd.s32 $0x800, s11  }
0xa: {  	s21 =	smul.u32 $0x2710, s5;
	s26 =	sadd.s32 $0x1000, s11;
	[dreg:$0x5] =	wrdreg s25  }
0xb: {  	s3 =	sadd.s32 s3, s0;
	s29 =	sadd.s32 $0x1800, s11;
	[dreg:$0x6] =	wrdreg s26  }
0xc: {  	s13 =	sshrl.u32 s12, $0x1;
	s30 =	sadd.s32 $0x2000, s11;
	[dreg:$0x7] =	wrdreg s29  }
0xd: {  	s28 =	sadd.s32 s9, s4;
	s31 =	sadd.s32 $0x2800, s11;
	[dreg:$0x8] =	wrdreg s30  }
0xe: {  	s8 =	sadd.s32 s7, s8;
	s14 =	sadd.s32 $0x3800, s11;
	[dreg:$0x9] =	wrdreg s31  }
0xf: {  	s10 =	sadd.s32 s9, s10;
	s15 =	sadd.s32 $0x4000, s11;
	[dreg:$0xb] =	wrdreg s14  }
0x10: {  	s7 =	sadd.s32 s7, s2;
	s16 =	sadd.s32 $0x4800, s11;
	[dreg:$0xc] =	wrdreg s15  }
0x11: {  	s9 =	simm.s32 $0xB;
	s17 =	sadd.s32 $0x5000, s11;
	[dreg:$0xd] =	wrdreg s16  }
0x12: {  	s8 =	sshrl.u32 s8, $0x3;
	s18 =	sadd.s32 $0x5800, s11;
	[dreg:$0xe] =	wrdreg s17  }
0x13: {  	s10 =	sshrl.u32 s10, $0x3;
	s19 =	sadd.s32 $0x6000, s11;
	[dreg:$0xf] =	wrdreg s18  }
0x14: {  	v2 =	vlaneseq.u32;
	s20 =	sadd.s32 $0x6800, s11;
	s22 =	sadd.s32 $0x7000, s11;
	[dreg:$0x10] =	wrdreg s19  }
0x15: {  	v1 =	vimm.f32 $0.0e+00;
	v3 =	vor.u32 $0x10, v2;
	s23 =	sadd.s32 $0x7800, s11;
	s24 =	sadd.s32 $0x8000, s11;
	[dreg:$0x11] =	wrdreg s20  }
0x16: {  	v4 =	vor.u32 $0x20, v2;
	v5 =	vor.u32 $0x30, v2;
	v6 =	vor.u32 $0x40, v2;
	s8 =	sadd.s32 s8, s0;
	s0 =	sadd.s32 s10, s0;
	[dreg:$0x12] =	wrdreg s22  }
0x17: {  	v7 =	vor.u32 $0x50, v2;
	v8 =	vor.u32 $0x60, v2;
	v9 =	vor.u32 $0x70, v2;
	s10 =	ssub.s32 s12, s13;
	s13 =	sadd.s32 $0x3000, s11;
	[dreg:$0x13] =	wrdreg s23  }
0x18: {  	v10 =	vor.u32 $0x80, v2;
	v11 =	vor.u32 $0x90, v2;
	v12 =	vor.u32 $0xA0, v2;
	[dreg:$0x14] =	wrdreg s24;
	s25 =	sadd.s32 $0x8800, s11;
	s26 =	sadd.s32 $0x9000, s11  }
0x19: {  	v13 =	vor.u32 $0xB0, v2;
	v14 =	vor.u32 $0xC0, v2;
	v15 =	vor.u32 $0xD0, v2;
	s11 =	sadd.s32 $0x9800, s11;
	s29 =	sadd.s32 $0xC400, s3;
	s3 =	sadd.s32 $0x2600, s3  }
0x1a: {  	v16 =	vor.u32 $0xE0, v2;
	v17 =	vor.u32 $0xF0, v2;
	v18 =	vor.u32 $0x100, v2;
	s12 =	simm.s32 $0xB040;
	s14 =	simm.s32 $0xD840;
	[dreg:$0xa] =	wrdreg s13  }
0x1b: {  	v19 =	vor.u32 $0x110, v2;
	v20 =	vor.u32 $0x120, v2;
	v21 =	vor.u32 $0x130, v2;
	s15 =	simm.s32 $0x1;
	s16 =	simm.s32 $0xEC40;
	[dreg:$0x15] =	wrdreg s25  }
0x1c: {  	v22 =	vor.u32 $0x140, v2;
	v23 =	vor.u32 $0x150, v2;
	v24 =	vor.u32 $0x160, v2;
	s17 =	simm.s32 $0x2;
	s18 =	simm.s32 $0x3;
	[dreg:$0x16] =	wrdreg s26  }
0x1d: {  	v25 =	vor.u32 $0x170, v2;
	v26 =	vor.u32 $0x180, v2;
	v27 =	vor.u32 $0x190, v2;
	s19 =	simm.s32 $0x4;
	s20 =	simm.s32 $0x5;
	[dreg:$0x17] =	wrdreg s11  }
.Ltmp0:
0x1e: {  	v28 =	vor.u32 $0x1A0, v2;
	v29 =	vor.u32 $0x1B0, v2;
	v30 =	vor.u32 $0x1C0, v2;
	s24 =	simm.s32 $0x9;
	[dreg:$0x18] =	wrdreg s29;
	(pc) =	sbr.rel .LBB2_1-.Ltmp0, $4  }
0x1f: {  	v31 =	vor.u32 $0x1D0, v2;
	v32 =	vor.u32 $0x1E0, v2;
	v33 =	vor.u32 $0x1F0, v2;
	[dreg:$0x19] =	wrdreg s3;
	s30 =	sadd.s32 $0x16200, s8;
	s0 =	sadd.s32 $0x3E200, s0  }
0x20: {  	v34 =	vor.u32 $0x200, v2;
	v35 =	vor.u32 $0x210, v2;
	v36 =	vor.u32 $0x220, v2;
	s31 =	smax.u32 s10, $0x1;
	s8 =	simm.s32 $0x10040;
	[dreg:$0x1a] =	wrdreg s30  }
0x21: {  	v37 =	vor.u32 $0x230, v2;
	v38 =	vor.u32 $0x240, v2;
	v39 =	vor.u32 $0x250, v2;
	s10 =	simm.s32 $0x50;
	s11 =	simm.s32 $0x9C40;
	[dreg:$0x1b] =	wrdreg s0  }
0x22: {  	v40 =	vor.u32 $0x260, v2;
	v41 =	vor.u32 $0x270, v2;
	v0 =	vmov s21;
	s13 =	simm.s32 $0xC440;
	s26 =	simm.s32 $0x80;
	[dreg:$0x1c] =	wrdreg s31  }
.LBB2_10:
0x23: {  	s0 =	simm.s32 $0x6  }
0x24: {  	_ =	swait.ge [sflag:s0], $0x1400  }
0x25: {  	[sflag:s0] =	ssyncset.done $0x0  }
0x26: {  	s30 =	simm.s32 $0x7;
	[sflag:s0] =	ssyncadd.s32 $0xFFFFEC00  }
0x27: {  	_ =	swait.ge [sflag:s30], $0x1400  }
0x28: {  	[sflag:s30] =	ssyncset.done $0x0  }
0x29: {  	s31 =	simm.s32 $0x8;
	[sflag:s30] =	ssyncadd.s32 $0xFFFFEC00  }
0x2a: {  	_ =	swait.ge [sflag:s31], $0x1400  }
0x2b: {  	[sflag:s31] =	ssyncset.done $0x0  }
0x2c: {  	[sflag:s31] =	ssyncadd.s32 $0xFFFFEC00  }
0x2d: {  	_ =	swait.ge [sflag:s24], $0x1400  }
0x2e: {  	[sflag:s24] =	ssyncset.done $0x0  }
0x2f: {  	s3 =	simm.s32 $0xA;
	[sflag:s24] =	ssyncadd.s32 $0xFFFFEC00  }
0x30: {  	_ =	swait.ge [sflag:s3], $0x1400  }
0x31: {  	[sflag:s3] =	ssyncset.done $0x0  }
0x32: {  	s21 =	simm.s32 $0x132C0;
	[sflag:s3] =	ssyncadd.s32 $0xFFFFEC00;
	s3 =	simm.s32 $0x10840  }
0x33: {  	[spmem:s4] =	stream.indirect.scatter.add.f32 [tilespmem:s3], [sflag:$0xB], $0x10, s21, s26, $0xb8;
	[tilespmem:$0x1D7C0] =	vst v63  }
0x34: {  	_ =	swait.ge [sflag:s9], $0x800  }
0x35: {  	[sflag:s9] =	ssyncset.done $0x0  }
0x36: {  	s22 =	simm.s32 $0x13340;
	s23 =	simm.s32 $0x11040;
	[sflag:s9] =	ssyncadd.s32 $0xFFFFF800  }
0x37: {  	[spmem:s4] =	stream.indirect.scatter.add.f32 [tilespmem:s23], [sflag:$0xB], $0x10, s22, s26, $0xb8;
	[tilespmem:$0x1D7C0] =	vst v63  }
0x38: {  	_ =	swait.ge [sflag:s9], $0x800  }
0x39: {  	[sflag:s9] =	ssyncset.done $0x0  }
0x3a: {  	s25 =	simm.s32 $0x133C0;
	s29 =	simm.s32 $0x11840;
	[sflag:s9] =	ssyncadd.s32 $0xFFFFF800  }
0x3b: {  	[spmem:s4] =	stream.indirect.scatter.add.f32 [tilespmem:s29], [sflag:$0xB], $0x10, s25, s26, $0xb8;
	[tilespmem:$0x1D7C0] =	vst v63  }
0x3c: {  	_ =	swait.ge [sflag:s9], $0x800  }
0x3d: {  	[sflag:s9] =	ssyncset.done $0x0  }
0x3e: {  	s30 =	simm.s32 $0x13440;
	s31 =	simm.s32 $0x12040;
	[sflag:s9] =	ssyncadd.s32 $0xFFFFF800  }
0x3f: {  	[spmem:s4] =	stream.indirect.scatter.add.f32 [tilespmem:s31], [sflag:$0xB], $0x10, s30, s26, $0xb8;
	[tilespmem:$0x1D7C0] =	vst v63  }
0x40: {  	_ =	swait.ge [sflag:s9], $0x800  }
0x41: {  	[sflag:s9] =	ssyncset.done $0x0  }
0x42: {  	s21 =	simm.s32 $0x134C0;
	s22 =	simm.s32 $0x12840;
	[sflag:s9] =	ssyncadd.s32 $0xFFFFF800  }
0x43: {  	[spmem:s4] =	stream.indirect.scatter.add.f32 [tilespmem:s22], [sflag:$0xB], $0x10, s21, s26, $0xb8;
	[tilespmem:$0x1D7C0] =	vst v63  }
0x44: {  	_ =	swait.ge [sflag:s9], $0x800  }
0x45: {  	[sflag:s9] =	ssyncset.done $0x0  }
0x46: {  	s23 =	stileid.u32;
	[sflag:s9] =	ssyncadd.s32 $0xFFFFF800  }
0x47: {  	s0 =	sshll.u32 s23, $0x6;
	[bflag:$0x0] =	sbarrier.arrive $0xFFFF  }
0x48: {  	s0 =	sor.u32 $0x1C0B, s0;
	s25 =	sshrl.u32 s7, $0x3;
	s21 =	rddreg [dreg:$0x1a]  }
0x49: {  	[hbm:s21], [sflag:s0] =	dma.local [spmem:s25], $0x1400  }
0x4a: {  	_ =	swait.ge [sflag:s9], $0x1400  }
0x4b: {  	[sflag:s9] =	ssyncset.done $0x0  }
0x4c: {  	s29 =	sshrl.u32 s28, $0x3;
	s30 =	rddreg [dreg:$0x1b];
	[sflag:s9] =	ssyncadd.s32 $0xFFFFEC00  }
0x4d: {  	[hbm:s30], [sflag:s0] =	dma.local [spmem:s29], $0x50  }
0x4e: {  	_ =	swait.ge [sflag:s9], $0x50  }
0x4f: {  	s6 =	sadd.s32 $0x1, s6;
	s31 =	rddreg [dreg:$0x1c]  }
0x50: {  	p0 =	sne.s32 s6, s31  }
.Ltmp1:
0x51: {  	_ = 	snop;
	(pc) =	sbr.rel @!p0 .LBB2_11-.Ltmp1, $3  }
0x52: {  	_ =	sdelay $0x1  }
0x53: {  	[sflag:s9] =	ssyncset.done $0x0  }
0x54: {  	[sflag:s9] =	ssyncadd.s32 $0xFFFFFFB0  }
.LBB2_1:
0x55: {  	s3 =	simm.s32 $0x100;
	s0 =	simm.s32 $0x0  }
.LBB2_2:
0x56: {  	p0 =	sne.s32 s3, $0x1F00;
	[tilespmem:s0+$0x10070] =	vst v1;
	s29 =	smov.u32 s3;
	s3 =	sadd.s32 $0x100, s3  }
.Ltmp2:
0x57: {  	[tilespmem:s0+$0x10060] =	vst v1;
	(pc) =	sbr.rel @p0 .LBB2_2-.Ltmp2, $3  }
0x58: {  	[tilespmem:s0+$0x10040] =	vst v1  }
0x59: {  	[tilespmem:s0+$0x10050] =	vst v1;
	_ =	sdelay $0x1  }
0x5a: {  	s0 =	sshra.s32 s29, $0x2  }
0x5b: {  	[tilespmem:s0+$0x10070] =	vst v1  }
0x5c: {  	[tilespmem:s0+$0x10060] =	vst v1  }
0x5d: {  	[tilespmem:s0+$0x10040] =	vst v1  }
0x5e: {  	[tilespmem:s0+$0x10050] =	vst v1  }
0x5f: {  	[spmem:s7] =	stream.linear.scatter [tilespmem:s8], [sflag:$0xB], $0x800, $0x38;
	[tilespmem:$0x1D7C0] =	vst v63  }
0x60: {  	_ =	swait.ge [sflag:s9], $0x800  }
0x61: {  	[sflag:s9] =	ssyncset.done $0x0  }
0x62: {  	s29 =	rddreg [dreg:$0x5];
	[sflag:s9] =	ssyncadd.s32 $0xFFFFF800  }
0x63: {  	[spmem:s29] =	stream.linear.scatter [tilespmem:s8], [sflag:$0xB], $0x800, $0x38;
	[tilespmem:$0x1D7C0] =	vst v63  }
0x64: {  	_ =	swait.ge [sflag:s9], $0x800  }
0x65: {  	[sflag:s9] =	ssyncset.done $0x0  }
0x66: {  	s30 =	rddreg [dreg:$0x6];
	[sflag:s9] =	ssyncadd.s32 $0xFFFFF800  }
0x67: {  	[spmem:s30] =	stream.linear.scatter [tilespmem:s8], [sflag:$0xB], $0x800, $0x38;
	[tilespmem:$0x1D7C0] =	vst v63  }
0x68: {  	_ =	swait.ge [sflag:s9], $0x800  }
0x69: {  	[sflag:s9] =	ssyncset.done $0x0  }
0x6a: {  	s31 =	rddreg [dreg:$0x7];
	[sflag:s9] =	ssyncadd.s32 $0xFFFFF800  }
0x6b: {  	[spmem:s31] =	stream.linear.scatter [tilespmem:s8], [sflag:$0xB], $0x800, $0x38;
	[tilespmem:$0x1D7C0] =	vst v63  }
0x6c: {  	_ =	swait.ge [sflag:s9], $0x800  }
0x6d: {  	[sflag:s9] =	ssyncset.done $0x0  }
0x6e: {  	s3 =	rddreg [dreg:$0x8];
	[sflag:s9] =	ssyncadd.s32 $0xFFFFF800  }
0x6f: {  	[spmem:s3] =	stream.linear.scatter [tilespmem:s8], [sflag:$0xB], $0x800, $0x38;
	[tilespmem:$0x1D7C0] =	vst v63  }
0x70: {  	_ =	swait.ge [sflag:s9], $0x800  }
0x71: {  	[sflag:s9] =	ssyncset.done $0x0  }
0x72: {  	s21 =	rddreg [dreg:$0x9];
	[sflag:s9] =	ssyncadd.s32 $0xFFFFF800  }
0x73: {  	[spmem:s21] =	stream.linear.scatter [tilespmem:s8], [sflag:$0xB], $0x800, $0x38;
	[tilespmem:$0x1D7C0] =	vst v63  }
0x74: {  	_ =	swait.ge [sflag:s9], $0x800  }
0x75: {  	[sflag:s9] =	ssyncset.done $0x0  }
0x76: {  	s22 =	rddreg [dreg:$0xa];
	[sflag:s9] =	ssyncadd.s32 $0xFFFFF800  }
0x77: {  	[spmem:s22] =	stream.linear.scatter [tilespmem:s8], [sflag:$0xB], $0x800, $0x38;
	[tilespmem:$0x1D7C0] =	vst v63  }
0x78: {  	_ =	swait.ge [sflag:s9], $0x800  }
0x79: {  	[sflag:s9] =	ssyncset.done $0x0  }
0x7a: {  	s23 =	rddreg [dreg:$0xb];
	[sflag:s9] =	ssyncadd.s32 $0xFFFFF800  }
0x7b: {  	[spmem:s23] =	stream.linear.scatter [tilespmem:s8], [sflag:$0xB], $0x800, $0x38;
	[tilespmem:$0x1D7C0] =	vst v63  }
0x7c: {  	_ =	swait.ge [sflag:s9], $0x800  }
0x7d: {  	[sflag:s9] =	ssyncset.done $0x0  }
0x7e: {  	s25 =	rddreg [dreg:$0xc];
	[sflag:s9] =	ssyncadd.s32 $0xFFFFF800  }
0x7f: {  	[spmem:s25] =	stream.linear.scatter [tilespmem:s8], [sflag:$0xB], $0x800, $0x38;
	[tilespmem:$0x1D7C0] =	vst v63  }
0x80: {  	_ =	swait.ge [sflag:s9], $0x800  }
0x81: {  	[sflag:s9] =	ssyncset.done $0x0  }
0x82: {  	s29 =	rddreg [dreg:$0xd];
	[sflag:s9] =	ssyncadd.s32 $0xFFFFF800  }
0x83: {  	[spmem:s29] =	stream.linear.scatter [tilespmem:s8], [sflag:$0xB], $0x800, $0x38;
	[tilespmem:$0x1D7C0] =	vst v63  }
0x84: {  	_ =	swait.ge [sflag:s9], $0x800  }
0x85: {  	[sflag:s9] =	ssyncset.done $0x0  }
0x86: {  	s30 =	rddreg [dreg:$0xe];
	[sflag:s9] =	ssyncadd.s32 $0xFFFFF800  }
0x87: {  	[spmem:s30] =	stream.linear.scatter [tilespmem:s8], [sflag:$0xB], $0x800, $0x38;
	[tilespmem:$0x1D7C0] =	vst v63  }
0x88: {  	_ =	swait.ge [sflag:s9], $0x800  }
0x89: {  	[sflag:s9] =	ssyncset.done $0x0  }
0x8a: {  	s31 =	rddreg [dreg:$0xf];
	[sflag:s9] =	ssyncadd.s32 $0xFFFFF800  }
0x8b: {  	[spmem:s31] =	stream.linear.scatter [tilespmem:s8], [sflag:$0xB], $0x800, $0x38;
	[tilespmem:$0x1D7C0] =	vst v63  }
0x8c: {  	_ =	swait.ge [sflag:s9], $0x800  }
0x8d: {  	[sflag:s9] =	ssyncset.done $0x0  }
0x8e: {  	s3 =	rddreg [dreg:$0x10];
	[sflag:s9] =	ssyncadd.s32 $0xFFFFF800  }
0x8f: {  	[spmem:s3] =	stream.linear.scatter [tilespmem:s8], [sflag:$0xB], $0x800, $0x38;
	[tilespmem:$0x1D7C0] =	vst v63  }
0x90: {  	_ =	swait.ge [sflag:s9], $0x800  }
0x91: {  	[sflag:s9] =	ssyncset.done $0x0  }
0x92: {  	s21 =	rddreg [dreg:$0x11];
	[sflag:s9] =	ssyncadd.s32 $0xFFFFF800  }
0x93: {  	[spmem:s21] =	stream.linear.scatter [tilespmem:s8], [sflag:$0xB], $0x800, $0x38;
	[tilespmem:$0x1D7C0] =	vst v63  }
0x94: {  	_ =	swait.ge [sflag:s9], $0x800  }
0x95: {  	[sflag:s9] =	ssyncset.done $0x0  }
0x96: {  	s22 =	rddreg [dreg:$0x12];
	[sflag:s9] =	ssyncadd.s32 $0xFFFFF800  }
0x97: {  	[spmem:s22] =	stream.linear.scatter [tilespmem:s8], [sflag:$0xB], $0x800, $0x38;
	[tilespmem:$0x1D7C0] =	vst v63  }
0x98: {  	_ =	swait.ge [sflag:s9], $0x800  }
0x99: {  	[sflag:s9] =	ssyncset.done $0x0  }
0x9a: {  	s23 =	rddreg [dreg:$0x13];
	[sflag:s9] =	ssyncadd.s32 $0xFFFFF800  }
0x9b: {  	[spmem:s23] =	stream.linear.scatter [tilespmem:s8], [sflag:$0xB], $0x800, $0x38;
	[tilespmem:$0x1D7C0] =	vst v63  }
0x9c: {  	_ =	swait.ge [sflag:s9], $0x800  }
0x9d: {  	[sflag:s9] =	ssyncset.done $0x0  }
0x9e: {  	s25 =	rddreg [dreg:$0x14];
	[sflag:s9] =	ssyncadd.s32 $0xFFFFF800  }
0x9f: {  	[spmem:s25] =	stream.linear.scatter [tilespmem:s8], [sflag:$0xB], $0x800, $0x38;
	[tilespmem:$0x1D7C0] =	vst v63  }
0xa0: {  	_ =	swait.ge [sflag:s9], $0x800  }
0xa1: {  	[sflag:s9] =	ssyncset.done $0x0  }
0xa2: {  	s29 =	rddreg [dreg:$0x15];
	[sflag:s9] =	ssyncadd.s32 $0xFFFFF800  }
0xa3: {  	[spmem:s29] =	stream.linear.scatter [tilespmem:s8], [sflag:$0xB], $0x800, $0x38;
	[tilespmem:$0x1D7C0] =	vst v63  }
0xa4: {  	_ =	swait.ge [sflag:s9], $0x800  }
0xa5: {  	[sflag:s9] =	ssyncset.done $0x0  }
0xa6: {  	s30 =	rddreg [dreg:$0x16];
	[sflag:s9] =	ssyncadd.s32 $0xFFFFF800  }
0xa7: {  	[spmem:s30] =	stream.linear.scatter [tilespmem:s8], [sflag:$0xB], $0x800, $0x38;
	[tilespmem:$0x1D7C0] =	vst v63  }
0xa8: {  	_ =	swait.ge [sflag:s9], $0x800  }
0xa9: {  	[sflag:s9] =	ssyncset.done $0x0  }
0xaa: {  	s31 =	rddreg [dreg:$0x17];
	[sflag:s9] =	ssyncadd.s32 $0xFFFFF800  }
0xab: {  	[spmem:s31] =	stream.linear.scatter [tilespmem:s8], [sflag:$0xB], $0x800, $0x38;
	[tilespmem:$0x1D7C0] =	vst v63  }
0xac: {  	_ =	swait.ge [sflag:s9], $0x800  }
0xad: {  	[sflag:s9] =	ssyncset.done $0x0  }
0xae: {  	s0 =	simm.s32 $0x40;
	s3 =	simm.s32 $0x0;
	[sflag:s9] =	ssyncadd.s32 $0xFFFFF800  }
.LBB2_4:
0xaf: {  	p0 =	sne.s32 s0, $0x9FC0;
	[tilespmem:s3+$0x10840] =	vst v1;
	s3 =	smov.u32 s0;
	s0 =	sadd.s32 $0x40, s0  }
.Ltmp3:
0xb0: {  	(pc) =	sbr.rel @p0 .LBB2_4-.Ltmp3, $2  }
0xb1: {  	_ =	sdelay $0x2  }
0xb2: {  	s3 =	sshra.s32 s3, $0x2  }
0xb3: {  	[tilespmem:s3+$0x10840] =	vst v1  }
0xb4: {  	[tilespmem:$0x13040] =	vst v1  }
0xb5: {  	[tilespmem:$0x13050] =	vst v1  }
0xb6: {  	[tilespmem:$0x13060] =	vst v1  }
0xb7: {  	[tilespmem:$0x13070] =	vst v1  }
0xb8: {  	[tilespmem:$0x13080] =	vst v1  }
0xb9: {  	[tilespmem:$0x13090] =	vst v1  }
0xba: {  	[tilespmem:$0x130A0] =	vst v1  }
0xbb: {  	[tilespmem:$0x130B0] =	vst v1  }
0xbc: {  	[tilespmem:$0x130C0] =	vst v1  }
0xbd: {  	[tilespmem:$0x130D0] =	vst v1  }
0xbe: {  	[tilespmem:$0x130E0] =	vst v1  }
0xbf: {  	[tilespmem:$0x130F0] =	vst v1  }
0xc0: {  	[tilespmem:$0x13100] =	vst v1  }
0xc1: {  	[tilespmem:$0x13110] =	vst v1  }
0xc2: {  	[tilespmem:$0x13120] =	vst v1  }
0xc3: {  	[tilespmem:$0x13130] =	vst v1  }
0xc4: {  	[tilespmem:$0x13140] =	vst v1  }
0xc5: {  	[tilespmem:$0x13150] =	vst v1  }
0xc6: {  	[tilespmem:$0x13160] =	vst v1  }
0xc7: {  	[tilespmem:$0x13170] =	vst v1  }
0xc8: {  	[tilespmem:$0x13180] =	vst v1  }
0xc9: {  	[tilespmem:$0x13190] =	vst v1  }
0xca: {  	[tilespmem:$0x131A0] =	vst v1  }
0xcb: {  	[tilespmem:$0x131B0] =	vst v1  }
0xcc: {  	[tilespmem:$0x131C0] =	vst v1  }
0xcd: {  	[tilespmem:$0x131D0] =	vst v1  }
0xce: {  	[tilespmem:$0x131E0] =	vst v1  }
0xcf: {  	[tilespmem:$0x131F0] =	vst v1  }
0xd0: {  	[tilespmem:$0x13200] =	vst v1  }
0xd1: {  	[tilespmem:$0x13210] =	vst v1  }
0xd2: {  	[tilespmem:$0x13220] =	vst v1  }
0xd3: {  	[tilespmem:$0x13230] =	vst v1  }
0xd4: {  	[tilespmem:$0x13240] =	vst v1  }
0xd5: {  	[tilespmem:$0x13250] =	vst v1  }
0xd6: {  	[tilespmem:$0x13260] =	vst v1  }
0xd7: {  	[tilespmem:$0x13270] =	vst v1  }
0xd8: {  	[tilespmem:$0x13280] =	vst v1  }
0xd9: {  	[tilespmem:$0x13290] =	vst v1  }
0xda: {  	[tilespmem:$0x132A0] =	vst v1  }
0xdb: {  	s0 =	simm.s32 $0x13040;
	[tilespmem:$0x132B0] =	vst v1  }
0xdc: {  	[spmem:s28] =	stream.linear.scatter [tilespmem:s0], [sflag:$0xB], $0x280, $0x38;
	[tilespmem:$0x1D7C0] =	vst v63  }
0xdd: {  	_ =	swait.ge [sflag:s9], $0x280  }
0xde: {  	[sflag:s9] =	ssyncset.done $0x0  }
0xdf: {  	[sflag:s9] =	ssyncadd.s32 $0xFFFFFD80  }
0xe0: {  	[tilespmem:$0x132C0] =	vst v2  }
0xe1: {  	[tilespmem:$0x132D0] =	vst v3  }
0xe2: {  	[tilespmem:$0x132E0] =	vst v4  }
0xe3: {  	[tilespmem:$0x132F0] =	vst v5  }
0xe4: {  	[tilespmem:$0x13300] =	vst v6  }
0xe5: {  	[tilespmem:$0x13310] =	vst v7  }
0xe6: {  	[tilespmem:$0x13320] =	vst v8  }
0xe7: {  	[tilespmem:$0x13330] =	vst v9  }
0xe8: {  	[tilespmem:$0x13340] =	vst v10  }
0xe9: {  	[tilespmem:$0x13350] =	vst v11  }
0xea: {  	[tilespmem:$0x13360] =	vst v12  }
0xeb: {  	[tilespmem:$0x13370] =	vst v13  }
0xec: {  	[tilespmem:$0x13380] =	vst v14  }
0xed: {  	[tilespmem:$0x13390] =	vst v15  }
0xee: {  	[tilespmem:$0x133A0] =	vst v16  }
0xef: {  	[tilespmem:$0x133B0] =	vst v17  }
0xf0: {  	[tilespmem:$0x133C0] =	vst v18  }
0xf1: {  	[tilespmem:$0x133D0] =	vst v19  }
0xf2: {  	[tilespmem:$0x133E0] =	vst v20  }
0xf3: {  	[tilespmem:$0x133F0] =	vst v21  }
0xf4: {  	[tilespmem:$0x13400] =	vst v22  }
0xf5: {  	[tilespmem:$0x13410] =	vst v23  }
0xf6: {  	[tilespmem:$0x13420] =	vst v24  }
0xf7: {  	[tilespmem:$0x13430] =	vst v25  }
0xf8: {  	[tilespmem:$0x13440] =	vst v26  }
0xf9: {  	[tilespmem:$0x13450] =	vst v27  }
0xfa: {  	[tilespmem:$0x13460] =	vst v28  }
0xfb: {  	[tilespmem:$0x13470] =	vst v29  }
0xfc: {  	[tilespmem:$0x13480] =	vst v30  }
0xfd: {  	[tilespmem:$0x13490] =	vst v31  }
0xfe: {  	[tilespmem:$0x134A0] =	vst v32  }
0xff: {  	[tilespmem:$0x134B0] =	vst v33  }
0x100: {  	[tilespmem:$0x134C0] =	vst v34  }
0x101: {  	[tilespmem:$0x134D0] =	vst v35  }
0x102: {  	[tilespmem:$0x134E0] =	vst v36  }
0x103: {  	[tilespmem:$0x134F0] =	vst v37  }
0x104: {  	[tilespmem:$0x13500] =	vst v38  }
0x105: {  	[tilespmem:$0x13510] =	vst v39  }
0x106: {  	[tilespmem:$0x13520] =	vst v40  }
0x107: {  	[tilespmem:$0x13530] =	vst v41  }
0x108: {  	[bflag:$0x0] =	sbarrier.arrive $0xFFFF  }
0x109: {  	s29 =	simm.s32 $0x0;
	s30 =	rddreg [dreg:$0x18]  }
0x10a: {  	[tilespmem:s29], [sflag:$0xB] =	stream.linear.gather [hbm4b:s30+s29], $0x4E20, $0x38;
	[tilespmem:$0x1D7C0] =	vst v63  }
0x10b: {  	_ =	swait.ge [sflag:s9], $0x4E20  }
0x10c: {  	[sflag:s9] =	ssyncset.done $0x0  }
0x10d: {  	s21 =	simm.s32 $0x4E20;
	s31 =	rddreg [dreg:$0x19];
	[sflag:s9] =	ssyncadd.s32 $0xFFFFB1E0  }
0x10e: {  	[tilespmem:s21], [sflag:$0xB] =	stream.linear.gather [hbm4b:s31+s29], $0x4E20, $0x38;
	[tilespmem:$0x1D7C0] =	vst v63  }
0x10f: {  	_ =	swait.ge [sflag:s9], $0x4E20  }
0x110: {  	[sflag:s9] =	ssyncset.done $0x0  }
0x111: {  	s0 =	simm.s32 $0x0;
	[sflag:s9] =	ssyncadd.s32 $0xFFFFB1E0  }
0x112: {  	v45 =	vld [tilespmem:s0+$0x0]  }
0x113: {  	v44 =	vld [tilespmem:s0+$0x10]  }
0x114: {  	v43 =	vld [tilespmem:s0+$0x20]  }
0x115: {  	s3 =	simm.s32 $0x140;
	v42 =	vld [tilespmem:s0+$0x30]  }
.LBB2_6:
0x116: {  	p0 =	sne.s32 s3, $0x13740;
	v46 =	vld [tilespmem:s0+$0x40]  }
0x117: {  	v45 =	vadd.s32 v0, v45  }
.Ltmp4:
0x118: {  	s29 =	sshra.s32 s3, $0x2;
	[tilespmem:s0+$0x0] =	vst v45;
	v44 =	vadd.s32 v0, v44;
	(pc) =	sbr.rel @p0 .LBB2_6-.Ltmp4, $4  }
0x119: {  	v45 =	vld [tilespmem:s29+$0x0];
	[tilespmem:s0+$0x10] =	vst v44;
	v43 =	vadd.s32 v0, v43  }
0x11a: {  	v44 =	vld [tilespmem:s29+$0x10];
	[tilespmem:s0+$0x20] =	vst v43;
	v42 =	vadd.s32 v0, v42  }
0x11b: {  	v43 =	vld [tilespmem:s29+$0x20];
	[tilespmem:s0+$0x30] =	vst v42;
	v46 =	vadd.s32 v0, v46  }
0x11c: {  	s3 =	sadd.s32 $0x140, s3;
	v42 =	vld [tilespmem:s29+$0x30];
	[tilespmem:s0+$0x40] =	vst v46;
	s0 =	smov.u32 s29  }
0x11d: {  	v46 =	vld [tilespmem:s0+$0x40]  }
0x11e: {  	v45 =	vadd.s32 v0, v45  }
0x11f: {  	[tilespmem:s0+$0x0] =	vst v45;
	v44 =	vadd.s32 v0, v44  }
0x120: {  	[tilespmem:s0+$0x10] =	vst v44;
	v43 =	vadd.s32 v0, v43  }
0x121: {  	[tilespmem:s0+$0x20] =	vst v43;
	v42 =	vadd.s32 v0, v42  }
0x122: {  	[tilespmem:s0+$0x30] =	vst v42;
	v63 =	vadd.s32 v0, v46  }
0x123: {  	s29 =	simm.s32 $0x0;
	[tilespmem:s0+$0x40] =	vst v63  }
0x124: {  	[tilespmem:s11], [sflag:$0x1] =	stream.indirect.gather [hbm4b:s1+s10], $0x40, s29, s10, $0xb8;
	[tilespmem:$0x1D7C0] =	vst v63  }
0x125: {  	_ = 	snop  }
0x126: {  	[tilespmem:s12], [sflag:$0x2] =	stream.indirect.gather [hbm4b:s1+s10], $0x40, s10, s10, $0xb8;
	[tilespmem:$0x1D7C0] =	vst v63  }
0x127: {  	s25 =	simm.s32 $0xA0  }
0x128: {  	[tilespmem:s13], [sflag:$0x3] =	stream.indirect.gather [hbm4b:s1+s10], $0x40, s25, s10, $0xb8;
	[tilespmem:$0x1D7C0] =	vst v63  }
0x129: {  	s31 =	simm.s32 $0xF0;
	s30 =	simm.s32 $0x0  }
0x12a: {  	[tilespmem:s14], [sflag:$0x4] =	stream.indirect.gather [hbm4b:s1+s10], $0x40, s31, s10, $0xb8;
	[tilespmem:$0x1D7C0] =	vst v63  }
.LBB2_8:
0x12b: {  	_ =	swait.ge [sflag:s15], $0x1400;
	s23 =	sand.u32 $0x1, s29  }
0x12c: {  	s31 =	sshra.s32 s30, $0x2;
	[sflag:s15] =	ssyncset.done $0x0;
	p0 =	sne.s32 s23, s5  }
0x12d: {  	s0 =	sadd.s32 $0x4E20, s31;
	[sflag:s15] =	ssyncadd.s32 $0xFFFFEC00;
	s3 =	sshra.s32 @!p0 s30, $0x2  }
0x12e: {  	[spmem:s2] =	stream.indirect.scatter.add.f32 [tilespmem:s11], [sflag:$0x6], $0x40, s0, s10, $0xb8;
	[tilespmem:$0x1D7C0] =	vst v63  }
0x12f: {  	v42 =	vld @!p0 [tilespmem:s3+$0x4E20];
	_ =	sdelay $0x6  }
0x130: {  	v43 =	vimm.f32 @!p0 $1.000000000e+00;
	s0 =	simm.s32 @!p0 $0x10840  }
0x131: {  	[tilespmem:v42+s0+$0x0] =	vst.idx.add.f32.msk @!p0 $0xffff, v43  }
0x132: {  	v42 =	vld @!p0 [tilespmem:s3+$0x4E30];
	_ =	sdelay $0x7  }
0x133: {  	[tilespmem:v42+s0+$0x0] =	vst.idx.add.f32.msk @!p0 $0xffff, v43  }
0x134: {  	v42 =	vld @!p0 [tilespmem:s3+$0x4E40];
	_ =	sdelay $0x7  }
0x135: {  	[tilespmem:v42+s0+$0x0] =	vst.idx.add.f32.msk @!p0 $0xffff, v43  }
0x136: {  	v42 =	vld @!p0 [tilespmem:s3+$0x4E50];
	_ =	sdelay $0x7  }
0x137: {  	[tilespmem:v42+s0+$0x0] =	vst.idx.add.f32.msk @!p0 $0xffff, v43  }
0x138: {  	v42 =	vld @!p0 [tilespmem:s3+$0x4E60];
	_ =	sdelay $0x6  }
0x139: {  	p1 =	seq.s32 s30, $0x0  }
0x13a: {  	s21 =	simm.s32 @!p1 $0xA;
	[tilespmem:v42+s0+$0x0] =	vst.idx.add.f32.msk @!p0 $0xffff, v43  }
0x13b: {  	_ =	swait.ge @!p1 [sflag:s21], $0x1400  }
0x13c: {  	[sflag:s21] =	ssyncset.done @!p1 $0x0  }
0x13d: {  	s25 =	sadd.s32 $0x140, s31;
	[sflag:s21] =	ssyncadd.s32 @!p1 $0xFFFFEC00  }
0x13e: {  	[tilespmem:s16], [sflag:$0x5] =	stream.indirect.gather [hbm4b:s1+s10], $0x40, s25, s10, $0xb8;
	[tilespmem:$0x1D7C0] =	vst v63  }
0x13f: {  	s23 =	sxor.u32 $0xFFFFFFFF, s29;
	_ =	swait.ge [sflag:s17], $0x1400  }
0x140: {  	s21 =	sand.u32 $0x1, s23;
	[sflag:s17] =	ssyncset.done $0x0  }
0x141: {  	s22 =	sadd.s32 $0x4E70, s31;
	p2 =	sne.s32 s21, s5;
	[sflag:s17] =	ssyncadd.s32 $0xFFFFEC00  }
0x142: {  	[spmem:s2] =	stream.indirect.scatter.add.f32 [tilespmem:s12], [sflag:$0x7], $0x40, s22, s10, $0xb8;
	[tilespmem:$0x1D7C0] =	vst v63  }
0x143: {  	v42 =	vld @!p2 [tilespmem:s31+$0x4E70];
	_ =	sdelay $0x6  }
0x144: {  	v44 =	vimm.f32 @!p2 $1.000000000e+00;
	s21 =	simm.s32 @!p2 $0x10840  }
0x145: {  	s22 =	sshra.s32 @!p2 s30, $0x2;
	[tilespmem:v42+s21+$0x0] =	vst.idx.add.f32.msk @!p2 $0xffff, v44  }
0x146: {  	v42 =	vld @!p2 [tilespmem:s22+$0x4E80];
	_ =	sdelay $0x7  }
0x147: {  	[tilespmem:v42+s21+$0x0] =	vst.idx.add.f32.msk @!p2 $0xffff, v44  }
0x148: {  	v42 =	vld @!p2 [tilespmem:s22+$0x4E90];
	_ =	sdelay $0x7  }
0x149: {  	[tilespmem:v42+s21+$0x0] =	vst.idx.add.f32.msk @!p2 $0xffff, v44  }
0x14a: {  	v42 =	vld @!p2 [tilespmem:s22+$0x4EA0];
	_ =	sdelay $0x7  }
0x14b: {  	[tilespmem:v42+s21+$0x0] =	vst.idx.add.f32.msk @!p2 $0xffff, v44  }
0x14c: {  	v42 =	vld @!p2 [tilespmem:s22+$0x4EB0];
	_ =	sdelay $0x6  }
0x14d: {  	p1 =	seq.s32 s30, $0x13240  }
0x14e: {  	[tilespmem:v42+s21+$0x0] =	vst.idx.add.f32.msk @!p2 $0xffff, v44;
	s21 =	simm.s32 @!p1 $0x6  }
0x14f: {  	_ =	swait.ge @!p1 [sflag:s21], $0x1400  }
0x150: {  	[sflag:s21] =	ssyncset.done @!p1 $0x0  }
0x151: {  	[sflag:s21] =	ssyncadd.s32 @!p1 $0xFFFFEC00;
	s21 =	sshra.s32 @!p1 s30, $0x2  }
0x152: {  	s23 =	simm.s32 @!p1 $0x50;
	s25 =	simm.s32 @!p1 $0x9C40;
	s22 =	sadd.s32 @!p1 $0x190, s21  }
0x153: {  	[tilespmem:s25], [sflag:$0x1] =	stream.indirect.gather @!p1 [hbm4b:s1+s23], $0x40, s22, s23, $0xb8;
	[tilespmem:$0x1D7C0] =	vst v63  }
0x154: {  	_ =	swait.ge [sflag:s18], $0x1400  }
0x155: {  	[sflag:s18] =	ssyncset.done $0x0  }
0x156: {  	s25 =	sadd.s32 $0x4EC0, s31;
	[sflag:s18] =	ssyncadd.s32 $0xFFFFEC00  }
0x157: {  	[spmem:s2] =	stream.indirect.scatter.add.f32 [tilespmem:s13], [sflag:$0x8], $0x40, s25, s10, $0xb8;
	[tilespmem:$0x1D7C0] =	vst v63  }
0x158: {  	v42 =	vld @!p0 [tilespmem:s31+$0x4EC0];
	_ =	sdelay $0x7  }
0x159: {  	[tilespmem:v42+s0+$0x0] =	vst.idx.add.f32.msk @!p0 $0xffff, v43  }
0x15a: {  	v42 =	vld @!p0 [tilespmem:s3+$0x4ED0];
	_ =	sdelay $0x7  }
0x15b: {  	[tilespmem:v42+s0+$0x0] =	vst.idx.add.f32.msk @!p0 $0xffff, v43  }
0x15c: {  	v42 =	vld @!p0 [tilespmem:s3+$0x4EE0];
	_ =	sdelay $0x7  }
0x15d: {  	[tilespmem:v42+s0+$0x0] =	vst.idx.add.f32.msk @!p0 $0xffff, v43  }
0x15e: {  	v42 =	vld @!p0 [tilespmem:s3+$0x4EF0];
	_ =	sdelay $0x7  }
0x15f: {  	[tilespmem:v42+s0+$0x0] =	vst.idx.add.f32.msk @!p0 $0xffff, v43  }
0x160: {  	v42 =	vld @!p0 [tilespmem:s3+$0x4F00];
	_ =	sdelay $0x7  }
0x161: {  	s22 =	simm.s32 @!p1 $0x7;
	[tilespmem:v42+s0+$0x0] =	vst.idx.add.f32.msk @!p0 $0xffff, v43  }
0x162: {  	_ =	swait.ge @!p1 [sflag:s22], $0x1400  }
0x163: {  	[sflag:s22] =	ssyncset.done @!p1 $0x0  }
0x164: {  	s25 =	simm.s32 @!p1 $0xB040;
	[sflag:s22] =	ssyncadd.s32 @!p1 $0xFFFFEC00;
	s22 =	sadd.s32 @!p1 $0x1E0, s21  }
0x165: {  	[tilespmem:s25], [sflag:$0x2] =	stream.indirect.gather @!p1 [hbm4b:s1+s23], $0x40, s22, s23, $0xb8;
	[tilespmem:$0x1D7C0] =	vst v63  }
0x166: {  	s22 =	sadd.s32 $0xFFFFFFFF, s29;
	_ =	swait.ge [sflag:s19], $0x1400  }
0x167: {  	s22 =	sand.u32 $0x1, s22;
	[sflag:s19] =	ssyncset.done $0x0  }
0x168: {  	s25 =	sadd.s32 $0x4F10, s31;
	p2 =	sne.s32 s22, s5;
	[sflag:s19] =	ssyncadd.s32 $0xFFFFEC00  }
0x169: {  	[spmem:s2] =	stream.indirect.scatter.add.f32 [tilespmem:s14], [sflag:$0x9], $0x40, s25, s10, $0xb8;
	[tilespmem:$0x1D7C0] =	vst v63  }
0x16a: {  	v42 =	vld @!p2 [tilespmem:s31+$0x4F10];
	_ =	sdelay $0x6  }
0x16b: {  	v44 =	vimm.f32 @!p2 $1.000000000e+00;
	s22 =	simm.s32 @!p2 $0x10840  }
0x16c: {  	s25 =	sshra.s32 @!p2 s30, $0x2;
	[tilespmem:v42+s22+$0x0] =	vst.idx.add.f32.msk @!p2 $0xffff, v44  }
0x16d: {  	v42 =	vld @!p2 [tilespmem:s25+$0x4F20];
	_ =	sdelay $0x7  }
0x16e: {  	[tilespmem:v42+s22+$0x0] =	vst.idx.add.f32.msk @!p2 $0xffff, v44  }
0x16f: {  	v42 =	vld @!p2 [tilespmem:s25+$0x4F30];
	_ =	sdelay $0x7  }
0x170: {  	[tilespmem:v42+s22+$0x0] =	vst.idx.add.f32.msk @!p2 $0xffff, v44  }
0x171: {  	v42 =	vld @!p2 [tilespmem:s25+$0x4F40];
	_ =	sdelay $0x7  }
0x172: {  	[tilespmem:v42+s22+$0x0] =	vst.idx.add.f32.msk @!p2 $0xffff, v44  }
0x173: {  	v42 =	vld @!p2 [tilespmem:s25+$0x4F50];
	_ =	sdelay $0x7  }
0x174: {  	[tilespmem:v42+s22+$0x0] =	vst.idx.add.f32.msk @!p2 $0xffff, v44;
	s22 =	simm.s32 @!p1 $0x8  }
0x175: {  	_ =	swait.ge @!p1 [sflag:s22], $0x1400  }
0x176: {  	[sflag:s22] =	ssyncset.done @!p1 $0x0  }
0x177: {  	s21 =	sadd.s32 @!p1 $0x230, s21;
	[sflag:s22] =	ssyncadd.s32 @!p1 $0xFFFFEC00;
	s22 =	simm.s32 @!p1 $0xC440  }
0x178: {  	[tilespmem:s22], [sflag:$0x3] =	stream.indirect.gather @!p1 [hbm4b:s1+s23], $0x40, s21, s23, $0xb8;
	[tilespmem:$0x1D7C0] =	vst v63  }
0x179: {  	_ =	swait.ge [sflag:s20], $0x1400  }
0x17a: {  	[sflag:s20] =	ssyncset.done $0x0  }
0x17b: {  	s25 =	sadd.s32 $0x4F60, s31;
	[sflag:s20] =	ssyncadd.s32 $0xFFFFEC00  }
0x17c: {  	[spmem:s2] =	stream.indirect.scatter.add.f32 [tilespmem:s16], [sflag:$0xA], $0x40, s25, s10, $0xb8;
	[tilespmem:$0x1D7C0] =	vst v63  }
0x17d: {  	v42 =	vld @!p0 [tilespmem:s31+$0x4F60];
	_ =	sdelay $0x7  }
0x17e: {  	[tilespmem:v42+s0+$0x0] =	vst.idx.add.f32.msk @!p0 $0xffff, v43  }
0x17f: {  	v42 =	vld @!p0 [tilespmem:s3+$0x4F70];
	_ =	sdelay $0x7  }
0x180: {  	[tilespmem:v42+s0+$0x0] =	vst.idx.add.f32.msk @!p0 $0xffff, v43  }
0x181: {  	v42 =	vld @!p0 [tilespmem:s3+$0x4F80];
	_ =	sdelay $0x7  }
0x182: {  	[tilespmem:v42+s0+$0x0] =	vst.idx.add.f32.msk @!p0 $0xffff, v43  }
0x183: {  	v42 =	vld @!p0 [tilespmem:s3+$0x4F90];
	_ =	sdelay $0x7  }
0x184: {  	[tilespmem:v42+s0+$0x0] =	vst.idx.add.f32.msk @!p0 $0xffff, v43  }
0x185: {  	v42 =	vld @!p0 [tilespmem:s3+$0x4FA0];
	_ =	sdelay $0x3  }
.Ltmp5:
0x186: {  	_ = 	snop;
	(pc) =	sbr.rel @p1 .LBB2_10-.Ltmp5, $2  }
0x187: {  	_ =	sdelay $0x2  }
0x188: {  	[tilespmem:v42+s0+$0x0] =	vst.idx.add.f32.msk @!p0 $0xffff, v43  }
.Ltmp6:
0x189: {  	(pc) =	sbr.rel .LBB2_8-.Ltmp6, $4  }
0x18a: {  	_ =	swait.ge [sflag:s24], $0x1400  }
0x18b: {  	s0 =	sadd.s32 $0x280, s31;
	[sflag:s24] =	ssyncset.done $0x0  }
0x18c: {  	s30 =	sadd.s32 $0x640, s30;
	s29 =	sadd.s32 $0x5, s29;
	[sflag:s24] =	ssyncadd.s32 $0xFFFFEC00  }
0x18d: {  	[tilespmem:s14], [sflag:$0x4] =	stream.indirect.gather [hbm4b:s1+s10], $0x40, s0, s10, $0xb8;
	[tilespmem:$0x1D7C0] =	vst v63  }
.LBB2_11:
0x18e: {  	_ =	sfence.sel $0x180000  }
0x18f: {  	[bflag:$0x0] =	sbarrier.arrive $0xFFFF  }
0x190: {  	_ =	strace $0x90000047  }
0x191: {  	s0 =	stileid.u32;
	[bflag:$0x2] =	sbarrier.arrive $0xFFFF  }
0x192: {  	p0 =	sne.s32 s0, $0x0;
	s0 =	rddreg [dreg:$0x4]  }
0x193: {  	s0 =	sadd.s32 @!p0 $0x100000, s0  }
0x194: {  	[sflag:s0] =	ssyncadd.tile.s32 @!p0 $0x1;
	_ =	shalt  }
.Lfunc_end2:
_tile_overlayer_lowered:
.L_overlay_start_2:
0x195: {  	(tag) =	ssettag $0x2  }
0x196: {  	s0 =	rddreg [dreg:$0x0];
	s2 =	stileid.u32  }
0x197: {  	s1 =	rddreg [dreg:$0x1];
	p0 =	sne.s32 s2, $0x0  }
0x198: {  	s3 =	rddreg [dreg:$0x2];
	[bflag:$0x3] =	sbarrier.arrive $0xFFFF;
	s2 =	simm.s32 @!p0 $0x1C0B  }
0x199: {  	[timem:s3], [sflag:s2] =	dma.local @!p0 [hbm:s0], s1  }
0x19a: {  	s0 =	simm.s32 @!p0 $0xB  }
0x19b: {  	_ =	swait.ge @!p0 [sflag:s0], s1  }
0x19c: {  	s1 =	ssub.s32 @!p0 $0x0, s1;
	[sflag:s0] =	ssyncset.done @!p0 $0x0  }
0x19d: {  	[sflag:s0] =	ssyncadd.s32 @!p0 s1  }
0x19e: {  	[bflag:$0x3] =	sbarrier.arrive $0xFFFF  }
0x19f: {  	_ =	shalt  }

// kernel: kernel.9.cloned.1.call-start
scs
__scs_entry_jumppad:
0x0: {  	(pc) =	sbr.rel $0x88, $3  }
0x1: {  	(tag) =	ssettag $0x0;
	lr =	simm.s32 $0x1  }
0x2: {  	[smem:$0x3F99] =	sst lr;
	_ =	strace $0xD0000000  }
0x3: {  	_ = 	snop  }
0x4: {  	_ = 	snop  }
0x5: {  	_ = 	snop  }
0x6: {  	_ = 	snop  }
0x7: {  	_ = 	snop  }
__scs_overlays_trampoline_lowered:
0x8: {  	[smem:$0x3FA8] =	sst s0  }
0x9: {  	[smem:$0x3FA9] =	sst s1  }
0xa: {  	[smem:$0x3FAA] =	sst s2  }
0xb: {  	[smem:$0x3FAB] =	sst s3  }
0xc: {  	[smem:$0x3FAC] =	sst s4  }
0xd: {  	[smem:$0x3FAD] =	sst s5  }
0xe: {  	[smem:$0x3FAE] =	sst s6  }
0xf: {  	[smem:$0x3FAF] =	sst s7  }
0x10: {  	[smem:$0x3FB0] =	sst s8  }
0x11: {  	[smem:$0x3FB1] =	sst s9;
	s0 =	simm.s32 @!p0 $0x0  }
0x12: {  	s1 =	sld [smem:$0x3F97];
	s0 =	simm.s32 @p0 $0x1  }
0x13: {  	[smem:$0x3FB2] =	sst s0;
	s0 =	simm.s32 @!p1 $0x0  }
0x14: {  	s2 =	sld [smem:$0x3F96];
	s0 =	simm.s32 @p1 $0x1  }
0x15: {  	[smem:$0x3FB3] =	sst s0;
	s0 =	simm.s32 @!p2 $0x0  }
0x16: {  	s3 =	sld [smem:$0x3FDB];
	s0 =	simm.s32 @p2 $0x1  }
0x17: {  	s4 =	simm.s32 $0x1BF5;
	[smem:$0x3FB5] =	sst s0  }
0x18: {  	s0 =	sld [smem:$0x3F98];
	_ =	swait.ge [sflag:s4], $0x0  }
0x19: {  	s7 =	sld [smem:$0x3F99]  }
0x1a: {  	s8 =	sadd.s32 $0xFFFFE003, lr  }
0x1b: {  	s9 =	sadd.s32 $0xFFFFFEF7, lr;
	s5 =	simm.s32 $0xFFFFFFFF;
	p2 =	slt.u32 s8, $0xFFFFF086  }
0x1c: {  	p1 =	slt.u32 s9, $0xF7A;
	s5 =	simm.s32 @!p2 $0x0  }
0x1d: {  	s5 =	simm.s32 @p1 $0x1;
	p0 =	seq.s32 s7, s2  }
0x1e: {  	s7 =	smul.u32 @!p0 $0xF7A, s2;
	p2 =	seq.s32 @!p0 s5, $0x0  }
0x1f: {  	s9 =	smul.u32 $0xF7A, s1;
	s8 =	simm.s32 @!p0 $0x1BF5;
	p2 =	por !p2, p0  }
0x20: {  	[sflag:s8] =	ssyncset.s32 @!p0 $0xFFFFF086;
	s6 =	sadd.s32 @!p0 s3, s7;
	s7 =	simm.s32 @!p0 $0x108  }
0x21: {  	s3 =	sadd.s32 s3, s9;
	s6 =	sadd.s32 @!p0 $0x88, s6;
	s7 =	simm.s32 @p2 $0x1082  }
0x22: {  	[simem:s7], [sflag:s8] =	dma.local @!p0 [hbm:s6], $0xF7A  }
0x23: {  	s9 =	sor.u32 $0xD0000000, s2;
	s6 =	simm.s32 $0x108;
	_ =	swait.ge @!p0 [sflag:s8], $0x0  }
0x24: {  	s3 =	sadd.s32 $0x88, s3;
	s6 =	simm.s32 @!p1 $0x1082;
	[sflag:s4] =	ssyncset.s32 $0xFFFFF086  }
0x25: {  	[simem:s6], [sflag:s4] =	dma.local [hbm:s3], $0xF7A  }
0x26: {  	[smem:$0x3F99] =	sst s1;
	(tag) =	ssettag s2;
	_ =	strace s9  }
0x27: {  	s1 =	sld [smem:$0x3FA9]  }
0x28: {  	s2 =	sld [smem:$0x3FAA]  }
0x29: {  	s4 =	sld [smem:$0x3FAC]  }
0x2a: {  	p0 =	seq.s32 s5, $0x0;
	s5 =	sld [smem:$0x3FAD]  }
0x2b: {  	s6 =	sld [smem:$0x3FAE]  }
0x2c: {  	s7 =	sld [smem:$0x3FAF]  }
0x2d: {  	s3 =	simm.s32 $0x108;
	s8 =	sld [smem:$0x3FB0]  }
0x2e: {  	s3 =	simm.s32 @!p0 $0x1082;
	s9 =	sld [smem:$0x3FB1]  }
0x2f: {  	lr =	sadd.s32 s0, s3;
	s0 =	sld [smem:$0x3FA8]  }
0x30: {  	s3 =	sld [smem:$0x3FAB]  }
0x31: {  	[smem:$0x3FB4] =	sst s10  }
0x32: {  	s10 =	sld [smem:$0x3FB2];
	_ =	sdelay $0x3  }
0x33: {  	p0 =	seq.s32 s10, $0x1;
	s10 =	sld [smem:$0x3FB4];
	_ =	sdelay $0x3  }
0x34: {  	[smem:$0x3FB4] =	sst s10  }
0x35: {  	s10 =	sld [smem:$0x3FB3];
	_ =	sdelay $0x3  }
0x36: {  	p1 =	seq.s32 s10, $0x1;
	s10 =	sld [smem:$0x3FB4];
	_ =	sdelay $0x3  }
0x37: {  	[smem:$0x3FB4] =	sst s10  }
0x38: {  	s10 =	sld [smem:$0x3FB5]  }
0x39: {  	_ = 	snop;
	(pc) =	sbr.ind lr, $3  }
0x3a: {  	_ = 	snop  }
0x3b: {  	_ = 	snop  }
0x3c: {  	p2 =	seq.s32 s10, $0x1;
	s10 =	sld [smem:$0x3FB4]  }
0x3d: {  	_ =	shalt  }
0x3e: {  	_ =	shalt  }
0x3f: {  	_ =	shalt  }
0x40: {  	_ =	shalt  }
0x41: {  	_ =	shalt  }
0x42: {  	_ =	shalt  }
0x43: {  	_ =	shalt  }
0x44: {  	_ =	shalt  }
0x45: {  	_ =	shalt  }
0x46: {  	_ =	shalt  }
0x47: {  	_ =	shalt  }
0x48: {  	_ =	shalt  }
0x49: {  	_ =	shalt  }
0x4a: {  	_ =	shalt  }
0x4b: {  	_ =	shalt  }
0x4c: {  	_ =	shalt  }
0x4d: {  	_ =	shalt  }
0x4e: {  	_ =	shalt  }
0x4f: {  	_ =	shalt  }
0x50: {  	_ =	shalt  }
0x51: {  	_ =	shalt  }
0x52: {  	_ =	shalt  }
0x53: {  	_ =	shalt  }
0x54: {  	_ =	shalt  }
0x55: {  	_ =	shalt  }
0x56: {  	_ =	shalt  }
0x57: {  	_ =	shalt  }
0x58: {  	_ =	shalt  }
0x59: {  	_ =	shalt  }
0x5a: {  	_ =	shalt  }
0x5b: {  	_ =	shalt  }
0x5c: {  	_ =	shalt  }
0x5d: {  	_ =	shalt  }
0x5e: {  	_ =	shalt  }
0x5f: {  	_ =	shalt  }
0x60: {  	_ =	shalt  }
0x61: {  	_ =	shalt  }
0x62: {  	_ =	shalt  }
0x63: {  	_ =	shalt  }
0x64: {  	_ =	shalt  }
0x65: {  	_ =	shalt  }
0x66: {  	_ =	shalt  }
0x67: {  	_ =	shalt  }
0x68: {  	_ =	shalt  }
0x69: {  	_ =	shalt  }
0x6a: {  	_ =	shalt  }
0x6b: {  	_ =	shalt  }
0x6c: {  	_ =	shalt  }
0x6d: {  	_ =	shalt  }
0x6e: {  	_ =	shalt  }
0x6f: {  	_ =	shalt  }
0x70: {  	_ =	shalt  }
0x71: {  	_ =	shalt  }
0x72: {  	_ =	shalt  }
0x73: {  	_ =	shalt  }
0x74: {  	_ =	shalt  }
0x75: {  	_ =	shalt  }
0x76: {  	_ =	shalt  }
0x77: {  	_ =	shalt  }
0x78: {  	_ =	shalt  }
0x79: {  	_ =	shalt  }
0x7a: {  	_ =	shalt  }
0x7b: {  	_ =	shalt  }
0x7c: {  	_ =	shalt  }
0x7d: {  	_ =	shalt  }
0x7e: {  	_ =	shalt  }
0x7f: {  	_ =	shalt  }
0x80: {  	_ =	shalt  }
0x81: {  	_ =	shalt  }
0x82: {  	_ =	shalt  }
0x83: {  	_ =	shalt  }
0x84: {  	_ =	shalt  }
0x85: {  	_ =	shalt  }
0x86: {  	_ =	shalt  }
0x87: {  	_ =	shalt  }
.Lfunc_end0:
.L_simem_size_0:
called_computation.1_lowered:
.L_overlay_start_0:
0x88: {  	s2 =	sld [smem:$0x3FD9]  }
0x89: {  	s3 =	sld [smem:$0x3FFE];
	_ =	sdelay $0x1  }
0x8a: {  	s1 =	srdreg.scid  }
0x8b: {  	s0 =	sand.u32 $0x1, s1  }
0x8c: {  	s17 =	sshll.u32 s0, $0xA;
	s2 =	sadd.s32 s3, s2  }
0x8d: {  	s2 =	sadd.s32 s2, s17  }
0x8e: {  	[smem:$0x3FC0] =	sst s2  }
0x8f: {  	_ = 	snop  }
0x90: {  	s2 =	sld [smem:$0x3FD0];
	(tm) =	ssettm $0x1  }
0x91: {  	s18 =	sld [smem:$0x3FFB];
	_ =	sdelay $0x3  }
0x92: {  	_ =	strace s18  }
0x93: {  	s3 =	sld [smem:$0x3FFC];
	_ =	sdelay $0x3  }
0x94: {  	_ =	strace s3  }
0x95: {  	s3 =	sld [smem:$0x3FFD];
	_ =	sdelay $0x3  }
0x96: {  	_ =	strace s3  }
0x97: {  	_ =	strace $0x8FFFFFFF  }
0x98: {  	s19 =	sld [smem:$0x3FDB];
	_ =	sdelay $0x1  }
0x99: {  	s4 =	simm.s32 $_scs_section_size  }
0x9a: {  	s5 =	simm.s32 $_size__tile_overlayer_lowered;
	s6 =	simm.s32 $_tile_overlayer_lowered  }
0x9b: {  	s22 =	simm.s32 $0x1BFF;
	s21 =	sshll.u32 s6, $0x1;
	s3 =	sadd.s32 s4, s19  }
0x9c: {  	s7 =	simm.s32 $0x0;
	s20 =	sshll.u32 s5, $0x1;
	s5 =	sadd.s32 s21, s3  }
0x9d: {  	[timem:s7], [sflag:s22] =	dma.local [hbm:s5], s20  }
0x9e: {  	_ =	swait.ge [sflag:s22], s20  }
0x9f: {  	s4 =	ssub.s32 $0x0, s20;
	[sflag:s22] =	ssyncset.done $0x0  }
0xa0: {  	[sflag:s22] =	ssyncadd.s32 s4;
	_ =	sdelay $0x1  }
0xa1: {  	s23 =	simm.s32 $0x1B8B  }
0xa2: {  	_ =	swait.ge [sflag:s23], $0x1  }
0xa3: {  	[sflag:s23] =	ssyncset.done $0x0  }
0xa4: {  	s25 =	simm.s32 $0x1B8E;
	s24 =	sld [smem:$0x3FFE];
	[sflag:s23] =	ssyncadd.s32 $0xFFFFFFFF  }
0xa5: {  	s26 =	simm.s32 $execute0_lowered;
	[smem:$0x3FD2] =	sst s25  }
0xa6: {  	s5 =	sshll.u32 s26, $0x1;
	_ =	strace $0x80000049;
	[dreg:$0x1] =	wrdreg $0xFFFFFFFF  }
0xa7: {  	s28 =	simm.s32 $_size_execute0_lowered;
	s3 =	sadd.s32 s3, s5;
	[dreg:$0x0] =	wrdreg $0x0  }
0xa8: {  	s5 =	sshll.u32 s28, $0x1;
	[dreg:$0x2] =	wrdreg s3  }
0xa9: {  	[dreg:$0x3] =	wrdreg s5  }
0xaa: {  	[dreg:$0x4] =	wrdreg $0xC0  }
0xab: {  	_ =	task [dreg:s7], $0x5FFFF  }
0xac: {  	[dreg:$0x1] =	wrdreg $0xFFFFFFFF  }
0xad: {  	[dreg:$0x0] =	wrdreg $0x60  }
0xae: {  	[dreg:$0x2] =	wrdreg s2  }
0xaf: {  	[dreg:$0x3] =	wrdreg s24  }
0xb0: {  	[dreg:$0x4] =	wrdreg $0x108400  }
0xb1: {  	[dreg:$0x5] =	wrdreg $0x9  }
0xb2: {  	_ =	task.clear_ibuf [dreg:s7], $0x6FFFF;
	_ =	strace $0x90000049  }
0xb3: {  	s29 =	simm.s32 $0x9;
	_ =	strace $0x8000004B  }
0xb4: {  	_ =	swait.ge [sflag:s29], $0x1  }
0xb5: {  	[sflag:s29] =	ssyncadd.s32 $0xFFFFFFFF  }
0xb6: {  	_ =	strace $0x9000004B  }
0xb7: {  	_ =	sfence  }
0xb8: {  	s30 =	sld [smem:$0x0];
	_ =	sdelay $0x2  }
0xb9: {  	s31 =	sshll.u32 s1, $0xD;
	s1 =	sshrl.u32 s1, $0x2  }
0xba: {  	s3 =	sand.u32 $0x4000, s31;
	s1 =	sadd.s32 s1, s30  }
0xbb: {  	s0 =	sor.u32 s3, s0;
	s1 =	sshll.u32 s1, $0x11  }
0xbc: {  	s0 =	sor.u32 s1, s0  }
0xbd: {  	s0 =	sadd.s32 $0x8F2B, s0  }
0xbe: {  	[sflag:s0] =	ssyncadd.remote.s32 $0x1  }
0xbf: {  	_ =	sfence.sel $0xFFFF  }
0xc0: {  	[dreg:$0x0] =	wrdreg $0xFFFFFFFF;
	(pc) =	sbr.abs _section_cstart, $3  }
0xc1: {  	[dreg:$0x1] =	wrdreg $0xFFFFFFFF  }
0xc2: {  	_ =	task.clear_ibuf [dreg:s7], $0x2FFFF;
	_ =	strace $0x9FFFFFFF  }
0xc3: {  	(tm) =	ssettm $0x7FFFFFFF  }
tec
execute0_lowered:
.L_overlay_start_1:
0x0: {  	(tag) =	ssettag $0x1  }
0x1: {  	s8 =	stileid.u32  }
0x2: {  	s5 =	smul.u32 $0xA000, s8  }
0x3: {  	s7 =	smul.u32 $0x9C4, s8  }
0x4: {  	s8 =	smul.u32 $0x28000, s8  }
0x5: {  	s1 =	rddreg [dreg:$0x0]  }
0x6: {  	s3 =	rddreg [dreg:$0x2];
	s8 =	sshrl.u32 s8, $0x2  }
0x7: {  	s0 =	rddreg [dreg:$0x1];
	s4 =	simm.s32 $0x0;
	s8 =	sadd.s32 s8, s3  }
0x8: {  	[smem:$0x7FF] =	sst s4;
	s25 =	sadd.s32 $0x800, s8  }
0x9: {  	_ =	strace $0x8000004A;
	s26 =	sadd.s32 $0x1000, s8;
	[dreg:$0x4] =	wrdreg s25  }
0xa: {  	s10 =	sadd.s32 $0x1800, s8;
	[dreg:$0x5] =	wrdreg s26  }
0xb: {  	s11 =	sadd.s32 $0x2000, s8;
	[dreg:$0x6] =	wrdreg s10  }
0xc: {  	s2 =	srdreg.scid;
	s12 =	sadd.s32 $0x2800, s8;
	[dreg:$0x7] =	wrdreg s11  }
0xd: {  	s30 =	simm.s32 $0x10040;
	s13 =	sadd.s32 $0x3000, s8;
	[dreg:$0x8] =	wrdreg s12  }
0xe: {  	s31 =	simm.s32 $0xB;
	s14 =	sadd.s32 $0x3800, s8;
	[dreg:$0x9] =	wrdreg s13  }
0xf: {  	s2 =	sand.u32 $0x1, s2;
	s15 =	sadd.s32 $0x4000, s8;
	[dreg:$0xa] =	wrdreg s14  }
0x10: {  	s6 =	smul.u32 $0xA0000, s2;
	s16 =	sadd.s32 $0x4800, s8;
	[dreg:$0xb] =	wrdreg s15  }
0x11: {  	s9 =	ssub.s32 $0x2, s2;
	s17 =	sadd.s32 $0x5000, s8;
	[dreg:$0xc] =	wrdreg s16  }
0x12: {  	s7 =	sadd.s32 s7, s0;
	s18 =	sadd.s32 $0x5800, s8;
	[dreg:$0xd] =	wrdreg s17  }
0x13: {  	s24 =	sshrl.u32 s9, $0x1;
	s19 =	sadd.s32 $0x6000, s8;
	[dreg:$0xe] =	wrdreg s18  }
0x14: {  	s6 =	sadd.s32 s5, s6;
	s20 =	sadd.s32 $0x6800, s8;
	[dreg:$0xf] =	wrdreg s19  }
0x15: {  	s5 =	sadd.s32 s5, s3;
	s21 =	sadd.s32 $0x7000, s8;
	[dreg:$0x10] =	wrdreg s20  }
0x16: {  	s6 =	sshrl.u32 s6, $0x3;
	s22 =	sadd.s32 $0x7800, s8;
	[dreg:$0x11] =	wrdreg s21  }
0x17: {  	s23 =	sadd.s32 $0x8000, s8;
	s0 =	sadd.s32 s6, s0;
	[dreg:$0x12] =	wrdreg s22  }
0x18: {  	s6 =	ssub.s32 s9, s24;
	[dreg:$0x13] =	wrdreg s23;
	s24 =	sadd.s32 $0x8800, s8  }
0x19: {  	s25 =	sadd.s32 $0x9000, s8;
	s8 =	sadd.s32 $0x9800, s8;
	s26 =	sadd.s32 $0xC400, s7  }
0x1a: {  	s7 =	sadd.s32 $0x2600, s7;
	s19 =	smul.u32 $0x2710, s2;
	s2 =	simm.s32 $0x4E20  }
0x1b: {  	s9 =	simm.s32 $0xD840;
	s10 =	simm.s32 $0x1;
	s11 =	simm.s32 $0xEC40  }
0x1c: {  	s12 =	simm.s32 $0x2;
	s13 =	simm.s32 $0x6;
	[dreg:$0x14] =	wrdreg s24  }
0x1d: {  	s14 =	simm.s32 $0x3;
	s15 =	simm.s32 $0x7;
	[dreg:$0x15] =	wrdreg s25  }
.Ltmp0:
0x1e: {  	s16 =	simm.s32 $0x4;
	[dreg:$0x16] =	wrdreg s8;
	(pc) =	sbr.rel .LBB2_1-.Ltmp0, $4  }
0x1f: {  	s17 =	simm.s32 $0x8;
	s18 =	simm.s32 $0x5;
	[dreg:$0x17] =	wrdreg s26  }
0x20: {  	s20 =	simm.s32 $0xA;
	[dreg:$0x18] =	wrdreg s7;
	s28 =	sadd.s32 $0xB4400, s0  }
0x21: {  	s29 =	smax.u32 s6, $0x1;
	s0 =	simm.s32 $0x50;
	s6 =	simm.s32 $0x9C40  }
0x22: {  	v1 =	vimm.f32 $0.0e+00;
	s7 =	simm.s32 $0xB040;
	s8 =	simm.s32 $0xC440;
	v0 =	vmov s19;
	s19 =	simm.s32 $0x9  }
.LBB2_8:
0x23: {  	_ =	swait.ge [sflag:s18], $0x1400  }
0x24: {  	[sflag:s18] =	ssyncset.done $0x0  }
0x25: {  	[sflag:s18] =	ssyncadd.s32 $0xFFFFEC00  }
0x26: {  	[spmem:s3] =	stream.indirect.scatter.add.f32 [tilespmem:s11], [sflag:$0xA], $0x40, s23, s0, $0xb8;
	[tilespmem:$0x1A840] =	vst v63  }
0x27: {  	_ =	swait.ge [sflag:s13], $0x1400  }
0x28: {  	[sflag:s13] =	ssyncset.done $0x0  }
0x29: {  	[sflag:s13] =	ssyncadd.s32 $0xFFFFEC00  }
0x2a: {  	_ =	swait.ge [sflag:s15], $0x1400  }
0x2b: {  	[sflag:s15] =	ssyncset.done $0x0  }
0x2c: {  	[sflag:s15] =	ssyncadd.s32 $0xFFFFEC00  }
0x2d: {  	_ =	swait.ge [sflag:s17], $0x1400  }
0x2e: {  	[sflag:s17] =	ssyncset.done $0x0  }
0x2f: {  	[sflag:s17] =	ssyncadd.s32 $0xFFFFEC00  }
0x30: {  	_ =	swait.ge [sflag:s19], $0x1400  }
0x31: {  	[sflag:s19] =	ssyncset.done $0x0  }
0x32: {  	[sflag:s19] =	ssyncadd.s32 $0xFFFFEC00  }
0x33: {  	s21 =	stileid.u32;
	_ =	swait.ge [sflag:s20], $0x1400  }
0x34: {  	s22 =	sshrl.u32 s5, $0x3;
	s4 =	sadd.s32 $0x1, s4;
	[sflag:s20] =	ssyncset.done $0x0  }
0x35: {  	s21 =	sshll.u32 s21, $0x6;
	p0 =	sne.s32 s4, s29;
	[sflag:s20] =	ssyncadd.s32 $0xFFFFEC00  }
.Ltmp1:
0x36: {  	s21 =	sor.u32 $0x1C0B, s21;
	[bflag:$0x0] =	sbarrier.arrive $0xFFFF;
	(pc) =	sbr.rel @!p0 .LBB2_9-.Ltmp1, $4  }
0x37: {  	[hbm:s28], [sflag:s21] =	dma.local [spmem:s22], $0x1400  }
0x38: {  	_ =	swait.ge [sflag:s31], $0x1400  }
0x39: {  	[sflag:s31] =	ssyncset.done $0x0  }
0x3a: {  	[sflag:s31] =	ssyncadd.s32 $0xFFFFEC00  }
.LBB2_1:
0x3b: {  	s22 =	simm.s32 $0x100;
	s21 =	simm.s32 $0x0  }
.LBB2_2:
0x3c: {  	p0 =	sne.s32 s22, $0x1F00;
	[tilespmem:s21+$0x10070] =	vst v1;
	s23 =	smov.u32 s22;
	s22 =	sadd.s32 $0x100, s22  }
.Ltmp2:
0x3d: {  	[tilespmem:s21+$0x10060] =	vst v1;
	(pc) =	sbr.rel @p0 .LBB2_2-.Ltmp2, $3  }
0x3e: {  	[tilespmem:s21+$0x10040] =	vst v1  }
0x3f: {  	[tilespmem:s21+$0x10050] =	vst v1;
	_ =	sdelay $0x1  }
0x40: {  	s21 =	sshra.s32 s23, $0x2  }
0x41: {  	[tilespmem:s21+$0x10070] =	vst v1  }
0x42: {  	[tilespmem:s21+$0x10060] =	vst v1  }
0x43: {  	[tilespmem:s21+$0x10040] =	vst v1  }
0x44: {  	[tilespmem:s21+$0x10050] =	vst v1  }
0x45: {  	[spmem:s5] =	stream.linear.scatter [tilespmem:s30], [sflag:$0xB], $0x800, $0x38;
	[tilespmem:$0x1A840] =	vst v63  }
0x46: {  	_ =	swait.ge [sflag:s31], $0x800  }
0x47: {  	[sflag:s31] =	ssyncset.done $0x0  }
0x48: {  	s26 =	rddreg [dreg:$0x4];
	[sflag:s31] =	ssyncadd.s32 $0xFFFFF800  }
0x49: {  	[spmem:s26] =	stream.linear.scatter [tilespmem:s30], [sflag:$0xB], $0x800, $0x38;
	[tilespmem:$0x1A840] =	vst v63  }
0x4a: {  	_ =	swait.ge [sflag:s31], $0x800  }
0x4b: {  	[sflag:s31] =	ssyncset.done $0x0  }
0x4c: {  	s22 =	rddreg [dreg:$0x5];
	[sflag:s31] =	ssyncadd.s32 $0xFFFFF800  }
0x4d: {  	[spmem:s22] =	stream.linear.scatter [tilespmem:s30], [sflag:$0xB], $0x800, $0x38;
	[tilespmem:$0x1A840] =	vst v63  }
0x4e: {  	_ =	swait.ge [sflag:s31], $0x800  }
0x4f: {  	[sflag:s31] =	ssyncset.done $0x0  }
0x50: {  	s23 =	rddreg [dreg:$0x6];
	[sflag:s31] =	ssyncadd.s32 $0xFFFFF800  }
0x51: {  	[spmem:s23] =	stream.linear.scatter [tilespmem:s30], [sflag:$0xB], $0x800, $0x38;
	[tilespmem:$0x1A840] =	vst v63  }
0x52: {  	_ =	swait.ge [sflag:s31], $0x800  }
0x53: {  	[sflag:s31] =	ssyncset.done $0x0  }
0x54: {  	s24 =	rddreg [dreg:$0x7];
	[sflag:s31] =	ssyncadd.s32 $0xFFFFF800  }
0x55: {  	[spmem:s24] =	stream.linear.scatter [tilespmem:s30], [sflag:$0xB], $0x800, $0x38;
	[tilespmem:$0x1A840] =	vst v63  }
0x56: {  	_ =	swait.ge [sflag:s31], $0x800  }
0x57: {  	[sflag:s31] =	ssyncset.done $0x0  }
0x58: {  	s25 =	rddreg [dreg:$0x8];
	[sflag:s31] =	ssyncadd.s32 $0xFFFFF800  }
0x59: {  	[spmem:s25] =	stream.linear.scatter [tilespmem:s30], [sflag:$0xB], $0x800, $0x38;
	[tilespmem:$0x1A840] =	vst v63  }
0x5a: {  	_ =	swait.ge [sflag:s31], $0x800  }
0x5b: {  	[sflag:s31] =	ssyncset.done $0x0  }
0x5c: {  	s26 =	rddreg [dreg:$0x9];
	[sflag:s31] =	ssyncadd.s32 $0xFFFFF800  }
0x5d: {  	[spmem:s26] =	stream.linear.scatter [tilespmem:s30], [sflag:$0xB], $0x800, $0x38;
	[tilespmem:$0x1A840] =	vst v63  }
0x5e: {  	_ =	swait.ge [sflag:s31], $0x800  }
0x5f: {  	[sflag:s31] =	ssyncset.done $0x0  }
0x60: {  	s22 =	rddreg [dreg:$0xa];
	[sflag:s31] =	ssyncadd.s32 $0xFFFFF800  }
0x61: {  	[spmem:s22] =	stream.linear.scatter [tilespmem:s30], [sflag:$0xB], $0x800, $0x38;
	[tilespmem:$0x1A840] =	vst v63  }
0x62: {  	_ =	swait.ge [sflag:s31], $0x800  }
0x63: {  	[sflag:s31] =	ssyncset.done $0x0  }
0x64: {  	s23 =	rddreg [dreg:$0xb];
	[sflag:s31] =	ssyncadd.s32 $0xFFFFF800  }
0x65: {  	[spmem:s23] =	stream.linear.scatter [tilespmem:s30], [sflag:$0xB], $0x800, $0x38;
	[tilespmem:$0x1A840] =	vst v63  }
0x66: {  	_ =	swait.ge [sflag:s31], $0x800  }
0x67: {  	[sflag:s31] =	ssyncset.done $0x0  }
0x68: {  	s24 =	rddreg [dreg:$0xc];
	[sflag:s31] =	ssyncadd.s32 $0xFFFFF800  }
0x69: {  	[spmem:s24] =	stream.linear.scatter [tilespmem:s30], [sflag:$0xB], $0x800, $0x38;
	[tilespmem:$0x1A840] =	vst v63  }
0x6a: {  	_ =	swait.ge [sflag:s31], $0x800  }
0x6b: {  	[sflag:s31] =	ssyncset.done $0x0  }
0x6c: {  	s25 =	rddreg [dreg:$0xd];
	[sflag:s31] =	ssyncadd.s32 $0xFFFFF800  }
0x6d: {  	[spmem:s25] =	stream.linear.scatter [tilespmem:s30], [sflag:$0xB], $0x800, $0x38;
	[tilespmem:$0x1A840] =	vst v63  }
0x6e: {  	_ =	swait.ge [sflag:s31], $0x800  }
0x6f: {  	[sflag:s31] =	ssyncset.done $0x0  }
0x70: {  	s26 =	rddreg [dreg:$0xe];
	[sflag:s31] =	ssyncadd.s32 $0xFFFFF800  }
0x71: {  	[spmem:s26] =	stream.linear.scatter [tilespmem:s30], [sflag:$0xB], $0x800, $0x38;
	[tilespmem:$0x1A840] =	vst v63  }
0x72: {  	_ =	swait.ge [sflag:s31], $0x800  }
0x73: {  	[sflag:s31] =	ssyncset.done $0x0  }
0x74: {  	s22 =	rddreg [dreg:$0xf];
	[sflag:s31] =	ssyncadd.s32 $0xFFFFF800  }
0x75: {  	[spmem:s22] =	stream.linear.scatter [tilespmem:s30], [sflag:$0xB], $0x800, $0x38;
	[tilespmem:$0x1A840] =	vst v63  }
0x76: {  	_ =	swait.ge [sflag:s31], $0x800  }
0x77: {  	[sflag:s31] =	ssyncset.done $0x0  }
0x78: {  	s23 =	rddreg [dreg:$0x10];
	[sflag:s31] =	ssyncadd.s32 $0xFFFFF800  }
0x79: {  	[spmem:s23] =	stream.linear.scatter [tilespmem:s30], [sflag:$0xB], $0x800, $0x38;
	[tilespmem:$0x1A840] =	vst v63  }
0x7a: {  	_ =	swait.ge [sflag:s31], $0x800  }
0x7b: {  	[sflag:s31] =	ssyncset.done $0x0  }
0x7c: {  	s24 =	rddreg [dreg:$0x11];
	[sflag:s31] =	ssyncadd.s32 $0xFFFFF800  }
0x7d: {  	[spmem:s24] =	stream.linear.scatter [tilespmem:s30], [sflag:$0xB], $0x800, $0x38;
	[tilespmem:$0x1A840] =	vst v63  }
0x7e: {  	_ =	swait.ge [sflag:s31], $0x800  }
0x7f: {  	[sflag:s31] =	ssyncset.done $0x0  }
0x80: {  	s25 =	rddreg [dreg:$0x12];
	[sflag:s31] =	ssyncadd.s32 $0xFFFFF800  }
0x81: {  	[spmem:s25] =	stream.linear.scatter [tilespmem:s30], [sflag:$0xB], $0x800, $0x38;
	[tilespmem:$0x1A840] =	vst v63  }
0x82: {  	_ =	swait.ge [sflag:s31], $0x800  }
0x83: {  	[sflag:s31] =	ssyncset.done $0x0  }
0x84: {  	s26 =	rddreg [dreg:$0x13];
	[sflag:s31] =	ssyncadd.s32 $0xFFFFF800  }
0x85: {  	[spmem:s26] =	stream.linear.scatter [tilespmem:s30], [sflag:$0xB], $0x800, $0x38;
	[tilespmem:$0x1A840] =	vst v63  }
0x86: {  	_ =	swait.ge [sflag:s31], $0x800  }
0x87: {  	[sflag:s31] =	ssyncset.done $0x0  }
0x88: {  	s22 =	rddreg [dreg:$0x14];
	[sflag:s31] =	ssyncadd.s32 $0xFFFFF800  }
0x89: {  	[spmem:s22] =	stream.linear.scatter [tilespmem:s30], [sflag:$0xB], $0x800, $0x38;
	[tilespmem:$0x1A840] =	vst v63  }
0x8a: {  	_ =	swait.ge [sflag:s31], $0x800  }
0x8b: {  	[sflag:s31] =	ssyncset.done $0x0  }
0x8c: {  	s23 =	rddreg [dreg:$0x15];
	[sflag:s31] =	ssyncadd.s32 $0xFFFFF800  }
0x8d: {  	[spmem:s23] =	stream.linear.scatter [tilespmem:s30], [sflag:$0xB], $0x800, $0x38;
	[tilespmem:$0x1A840] =	vst v63  }
0x8e: {  	_ =	swait.ge [sflag:s31], $0x800  }
0x8f: {  	[sflag:s31] =	ssyncset.done $0x0  }
0x90: {  	s24 =	rddreg [dreg:$0x16];
	[sflag:s31] =	ssyncadd.s32 $0xFFFFF800  }
0x91: {  	[spmem:s24] =	stream.linear.scatter [tilespmem:s30], [sflag:$0xB], $0x800, $0x38;
	[tilespmem:$0x1A840] =	vst v63  }
0x92: {  	_ =	swait.ge [sflag:s31], $0x800  }
0x93: {  	[sflag:s31] =	ssyncset.done $0x0  }
0x94: {  	[sflag:s31] =	ssyncadd.s32 $0xFFFFF800  }
0x95: {  	[bflag:$0x0] =	sbarrier.arrive $0xFFFF  }
0x96: {  	s25 =	simm.s32 $0x0;
	s22 =	rddreg [dreg:$0x17]  }
0x97: {  	[tilespmem:s25], [sflag:$0xB] =	stream.linear.gather [hbm4b:s22+s25], $0x4E20, $0x38;
	[tilespmem:$0x1A840] =	vst v63  }
0x98: {  	_ =	swait.ge [sflag:s31], $0x4E20  }
0x99: {  	[sflag:s31] =	ssyncset.done $0x0  }
0x9a: {  	s26 =	rddreg [dreg:$0x18];
	[sflag:s31] =	ssyncadd.s32 $0xFFFFB1E0  }
0x9b: {  	[tilespmem:s2], [sflag:$0xB] =	stream.linear.gather [hbm4b:s26+s25], $0x4E20, $0x38;
	[tilespmem:$0x1A840] =	vst v63  }
0x9c: {  	_ =	swait.ge [sflag:s31], $0x4E20  }
0x9d: {  	[sflag:s31] =	ssyncset.done $0x0  }
0x9e: {  	s21 =	simm.s32 $0x0;
	[sflag:s31] =	ssyncadd.s32 $0xFFFFB1E0  }
0x9f: {  	v5 =	vld [tilespmem:s21+$0x0]  }
0xa0: {  	v4 =	vld [tilespmem:s21+$0x10]  }
0xa1: {  	v3 =	vld [tilespmem:s21+$0x20]  }
0xa2: {  	s22 =	simm.s32 $0x140;
	v2 =	vld [tilespmem:s21+$0x30]  }
.LBB2_4:
0xa3: {  	p0 =	sne.s32 s22, $0x13740;
	v6 =	vld [tilespmem:s21+$0x40]  }
0xa4: {  	v5 =	vadd.s32 v0, v5  }
.Ltmp3:
0xa5: {  	s23 =	sshra.s32 s22, $0x2;
	[tilespmem:s21+$0x0] =	vst v5;
	v4 =	vadd.s32 v0, v4;
	(pc) =	sbr.rel @p0 .LBB2_4-.Ltmp3, $4  }
0xa6: {  	v5 =	vld [tilespmem:s23+$0x0];
	[tilespmem:s21+$0x10] =	vst v4;
	v3 =	vadd.s32 v0, v3  }
0xa7: {  	v4 =	vld [tilespmem:s23+$0x10];
	[tilespmem:s21+$0x20] =	vst v3;
	v2 =	vadd.s32 v0, v2  }
0xa8: {  	v3 =	vld [tilespmem:s23+$0x20];
	[tilespmem:s21+$0x30] =	vst v2;
	v6 =	vadd.s32 v0, v6  }
0xa9: {  	s22 =	sadd.s32 $0x140, s22;
	v2 =	vld [tilespmem:s23+$0x30];
	[tilespmem:s21+$0x40] =	vst v6;
	s21 =	smov.u32 s23  }
0xaa: {  	v6 =	vld [tilespmem:s21+$0x40]  }
0xab: {  	v5 =	vadd.s32 v0, v5  }
0xac: {  	[tilespmem:s21+$0x0] =	vst v5;
	v4 =	vadd.s32 v0, v4  }
0xad: {  	[tilespmem:s21+$0x10] =	vst v4;
	v3 =	vadd.s32 v0, v3  }
0xae: {  	[tilespmem:s21+$0x20] =	vst v3;
	v2 =	vadd.s32 v0, v2  }
0xaf: {  	[tilespmem:s21+$0x30] =	vst v2;
	v2 =	vadd.s32 v0, v6  }
0xb0: {  	[tilespmem:s21+$0x40] =	vst v2;
	s21 =	simm.s32 $0x0  }
0xb1: {  	[tilespmem:s6], [sflag:$0x1] =	stream.indirect.gather [hbm4b:s1+s0], $0x40, s21, s0, $0xb8;
	[tilespmem:$0x1A840] =	vst v63  }
0xb2: {  	_ = 	snop  }
0xb3: {  	[tilespmem:s7], [sflag:$0x2] =	stream.indirect.gather [hbm4b:s1+s0], $0x40, s0, s0, $0xb8;
	[tilespmem:$0x1A840] =	vst v63  }
0xb4: {  	s22 =	simm.s32 $0xA0  }
0xb5: {  	[tilespmem:s8], [sflag:$0x3] =	stream.indirect.gather [hbm4b:s1+s0], $0x40, s22, s0, $0xb8;
	[tilespmem:$0x1A840] =	vst v63  }
0xb6: {  	s25 =	simm.s32 $0xF0  }
0xb7: {  	[tilespmem:s9], [sflag:$0x4] =	stream.indirect.gather [hbm4b:s1+s0], $0x40, s25, s0, $0xb8;
	[tilespmem:$0x1A840] =	vst v63  }
0xb8: {  	_ =	swait.ge [sflag:s10], $0x1400  }
0xb9: {  	[sflag:s10] =	ssyncset.done $0x0  }
0xba: {  	[sflag:s10] =	ssyncadd.s32 $0xFFFFEC00  }
0xbb: {  	[spmem:s3] =	stream.indirect.scatter.add.f32 [tilespmem:s6], [sflag:$0x6], $0x40, s2, s0, $0xb8;
	[tilespmem:$0x1A840] =	vst v63  }
0xbc: {  	s26 =	simm.s32 $0x140  }
0xbd: {  	[tilespmem:s11], [sflag:$0x5] =	stream.indirect.gather [hbm4b:s1+s0], $0x40, s26, s0, $0xb8;
	[tilespmem:$0x1A840] =	vst v63  }
0xbe: {  	_ =	swait.ge [sflag:s12], $0x1400  }
0xbf: {  	[sflag:s12] =	ssyncset.done $0x0  }
0xc0: {  	s23 =	simm.s32 $0x4E70;
	[sflag:s12] =	ssyncadd.s32 $0xFFFFEC00  }
0xc1: {  	[spmem:s3] =	stream.indirect.scatter.add.f32 [tilespmem:s7], [sflag:$0x7], $0x40, s23, s0, $0xb8;
	[tilespmem:$0x1A840] =	vst v63  }
0xc2: {  	_ =	swait.ge [sflag:s13], $0x1400  }
0xc3: {  	[sflag:s13] =	ssyncset.done $0x0  }
0xc4: {  	s24 =	simm.s32 $0x190;
	[sflag:s13] =	ssyncadd.s32 $0xFFFFEC00  }
0xc5: {  	[tilespmem:s6], [sflag:$0x1] =	stream.indirect.gather [hbm4b:s1+s0], $0x40, s24, s0, $0xb8;
	[tilespmem:$0x1A840] =	vst v63  }
0xc6: {  	_ =	swait.ge [sflag:s14], $0x1400  }
0xc7: {  	[sflag:s14] =	ssyncset.done $0x0  }
0xc8: {  	s25 =	simm.s32 $0x4EC0;
	[sflag:s14] =	ssyncadd.s32 $0xFFFFEC00  }
0xc9: {  	[spmem:s3] =	stream.indirect.scatter.add.f32 [tilespmem:s8], [sflag:$0x8], $0x40, s25, s0, $0xb8;
	[tilespmem:$0x1A840] =	vst v63  }
0xca: {  	_ =	swait.ge [sflag:s15], $0x1400  }
0xcb: {  	[sflag:s15] =	ssyncset.done $0x0  }
0xcc: {  	s26 =	simm.s32 $0x1E0;
	[sflag:s15] =	ssyncadd.s32 $0xFFFFEC00  }
0xcd: {  	[tilespmem:s7], [sflag:$0x2] =	stream.indirect.gather [hbm4b:s1+s0], $0x40, s26, s0, $0xb8;
	[tilespmem:$0x1A840] =	vst v63  }
0xce: {  	_ =	swait.ge [sflag:s16], $0x1400  }
0xcf: {  	[sflag:s16] =	ssyncset.done $0x0  }
0xd0: {  	s23 =	simm.s32 $0x4F10;
	[sflag:s16] =	ssyncadd.s32 $0xFFFFEC00  }
0xd1: {  	[spmem:s3] =	stream.indirect.scatter.add.f32 [tilespmem:s9], [sflag:$0x9], $0x40, s23, s0, $0xb8;
	[tilespmem:$0x1A840] =	vst v63  }
0xd2: {  	_ =	swait.ge [sflag:s17], $0x1400  }
0xd3: {  	[sflag:s17] =	ssyncset.done $0x0  }
0xd4: {  	s24 =	simm.s32 $0x230;
	[sflag:s17] =	ssyncadd.s32 $0xFFFFEC00  }
0xd5: {  	[tilespmem:s8], [sflag:$0x3] =	stream.indirect.gather [hbm4b:s1+s0], $0x40, s24, s0, $0xb8;
	[tilespmem:$0x1A840] =	vst v63  }
0xd6: {  	_ =	swait.ge [sflag:s18], $0x1400  }
0xd7: {  	[sflag:s18] =	ssyncset.done $0x0  }
0xd8: {  	s25 =	simm.s32 $0x4F60;
	[sflag:s18] =	ssyncadd.s32 $0xFFFFEC00  }
0xd9: {  	[spmem:s3] =	stream.indirect.scatter.add.f32 [tilespmem:s11], [sflag:$0xA], $0x40, s25, s0, $0xb8;
	[tilespmem:$0x1A840] =	vst v63  }
0xda: {  	_ =	swait.ge [sflag:s19], $0x1400  }
0xdb: {  	[sflag:s19] =	ssyncset.done $0x0  }
0xdc: {  	s26 =	simm.s32 $0x280;
	[sflag:s19] =	ssyncadd.s32 $0xFFFFEC00  }
0xdd: {  	[tilespmem:s9], [sflag:$0x4] =	stream.indirect.gather [hbm4b:s1+s0], $0x40, s26, s0, $0xb8;
	[tilespmem:$0x1A840] =	vst v63  }
.LBB2_6:
0xde: {  	_ =	swait.ge [sflag:s10], $0x1400  }
0xdf: {  	s22 =	sshra.s32 s21, $0x2;
	[sflag:s10] =	ssyncset.done $0x0  }
0xe0: {  	s23 =	sadd.s32 $0x4FB0, s22;
	[sflag:s10] =	ssyncadd.s32 $0xFFFFEC00  }
0xe1: {  	[spmem:s3] =	stream.indirect.scatter.add.f32 [tilespmem:s6], [sflag:$0x6], $0x40, s23, s0, $0xb8;
	[tilespmem:$0x1A840] =	vst v63  }
0xe2: {  	_ =	swait.ge [sflag:s20], $0x1400  }
0xe3: {  	[sflag:s20] =	ssyncset.done $0x0  }
0xe4: {  	s24 =	sadd.s32 $0x2D0, s22;
	[sflag:s20] =	ssyncadd.s32 $0xFFFFEC00  }
0xe5: {  	[tilespmem:s11], [sflag:$0x5] =	stream.indirect.gather [hbm4b:s1+s0], $0x40, s24, s0, $0xb8;
	[tilespmem:$0x1A840] =	vst v63  }
0xe6: {  	_ =	swait.ge [sflag:s12], $0x1400  }
0xe7: {  	p0 =	seq.s32 s21, $0x12C00;
	[sflag:s12] =	ssyncset.done $0x0  }
0xe8: {  	s25 =	sadd.s32 $0x5000, s22;
	s23 =	simm.s32 @p0 $0x3;
	[sflag:s12] =	ssyncadd.s32 $0xFFFFEC00  }
0xe9: {  	[spmem:s3] =	stream.indirect.scatter.add.f32 [tilespmem:s7], [sflag:$0x7], $0x40, s25, s0, $0xb8;
	[tilespmem:$0x1A840] =	vst v63  }
0xea: {  	_ =	swait.ge @p0 [sflag:s23], $0x1400  }
0xeb: {  	[sflag:s23] =	ssyncset.done @p0 $0x0  }
0xec: {  	[sflag:s23] =	ssyncadd.s32 @p0 $0xFFFFEC00;
	s23 =	sshra.s32 @p0 s21, $0x2  }
0xed: {  	s24 =	simm.s32 @p0 $0x50;
	s25 =	simm.s32 @p0 $0xC440;
	s23 =	sadd.s32 @p0 $0x5050, s23  }
0xee: {  	[spmem:s3] =	stream.indirect.scatter.add.f32 @p0 [tilespmem:s25], [sflag:$0x8], $0x40, s23, s24, $0xb8;
	[tilespmem:$0x1A840] =	vst v63  }
0xef: {  	s23 =	simm.s32 @!p0 $0x6  }
0xf0: {  	_ =	swait.ge @!p0 [sflag:s23], $0x1400  }
0xf1: {  	[sflag:s23] =	ssyncset.done @!p0 $0x0  }
0xf2: {  	[sflag:s23] =	ssyncadd.s32 @!p0 $0xFFFFEC00;
	s23 =	sshra.s32 @!p0 s21, $0x2  }
0xf3: {  	s26 =	simm.s32 @!p0 $0x9C40;
	s25 =	simm.s32 @!p0 $0x50;
	s24 =	sadd.s32 @!p0 $0x320, s23  }
0xf4: {  	[tilespmem:s26], [sflag:$0x1] =	stream.indirect.gather @!p0 [hbm4b:s1+s25], $0x40, s24, s25, $0xb8;
	[tilespmem:$0x1A840] =	vst v63  }
0xf5: {  	s24 =	simm.s32 @!p0 $0x3  }
0xf6: {  	_ =	swait.ge @!p0 [sflag:s24], $0x1400  }
0xf7: {  	[sflag:s24] =	ssyncset.done @!p0 $0x0  }
0xf8: {  	s26 =	simm.s32 @!p0 $0xC440;
	[sflag:s24] =	ssyncadd.s32 @!p0 $0xFFFFEC00;
	s24 =	sadd.s32 @!p0 $0x5050, s23  }
0xf9: {  	[spmem:s3] =	stream.indirect.scatter.add.f32 @!p0 [tilespmem:s26], [sflag:$0x8], $0x40, s24, s25, $0xb8;
	[tilespmem:$0x1A840] =	vst v63  }
0xfa: {  	s24 =	simm.s32 @!p0 $0x7  }
0xfb: {  	_ =	swait.ge @!p0 [sflag:s24], $0x1400  }
0xfc: {  	[sflag:s24] =	ssyncset.done @!p0 $0x0  }
0xfd: {  	s23 =	sadd.s32 @!p0 $0x370, s23;
	[sflag:s24] =	ssyncadd.s32 @!p0 $0xFFFFEC00;
	s24 =	simm.s32 @!p0 $0xB040  }
0xfe: {  	[tilespmem:s24], [sflag:$0x2] =	stream.indirect.gather @!p0 [hbm4b:s1+s25], $0x40, s23, s25, $0xb8;
	[tilespmem:$0x1A840] =	vst v63  }
.Ltmp4:
0xff: {  	_ = 	snop;
	(pc) =	sbr.rel @p0 .LBB2_8-.Ltmp4, $4  }
0x100: {  	_ =	swait.ge [sflag:s16], $0x1400  }
0x101: {  	[sflag:s16] =	ssyncset.done $0x0  }
0x102: {  	s26 =	sadd.s32 $0x50A0, s22;
	s23 =	sadd.s32 $0x50F0, s22;
	[sflag:s16] =	ssyncadd.s32 $0xFFFFEC00  }
0x103: {  	[spmem:s3] =	stream.indirect.scatter.add.f32 [tilespmem:s9], [sflag:$0x9], $0x40, s26, s0, $0xb8;
	[tilespmem:$0x1A840] =	vst v63  }
0x104: {  	_ =	swait.ge [sflag:s17], $0x1400  }
0x105: {  	[sflag:s17] =	ssyncset.done $0x0  }
0x106: {  	s24 =	sadd.s32 $0x3C0, s22;
	[sflag:s17] =	ssyncadd.s32 $0xFFFFEC00  }
0x107: {  	[tilespmem:s8], [sflag:$0x3] =	stream.indirect.gather [hbm4b:s1+s0], $0x40, s24, s0, $0xb8;
	[tilespmem:$0x1A840] =	vst v63  }
0x108: {  	_ =	swait.ge [sflag:s18], $0x1400  }
0x109: {  	[sflag:s18] =	ssyncset.done $0x0  }
0x10a: {  	[sflag:s18] =	ssyncadd.s32 $0xFFFFEC00  }
0x10b: {  	[spmem:s3] =	stream.indirect.scatter.add.f32 [tilespmem:s11], [sflag:$0xA], $0x40, s23, s0, $0xb8;
	[tilespmem:$0x1A840] =	vst v63  }
.Ltmp5:
0x10c: {  	_ = 	snop;
	(pc) =	sbr.rel .LBB2_6-.Ltmp5, $4  }
0x10d: {  	_ =	swait.ge [sflag:s19], $0x1400  }
0x10e: {  	[sflag:s19] =	ssyncset.done $0x0  }
0x10f: {  	s26 =	sadd.s32 $0x410, s22;
	s21 =	sadd.s32 $0x640, s21;
	[sflag:s19] =	ssyncadd.s32 $0xFFFFEC00  }
0x110: {  	[tilespmem:s9], [sflag:$0x4] =	stream.indirect.gather [hbm4b:s1+s0], $0x40, s26, s0, $0xb8;
	[tilespmem:$0x1A840] =	vst v63  }
.LBB2_9:
0x111: {  	_ =	sfence.sel $0x180000  }
0x112: {  	[bflag:$0x0] =	sbarrier.arrive $0xFFFF  }
0x113: {  	_ =	strace $0x9000004A  }
0x114: {  	s0 =	stileid.u32;
	[bflag:$0x2] =	sbarrier.arrive $0xFFFF  }
0x115: {  	p0 =	sne.s32 s0, $0x0;
	s0 =	rddreg [dreg:$0x3]  }
0x116: {  	s0 =	sadd.s32 @!p0 $0x100000, s0  }
0x117: {  	[sflag:s0] =	ssyncadd.tile.s32 @!p0 $0x1;
	_ =	shalt  }
.Lfunc_end2:
_tile_overlayer_lowered:
.L_overlay_start_2:
0x118: {  	(tag) =	ssettag $0x2  }
0x119: {  	s0 =	rddreg [dreg:$0x0];
	s2 =	stileid.u32  }
0x11a: {  	s1 =	rddreg [dreg:$0x1];
	p0 =	sne.s32 s2, $0x0  }
0x11b: {  	s3 =	rddreg [dreg:$0x2];
	[bflag:$0x3] =	sbarrier.arrive $0xFFFF;
	s2 =	simm.s32 @!p0 $0x1C0B  }
0x11c: {  	[timem:s3], [sflag:s2] =	dma.local @!p0 [hbm:s0], s1  }
0x11d: {  	s0 =	simm.s32 @!p0 $0xB  }
0x11e: {  	_ =	swait.ge @!p0 [sflag:s0], s1  }
0x11f: {  	s1 =	ssub.s32 @!p0 $0x0, s1;
	[sflag:s0] =	ssyncset.done @!p0 $0x0  }
0x120: {  	[sflag:s0] =	ssyncadd.s32 @!p0 s1  }
0x121: {  	[bflag:$0x3] =	sbarrier.arrive $0xFFFF  }
0x122: {  	_ =	shalt  }

</sc_bundles>
